<compile_context>
chip_gen: v7x
topology: tpu7x:2x2x1
jax: 0.10.2.dev20260603
libtpu: 0.0.44.dev20260713+nightly
codegen_flags: <defaults>
</compile_context>

<pallas_src>
import functools

import jax
import jax.numpy as jnp
from jax import lax
from jax.experimental import pallas as pl
from jax.experimental.pallas import tpu as pltpu
from jax.experimental.pallas import tpu_sc as plsc

N_NODES = 10000
F_OUT = 128
NUM_CORES = 2
NUM_SUBCORES = 16
NUM_WORKERS = NUM_CORES * NUM_SUBCORES
CHUNK = 80
LANES = 16
ZERO_ROWS = 80


def _pq_body(h_ref, r_ref, a0_ref, a1_ref, p_ref, q_ref):
    p_ref[...] = jnp.dot(h_ref[...], a0_ref[...],
                         preferred_element_type=jnp.float32)
    q_ref[...] = jnp.dot(r_ref[...], a1_ref[...],
                         preferred_element_type=jnp.float32)


def _combine_body(hp_ref, rs_ref, o_ref):
    rs = rs_ref[0, :] + rs_ref[1, :]
    o_ref[0, :, :] = (hp_ref[0, :, :] + hp_ref[1, :, :]) / rs[:, None]


def _make_sc_kernel(n_edges):
    edges_per_worker = n_edges // NUM_WORKERS
    n_chunks = edges_per_worker // CHUNK
    n_zero_iters = -(-(N_NODES // ZERO_ROWS) // NUM_SUBCORES)
    mesh = plsc.VectorSubcoreMesh(core_axis_name="c", subcore_axis_name="s")

    @functools.partial(
        pl.kernel,
        out_type=[
            jax.ShapeDtypeStruct((NUM_CORES, N_NODES, F_OUT), jnp.float32),
            jax.ShapeDtypeStruct((NUM_CORES, N_NODES), jnp.float32),
        ],
        mesh=mesh,
        compiler_params=pltpu.CompilerParams(needs_layout_passes=False),
        scratch_types=[
            pltpu.VMEM((CHUNK, F_OUT), jnp.float32),
            pltpu.VMEM((CHUNK, F_OUT), jnp.float32),
            pltpu.VMEM((CHUNK, F_OUT), jnp.float32),
            pltpu.VMEM((CHUNK, F_OUT), jnp.float32),
            pltpu.VMEM((3, CHUNK), jnp.int32),
            pltpu.VMEM((3, CHUNK), jnp.int32),
            pltpu.VMEM((CHUNK + LANES,), jnp.float32),
            pltpu.VMEM((CHUNK + LANES,), jnp.float32),
            pltpu.VMEM((CHUNK,), jnp.float32),
            pltpu.VMEM((CHUNK,), jnp.float32),
            pltpu.VMEM((CHUNK,), jnp.float32),
            pltpu.VMEM((CHUNK,), jnp.float32),
            pltpu.VMEM((CHUNK,), jnp.int32),
            pltpu.VMEM((CHUNK,), jnp.int32),
            pltpu.VMEM_SHARED((N_NODES, F_OUT), jnp.float32),
            pltpu.VMEM_SHARED((N_NODES,), jnp.float32),
            pltpu.SemaphoreType.DMA,
            pltpu.SemaphoreType.DMA,
            pltpu.SemaphoreType.DMA,
            pltpu.SemaphoreType.DMA,
            pltpu.SemaphoreType.DMA,
            pltpu.SemaphoreType.DMA,
            pltpu.SemaphoreType.DMA,
            pltpu.SemaphoreType.DMA,
            pltpu.SemaphoreType.DMA,
            pltpu.SemaphoreType.DMA,
            pltpu.SemaphoreType.DMA,
            pltpu.SemaphoreType.DMA,
            pltpu.SemaphoreType.DMA,
            pltpu.SemaphoreType.DMA,
        ],
    )
    def sc_kernel(h_hbm, r_hbm, p_hbm, q_hbm, ablk_hbm,
                  hp_out, rs_out,
                  bufH0, bufH1, bufR0, bufR1, idx0, idx1, eb0, eb1,
                  pb0, pb1, qb0, qb1, dstS0, dstS1, hp_shared, rs_shared,
                  s_idx0, s_idx1, s_h0, s_h1, s_r0, s_r1,
                  s_rs0, s_rs1, s_hp0, s_hp1, s_p0, s_p1, s_q0, s_q1):
        cid = lax.axis_index("c")
        sid = lax.axis_index("s")
        wid = cid * NUM_SUBCORES + sid

        bufH = [bufH0, bufH1]
        bufR = [bufR0, bufR1]
        idx3 = [idx0, idx1]
        ebuf = [eb0, eb1]
        pb = [pb0, pb1]
        qb = [qb0, qb1]
        dstS = [dstS0, dstS1]
        s_idx = [s_idx0, s_idx1]
        s_h = [s_h0, s_h1]
        s_r = [s_r0, s_r1]
        s_rs = [s_rs0, s_rs1]
        s_hp = [s_hp0, s_hp1]
        s_p = [s_p0, s_p1]
        s_q = [s_q0, s_q1]

        zero16f = jnp.zeros((LANES,), jnp.float32)

        def _zero_row(i, _):
            for c in range(F_OUT // LANES):
                bufH0[i, pl.ds(c * LANES, LANES)] = zero16f
            return 0
        lax.fori_loop(0, CHUNK, _zero_row, 0)
        for i in range((CHUNK + LANES) // LANES):
            eb0[pl.ds(i * LANES, LANES)] = zero16f

        for t in range(n_zero_iters):
            k = sid + NUM_SUBCORES * t

            @pl.when(k * ZERO_ROWS < N_NODES)
            def _():
                pltpu.async_copy(
                    bufH0, hp_shared.at[pl.ds(k * ZERO_ROWS, ZERO_ROWS), :],
                    s_h0)
                pltpu.async_copy(
                    eb0.at[pl.ds(0, ZERO_ROWS)],
                    rs_shared.at[pl.ds(k * ZERO_ROWS, ZERO_ROWS)], s_rs0)

        for t in range(n_zero_iters):
            k = sid + NUM_SUBCORES * t

            @pl.when(k * ZERO_ROWS < N_NODES)
            def _():
                pltpu.make_async_copy(
                    bufH0, hp_shared.at[pl.ds(k * ZERO_ROWS, ZERO_ROWS), :],
                    s_h0).wait()
                pltpu.make_async_copy(
                    eb0.at[pl.ds(0, ZERO_ROWS)],
                    rs_shared.at[pl.ds(k * ZERO_ROWS, ZERO_ROWS)],
                    s_rs0).wait()

        plsc.subcore_barrier()

        n_chunks_total = n_edges // CHUNK

        def _idx_start(p, c):
            base = wid * n_chunks + c
            for j in range(3):
                pltpu.async_copy(ablk_hbm.at[j * n_chunks_total + base],
                                 idx3[p].at[j], s_idx[p])

        def _idx_wait(p):
            for j in range(3):
                pltpu.make_async_copy(ablk_hbm.at[0], idx3[p].at[j],
                                      s_idx[p]).wait()

        def _hp_cp(p):
            return pltpu.make_async_copy(
                bufH[p], hp_shared.at[dstS[p]], s_hp[p])

        def _rs_cp(p):
            return pltpu.make_async_copy(
                ebuf[p].at[pl.ds(LANES, CHUNK)],
                rs_shared.at[dstS[p]], s_rs[p])

        def _m_compute(p):
            def grp(gi, _):
                j0 = gi * LANES
                for k in range(LANES):
                    j = j0 + k
                    ej = plsc.load_gather(
                        ebuf[p], [jnp.full((LANES,), LANES, jnp.int32) + j])
                    for c in range(F_OUT // LANES):
                        sl = pl.ds(c * LANES, LANES)
                        bufH[p][j, sl] = (bufH[p][j, sl] - bufR[p][j, sl]) * ej
                return 0
            lax.fori_loop(0, CHUNK // LANES, grp, 0)

        def step(p, c):
            q = 1 - p
            @pl.when(c >= 2)
            def _():
                _hp_cp(p).wait()
                _rs_cp(p).wait()

            @pl.when(c < n_chunks)
            def _():
                _idx_wait(p)
                pltpu.async_copy(h_hbm.at[idx3[p].at[2]], bufH[p], s_h[p])
                pltpu.async_copy(r_hbm.at[idx3[p].at[1]], bufR[p], s_r[p])
                pltpu.async_copy(p_hbm.at[idx3[p].at[2]], pb[p], s_p[p])
                pltpu.async_copy(q_hbm.at[idx3[p].at[1]], qb[p], s_q[p])
                for i in range(CHUNK // LANES):
                    sl = pl.ds(i * LANES, LANES)
                    dstS[p][sl] = idx3[p][0, sl]

            @pl.when(c + 1 < n_chunks)
            def _():
                _idx_start(q, c + 1)

            @pl.when(c >= 1)
            def _():
                _m_compute(q)
                pltpu.async_copy(bufH[q], hp_shared.at[dstS[q]],
                                 s_hp[q], add=True)

            @pl.when(c < n_chunks)
            def _():
                pltpu.make_async_copy(
                    p_hbm.at[idx3[p].at[2]], pb[p], s_p[p]).wait()
                pltpu.make_async_copy(
                    q_hbm.at[idx3[p].at[1]], qb[p], s_q[p]).wait()
                for i in range(CHUNK // LANES):
                    sl = pl.ds(i * LANES, LANES)
                    x = pb[p][sl] + qb[p][sl]
                    xl = jnp.where(x >= 0, x, 0.2 * x)
                    ebuf[p][pl.ds(LANES + i * LANES, LANES)] = jnp.exp(-xl)
                pltpu.async_copy(ebuf[p].at[pl.ds(LANES, CHUNK)],
                                 rs_shared.at[dstS[p]], s_rs[p], add=True)
                pltpu.make_async_copy(
                    h_hbm.at[idx3[p].at[2]], bufH[p], s_h[p]).wait()
                pltpu.make_async_copy(
                    r_hbm.at[idx3[p].at[1]], bufR[p], s_r[p]).wait()

        def pair(t, _):
            step(0, 2 * t)
            step(1, 2 * t + 1)
            return 0

        _idx_start(0, 0)
        lax.fori_loop(0, (n_chunks + 2) // 2, pair, 0)
        last = (n_chunks - 1) % 2
        _hp_cp(last).wait()
        _rs_cp(last).wait()

        plsc.subcore_barrier()

        row0 = pl.multiple_of(sid * 624, 8)
        pltpu.sync_copy(hp_shared.at[pl.ds(row0, 624), :],
                        hp_out.at[cid, pl.ds(row0, 624), :])

        @pl.when(sid == NUM_SUBCORES - 1)
        def _():
            tail = NUM_SUBCORES * 624
            pltpu.sync_copy(hp_shared.at[pl.ds(tail, N_NODES - tail), :],
                            hp_out.at[cid, pl.ds(tail, N_NODES - tail), :])

        @pl.when(sid == 0)
        def _():
            pltpu.sync_copy(rs_shared, rs_out.at[cid])

    return sc_kernel


def kernel(h, inputr, A, a_src_dst):
    n_nodes, f_out = h.shape
    n_edges = A.shape[1]
    a0 = a_src_dst[0, 0]
    a1 = a_src_dst[0, 1]

    p, q = pl.pallas_call(
        _pq_body,
        out_shape=[
            jax.ShapeDtypeStruct((n_nodes, 1), jnp.float32),
            jax.ShapeDtypeStruct((inputr.shape[0], 1), jnp.float32),
        ],
    )(h, inputr, a0, a1)
    p = p.reshape(n_nodes)
    q = q.reshape(inputr.shape[0])

    n_chunks_total = n_edges // CHUNK
    a_rows = A.reshape(3 * n_chunks_total, CHUNK)

    hp_part, rs_part = _make_sc_kernel(n_edges)(h, inputr, p, q, a_rows)

    out = pl.pallas_call(
        _combine_body,
        out_shape=jax.ShapeDtypeStruct((1, n_nodes, f_out), jnp.float32),
    )(hp_part, rs_part)
    return out

# --- scband reference (transcript-rebuilt; emitter-appended) ---
"""Pipeline reference for scband-rmulti-head-graph-attention2m-52716428591538 (READ-ONLY COPY).

The authoritative reference and input builder live on the scoring server;
editing this copy changes nothing except your own understanding.
"""

import jax, jax.numpy as jnp
import numpy as np

N_NODES = 10000
N_EDGES = 320000
F_OUT = 128
N_REL = 10000


def setup_inputs(seed: int = 0) -> dict:
    key = jax.random.key(seed)
    k1, k2, k3, k4 = jax.random.split(key, 4)
    h = jax.random.normal(k1, (N_NODES, F_OUT), dtype=jnp.float32)
    inputr = jax.random.normal(k2, (N_REL, F_OUT), dtype=jnp.float32)
    A = jax.random.randint(k3, (3, N_EDGES), 0, N_REL, dtype=jnp.int32)
    # parameter a_src_dst: shape [n_head, 2, f_out, 1], init normal std=1/sqrt(2*f_out)
    stdv = 1.0 / np.sqrt(2 * F_OUT)
    a_src_dst = (jax.random.normal(k4, (1, 2, F_OUT, 1), dtype=jnp.float32) * stdv)
    return {"h": h, "inputr": inputr, "A": A, "a_src_dst": a_src_dst}


def reference(h, inputr, A, a_src_dst):
    # n_head = 1, diag = False, bias = None, attn_dropout = 0.0 (no-op)
    dst = A[0]
    rel = A[1]
    src = A[2]
    # edge attention logits: gather + per-edge matvec with a_src_dst[0,0] / [0,1]
    edge_h = h[src].dot(a_src_dst[0, 0]) + inputr[rel].dot(a_src_dst[0, 1])  # [E, 1]
    edge_e = jnp.exp(-jax.nn.leaky_relu(edge_h[:, 0], negative_slope=0.2))  # [E]
    # e_rowsum: scatter-add of edge_e by destination node
    e_rowsum = jax.ops.segment_sum(edge_e, dst, num_segments=N_NODES)[:, None]  # [N, 1]
    # messages: (h[src] - inputr[rel]) weighted by edge_e
    edge_m = (h[src] - inputr[rel]) * edge_e[:, None]  # [E, F]
    h_prime = jnp.zeros((N_NODES, F_OUT), dtype=h.dtype).at[dst].add(edge_m)  # [N, F]
    h_prime = h_prime / e_rowsum
    output = h_prime[None, :, :]  # cat over heads -> [n_head, N, F]
    return output

if __name__ == "__main__":
    import jax
    _d = setup_inputs()
    print(jax.jit(kernel)(*tuple(_d.values())))

</pallas_src>

<mosaic_0001>
#map = affine_map<(d0, d1) -> (0, 0)>
#map1 = affine_map<(d0, d1) -> (0)>
#map2 = affine_map<(d0, d1) -> (0, 0, 0)>
module attributes {stable_mosaic.version = 14 : i64} {
  func.func @sc_kernel(%arg0: i32, %arg1: i32, %arg2: memref<10000x128xf32, #tpu.memory_space<hbm>>, %arg3: memref<10000x128xf32, #tpu.memory_space<hbm>>, %arg4: memref<10000xf32, #tpu.memory_space<hbm>>, %arg5: memref<10000xf32, #tpu.memory_space<hbm>>, %arg6: memref<12000x80xi32, #tpu.memory_space<hbm>>, %arg7: memref<2x10000x128xf32, #tpu.memory_space<hbm>>, %arg8: memref<2x10000xf32, #tpu.memory_space<hbm>>, %arg9: memref<80x128xf32, #tpu.memory_space<vmem>>, %arg10: memref<80x128xf32, #tpu.memory_space<vmem>>, %arg11: memref<80x128xf32, #tpu.memory_space<vmem>>, %arg12: memref<80x128xf32, #tpu.memory_space<vmem>>, %arg13: memref<3x80xi32, #tpu.memory_space<vmem>>, %arg14: memref<3x80xi32, #tpu.memory_space<vmem>>, %arg15: memref<96xf32, #tpu.memory_space<vmem>>, %arg16: memref<96xf32, #tpu.memory_space<vmem>>, %arg17: memref<80xf32, #tpu.memory_space<vmem>>, %arg18: memref<80xf32, #tpu.memory_space<vmem>>, %arg19: memref<80xf32, #tpu.memory_space<vmem>>, %arg20: memref<80xf32, #tpu.memory_space<vmem>>, %arg21: memref<80xi32, #tpu.memory_space<vmem>>, %arg22: memref<80xi32, #tpu.memory_space<vmem>>, %arg23: memref<10000x128xf32, #tpu.memory_space<vmem_shared>>, %arg24: memref<10000xf32, #tpu.memory_space<vmem_shared>>, %arg25: memref<!tpu.dma_semaphore, #tpu.memory_space<semaphore_mem>>, %arg26: memref<!tpu.dma_semaphore, #tpu.memory_space<semaphore_mem>>, %arg27: memref<!tpu.dma_semaphore, #tpu.memory_space<semaphore_mem>>, %arg28: memref<!tpu.dma_semaphore, #tpu.memory_space<semaphore_mem>>, %arg29: memref<!tpu.dma_semaphore, #tpu.memory_space<semaphore_mem>>, %arg30: memref<!tpu.dma_semaphore, #tpu.memory_space<semaphore_mem>>, %arg31: memref<!tpu.dma_semaphore, #tpu.memory_space<semaphore_mem>>, %arg32: memref<!tpu.dma_semaphore, #tpu.memory_space<semaphore_mem>>, %arg33: memref<!tpu.dma_semaphore, #tpu.memory_space<semaphore_mem>>, %arg34: memref<!tpu.dma_semaphore, #tpu.memory_space<semaphore_mem>>, %arg35: memref<!tpu.dma_semaphore, #tpu.memory_space<semaphore_mem>>, %arg36: memref<!tpu.dma_semaphore, #tpu.memory_space<semaphore_mem>>, %arg37: memref<!tpu.dma_semaphore, #tpu.memory_space<semaphore_mem>>, %arg38: memref<!tpu.dma_semaphore, #tpu.memory_space<semaphore_mem>>) attributes {dimension_semantics = [#tpu.dimension_semantics<core_parallel>, #tpu.dimension_semantics<subcore_parallel>], iteration_bounds = array<i64: 2, 16>, scalar_prefetch = 0 : i64, scratch_operands = 30 : i64, tpu.core_type = #tpu.core_type<sc_vector_subcore>, window_params = [{transform_indices = #map}, {transform_indices = #map}, {transform_indices = #map1}, {transform_indices = #map1}, {transform_indices = #map}, {transform_indices = #map2}, {transform_indices = #map}]} {
    %mul3A = arith.constant 16 : i32
    %mul3A_0 = arith.muli %arg0, %mul3A : i32
    %add3A = arith.addi %mul3A_0, %arg1 : i32
    %broadcast_in_dim3A = arith.constant 0.000000e+00 : f32
    %broadcast_in_dim3A_1 = vector.broadcast %broadcast_in_dim3A : f32 to vector<16xf32>
    %scan3A = arith.constant 0 : i32
    %scan3A_2 = arith.constant 0 : i32
    %scan3A_3 = arith.constant 80 : i32
    %scan3A_4 = arith.addi %scan3A_2, %scan3A_3 : i32
    %scan3A_5 = arith.constant 1 : i32
    %scan3A_6 = scf.for %scan3A_233 = %scan3A_2 to %scan3A_4 step %scan3A_5 iter_args(%scan3A_234 = %scan3A) -> (i32)  : i32 {
      %swap3A_235 = arith.index_cast %scan3A_233 : i32 to index
      %swap3A_236 = arith.constant 0 : index
      %swap3A_237 = tpu.vector_load %arg9[%swap3A_235, %swap3A_236] {strides = array<i32>} : memref<80x128xf32, #tpu.memory_space<vmem>>, vector<16xf32>,
      tpu.vector_store %arg9[%swap3A_235, %swap3A_236], %broadcast_in_dim3A_1 {strides = array<i32>} : memref<80x128xf32, #tpu.memory_space<vmem>>, vector<16xf32>,
      %swap3A_238 = arith.index_cast %scan3A_233 : i32 to index
      %swap3A_239 = arith.constant 16 : index
      %swap3A_240 = tpu.vector_load %arg9[%swap3A_238, %swap3A_239] {strides = array<i32>} : memref<80x128xf32, #tpu.memory_space<vmem>>, vector<16xf32>,
      tpu.vector_store %arg9[%swap3A_238, %swap3A_239], %broadcast_in_dim3A_1 {strides = array<i32>} : memref<80x128xf32, #tpu.memory_space<vmem>>, vector<16xf32>,
      %swap3A_241 = arith.index_cast %scan3A_233 : i32 to index
      %swap3A_242 = arith.constant 32 : index
      %swap3A_243 = tpu.vector_load %arg9[%swap3A_241, %swap3A_242] {strides = array<i32>} : memref<80x128xf32, #tpu.memory_space<vmem>>, vector<16xf32>,
      tpu.vector_store %arg9[%swap3A_241, %swap3A_242], %broadcast_in_dim3A_1 {strides = array<i32>} : memref<80x128xf32, #tpu.memory_space<vmem>>, vector<16xf32>,
      %swap3A_244 = arith.index_cast %scan3A_233 : i32 to index
      %swap3A_245 = arith.constant 48 : index
      %swap3A_246 = tpu.vector_load %arg9[%swap3A_244, %swap3A_245] {strides = array<i32>} : memref<80x128xf32, #tpu.memory_space<vmem>>, vector<16xf32>,
      tpu.vector_store %arg9[%swap3A_244, %swap3A_245], %broadcast_in_dim3A_1 {strides = array<i32>} : memref<80x128xf32, #tpu.memory_space<vmem>>, vector<16xf32>,
      %swap3A_247 = arith.index_cast %scan3A_233 : i32 to index
      %swap3A_248 = arith.constant 64 : index
      %swap3A_249 = tpu.vector_load %arg9[%swap3A_247, %swap3A_248] {strides = array<i32>} : memref<80x128xf32, #tpu.memory_space<vmem>>, vector<16xf32>,
      tpu.vector_store %arg9[%swap3A_247, %swap3A_248], %broadcast_in_dim3A_1 {strides = array<i32>} : memref<80x128xf32, #tpu.memory_space<vmem>>, vector<16xf32>,
      %swap3A_250 = arith.index_cast %scan3A_233 : i32 to index
      %swap3A_251 = arith.constant 80 : index
      %swap3A_252 = tpu.vector_load %arg9[%swap3A_250, %swap3A_251] {strides = array<i32>} : memref<80x128xf32, #tpu.memory_space<vmem>>, vector<16xf32>,
      tpu.vector_store %arg9[%swap3A_250, %swap3A_251], %broadcast_in_dim3A_1 {strides = array<i32>} : memref<80x128xf32, #tpu.memory_space<vmem>>, vector<16xf32>,
      %swap3A_253 = arith.index_cast %scan3A_233 : i32 to index
      %swap3A_254 = arith.constant 96 : index
      %swap3A_255 = tpu.vector_load %arg9[%swap3A_253, %swap3A_254] {strides = array<i32>} : memref<80x128xf32, #tpu.memory_space<vmem>>, vector<16xf32>,
      tpu.vector_store %arg9[%swap3A_253, %swap3A_254], %broadcast_in_dim3A_1 {strides = array<i32>} : memref<80x128xf32, #tpu.memory_space<vmem>>, vector<16xf32>,
      %swap3A_256 = arith.index_cast %scan3A_233 : i32 to index
      %swap3A_257 = arith.constant 112 : index
      %swap3A_258 = tpu.vector_load %arg9[%swap3A_256, %swap3A_257] {strides = array<i32>} : memref<80x128xf32, #tpu.memory_space<vmem>>, vector<16xf32>,
      tpu.vector_store %arg9[%swap3A_256, %swap3A_257], %broadcast_in_dim3A_1 {strides = array<i32>} : memref<80x128xf32, #tpu.memory_space<vmem>>, vector<16xf32>,
      %scan3A_259 = arith.constant 0 : i32
      scf.yield %scan3A_259 : i32
    }
    %scan3A_7 = arith.constant 80 : i32
    %swap3A = arith.constant 0 : index
    %swap3A_8 = tpu.vector_load %arg15[%swap3A] {strides = array<i32>} : memref<96xf32, #tpu.memory_space<vmem>>, vector<16xf32>,
    tpu.vector_store %arg15[%swap3A], %broadcast_in_dim3A_1 {strides = array<i32>} : memref<96xf32, #tpu.memory_space<vmem>>, vector<16xf32>,
    %swap3A_9 = arith.constant 16 : index
    %swap3A_10 = tpu.vector_load %arg15[%swap3A_9] {strides = array<i32>} : memref<96xf32, #tpu.memory_space<vmem>>, vector<16xf32>,
    tpu.vector_store %arg15[%swap3A_9], %broadcast_in_dim3A_1 {strides = array<i32>} : memref<96xf32, #tpu.memory_space<vmem>>, vector<16xf32>,
    %swap3A_11 = arith.constant 32 : index
    %swap3A_12 = tpu.vector_load %arg15[%swap3A_11] {strides = array<i32>} : memref<96xf32, #tpu.memory_space<vmem>>, vector<16xf32>,
    tpu.vector_store %arg15[%swap3A_11], %broadcast_in_dim3A_1 {strides = array<i32>} : memref<96xf32, #tpu.memory_space<vmem>>, vector<16xf32>,
    %swap3A_13 = arith.constant 48 : index
    %swap3A_14 = tpu.vector_load %arg15[%swap3A_13] {strides = array<i32>} : memref<96xf32, #tpu.memory_space<vmem>>, vector<16xf32>,
    tpu.vector_store %arg15[%swap3A_13], %broadcast_in_dim3A_1 {strides = array<i32>} : memref<96xf32, #tpu.memory_space<vmem>>, vector<16xf32>,
    %swap3A_15 = arith.constant 64 : index
    %swap3A_16 = tpu.vector_load %arg15[%swap3A_15] {strides = array<i32>} : memref<96xf32, #tpu.memory_space<vmem>>, vector<16xf32>,
    tpu.vector_store %arg15[%swap3A_15], %broadcast_in_dim3A_1 {strides = array<i32>} : memref<96xf32, #tpu.memory_space<vmem>>, vector<16xf32>,
    %swap3A_17 = arith.constant 80 : index
    %swap3A_18 = tpu.vector_load %arg15[%swap3A_17] {strides = array<i32>} : memref<96xf32, #tpu.memory_space<vmem>>, vector<16xf32>,
    tpu.vector_store %arg15[%swap3A_17], %broadcast_in_dim3A_1 {strides = array<i32>} : memref<96xf32, #tpu.memory_space<vmem>>, vector<16xf32>,
    %add3A_19 = arith.constant 0 : i32
    %add3A_20 = arith.addi %arg1, %add3A_19 : i32
    %mul3A_21 = arith.constant 80 : i32
    %mul3A_22 = arith.muli %add3A_20, %mul3A_21 : i32
    %lt3A = arith.constant 10000 : i32
    %lt3A_23 = arith.cmpi slt, %mul3A_22, %lt3A : i32
    %convert_element_type3A = arith.extui %lt3A_23 : i1 to i32
    %cond3A = arith.constant 0 : i32
    %cond3A_24 = arith.cmpi ne, %convert_element_type3A, %cond3A : i32
    scf.if %cond3A_24 {
      %mul3A_233 = arith.constant 80 : i32
      %mul3A_234 = arith.muli %add3A_20, %mul3A_233 : i32
      %dma_start3A_235 = arith.constant 0 : i32
      %dma_start3A_236 = tpu.memref_slice %arg23[%mul3A_234, %dma_start3A_235] : memref<10000x128xf32, #tpu.memory_space<vmem_shared>> -> memref<80x128xf32, #tpu.memory_space<vmem_shared>>
      %dma_start3A_237 = arith.constant 0 : i32
      %dma_start3A_238 = tpu.memref_slice %arg23[%mul3A_234, %dma_start3A_237] : memref<10000x128xf32, #tpu.memory_space<vmem_shared>> -> memref<80x128xf32, #tpu.memory_space<vmem_shared>>
      tpu.enqueue_dma source(%arg9 : memref<80x128xf32, #tpu.memory_space<vmem>>) target(%dma_start3A_238 : memref<80x128xf32, #tpu.memory_space<vmem_shared>>) target_semaphore(%arg27 : memref<!tpu.dma_semaphore, #tpu.memory_space<semaphore_mem>>)
      %mul3A_239 = arith.constant 80 : i32
      %mul3A_240 = arith.muli %add3A_20, %mul3A_239 : i32
      %dma_start3A_241 = arith.constant 0 : i32
      %dma_start3A_242 = tpu.memref_slice %arg15[%dma_start3A_241] : memref<96xf32, #tpu.memory_space<vmem>> -> memref<80xf32, #tpu.memory_space<vmem>>
      %dma_start3A_243 = tpu.memref_slice %arg24[%mul3A_240] : memref<10000xf32, #tpu.memory_space<vmem_shared>> -> memref<80xf32, #tpu.memory_space<vmem_shared>>
      %dma_start3A_244 = tpu.memref_slice %arg24[%mul3A_240] : memref<10000xf32, #tpu.memory_space<vmem_shared>> -> memref<80xf32, #tpu.memory_space<vmem_shared>>
      %dma_start3A_245 = arith.constant 0 : i32
      %dma_start3A_246 = tpu.memref_slice %arg15[%dma_start3A_245] : memref<96xf32, #tpu.memory_space<vmem>> -> memref<80xf32, #tpu.memory_space<vmem>>
      tpu.enqueue_dma source(%dma_start3A_246 : memref<80xf32, #tpu.memory_space<vmem>>) target(%dma_start3A_244 : memref<80xf32, #tpu.memory_space<vmem_shared>>) target_semaphore(%arg31 : memref<!tpu.dma_semaphore, #tpu.memory_space<semaphore_mem>>)
    } else {
    }
    %add3A_25 = arith.constant 16 : i32
    %add3A_26 = arith.addi %arg1, %add3A_25 : i32
    %mul3A_27 = arith.constant 80 : i32
    %mul3A_28 = arith.muli %add3A_26, %mul3A_27 : i32
    %lt3A_29 = arith.constant 10000 : i32
    %lt3A_30 = arith.cmpi slt, %mul3A_28, %lt3A_29 : i32
    %convert_element_type3A_31 = arith.extui %lt3A_30 : i1 to i32
    %cond3A_32 = arith.constant 0 : i32
    %cond3A_33 = arith.cmpi ne, %convert_element_type3A_31, %cond3A_32 : i32
    scf.if %cond3A_33 {
      %mul3A_233 = arith.constant 80 : i32
      %mul3A_234 = arith.muli %add3A_26, %mul3A_233 : i32
      %dma_start3A_235 = arith.constant 0 : i32
      %dma_start3A_236 = tpu.memref_slice %arg23[%mul3A_234, %dma_start3A_235] : memref<10000x128xf32, #tpu.memory_space<vmem_shared>> -> memref<80x128xf32, #tpu.memory_space<vmem_shared>>
      %dma_start3A_237 = arith.constant 0 : i32
      %dma_start3A_238 = tpu.memref_slice %arg23[%mul3A_234, %dma_start3A_237] : memref<10000x128xf32, #tpu.memory_space<vmem_shared>> -> memref<80x128xf32, #tpu.memory_space<vmem_shared>>
      tpu.enqueue_dma source(%arg9 : memref<80x128xf32, #tpu.memory_space<vmem>>) target(%dma_start3A_238 : memref<80x128xf32, #tpu.memory_space<vmem_shared>>) target_semaphore(%arg27 : memref<!tpu.dma_semaphore, #tpu.memory_space<semaphore_mem>>)
      %mul3A_239 = arith.constant 80 : i32
      %mul3A_240 = arith.muli %add3A_26, %mul3A_239 : i32
      %dma_start3A_241 = arith.constant 0 : i32
      %dma_start3A_242 = tpu.memref_slice %arg15[%dma_start3A_241] : memref<96xf32, #tpu.memory_space<vmem>> -> memref<80xf32, #tpu.memory_space<vmem>>
      %dma_start3A_243 = tpu.memref_slice %arg24[%mul3A_240] : memref<10000xf32, #tpu.memory_space<vmem_shared>> -> memref<80xf32, #tpu.memory_space<vmem_shared>>
      %dma_start3A_244 = tpu.memref_slice %arg24[%mul3A_240] : memref<10000xf32, #tpu.memory_space<vmem_shared>> -> memref<80xf32, #tpu.memory_space<vmem_shared>>
      %dma_start3A_245 = arith.constant 0 : i32
      %dma_start3A_246 = tpu.memref_slice %arg15[%dma_start3A_245] : memref<96xf32, #tpu.memory_space<vmem>> -> memref<80xf32, #tpu.memory_space<vmem>>
      tpu.enqueue_dma source(%dma_start3A_246 : memref<80xf32, #tpu.memory_space<vmem>>) target(%dma_start3A_244 : memref<80xf32, #tpu.memory_space<vmem_shared>>) target_semaphore(%arg31 : memref<!tpu.dma_semaphore, #tpu.memory_space<semaphore_mem>>)
    } else {
    }
    %add3A_34 = arith.constant 32 : i32
    %add3A_35 = arith.addi %arg1, %add3A_34 : i32
    %mul3A_36 = arith.constant 80 : i32
    %mul3A_37 = arith.muli %add3A_35, %mul3A_36 : i32
    %lt3A_38 = arith.constant 10000 : i32
    %lt3A_39 = arith.cmpi slt, %mul3A_37, %lt3A_38 : i32
    %convert_element_type3A_40 = arith.extui %lt3A_39 : i1 to i32
    %cond3A_41 = arith.constant 0 : i32
    %cond3A_42 = arith.cmpi ne, %convert_element_type3A_40, %cond3A_41 : i32
    scf.if %cond3A_42 {
      %mul3A_233 = arith.constant 80 : i32
      %mul3A_234 = arith.muli %add3A_35, %mul3A_233 : i32
      %dma_start3A_235 = arith.constant 0 : i32
      %dma_start3A_236 = tpu.memref_slice %arg23[%mul3A_234, %dma_start3A_235] : memref<10000x128xf32, #tpu.memory_space<vmem_shared>> -> memref<80x128xf32, #tpu.memory_space<vmem_shared>>
      %dma_start3A_237 = arith.constant 0 : i32
      %dma_start3A_238 = tpu.memref_slice %arg23[%mul3A_234, %dma_start3A_237] : memref<10000x128xf32, #tpu.memory_space<vmem_shared>> -> memref<80x128xf32, #tpu.memory_space<vmem_shared>>
      tpu.enqueue_dma source(%arg9 : memref<80x128xf32, #tpu.memory_space<vmem>>) target(%dma_start3A_238 : memref<80x128xf32, #tpu.memory_space<vmem_shared>>) target_semaphore(%arg27 : memref<!tpu.dma_semaphore, #tpu.memory_space<semaphore_mem>>)
      %mul3A_239 = arith.constant 80 : i32
      %mul3A_240 = arith.muli %add3A_35, %mul3A_239 : i32
      %dma_start3A_241 = arith.constant 0 : i32
      %dma_start3A_242 = tpu.memref_slice %arg15[%dma_start3A_241] : memref<96xf32, #tpu.memory_space<vmem>> -> memref<80xf32, #tpu.memory_space<vmem>>
      %dma_start3A_243 = tpu.memref_slice %arg24[%mul3A_240] : memref<10000xf32, #tpu.memory_space<vmem_shared>> -> memref<80xf32, #tpu.memory_space<vmem_shared>>
      %dma_start3A_244 = tpu.memref_slice %arg24[%mul3A_240] : memref<10000xf32, #tpu.memory_space<vmem_shared>> -> memref<80xf32, #tpu.memory_space<vmem_shared>>
      %dma_start3A_245 = arith.constant 0 : i32
      %dma_start3A_246 = tpu.memref_slice %arg15[%dma_start3A_245] : memref<96xf32, #tpu.memory_space<vmem>> -> memref<80xf32, #tpu.memory_space<vmem>>
      tpu.enqueue_dma source(%dma_start3A_246 : memref<80xf32, #tpu.memory_space<vmem>>) target(%dma_start3A_244 : memref<80xf32, #tpu.memory_space<vmem_shared>>) target_semaphore(%arg31 : memref<!tpu.dma_semaphore, #tpu.memory_space<semaphore_mem>>)
    } else {
    }
    %add3A_43 = arith.constant 48 : i32
    %add3A_44 = arith.addi %arg1, %add3A_43 : i32
    %mul3A_45 = arith.constant 80 : i32
    %mul3A_46 = arith.muli %add3A_44, %mul3A_45 : i32
    %lt3A_47 = arith.constant 10000 : i32
    %lt3A_48 = arith.cmpi slt, %mul3A_46, %lt3A_47 : i32
    %convert_element_type3A_49 = arith.extui %lt3A_48 : i1 to i32
    %cond3A_50 = arith.constant 0 : i32
    %cond3A_51 = arith.cmpi ne, %convert_element_type3A_49, %cond3A_50 : i32
    scf.if %cond3A_51 {
      %mul3A_233 = arith.constant 80 : i32
      %mul3A_234 = arith.muli %add3A_44, %mul3A_233 : i32
      %dma_start3A_235 = arith.constant 0 : i32
      %dma_start3A_236 = tpu.memref_slice %arg23[%mul3A_234, %dma_start3A_235] : memref<10000x128xf32, #tpu.memory_space<vmem_shared>> -> memref<80x128xf32, #tpu.memory_space<vmem_shared>>
      %dma_start3A_237 = arith.constant 0 : i32
      %dma_start3A_238 = tpu.memref_slice %arg23[%mul3A_234, %dma_start3A_237] : memref<10000x128xf32, #tpu.memory_space<vmem_shared>> -> memref<80x128xf32, #tpu.memory_space<vmem_shared>>
      tpu.enqueue_dma source(%arg9 : memref<80x128xf32, #tpu.memory_space<vmem>>) target(%dma_start3A_238 : memref<80x128xf32, #tpu.memory_space<vmem_shared>>) target_semaphore(%arg27 : memref<!tpu.dma_semaphore, #tpu.memory_space<semaphore_mem>>)
      %mul3A_239 = arith.constant 80 : i32
      %mul3A_240 = arith.muli %add3A_44, %mul3A_239 : i32
      %dma_start3A_241 = arith.constant 0 : i32
      %dma_start3A_242 = tpu.memref_slice %arg15[%dma_start3A_241] : memref<96xf32, #tpu.memory_space<vmem>> -> memref<80xf32, #tpu.memory_space<vmem>>
      %dma_start3A_243 = tpu.memref_slice %arg24[%mul3A_240] : memref<10000xf32, #tpu.memory_space<vmem_shared>> -> memref<80xf32, #tpu.memory_space<vmem_shared>>
      %dma_start3A_244 = tpu.memref_slice %arg24[%mul3A_240] : memref<10000xf32, #tpu.memory_space<vmem_shared>> -> memref<80xf32, #tpu.memory_space<vmem_shared>>
      %dma_start3A_245 = arith.constant 0 : i32
      %dma_start3A_246 = tpu.memref_slice %arg15[%dma_start3A_245] : memref<96xf32, #tpu.memory_space<vmem>> -> memref<80xf32, #tpu.memory_space<vmem>>
      tpu.enqueue_dma source(%dma_start3A_246 : memref<80xf32, #tpu.memory_space<vmem>>) target(%dma_start3A_244 : memref<80xf32, #tpu.memory_space<vmem_shared>>) target_semaphore(%arg31 : memref<!tpu.dma_semaphore, #tpu.memory_space<semaphore_mem>>)
    } else {
    }
    %add3A_52 = arith.constant 64 : i32
    %add3A_53 = arith.addi %arg1, %add3A_52 : i32
    %mul3A_54 = arith.constant 80 : i32
    %mul3A_55 = arith.muli %add3A_53, %mul3A_54 : i32
    %lt3A_56 = arith.constant 10000 : i32
    %lt3A_57 = arith.cmpi slt, %mul3A_55, %lt3A_56 : i32
    %convert_element_type3A_58 = arith.extui %lt3A_57 : i1 to i32
    %cond3A_59 = arith.constant 0 : i32
    %cond3A_60 = arith.cmpi ne, %convert_element_type3A_58, %cond3A_59 : i32
    scf.if %cond3A_60 {
      %mul3A_233 = arith.constant 80 : i32
      %mul3A_234 = arith.muli %add3A_53, %mul3A_233 : i32
      %dma_start3A_235 = arith.constant 0 : i32
      %dma_start3A_236 = tpu.memref_slice %arg23[%mul3A_234, %dma_start3A_235] : memref<10000x128xf32, #tpu.memory_space<vmem_shared>> -> memref<80x128xf32, #tpu.memory_space<vmem_shared>>
      %dma_start3A_237 = arith.constant 0 : i32
      %dma_start3A_238 = tpu.memref_slice %arg23[%mul3A_234, %dma_start3A_237] : memref<10000x128xf32, #tpu.memory_space<vmem_shared>> -> memref<80x128xf32, #tpu.memory_space<vmem_shared>>
      tpu.enqueue_dma source(%arg9 : memref<80x128xf32, #tpu.memory_space<vmem>>) target(%dma_start3A_238 : memref<80x128xf32, #tpu.memory_space<vmem_shared>>) target_semaphore(%arg27 : memref<!tpu.dma_semaphore, #tpu.memory_space<semaphore_mem>>)
      %mul3A_239 = arith.constant 80 : i32
      %mul3A_240 = arith.muli %add3A_53, %mul3A_239 : i32
      %dma_start3A_241 = arith.constant 0 : i32
      %dma_start3A_242 = tpu.memref_slice %arg15[%dma_start3A_241] : memref<96xf32, #tpu.memory_space<vmem>> -> memref<80xf32, #tpu.memory_space<vmem>>
      %dma_start3A_243 = tpu.memref_slice %arg24[%mul3A_240] : memref<10000xf32, #tpu.memory_space<vmem_shared>> -> memref<80xf32, #tpu.memory_space<vmem_shared>>
      %dma_start3A_244 = tpu.memref_slice %arg24[%mul3A_240] : memref<10000xf32, #tpu.memory_space<vmem_shared>> -> memref<80xf32, #tpu.memory_space<vmem_shared>>
      %dma_start3A_245 = arith.constant 0 : i32
      %dma_start3A_246 = tpu.memref_slice %arg15[%dma_start3A_245] : memref<96xf32, #tpu.memory_space<vmem>> -> memref<80xf32, #tpu.memory_space<vmem>>
      tpu.enqueue_dma source(%dma_start3A_246 : memref<80xf32, #tpu.memory_space<vmem>>) target(%dma_start3A_244 : memref<80xf32, #tpu.memory_space<vmem_shared>>) target_semaphore(%arg31 : memref<!tpu.dma_semaphore, #tpu.memory_space<semaphore_mem>>)
    } else {
    }
    %add3A_61 = arith.constant 80 : i32
    %add3A_62 = arith.addi %arg1, %add3A_61 : i32
    %mul3A_63 = arith.constant 80 : i32
    %mul3A_64 = arith.muli %add3A_62, %mul3A_63 : i32
    %lt3A_65 = arith.constant 10000 : i32
    %lt3A_66 = arith.cmpi slt, %mul3A_64, %lt3A_65 : i32
    %convert_element_type3A_67 = arith.extui %lt3A_66 : i1 to i32
    %cond3A_68 = arith.constant 0 : i32
    %cond3A_69 = arith.cmpi ne, %convert_element_type3A_67, %cond3A_68 : i32
    scf.if %cond3A_69 {
      %mul3A_233 = arith.constant 80 : i32
      %mul3A_234 = arith.muli %add3A_62, %mul3A_233 : i32
      %dma_start3A_235 = arith.constant 0 : i32
      %dma_start3A_236 = tpu.memref_slice %arg23[%mul3A_234, %dma_start3A_235] : memref<10000x128xf32, #tpu.memory_space<vmem_shared>> -> memref<80x128xf32, #tpu.memory_space<vmem_shared>>
      %dma_start3A_237 = arith.constant 0 : i32
      %dma_start3A_238 = tpu.memref_slice %arg23[%mul3A_234, %dma_start3A_237] : memref<10000x128xf32, #tpu.memory_space<vmem_shared>> -> memref<80x128xf32, #tpu.memory_space<vmem_shared>>
      tpu.enqueue_dma source(%arg9 : memref<80x128xf32, #tpu.memory_space<vmem>>) target(%dma_start3A_238 : memref<80x128xf32, #tpu.memory_space<vmem_shared>>) target_semaphore(%arg27 : memref<!tpu.dma_semaphore, #tpu.memory_space<semaphore_mem>>)
      %mul3A_239 = arith.constant 80 : i32
      %mul3A_240 = arith.muli %add3A_62, %mul3A_239 : i32
      %dma_start3A_241 = arith.constant 0 : i32
      %dma_start3A_242 = tpu.memref_slice %arg15[%dma_start3A_241] : memref<96xf32, #tpu.memory_space<vmem>> -> memref<80xf32, #tpu.memory_space<vmem>>
      %dma_start3A_243 = tpu.memref_slice %arg24[%mul3A_240] : memref<10000xf32, #tpu.memory_space<vmem_shared>> -> memref<80xf32, #tpu.memory_space<vmem_shared>>
      %dma_start3A_244 = tpu.memref_slice %arg24[%mul3A_240] : memref<10000xf32, #tpu.memory_space<vmem_shared>> -> memref<80xf32, #tpu.memory_space<vmem_shared>>
      %dma_start3A_245 = arith.constant 0 : i32
      %dma_start3A_246 = tpu.memref_slice %arg15[%dma_start3A_245] : memref<96xf32, #tpu.memory_space<vmem>> -> memref<80xf32, #tpu.memory_space<vmem>>
      tpu.enqueue_dma source(%dma_start3A_246 : memref<80xf32, #tpu.memory_space<vmem>>) target(%dma_start3A_244 : memref<80xf32, #tpu.memory_space<vmem_shared>>) target_semaphore(%arg31 : memref<!tpu.dma_semaphore, #tpu.memory_space<semaphore_mem>>)
    } else {
    }
    %add3A_70 = arith.constant 96 : i32
    %add3A_71 = arith.addi %arg1, %add3A_70 : i32
    %mul3A_72 = arith.constant 80 : i32
    %mul3A_73 = arith.muli %add3A_71, %mul3A_72 : i32
    %lt3A_74 = arith.constant 10000 : i32
    %lt3A_75 = arith.cmpi slt, %mul3A_73, %lt3A_74 : i32
    %convert_element_type3A_76 = arith.extui %lt3A_75 : i1 to i32
    %cond3A_77 = arith.constant 0 : i32
    %cond3A_78 = arith.cmpi ne, %convert_element_type3A_76, %cond3A_77 : i32
    scf.if %cond3A_78 {
      %mul3A_233 = arith.constant 80 : i32
      %mul3A_234 = arith.muli %add3A_71, %mul3A_233 : i32
      %dma_start3A_235 = arith.constant 0 : i32
      %dma_start3A_236 = tpu.memref_slice %arg23[%mul3A_234, %dma_start3A_235] : memref<10000x128xf32, #tpu.memory_space<vmem_shared>> -> memref<80x128xf32, #tpu.memory_space<vmem_shared>>
      %dma_start3A_237 = arith.constant 0 : i32
      %dma_start3A_238 = tpu.memref_slice %arg23[%mul3A_234, %dma_start3A_237] : memref<10000x128xf32, #tpu.memory_space<vmem_shared>> -> memref<80x128xf32, #tpu.memory_space<vmem_shared>>
      tpu.enqueue_dma source(%arg9 : memref<80x128xf32, #tpu.memory_space<vmem>>) target(%dma_start3A_238 : memref<80x128xf32, #tpu.memory_space<vmem_shared>>) target_semaphore(%arg27 : memref<!tpu.dma_semaphore, #tpu.memory_space<semaphore_mem>>)
      %mul3A_239 = arith.constant 80 : i32
      %mul3A_240 = arith.muli %add3A_71, %mul3A_239 : i32
      %dma_start3A_241 = arith.constant 0 : i32
      %dma_start3A_242 = tpu.memref_slice %arg15[%dma_start3A_241] : memref<96xf32, #tpu.memory_space<vmem>> -> memref<80xf32, #tpu.memory_space<vmem>>
      %dma_start3A_243 = tpu.memref_slice %arg24[%mul3A_240] : memref<10000xf32, #tpu.memory_space<vmem_shared>> -> memref<80xf32, #tpu.memory_space<vmem_shared>>
      %dma_start3A_244 = tpu.memref_slice %arg24[%mul3A_240] : memref<10000xf32, #tpu.memory_space<vmem_shared>> -> memref<80xf32, #tpu.memory_space<vmem_shared>>
      %dma_start3A_245 = arith.constant 0 : i32
      %dma_start3A_246 = tpu.memref_slice %arg15[%dma_start3A_245] : memref<96xf32, #tpu.memory_space<vmem>> -> memref<80xf32, #tpu.memory_space<vmem>>
      tpu.enqueue_dma source(%dma_start3A_246 : memref<80xf32, #tpu.memory_space<vmem>>) target(%dma_start3A_244 : memref<80xf32, #tpu.memory_space<vmem_shared>>) target_semaphore(%arg31 : memref<!tpu.dma_semaphore, #tpu.memory_space<semaphore_mem>>)
    } else {
    }
    %add3A_79 = arith.constant 112 : i32
    %add3A_80 = arith.addi %arg1, %add3A_79 : i32
    %mul3A_81 = arith.constant 80 : i32
    %mul3A_82 = arith.muli %add3A_80, %mul3A_81 : i32
    %lt3A_83 = arith.constant 10000 : i32
    %lt3A_84 = arith.cmpi slt, %mul3A_82, %lt3A_83 : i32
    %convert_element_type3A_85 = arith.extui %lt3A_84 : i1 to i32
    %cond3A_86 = arith.constant 0 : i32
    %cond3A_87 = arith.cmpi ne, %convert_element_type3A_85, %cond3A_86 : i32
    scf.if %cond3A_87 {
      %mul3A_233 = arith.constant 80 : i32
      %mul3A_234 = arith.muli %add3A_80, %mul3A_233 : i32
      %dma_start3A_235 = arith.constant 0 : i32
      %dma_start3A_236 = tpu.memref_slice %arg23[%mul3A_234, %dma_start3A_235] : memref<10000x128xf32, #tpu.memory_space<vmem_shared>> -> memref<80x128xf32, #tpu.memory_space<vmem_shared>>
      %dma_start3A_237 = arith.constant 0 : i32
      %dma_start3A_238 = tpu.memref_slice %arg23[%mul3A_234, %dma_start3A_237] : memref<10000x128xf32, #tpu.memory_space<vmem_shared>> -> memref<80x128xf32, #tpu.memory_space<vmem_shared>>
      tpu.enqueue_dma source(%arg9 : memref<80x128xf32, #tpu.memory_space<vmem>>) target(%dma_start3A_238 : memref<80x128xf32, #tpu.memory_space<vmem_shared>>) target_semaphore(%arg27 : memref<!tpu.dma_semaphore, #tpu.memory_space<semaphore_mem>>)
      %mul3A_239 = arith.constant 80 : i32
      %mul3A_240 = arith.muli %add3A_80, %mul3A_239 : i32
      %dma_start3A_241 = arith.constant 0 : i32
      %dma_start3A_242 = tpu.memref_slice %arg15[%dma_start3A_241] : memref<96xf32, #tpu.memory_space<vmem>> -> memref<80xf32, #tpu.memory_space<vmem>>
      %dma_start3A_243 = tpu.memref_slice %arg24[%mul3A_240] : memref<10000xf32, #tpu.memory_space<vmem_shared>> -> memref<80xf32, #tpu.memory_space<vmem_shared>>
      %dma_start3A_244 = tpu.memref_slice %arg24[%mul3A_240] : memref<10000xf32, #tpu.memory_space<vmem_shared>> -> memref<80xf32, #tpu.memory_space<vmem_shared>>
      %dma_start3A_245 = arith.constant 0 : i32
      %dma_start3A_246 = tpu.memref_slice %arg15[%dma_start3A_245] : memref<96xf32, #tpu.memory_space<vmem>> -> memref<80xf32, #tpu.memory_space<vmem>>
      tpu.enqueue_dma source(%dma_start3A_246 : memref<80xf32, #tpu.memory_space<vmem>>) target(%dma_start3A_244 : memref<80xf32, #tpu.memory_space<vmem_shared>>) target_semaphore(%arg31 : memref<!tpu.dma_semaphore, #tpu.memory_space<semaphore_mem>>)
    } else {
    }
    %add3A_88 = arith.constant 0 : i32
    %add3A_89 = arith.addi %arg1, %add3A_88 : i32
    %mul3A_90 = arith.constant 80 : i32
    %mul3A_91 = arith.muli %add3A_89, %mul3A_90 : i32
    %lt3A_92 = arith.constant 10000 : i32
    %lt3A_93 = arith.cmpi slt, %mul3A_91, %lt3A_92 : i32
    %convert_element_type3A_94 = arith.extui %lt3A_93 : i1 to i32
    %cond3A_95 = arith.constant 0 : i32
    %cond3A_96 = arith.cmpi ne, %convert_element_type3A_94, %cond3A_95 : i32
    scf.if %cond3A_96 {
      %mul3A_233 = arith.constant 80 : i32
      %mul3A_234 = arith.muli %add3A_89, %mul3A_233 : i32
      %dma_wait3A_235 = arith.constant 0 : i32
      %dma_wait3A_236 = tpu.memref_slice %arg23[%mul3A_234, %dma_wait3A_235] : memref<10000x128xf32, #tpu.memory_space<vmem_shared>> -> memref<80x128xf32, #tpu.memory_space<vmem_shared>>
      %dma_wait3A_237 = arith.constant 0 : i32
      %dma_wait3A_238 = tpu.memref_slice %arg23[%mul3A_234, %dma_wait3A_237] : memref<10000x128xf32, #tpu.memory_space<vmem_shared>> -> memref<80x128xf32, #tpu.memory_space<vmem_shared>>
      tpu.wait_dma2 semaphore(%arg27 : memref<!tpu.dma_semaphore, #tpu.memory_space<semaphore_mem>>) src(%arg9 : memref<80x128xf32, #tpu.memory_space<vmem>>) dst(%dma_wait3A_238 : memref<80x128xf32, #tpu.memory_space<vmem_shared>>)
      %mul3A_239 = arith.constant 80 : i32
      %mul3A_240 = arith.muli %add3A_89, %mul3A_239 : i32
      %dma_wait3A_241 = arith.constant 0 : i32
      %dma_wait3A_242 = tpu.memref_slice %arg15[%dma_wait3A_241] : memref<96xf32, #tpu.memory_space<vmem>> -> memref<80xf32, #tpu.memory_space<vmem>>
      %dma_wait3A_243 = tpu.memref_slice %arg24[%mul3A_240] : memref<10000xf32, #tpu.memory_space<vmem_shared>> -> memref<80xf32, #tpu.memory_space<vmem_shared>>
      %dma_wait3A_244 = tpu.memref_slice %arg24[%mul3A_240] : memref<10000xf32, #tpu.memory_space<vmem_shared>> -> memref<80xf32, #tpu.memory_space<vmem_shared>>
      %dma_wait3A_245 = arith.constant 0 : i32
      %dma_wait3A_246 = tpu.memref_slice %arg15[%dma_wait3A_245] : memref<96xf32, #tpu.memory_space<vmem>> -> memref<80xf32, #tpu.memory_space<vmem>>
      tpu.wait_dma2 semaphore(%arg31 : memref<!tpu.dma_semaphore, #tpu.memory_space<semaphore_mem>>) src(%dma_wait3A_246 : memref<80xf32, #tpu.memory_space<vmem>>) dst(%dma_wait3A_244 : memref<80xf32, #tpu.memory_space<vmem_shared>>)
    } else {
    }
    %add3A_97 = arith.constant 16 : i32
    %add3A_98 = arith.addi %arg1, %add3A_97 : i32
    %mul3A_99 = arith.constant 80 : i32
    %mul3A_100 = arith.muli %add3A_98, %mul3A_99 : i32
    %lt3A_101 = arith.constant 10000 : i32
    %lt3A_102 = arith.cmpi slt, %mul3A_100, %lt3A_101 : i32
    %convert_element_type3A_103 = arith.extui %lt3A_102 : i1 to i32
    %cond3A_104 = arith.constant 0 : i32
    %cond3A_105 = arith.cmpi ne, %convert_element_type3A_103, %cond3A_104 : i32
    scf.if %cond3A_105 {
      %mul3A_233 = arith.constant 80 : i32
      %mul3A_234 = arith.muli %add3A_98, %mul3A_233 : i32
      %dma_wait3A_235 = arith.constant 0 : i32
      %dma_wait3A_236 = tpu.memref_slice %arg23[%mul3A_234, %dma_wait3A_235] : memref<10000x128xf32, #tpu.memory_space<vmem_shared>> -> memref<80x128xf32, #tpu.memory_space<vmem_shared>>
      %dma_wait3A_237 = arith.constant 0 : i32
      %dma_wait3A_238 = tpu.memref_slice %arg23[%mul3A_234, %dma_wait3A_237] : memref<10000x128xf32, #tpu.memory_space<vmem_shared>> -> memref<80x128xf32, #tpu.memory_space<vmem_shared>>
      tpu.wait_dma2 semaphore(%arg27 : memref<!tpu.dma_semaphore, #tpu.memory_space<semaphore_mem>>) src(%arg9 : memref<80x128xf32, #tpu.memory_space<vmem>>) dst(%dma_wait3A_238 : memref<80x128xf32, #tpu.memory_space<vmem_shared>>)
      %mul3A_239 = arith.constant 80 : i32
      %mul3A_240 = arith.muli %add3A_98, %mul3A_239 : i32
      %dma_wait3A_241 = arith.constant 0 : i32
      %dma_wait3A_242 = tpu.memref_slice %arg15[%dma_wait3A_241] : memref<96xf32, #tpu.memory_space<vmem>> -> memref<80xf32, #tpu.memory_space<vmem>>
      %dma_wait3A_243 = tpu.memref_slice %arg24[%mul3A_240] : memref<10000xf32, #tpu.memory_space<vmem_shared>> -> memref<80xf32, #tpu.memory_space<vmem_shared>>
      %dma_wait3A_244 = tpu.memref_slice %arg24[%mul3A_240] : memref<10000xf32, #tpu.memory_space<vmem_shared>> -> memref<80xf32, #tpu.memory_space<vmem_shared>>
      %dma_wait3A_245 = arith.constant 0 : i32
      %dma_wait3A_246 = tpu.memref_slice %arg15[%dma_wait3A_245] : memref<96xf32, #tpu.memory_space<vmem>> -> memref<80xf32, #tpu.memory_space<vmem>>
      tpu.wait_dma2 semaphore(%arg31 : memref<!tpu.dma_semaphore, #tpu.memory_space<semaphore_mem>>) src(%dma_wait3A_246 : memref<80xf32, #tpu.memory_space<vmem>>) dst(%dma_wait3A_244 : memref<80xf32, #tpu.memory_space<vmem_shared>>)
    } else {
    }
    %add3A_106 = arith.constant 32 : i32
    %add3A_107 = arith.addi %arg1, %add3A_106 : i32
    %mul3A_108 = arith.constant 80 : i32
    %mul3A_109 = arith.muli %add3A_107, %mul3A_108 : i32
    %lt3A_110 = arith.constant 10000 : i32
    %lt3A_111 = arith.cmpi slt, %mul3A_109, %lt3A_110 : i32
    %convert_element_type3A_112 = arith.extui %lt3A_111 : i1 to i32
    %cond3A_113 = arith.constant 0 : i32
    %cond3A_114 = arith.cmpi ne, %convert_element_type3A_112, %cond3A_113 : i32
    scf.if %cond3A_114 {
      %mul3A_233 = arith.constant 80 : i32
      %mul3A_234 = arith.muli %add3A_107, %mul3A_233 : i32
      %dma_wait3A_235 = arith.constant 0 : i32
      %dma_wait3A_236 = tpu.memref_slice %arg23[%mul3A_234, %dma_wait3A_235] : memref<10000x128xf32, #tpu.memory_space<vmem_shared>> -> memref<80x128xf32, #tpu.memory_space<vmem_shared>>
      %dma_wait3A_237 = arith.constant 0 : i32
      %dma_wait3A_238 = tpu.memref_slice %arg23[%mul3A_234, %dma_wait3A_237] : memref<10000x128xf32, #tpu.memory_space<vmem_shared>> -> memref<80x128xf32, #tpu.memory_space<vmem_shared>>
      tpu.wait_dma2 semaphore(%arg27 : memref<!tpu.dma_semaphore, #tpu.memory_space<semaphore_mem>>) src(%arg9 : memref<80x128xf32, #tpu.memory_space<vmem>>) dst(%dma_wait3A_238 : memref<80x128xf32, #tpu.memory_space<vmem_shared>>)
      %mul3A_239 = arith.constant 80 : i32
      %mul3A_240 = arith.muli %add3A_107, %mul3A_239 : i32
      %dma_wait3A_241 = arith.constant 0 : i32
      %dma_wait3A_242 = tpu.memref_slice %arg15[%dma_wait3A_241] : memref<96xf32, #tpu.memory_space<vmem>> -> memref<80xf32, #tpu.memory_space<vmem>>
      %dma_wait3A_243 = tpu.memref_slice %arg24[%mul3A_240] : memref<10000xf32, #tpu.memory_space<vmem_shared>> -> memref<80xf32, #tpu.memory_space<vmem_shared>>
      %dma_wait3A_244 = tpu.memref_slice %arg24[%mul3A_240] : memref<10000xf32, #tpu.memory_space<vmem_shared>> -> memref<80xf32, #tpu.memory_space<vmem_shared>>
      %dma_wait3A_245 = arith.constant 0 : i32
      %dma_wait3A_246 = tpu.memref_slice %arg15[%dma_wait3A_245] : memref<96xf32, #tpu.memory_space<vmem>> -> memref<80xf32, #tpu.memory_space<vmem>>
      tpu.wait_dma2 semaphore(%arg31 : memref<!tpu.dma_semaphore, #tpu.memory_space<semaphore_mem>>) src(%dma_wait3A_246 : memref<80xf32, #tpu.memory_space<vmem>>) dst(%dma_wait3A_244 : memref<80xf32, #tpu.memory_space<vmem_shared>>)
    } else {
    }
    %add3A_115 = arith.constant 48 : i32
    %add3A_116 = arith.addi %arg1, %add3A_115 : i32
    %mul3A_117 = arith.constant 80 : i32
    %mul3A_118 = arith.muli %add3A_116, %mul3A_117 : i32
    %lt3A_119 = arith.constant 10000 : i32
    %lt3A_120 = arith.cmpi slt, %mul3A_118, %lt3A_119 : i32
    %convert_element_type3A_121 = arith.extui %lt3A_120 : i1 to i32
    %cond3A_122 = arith.constant 0 : i32
    %cond3A_123 = arith.cmpi ne, %convert_element_type3A_121, %cond3A_122 : i32
    scf.if %cond3A_123 {
      %mul3A_233 = arith.constant 80 : i32
      %mul3A_234 = arith.muli %add3A_116, %mul3A_233 : i32
      %dma_wait3A_235 = arith.constant 0 : i32
      %dma_wait3A_236 = tpu.memref_slice %arg23[%mul3A_234, %dma_wait3A_235] : memref<10000x128xf32, #tpu.memory_space<vmem_shared>> -> memref<80x128xf32, #tpu.memory_space<vmem_shared>>
      %dma_wait3A_237 = arith.constant 0 : i32
      %dma_wait3A_238 = tpu.memref_slice %arg23[%mul3A_234, %dma_wait3A_237] : memref<10000x128xf32, #tpu.memory_space<vmem_shared>> -> memref<80x128xf32, #tpu.memory_space<vmem_shared>>
      tpu.wait_dma2 semaphore(%arg27 : memref<!tpu.dma_semaphore, #tpu.memory_space<semaphore_mem>>) src(%arg9 : memref<80x128xf32, #tpu.memory_space<vmem>>) dst(%dma_wait3A_238 : memref<80x128xf32, #tpu.memory_space<vmem_shared>>)
      %mul3A_239 = arith.constant 80 : i32
      %mul3A_240 = arith.muli %add3A_116, %mul3A_239 : i32
      %dma_wait3A_241 = arith.constant 0 : i32
      %dma_wait3A_242 = tpu.memref_slice %arg15[%dma_wait3A_241] : memref<96xf32, #tpu.memory_space<vmem>> -> memref<80xf32, #tpu.memory_space<vmem>>
      %dma_wait3A_243 = tpu.memref_slice %arg24[%mul3A_240] : memref<10000xf32, #tpu.memory_space<vmem_shared>> -> memref<80xf32, #tpu.memory_space<vmem_shared>>
      %dma_wait3A_244 = tpu.memref_slice %arg24[%mul3A_240] : memref<10000xf32, #tpu.memory_space<vmem_shared>> -> memref<80xf32, #tpu.memory_space<vmem_shared>>
      %dma_wait3A_245 = arith.constant 0 : i32
      %dma_wait3A_246 = tpu.memref_slice %arg15[%dma_wait3A_245] : memref<96xf32, #tpu.memory_space<vmem>> -> memref<80xf32, #tpu.memory_space<vmem>>
      tpu.wait_dma2 semaphore(%arg31 : memref<!tpu.dma_semaphore, #tpu.memory_space<semaphore_mem>>) src(%dma_wait3A_246 : memref<80xf32, #tpu.memory_space<vmem>>) dst(%dma_wait3A_244 : memref<80xf32, #tpu.memory_space<vmem_shared>>)
    } else {
    }
    %add3A_124 = arith.constant 64 : i32
    %add3A_125 = arith.addi %arg1, %add3A_124 : i32
    %mul3A_126 = arith.constant 80 : i32
    %mul3A_127 = arith.muli %add3A_125, %mul3A_126 : i32
    %lt3A_128 = arith.constant 10000 : i32
    %lt3A_129 = arith.cmpi slt, %mul3A_127, %lt3A_128 : i32
    %convert_element_type3A_130 = arith.extui %lt3A_129 : i1 to i32
    %cond3A_131 = arith.constant 0 : i32
    %cond3A_132 = arith.cmpi ne, %convert_element_type3A_130, %cond3A_131 : i32
    scf.if %cond3A_132 {
      %mul3A_233 = arith.constant 80 : i32
      %mul3A_234 = arith.muli %add3A_125, %mul3A_233 : i32
      %dma_wait3A_235 = arith.constant 0 : i32
      %dma_wait3A_236 = tpu.memref_slice %arg23[%mul3A_234, %dma_wait3A_235] : memref<10000x128xf32, #tpu.memory_space<vmem_shared>> -> memref<80x128xf32, #tpu.memory_space<vmem_shared>>
      %dma_wait3A_237 = arith.constant 0 : i32
      %dma_wait3A_238 = tpu.memref_slice %arg23[%mul3A_234, %dma_wait3A_237] : memref<10000x128xf32, #tpu.memory_space<vmem_shared>> -> memref<80x128xf32, #tpu.memory_space<vmem_shared>>
      tpu.wait_dma2 semaphore(%arg27 : memref<!tpu.dma_semaphore, #tpu.memory_space<semaphore_mem>>) src(%arg9 : memref<80x128xf32, #tpu.memory_space<vmem>>) dst(%dma_wait3A_238 : memref<80x128xf32, #tpu.memory_space<vmem_shared>>)
      %mul3A_239 = arith.constant 80 : i32
      %mul3A_240 = arith.muli %add3A_125, %mul3A_239 : i32
      %dma_wait3A_241 = arith.constant 0 : i32
      %dma_wait3A_242 = tpu.memref_slice %arg15[%dma_wait3A_241] : memref<96xf32, #tpu.memory_space<vmem>> -> memref<80xf32, #tpu.memory_space<vmem>>
      %dma_wait3A_243 = tpu.memref_slice %arg24[%mul3A_240] : memref<10000xf32, #tpu.memory_space<vmem_shared>> -> memref<80xf32, #tpu.memory_space<vmem_shared>>
      %dma_wait3A_244 = tpu.memref_slice %arg24[%mul3A_240] : memref<10000xf32, #tpu.memory_space<vmem_shared>> -> memref<80xf32, #tpu.memory_space<vmem_shared>>
      %dma_wait3A_245 = arith.constant 0 : i32
      %dma_wait3A_246 = tpu.memref_slice %arg15[%dma_wait3A_245] : memref<96xf32, #tpu.memory_space<vmem>> -> memref<80xf32, #tpu.memory_space<vmem>>
      tpu.wait_dma2 semaphore(%arg31 : memref<!tpu.dma_semaphore, #tpu.memory_space<semaphore_mem>>) src(%dma_wait3A_246 : memref<80xf32, #tpu.memory_space<vmem>>) dst(%dma_wait3A_244 : memref<80xf32, #tpu.memory_space<vmem_shared>>)
    } else {
    }
    %add3A_133 = arith.constant 80 : i32
    %add3A_134 = arith.addi %arg1, %add3A_133 : i32
    %mul3A_135 = arith.constant 80 : i32
    %mul3A_136 = arith.muli %add3A_134, %mul3A_135 : i32
    %lt3A_137 = arith.constant 10000 : i32
    %lt3A_138 = arith.cmpi slt, %mul3A_136, %lt3A_137 : i32
    %convert_element_type3A_139 = arith.extui %lt3A_138 : i1 to i32
    %cond3A_140 = arith.constant 0 : i32
    %cond3A_141 = arith.cmpi ne, %convert_element_type3A_139, %cond3A_140 : i32
    scf.if %cond3A_141 {
      %mul3A_233 = arith.constant 80 : i32
      %mul3A_234 = arith.muli %add3A_134, %mul3A_233 : i32
      %dma_wait3A_235 = arith.constant 0 : i32
      %dma_wait3A_236 = tpu.memref_slice %arg23[%mul3A_234, %dma_wait3A_235] : memref<10000x128xf32, #tpu.memory_space<vmem_shared>> -> memref<80x128xf32, #tpu.memory_space<vmem_shared>>
      %dma_wait3A_237 = arith.constant 0 : i32
      %dma_wait3A_238 = tpu.memref_slice %arg23[%mul3A_234, %dma_wait3A_237] : memref<10000x128xf32, #tpu.memory_space<vmem_shared>> -> memref<80x128xf32, #tpu.memory_space<vmem_shared>>
      tpu.wait_dma2 semaphore(%arg27 : memref<!tpu.dma_semaphore, #tpu.memory_space<semaphore_mem>>) src(%arg9 : memref<80x128xf32, #tpu.memory_space<vmem>>) dst(%dma_wait3A_238 : memref<80x128xf32, #tpu.memory_space<vmem_shared>>)
      %mul3A_239 = arith.constant 80 : i32
      %mul3A_240 = arith.muli %add3A_134, %mul3A_239 : i32
      %dma_wait3A_241 = arith.constant 0 : i32
      %dma_wait3A_242 = tpu.memref_slice %arg15[%dma_wait3A_241] : memref<96xf32, #tpu.memory_space<vmem>> -> memref<80xf32, #tpu.memory_space<vmem>>
      %dma_wait3A_243 = tpu.memref_slice %arg24[%mul3A_240] : memref<10000xf32, #tpu.memory_space<vmem_shared>> -> memref<80xf32, #tpu.memory_space<vmem_shared>>
      %dma_wait3A_244 = tpu.memref_slice %arg24[%mul3A_240] : memref<10000xf32, #tpu.memory_space<vmem_shared>> -> memref<80xf32, #tpu.memory_space<vmem_shared>>
      %dma_wait3A_245 = arith.constant 0 : i32
      %dma_wait3A_246 = tpu.memref_slice %arg15[%dma_wait3A_245] : memref<96xf32, #tpu.memory_space<vmem>> -> memref<80xf32, #tpu.memory_space<vmem>>
      tpu.wait_dma2 semaphore(%arg31 : memref<!tpu.dma_semaphore, #tpu.memory_space<semaphore_mem>>) src(%dma_wait3A_246 : memref<80xf32, #tpu.memory_space<vmem>>) dst(%dma_wait3A_244 : memref<80xf32, #tpu.memory_space<vmem_shared>>)
    } else {
    }
    %add3A_142 = arith.constant 96 : i32
    %add3A_143 = arith.addi %arg1, %add3A_142 : i32
    %mul3A_144 = arith.constant 80 : i32
    %mul3A_145 = arith.muli %add3A_143, %mul3A_144 : i32
    %lt3A_146 = arith.constant 10000 : i32
    %lt3A_147 = arith.cmpi slt, %mul3A_145, %lt3A_146 : i32
    %convert_element_type3A_148 = arith.extui %lt3A_147 : i1 to i32
    %cond3A_149 = arith.constant 0 : i32
    %cond3A_150 = arith.cmpi ne, %convert_element_type3A_148, %cond3A_149 : i32
    scf.if %cond3A_150 {
      %mul3A_233 = arith.constant 80 : i32
      %mul3A_234 = arith.muli %add3A_143, %mul3A_233 : i32
      %dma_wait3A_235 = arith.constant 0 : i32
      %dma_wait3A_236 = tpu.memref_slice %arg23[%mul3A_234, %dma_wait3A_235] : memref<10000x128xf32, #tpu.memory_space<vmem_shared>> -> memref<80x128xf32, #tpu.memory_space<vmem_shared>>
      %dma_wait3A_237 = arith.constant 0 : i32
      %dma_wait3A_238 = tpu.memref_slice %arg23[%mul3A_234, %dma_wait3A_237] : memref<10000x128xf32, #tpu.memory_space<vmem_shared>> -> memref<80x128xf32, #tpu.memory_space<vmem_shared>>
      tpu.wait_dma2 semaphore(%arg27 : memref<!tpu.dma_semaphore, #tpu.memory_space<semaphore_mem>>) src(%arg9 : memref<80x128xf32, #tpu.memory_space<vmem>>) dst(%dma_wait3A_238 : memref<80x128xf32, #tpu.memory_space<vmem_shared>>)
      %mul3A_239 = arith.constant 80 : i32
      %mul3A_240 = arith.muli %add3A_143, %mul3A_239 : i32
      %dma_wait3A_241 = arith.constant 0 : i32
      %dma_wait3A_242 = tpu.memref_slice %arg15[%dma_wait3A_241] : memref<96xf32, #tpu.memory_space<vmem>> -> memref<80xf32, #tpu.memory_space<vmem>>
      %dma_wait3A_243 = tpu.memref_slice %arg24[%mul3A_240] : memref<10000xf32, #tpu.memory_space<vmem_shared>> -> memref<80xf32, #tpu.memory_space<vmem_shared>>
      %dma_wait3A_244 = tpu.memref_slice %arg24[%mul3A_240] : memref<10000xf32, #tpu.memory_space<vmem_shared>> -> memref<80xf32, #tpu.memory_space<vmem_shared>>
      %dma_wait3A_245 = arith.constant 0 : i32
      %dma_wait3A_246 = tpu.memref_slice %arg15[%dma_wait3A_245] : memref<96xf32, #tpu.memory_space<vmem>> -> memref<80xf32, #tpu.memory_space<vmem>>
      tpu.wait_dma2 semaphore(%arg31 : memref<!tpu.dma_semaphore, #tpu.memory_space<semaphore_mem>>) src(%dma_wait3A_246 : memref<80xf32, #tpu.memory_space<vmem>>) dst(%dma_wait3A_244 : memref<80xf32, #tpu.memory_space<vmem_shared>>)
    } else {
    }
    %add3A_151 = arith.constant 112 : i32
    %add3A_152 = arith.addi %arg1, %add3A_151 : i32
    %mul3A_153 = arith.constant 80 : i32
    %mul3A_154 = arith.muli %add3A_152, %mul3A_153 : i32
    %lt3A_155 = arith.constant 10000 : i32
    %lt3A_156 = arith.cmpi slt, %mul3A_154, %lt3A_155 : i32
    %convert_element_type3A_157 = arith.extui %lt3A_156 : i1 to i32
    %cond3A_158 = arith.constant 0 : i32
    %cond3A_159 = arith.cmpi ne, %convert_element_type3A_157, %cond3A_158 : i32
    scf.if %cond3A_159 {
      %mul3A_233 = arith.constant 80 : i32
      %mul3A_234 = arith.muli %add3A_152, %mul3A_233 : i32
      %dma_wait3A_235 = arith.constant 0 : i32
      %dma_wait3A_236 = tpu.memref_slice %arg23[%mul3A_234, %dma_wait3A_235] : memref<10000x128xf32, #tpu.memory_space<vmem_shared>> -> memref<80x128xf32, #tpu.memory_space<vmem_shared>>
      %dma_wait3A_237 = arith.constant 0 : i32
      %dma_wait3A_238 = tpu.memref_slice %arg23[%mul3A_234, %dma_wait3A_237] : memref<10000x128xf32, #tpu.memory_space<vmem_shared>> -> memref<80x128xf32, #tpu.memory_space<vmem_shared>>
      tpu.wait_dma2 semaphore(%arg27 : memref<!tpu.dma_semaphore, #tpu.memory_space<semaphore_mem>>) src(%arg9 : memref<80x128xf32, #tpu.memory_space<vmem>>) dst(%dma_wait3A_238 : memref<80x128xf32, #tpu.memory_space<vmem_shared>>)
      %mul3A_239 = arith.constant 80 : i32
      %mul3A_240 = arith.muli %add3A_152, %mul3A_239 : i32
      %dma_wait3A_241 = arith.constant 0 : i32
      %dma_wait3A_242 = tpu.memref_slice %arg15[%dma_wait3A_241] : memref<96xf32, #tpu.memory_space<vmem>> -> memref<80xf32, #tpu.memory_space<vmem>>
      %dma_wait3A_243 = tpu.memref_slice %arg24[%mul3A_240] : memref<10000xf32, #tpu.memory_space<vmem_shared>> -> memref<80xf32, #tpu.memory_space<vmem_shared>>
      %dma_wait3A_244 = tpu.memref_slice %arg24[%mul3A_240] : memref<10000xf32, #tpu.memory_space<vmem_shared>> -> memref<80xf32, #tpu.memory_space<vmem_shared>>
      %dma_wait3A_245 = arith.constant 0 : i32
      %dma_wait3A_246 = tpu.memref_slice %arg15[%dma_wait3A_245] : memref<96xf32, #tpu.memory_space<vmem>> -> memref<80xf32, #tpu.memory_space<vmem>>
      tpu.wait_dma2 semaphore(%arg31 : memref<!tpu.dma_semaphore, #tpu.memory_space<semaphore_mem>>) src(%dma_wait3A_246 : memref<80xf32, #tpu.memory_space<vmem>>) dst(%dma_wait3A_244 : memref<80xf32, #tpu.memory_space<vmem_shared>>)
    } else {
    }
    %barrier3A = arith.constant 0 : index
    tpu.barrier barrier_id(%barrier3A)
    %mul3A_160 = arith.constant 125 : i32
    %mul3A_161 = arith.muli %add3A, %mul3A_160 : i32
    %add3A_162 = arith.constant 0 : i32
    %add3A_163 = arith.addi %mul3A_161, %add3A_162 : i32
    %add3A_164 = arith.constant 0 : i32
    %add3A_165 = arith.addi %add3A_164, %add3A_163 : i32
    %dma_start3A = arith.constant 0 : i32
    %dma_start3A_166 = arith.constant 0 : i32
    %dma_start3A_167 = tpu.memref_slice %arg13[%dma_start3A, %dma_start3A_166] : memref<3x80xi32, #tpu.memory_space<vmem>> -> memref<1x80xi32, #tpu.memory_space<vmem>>
    %dma_start3A_168 = tpu.memref_squeeze %dma_start3A_167 : memref<1x80xi32, #tpu.memory_space<vmem>> -> memref<80xi32, #tpu.memory_space<vmem>>
    %dma_start3A_169 = arith.constant 0 : i32
    %dma_start3A_170 = tpu.memref_slice %arg6[%add3A_165, %dma_start3A_169] : memref<12000x80xi32, #tpu.memory_space<hbm>> -> memref<1x80xi32, #tpu.memory_space<hbm>>
    %dma_start3A_171 = tpu.memref_squeeze %dma_start3A_170 : memref<1x80xi32, #tpu.memory_space<hbm>> -> memref<80xi32, #tpu.memory_space<hbm>>
    %dma_start3A_172 = arith.constant 0 : i32
    %dma_start3A_173 = tpu.memref_slice %arg13[%dma_start3A, %dma_start3A_172] : memref<3x80xi32, #tpu.memory_space<vmem>> -> memref<1x80xi32, #tpu.memory_space<vmem>>
    %dma_start3A_174 = tpu.memref_squeeze %dma_start3A_173 : memref<1x80xi32, #tpu.memory_space<vmem>> -> memref<80xi32, #tpu.memory_space<vmem>>
    %dma_start3A_175 = arith.constant 0 : i32
    %dma_start3A_176 = tpu.memref_slice %arg6[%add3A_165, %dma_start3A_175] : memref<12000x80xi32, #tpu.memory_space<hbm>> -> memref<1x80xi32, #tpu.memory_space<hbm>>
    %dma_start3A_177 = tpu.memref_squeeze %dma_start3A_176 : memref<1x80xi32, #tpu.memory_space<hbm>> -> memref<80xi32, #tpu.memory_space<hbm>>
    tpu.enqueue_dma source(%dma_start3A_177 : memref<80xi32, #tpu.memory_space<hbm>>) target(%dma_start3A_174 : memref<80xi32, #tpu.memory_space<vmem>>) target_semaphore(%arg25 : memref<!tpu.dma_semaphore, #tpu.memory_space<semaphore_mem>>)
    %add3A_178 = arith.constant 4000 : i32
    %add3A_179 = arith.addi %add3A_178, %add3A_163 : i32
    %dma_start3A_180 = arith.constant 1 : i32
    %dma_start3A_181 = arith.constant 0 : i32
    %dma_start3A_182 = tpu.memref_slice %arg13[%dma_start3A_180, %dma_start3A_181] : memref<3x80xi32, #tpu.memory_space<vmem>> -> memref<1x80xi32, #tpu.memory_space<vmem>>
    %dma_start3A_183 = tpu.memref_squeeze %dma_start3A_182 : memref<1x80xi32, #tpu.memory_space<vmem>> -> memref<80xi32, #tpu.memory_space<vmem>>
    %dma_start3A_184 = arith.constant 0 : i32
    %dma_start3A_185 = tpu.memref_slice %arg6[%add3A_179, %dma_start3A_184] : memref<12000x80xi32, #tpu.memory_space<hbm>> -> memref<1x80xi32, #tpu.memory_space<hbm>>
    %dma_start3A_186 = tpu.memref_squeeze %dma_start3A_185 : memref<1x80xi32, #tpu.memory_space<hbm>> -> memref<80xi32, #tpu.memory_space<hbm>>
    %dma_start3A_187 = arith.constant 0 : i32
    %dma_start3A_188 = tpu.memref_slice %arg13[%dma_start3A_180, %dma_start3A_187] : memref<3x80xi32, #tpu.memory_space<vmem>> -> memref<1x80xi32, #tpu.memory_space<vmem>>
    %dma_start3A_189 = tpu.memref_squeeze %dma_start3A_188 : memref<1x80xi32, #tpu.memory_space<vmem>> -> memref<80xi32, #tpu.memory_space<vmem>>
    %dma_start3A_190 = arith.constant 0 : i32
    %dma_start3A_191 = tpu.memref_slice %arg6[%add3A_179, %dma_start3A_190] : memref<12000x80xi32, #tpu.memory_space<hbm>> -> memref<1x80xi32, #tpu.memory_space<hbm>>
    %dma_start3A_192 = tpu.memref_squeeze %dma_start3A_191 : memref<1x80xi32, #tpu.memory_space<hbm>> -> memref<80xi32, #tpu.memory_space<hbm>>
    tpu.enqueue_dma source(%dma_start3A_192 : memref<80xi32, #tpu.memory_space<hbm>>) target(%dma_start3A_189 : memref<80xi32, #tpu.memory_space<vmem>>) target_semaphore(%arg25 : memref<!tpu.dma_semaphore, #tpu.memory_space<semaphore_mem>>)
    %add3A_193 = arith.constant 8000 : i32
    %add3A_194 = arith.addi %add3A_193, %add3A_163 : i32
    %dma_start3A_195 = arith.constant 2 : i32
    %dma_start3A_196 = arith.constant 0 : i32
    %dma_start3A_197 = tpu.memref_slice %arg13[%dma_start3A_195, %dma_start3A_196] : memref<3x80xi32, #tpu.memory_space<vmem>> -> memref<1x80xi32, #tpu.memory_space<vmem>>
    %dma_start3A_198 = tpu.memref_squeeze %dma_start3A_197 : memref<1x80xi32, #tpu.memory_space<vmem>> -> memref<80xi32, #tpu.memory_space<vmem>>
    %dma_start3A_199 = arith.constant 0 : i32
    %dma_start3A_200 = tpu.memref_slice %arg6[%add3A_194, %dma_start3A_199] : memref<12000x80xi32, #tpu.memory_space<hbm>> -> memref<1x80xi32, #tpu.memory_space<hbm>>
    %dma_start3A_201 = tpu.memref_squeeze %dma_start3A_200 : memref<1x80xi32, #tpu.memory_space<hbm>> -> memref<80xi32, #tpu.memory_space<hbm>>
    %dma_start3A_202 = arith.constant 0 : i32
    %dma_start3A_203 = tpu.memref_slice %arg13[%dma_start3A_195, %dma_start3A_202] : memref<3x80xi32, #tpu.memory_space<vmem>> -> memref<1x80xi32, #tpu.memory_space<vmem>>
    %dma_start3A_204 = tpu.memref_squeeze %dma_start3A_203 : memref<1x80xi32, #tpu.memory_space<vmem>> -> memref<80xi32, #tpu.memory_space<vmem>>
    %dma_start3A_205 = arith.constant 0 : i32
    %dma_start3A_206 = tpu.memref_slice %arg6[%add3A_194, %dma_start3A_205] : memref<12000x80xi32, #tpu.memory_space<hbm>> -> memref<1x80xi32, #tpu.memory_space<hbm>>
    %dma_start3A_207 = tpu.memref_squeeze %dma_start3A_206 : memref<1x80xi32, #tpu.memory_space<hbm>> -> memref<80xi32, #tpu.memory_space<hbm>>
    tpu.enqueue_dma source(%dma_start3A_207 : memref<80xi32, #tpu.memory_space<hbm>>) target(%dma_start3A_204 : memref<80xi32, #tpu.memory_space<vmem>>) target_semaphore(%arg25 : memref<!tpu.dma_semaphore, #tpu.memory_space<semaphore_mem>>)
    %scan3A_208 = arith.constant 0 : i32
    %scan3A_209 = arith.constant 0 : i32
    %scan3A_210 = arith.constant 63 : i32
    %scan3A_211 = arith.addi %scan3A_209, %scan3A_210 : i32
    %scan3A_212 = arith.constant 1 : i32
    %scan3A_213 = scf.for %scan3A_233 = %scan3A_209 to %scan3A_211 step %scan3A_212 iter_args(%scan3A_234 = %scan3A_208) -> (i32)  : i32 {
      %mul3A_235 = arith.constant 2 : i32
      %mul3A_236 = arith.muli %mul3A_235, %scan3A_233 : i32
      %ge3A = arith.constant 2 : i32
      %ge3A_237 = arith.cmpi sge, %mul3A_236, %ge3A : i32
      %convert_element_type3A_238 = arith.extui %ge3A_237 : i1 to i32
      %cond3A_239 = arith.constant 0 : i32
      %cond3A_240 = arith.cmpi ne, %convert_element_type3A_238, %cond3A_239 : i32
      scf.if %cond3A_240 {
        %dma_wait3A_295 = arith.constant 0 : i32
        %dma_wait3A_296 = arith.constant 0 : i32
        %dma_wait3A_297 = tpu.memref_slice %arg23[%dma_wait3A_295, %dma_wait3A_296] : memref<10000x128xf32, #tpu.memory_space<vmem_shared>> -> memref<10000x128xf32, #tpu.memory_space<vmem_shared>>
        tpu.wait_indirect_dma semaphore(%arg33 : memref<!tpu.dma_semaphore, #tpu.memory_space<semaphore_mem>>) src(%arg9 : memref<80x128xf32, #tpu.memory_space<vmem>>) dst(%dma_wait3A_297 : memref<10000x128xf32, #tpu.memory_space<vmem_shared>>)
        %dma_wait3A_298 = arith.constant 16 : i32
        %dma_wait3A_299 = tpu.memref_slice %arg15[%dma_wait3A_298] : memref<96xf32, #tpu.memory_space<vmem>> -> memref<80xf32, #tpu.memory_space<vmem>>
        %dma_wait3A_300 = arith.constant 0 : i32
        %dma_wait3A_301 = tpu.memref_slice %arg24[%dma_wait3A_300] : memref<10000xf32, #tpu.memory_space<vmem_shared>> -> memref<10000xf32, #tpu.memory_space<vmem_shared>>
        tpu.wait_indirect_dma semaphore(%arg31 : memref<!tpu.dma_semaphore, #tpu.memory_space<semaphore_mem>>) src(%dma_wait3A_299 : memref<80xf32, #tpu.memory_space<vmem>>) dst(%dma_wait3A_301 : memref<10000xf32, #tpu.memory_space<vmem_shared>>)
      } else {
      }
      %lt3A_241 = arith.constant 125 : i32
      %lt3A_242 = arith.cmpi slt, %mul3A_236, %lt3A_241 : i32
      %convert_element_type3A_243 = arith.extui %lt3A_242 : i1 to i32
      %cond3A_244 = arith.constant 0 : i32
      %cond3A_245 = arith.cmpi ne, %convert_element_type3A_243, %cond3A_244 : i32
      scf.if %cond3A_245 {
        %dma_wait3A_295 = arith.constant 0 : i32
        %dma_wait3A_296 = arith.constant 0 : i32
        %dma_wait3A_297 = arith.constant 0 : i32
        %dma_wait3A_298 = tpu.memref_slice %arg13[%dma_wait3A_296, %dma_wait3A_297] : memref<3x80xi32, #tpu.memory_space<vmem>> -> memref<1x80xi32, #tpu.memory_space<vmem>>
        %dma_wait3A_299 = tpu.memref_squeeze %dma_wait3A_298 : memref<1x80xi32, #tpu.memory_space<vmem>> -> memref<80xi32, #tpu.memory_space<vmem>>
        %dma_wait3A_300 = arith.constant 0 : i32
        %dma_wait3A_301 = tpu.memref_slice %arg6[%dma_wait3A_295, %dma_wait3A_300] : memref<12000x80xi32, #tpu.memory_space<hbm>> -> memref<1x80xi32, #tpu.memory_space<hbm>>
        %dma_wait3A_302 = tpu.memref_squeeze %dma_wait3A_301 : memref<1x80xi32, #tpu.memory_space<hbm>> -> memref<80xi32, #tpu.memory_space<hbm>>
        %dma_wait3A_303 = arith.constant 0 : i32
        %dma_wait3A_304 = tpu.memref_slice %arg13[%dma_wait3A_296, %dma_wait3A_303] : memref<3x80xi32, #tpu.memory_space<vmem>> -> memref<1x80xi32, #tpu.memory_space<vmem>>
        %dma_wait3A_305 = tpu.memref_squeeze %dma_wait3A_304 : memref<1x80xi32, #tpu.memory_space<vmem>> -> memref<80xi32, #tpu.memory_space<vmem>>
        %dma_wait3A_306 = arith.constant 0 : i32
        %dma_wait3A_307 = tpu.memref_slice %arg6[%dma_wait3A_295, %dma_wait3A_306] : memref<12000x80xi32, #tpu.memory_space<hbm>> -> memref<1x80xi32, #tpu.memory_space<hbm>>
        %dma_wait3A_308 = tpu.memref_squeeze %dma_wait3A_307 : memref<1x80xi32, #tpu.memory_space<hbm>> -> memref<80xi32, #tpu.memory_space<hbm>>
        tpu.wait_dma2 semaphore(%arg25 : memref<!tpu.dma_semaphore, #tpu.memory_space<semaphore_mem>>) src(%dma_wait3A_308 : memref<80xi32, #tpu.memory_space<hbm>>) dst(%dma_wait3A_305 : memref<80xi32, #tpu.memory_space<vmem>>)
        %dma_wait3A_309 = arith.constant 0 : i32
        %dma_wait3A_310 = arith.constant 1 : i32
        %dma_wait3A_311 = arith.constant 0 : i32
        %dma_wait3A_312 = tpu.memref_slice %arg13[%dma_wait3A_310, %dma_wait3A_311] : memref<3x80xi32, #tpu.memory_space<vmem>> -> memref<1x80xi32, #tpu.memory_space<vmem>>
        %dma_wait3A_313 = tpu.memref_squeeze %dma_wait3A_312 : memref<1x80xi32, #tpu.memory_space<vmem>> -> memref<80xi32, #tpu.memory_space<vmem>>
        %dma_wait3A_314 = arith.constant 0 : i32
        %dma_wait3A_315 = tpu.memref_slice %arg6[%dma_wait3A_309, %dma_wait3A_314] : memref<12000x80xi32, #tpu.memory_space<hbm>> -> memref<1x80xi32, #tpu.memory_space<hbm>>
        %dma_wait3A_316 = tpu.memref_squeeze %dma_wait3A_315 : memref<1x80xi32, #tpu.memory_space<hbm>> -> memref<80xi32, #tpu.memory_space<hbm>>
        %dma_wait3A_317 = arith.constant 0 : i32
        %dma_wait3A_318 = tpu.memref_slice %arg13[%dma_wait3A_310, %dma_wait3A_317] : memref<3x80xi32, #tpu.memory_space<vmem>> -> memref<1x80xi32, #tpu.memory_space<vmem>>
        %dma_wait3A_319 = tpu.memref_squeeze %dma_wait3A_318 : memref<1x80xi32, #tpu.memory_space<vmem>> -> memref<80xi32, #tpu.memory_space<vmem>>
        %dma_wait3A_320 = arith.constant 0 : i32
        %dma_wait3A_321 = tpu.memref_slice %arg6[%dma_wait3A_309, %dma_wait3A_320] : memref<12000x80xi32, #tpu.memory_space<hbm>> -> memref<1x80xi32, #tpu.memory_space<hbm>>
        %dma_wait3A_322 = tpu.memref_squeeze %dma_wait3A_321 : memref<1x80xi32, #tpu.memory_space<hbm>> -> memref<80xi32, #tpu.memory_space<hbm>>
        tpu.wait_dma2 semaphore(%arg25 : memref<!tpu.dma_semaphore, #tpu.memory_space<semaphore_mem>>) src(%dma_wait3A_322 : memref<80xi32, #tpu.memory_space<hbm>>) dst(%dma_wait3A_319 : memref<80xi32, #tpu.memory_space<vmem>>)
        %dma_wait3A_323 = arith.constant 0 : i32
        %dma_wait3A_324 = arith.constant 2 : i32
        %dma_wait3A_325 = arith.constant 0 : i32
        %dma_wait3A_326 = tpu.memref_slice %arg13[%dma_wait3A_324, %dma_wait3A_325] : memref<3x80xi32, #tpu.memory_space<vmem>> -> memref<1x80xi32, #tpu.memory_space<vmem>>
        %dma_wait3A_327 = tpu.memref_squeeze %dma_wait3A_326 : memref<1x80xi32, #tpu.memory_space<vmem>> -> memref<80xi32, #tpu.memory_space<vmem>>
        %dma_wait3A_328 = arith.constant 0 : i32
        %dma_wait3A_329 = tpu.memref_slice %arg6[%dma_wait3A_323, %dma_wait3A_328] : memref<12000x80xi32, #tpu.memory_space<hbm>> -> memref<1x80xi32, #tpu.memory_space<hbm>>
        %dma_wait3A_330 = tpu.memref_squeeze %dma_wait3A_329 : memref<1x80xi32, #tpu.memory_space<hbm>> -> memref<80xi32, #tpu.memory_space<hbm>>
        %dma_wait3A_331 = arith.constant 0 : i32
        %dma_wait3A_332 = tpu.memref_slice %arg13[%dma_wait3A_324, %dma_wait3A_331] : memref<3x80xi32, #tpu.memory_space<vmem>> -> memref<1x80xi32, #tpu.memory_space<vmem>>
        %dma_wait3A_333 = tpu.memref_squeeze %dma_wait3A_332 : memref<1x80xi32, #tpu.memory_space<vmem>> -> memref<80xi32, #tpu.memory_space<vmem>>
        %dma_wait3A_334 = arith.constant 0 : i32
        %dma_wait3A_335 = tpu.memref_slice %arg6[%dma_wait3A_323, %dma_wait3A_334] : memref<12000x80xi32, #tpu.memory_space<hbm>> -> memref<1x80xi32, #tpu.memory_space<hbm>>
        %dma_wait3A_336 = tpu.memref_squeeze %dma_wait3A_335 : memref<1x80xi32, #tpu.memory_space<hbm>> -> memref<80xi32, #tpu.memory_space<hbm>>
        tpu.wait_dma2 semaphore(%arg25 : memref<!tpu.dma_semaphore, #tpu.memory_space<semaphore_mem>>) src(%dma_wait3A_336 : memref<80xi32, #tpu.memory_space<hbm>>) dst(%dma_wait3A_333 : memref<80xi32, #tpu.memory_space<vmem>>)
        %dma_start3A_337 = arith.constant 2 : i32
        %dma_start3A_338 = arith.constant 0 : i32
        %dma_start3A_339 = tpu.memref_slice %arg13[%dma_start3A_337, %dma_start3A_338] : memref<3x80xi32, #tpu.memory_space<vmem>> -> memref<1x80xi32, #tpu.memory_space<vmem>>
        %dma_start3A_340 = tpu.memref_squeeze %dma_start3A_339 : memref<1x80xi32, #tpu.memory_space<vmem>> -> memref<80xi32, #tpu.memory_space<vmem>>
        %dma_start3A_341 = arith.constant 0 : i32
        %dma_start3A_342 = arith.constant 0 : i32
        %dma_start3A_343 = tpu.memref_slice %arg2[%dma_start3A_341, %dma_start3A_342] : memref<10000x128xf32, #tpu.memory_space<hbm>> -> memref<10000x128xf32, #tpu.memory_space<hbm>>
        tpu.enqueue_indirect_dma source(%dma_start3A_343 : memref<10000x128xf32, #tpu.memory_space<hbm>>) target(%arg9 : memref<80x128xf32, #tpu.memory_space<vmem>>) offsets(%dma_start3A_340 : memref<80xi32, #tpu.memory_space<vmem>>) semaphore(%arg27 : memref<!tpu.dma_semaphore, #tpu.memory_space<semaphore_mem>>)
        %dma_start3A_344 = arith.constant 1 : i32
        %dma_start3A_345 = arith.constant 0 : i32
        %dma_start3A_346 = tpu.memref_slice %arg13[%dma_start3A_344, %dma_start3A_345] : memref<3x80xi32, #tpu.memory_space<vmem>> -> memref<1x80xi32, #tpu.memory_space<vmem>>
        %dma_start3A_347 = tpu.memref_squeeze %dma_start3A_346 : memref<1x80xi32, #tpu.memory_space<vmem>> -> memref<80xi32, #tpu.memory_space<vmem>>
        %dma_start3A_348 = arith.constant 0 : i32
        %dma_start3A_349 = arith.constant 0 : i32
        %dma_start3A_350 = tpu.memref_slice %arg3[%dma_start3A_348, %dma_start3A_349] : memref<10000x128xf32, #tpu.memory_space<hbm>> -> memref<10000x128xf32, #tpu.memory_space<hbm>>
        tpu.enqueue_indirect_dma source(%dma_start3A_350 : memref<10000x128xf32, #tpu.memory_space<hbm>>) target(%arg11 : memref<80x128xf32, #tpu.memory_space<vmem>>) offsets(%dma_start3A_347 : memref<80xi32, #tpu.memory_space<vmem>>) semaphore(%arg29 : memref<!tpu.dma_semaphore, #tpu.memory_space<semaphore_mem>>)
        %dma_start3A_351 = arith.constant 2 : i32
        %dma_start3A_352 = arith.constant 0 : i32
        %dma_start3A_353 = tpu.memref_slice %arg13[%dma_start3A_351, %dma_start3A_352] : memref<3x80xi32, #tpu.memory_space<vmem>> -> memref<1x80xi32, #tpu.memory_space<vmem>>
        %dma_start3A_354 = tpu.memref_squeeze %dma_start3A_353 : memref<1x80xi32, #tpu.memory_space<vmem>> -> memref<80xi32, #tpu.memory_space<vmem>>
        %dma_start3A_355 = arith.constant 0 : i32
        %dma_start3A_356 = tpu.memref_slice %arg4[%dma_start3A_355] : memref<10000xf32, #tpu.memory_space<hbm>> -> memref<10000xf32, #tpu.memory_space<hbm>>
        tpu.enqueue_indirect_dma source(%dma_start3A_356 : memref<10000xf32, #tpu.memory_space<hbm>>) target(%arg17 : memref<80xf32, #tpu.memory_space<vmem>>) offsets(%dma_start3A_354 : memref<80xi32, #tpu.memory_space<vmem>>) semaphore(%arg35 : memref<!tpu.dma_semaphore, #tpu.memory_space<semaphore_mem>>)
        %dma_start3A_357 = arith.constant 1 : i32
        %dma_start3A_358 = arith.constant 0 : i32
        %dma_start3A_359 = tpu.memref_slice %arg13[%dma_start3A_357, %dma_start3A_358] : memref<3x80xi32, #tpu.memory_space<vmem>> -> memref<1x80xi32, #tpu.memory_space<vmem>>
        %dma_start3A_360 = tpu.memref_squeeze %dma_start3A_359 : memref<1x80xi32, #tpu.memory_space<vmem>> -> memref<80xi32, #tpu.memory_space<vmem>>
        %dma_start3A_361 = arith.constant 0 : i32
        %dma_start3A_362 = tpu.memref_slice %arg5[%dma_start3A_361] : memref<10000xf32, #tpu.memory_space<hbm>> -> memref<10000xf32, #tpu.memory_space<hbm>>
        tpu.enqueue_indirect_dma source(%dma_start3A_362 : memref<10000xf32, #tpu.memory_space<hbm>>) target(%arg19 : memref<80xf32, #tpu.memory_space<vmem>>) offsets(%dma_start3A_360 : memref<80xi32, #tpu.memory_space<vmem>>) semaphore(%arg37 : memref<!tpu.dma_semaphore, #tpu.memory_space<semaphore_mem>>)
        %get3A = arith.constant 0 : i32
        %get3A_363 = arith.index_cast %get3A : i32 to index
        %get3A_364 = arith.constant 0 : index
        %get3A_365 = tpu.vector_load %arg13[%get3A_363, %get3A_364] {strides = array<i32>} : memref<3x80xi32, #tpu.memory_space<vmem>>, vector<16xi32>,
        %swap3A_366 = arith.constant 0 : index
        %swap3A_367 = tpu.vector_load %arg21[%swap3A_366] {strides = array<i32>} : memref<80xi32, #tpu.memory_space<vmem>>, vector<16xi32>,
        tpu.vector_store %arg21[%swap3A_366], %get3A_365 {strides = array<i32>} : memref<80xi32, #tpu.memory_space<vmem>>, vector<16xi32>,
        %get3A_368 = arith.constant 0 : i32
        %get3A_369 = arith.index_cast %get3A_368 : i32 to index
        %get3A_370 = arith.constant 16 : index
        %get3A_371 = tpu.vector_load %arg13[%get3A_369, %get3A_370] {strides = array<i32>} : memref<3x80xi32, #tpu.memory_space<vmem>>, vector<16xi32>,
        %swap3A_372 = arith.constant 16 : index
        %swap3A_373 = tpu.vector_load %arg21[%swap3A_372] {strides = array<i32>} : memref<80xi32, #tpu.memory_space<vmem>>, vector<16xi32>,
        tpu.vector_store %arg21[%swap3A_372], %get3A_371 {strides = array<i32>} : memref<80xi32, #tpu.memory_space<vmem>>, vector<16xi32>,
        %get3A_374 = arith.constant 0 : i32
        %get3A_375 = arith.index_cast %get3A_374 : i32 to index
        %get3A_376 = arith.constant 32 : index
        %get3A_377 = tpu.vector_load %arg13[%get3A_375, %get3A_376] {strides = array<i32>} : memref<3x80xi32, #tpu.memory_space<vmem>>, vector<16xi32>,
        %swap3A_378 = arith.constant 32 : index
        %swap3A_379 = tpu.vector_load %arg21[%swap3A_378] {strides = array<i32>} : memref<80xi32, #tpu.memory_space<vmem>>, vector<16xi32>,
        tpu.vector_store %arg21[%swap3A_378], %get3A_377 {strides = array<i32>} : memref<80xi32, #tpu.memory_space<vmem>>, vector<16xi32>,
        %get3A_380 = arith.constant 0 : i32
        %get3A_381 = arith.index_cast %get3A_380 : i32 to index
        %get3A_382 = arith.constant 48 : index
        %get3A_383 = tpu.vector_load %arg13[%get3A_381, %get3A_382] {strides = array<i32>} : memref<3x80xi32, #tpu.memory_space<vmem>>, vector<16xi32>,
        %swap3A_384 = arith.constant 48 : index
        %swap3A_385 = tpu.vector_load %arg21[%swap3A_384] {strides = array<i32>} : memref<80xi32, #tpu.memory_space<vmem>>, vector<16xi32>,
        tpu.vector_store %arg21[%swap3A_384], %get3A_383 {strides = array<i32>} : memref<80xi32, #tpu.memory_space<vmem>>, vector<16xi32>,
        %get3A_386 = arith.constant 0 : i32
        %get3A_387 = arith.index_cast %get3A_386 : i32 to index
        %get3A_388 = arith.constant 64 : index
        %get3A_389 = tpu.vector_load %arg13[%get3A_387, %get3A_388] {strides = array<i32>} : memref<3x80xi32, #tpu.memory_space<vmem>>, vector<16xi32>,
        %swap3A_390 = arith.constant 64 : index
        %swap3A_391 = tpu.vector_load %arg21[%swap3A_390] {strides = array<i32>} : memref<80xi32, #tpu.memory_space<vmem>>, vector<16xi32>,
        tpu.vector_store %arg21[%swap3A_390], %get3A_389 {strides = array<i32>} : memref<80xi32, #tpu.memory_space<vmem>>, vector<16xi32>,
      } else {
      }
      %add3A_246 = arith.constant 1 : i32
      %add3A_247 = arith.addi %mul3A_236, %add3A_246 : i32
      %lt3A_248 = arith.constant 125 : i32
      %lt3A_249 = arith.cmpi slt, %add3A_247, %lt3A_248 : i32
      %convert_element_type3A_250 = arith.extui %lt3A_249 : i1 to i32
      %cond3A_251 = arith.constant 0 : i32
      %cond3A_252 = arith.cmpi ne, %convert_element_type3A_250, %cond3A_251 : i32
      scf.if %cond3A_252 {
        %add3A_295 = arith.constant 1 : i32
        %add3A_296 = arith.addi %mul3A_236, %add3A_295 : i32
        %mul3A_297 = arith.constant 125 : i32
        %mul3A_298 = arith.muli %add3A, %mul3A_297 : i32
        %add3A_299 = arith.addi %mul3A_298, %add3A_296 : i32
        %add3A_300 = arith.constant 0 : i32
        %add3A_301 = arith.addi %add3A_300, %add3A_299 : i32
        %dma_start3A_302 = arith.constant 0 : i32
        %dma_start3A_303 = arith.constant 0 : i32
        %dma_start3A_304 = tpu.memref_slice %arg14[%dma_start3A_302, %dma_start3A_303] : memref<3x80xi32, #tpu.memory_space<vmem>> -> memref<1x80xi32, #tpu.memory_space<vmem>>
        %dma_start3A_305 = tpu.memref_squeeze %dma_start3A_304 : memref<1x80xi32, #tpu.memory_space<vmem>> -> memref<80xi32, #tpu.memory_space<vmem>>
        %dma_start3A_306 = arith.constant 0 : i32
        %dma_start3A_307 = tpu.memref_slice %arg6[%add3A_301, %dma_start3A_306] : memref<12000x80xi32, #tpu.memory_space<hbm>> -> memref<1x80xi32, #tpu.memory_space<hbm>>
        %dma_start3A_308 = tpu.memref_squeeze %dma_start3A_307 : memref<1x80xi32, #tpu.memory_space<hbm>> -> memref<80xi32, #tpu.memory_space<hbm>>
        %dma_start3A_309 = arith.constant 0 : i32
        %dma_start3A_310 = tpu.memref_slice %arg14[%dma_start3A_302, %dma_start3A_309] : memref<3x80xi32, #tpu.memory_space<vmem>> -> memref<1x80xi32, #tpu.memory_space<vmem>>
        %dma_start3A_311 = tpu.memref_squeeze %dma_start3A_310 : memref<1x80xi32, #tpu.memory_space<vmem>> -> memref<80xi32, #tpu.memory_space<vmem>>
        %dma_start3A_312 = arith.constant 0 : i32
        %dma_start3A_313 = tpu.memref_slice %arg6[%add3A_301, %dma_start3A_312] : memref<12000x80xi32, #tpu.memory_space<hbm>> -> memref<1x80xi32, #tpu.memory_space<hbm>>
        %dma_start3A_314 = tpu.memref_squeeze %dma_start3A_313 : memref<1x80xi32, #tpu.memory_space<hbm>> -> memref<80xi32, #tpu.memory_space<hbm>>
        tpu.enqueue_dma source(%dma_start3A_314 : memref<80xi32, #tpu.memory_space<hbm>>) target(%dma_start3A_311 : memref<80xi32, #tpu.memory_space<vmem>>) target_semaphore(%arg26 : memref<!tpu.dma_semaphore, #tpu.memory_space<semaphore_mem>>)
        %add3A_315 = arith.constant 4000 : i32
        %add3A_316 = arith.addi %add3A_315, %add3A_299 : i32
        %dma_start3A_317 = arith.constant 1 : i32
        %dma_start3A_318 = arith.constant 0 : i32
        %dma_start3A_319 = tpu.memref_slice %arg14[%dma_start3A_317, %dma_start3A_318] : memref<3x80xi32, #tpu.memory_space<vmem>> -> memref<1x80xi32, #tpu.memory_space<vmem>>
        %dma_start3A_320 = tpu.memref_squeeze %dma_start3A_319 : memref<1x80xi32, #tpu.memory_space<vmem>> -> memref<80xi32, #tpu.memory_space<vmem>>
        %dma_start3A_321 = arith.constant 0 : i32
        %dma_start3A_322 = tpu.memref_slice %arg6[%add3A_316, %dma_start3A_321] : memref<12000x80xi32, #tpu.memory_space<hbm>> -> memref<1x80xi32, #tpu.memory_space<hbm>>
        %dma_start3A_323 = tpu.memref_squeeze %dma_start3A_322 : memref<1x80xi32, #tpu.memory_space<hbm>> -> memref<80xi32, #tpu.memory_space<hbm>>
        %dma_start3A_324 = arith.constant 0 : i32
        %dma_start3A_325 = tpu.memref_slice %arg14[%dma_start3A_317, %dma_start3A_324] : memref<3x80xi32, #tpu.memory_space<vmem>> -> memref<1x80xi32, #tpu.memory_space<vmem>>
        %dma_start3A_326 = tpu.memref_squeeze %dma_start3A_325 : memref<1x80xi32, #tpu.memory_space<vmem>> -> memref<80xi32, #tpu.memory_space<vmem>>
        %dma_start3A_327 = arith.constant 0 : i32
        %dma_start3A_328 = tpu.memref_slice %arg6[%add3A_316, %dma_start3A_327] : memref<12000x80xi32, #tpu.memory_space<hbm>> -> memref<1x80xi32, #tpu.memory_space<hbm>>
        %dma_start3A_329 = tpu.memref_squeeze %dma_start3A_328 : memref<1x80xi32, #tpu.memory_space<hbm>> -> memref<80xi32, #tpu.memory_space<hbm>>
        tpu.enqueue_dma source(%dma_start3A_329 : memref<80xi32, #tpu.memory_space<hbm>>) target(%dma_start3A_326 : memref<80xi32, #tpu.memory_space<vmem>>) target_semaphore(%arg26 : memref<!tpu.dma_semaphore, #tpu.memory_space<semaphore_mem>>)
        %add3A_330 = arith.constant 8000 : i32
        %add3A_331 = arith.addi %add3A_330, %add3A_299 : i32
        %dma_start3A_332 = arith.constant 2 : i32
        %dma_start3A_333 = arith.constant 0 : i32
        %dma_start3A_334 = tpu.memref_slice %arg14[%dma_start3A_332, %dma_start3A_333] : memref<3x80xi32, #tpu.memory_space<vmem>> -> memref<1x80xi32, #tpu.memory_space<vmem>>
        %dma_start3A_335 = tpu.memref_squeeze %dma_start3A_334 : memref<1x80xi32, #tpu.memory_space<vmem>> -> memref<80xi32, #tpu.memory_space<vmem>>
        %dma_start3A_336 = arith.constant 0 : i32
        %dma_start3A_337 = tpu.memref_slice %arg6[%add3A_331, %dma_start3A_336] : memref<12000x80xi32, #tpu.memory_space<hbm>> -> memref<1x80xi32, #tpu.memory_space<hbm>>
        %dma_start3A_338 = tpu.memref_squeeze %dma_start3A_337 : memref<1x80xi32, #tpu.memory_space<hbm>> -> memref<80xi32, #tpu.memory_space<hbm>>
        %dma_start3A_339 = arith.constant 0 : i32
        %dma_start3A_340 = tpu.memref_slice %arg14[%dma_start3A_332, %dma_start3A_339] : memref<3x80xi32, #tpu.memory_space<vmem>> -> memref<1x80xi32, #tpu.memory_space<vmem>>
        %dma_start3A_341 = tpu.memref_squeeze %dma_start3A_340 : memref<1x80xi32, #tpu.memory_space<vmem>> -> memref<80xi32, #tpu.memory_space<vmem>>
        %dma_start3A_342 = arith.constant 0 : i32
        %dma_start3A_343 = tpu.memref_slice %arg6[%add3A_331, %dma_start3A_342] : memref<12000x80xi32, #tpu.memory_space<hbm>> -> memref<1x80xi32, #tpu.memory_space<hbm>>
        %dma_start3A_344 = tpu.memref_squeeze %dma_start3A_343 : memref<1x80xi32, #tpu.memory_space<hbm>> -> memref<80xi32, #tpu.memory_space<hbm>>
        tpu.enqueue_dma source(%dma_start3A_344 : memref<80xi32, #tpu.memory_space<hbm>>) target(%dma_start3A_341 : memref<80xi32, #tpu.memory_space<vmem>>) target_semaphore(%arg26 : memref<!tpu.dma_semaphore, #tpu.memory_space<semaphore_mem>>)
      } else {
      }
      %ge3A_253 = arith.constant 1 : i32
      %ge3A_254 = arith.cmpi sge, %mul3A_236, %ge3A_253 : i32
      %convert_element_type3A_255 = arith.extui %ge3A_254 : i1 to i32
      %cond3A_256 = arith.constant 0 : i32
      %cond3A_257 = arith.cmpi ne, %convert_element_type3A_255, %cond3A_256 : i32
      scf.if %cond3A_257 {
        %scan3A_295 = arith.constant 0 : i32
        %scan3A_296 = arith.constant 0 : i32
        %scan3A_297 = arith.constant 5 : i32
        %scan3A_298 = arith.addi %scan3A_296, %scan3A_297 : i32
        %scan3A_299 = arith.constant 1 : i32
        %scan3A_300 = scf.for %scan3A_305 = %scan3A_296 to %scan3A_298 step %scan3A_299 iter_args(%scan3A_306 = %scan3A_295) -> (i32)  : i32 {
          %mul3A_307 = arith.constant 16 : i32
          %mul3A_308 = arith.muli %scan3A_305, %mul3A_307 : i32
          %add3A_309 = arith.constant 0 : i32
          %add3A_310 = arith.addi %mul3A_308, %add3A_309 : i32
          %broadcast_in_dim3A_311 = arith.constant 16 : i32
          %broadcast_in_dim3A_312 = vector.broadcast %broadcast_in_dim3A_311 : i32 to vector<16xi32>
          %add3A_313 = vector.broadcast %add3A_310 : i32 to vector<16xi32>
          %add3A_314 = arith.addi %broadcast_in_dim3A_312, %add3A_313 : vector<16xi32>
          %gather3A = tpu.vector_load_idx %arg16[%add3A_314] : memref<96xf32, #tpu.memory_space<vmem>>[vector<16xi32>], vector<16xf32>,
          %get3A = arith.index_cast %add3A_310 : i32 to index
          %get3A_315 = arith.constant 0 : index
          %get3A_316 = tpu.vector_load %arg10[%get3A, %get3A_315] {strides = array<i32>} : memref<80x128xf32, #tpu.memory_space<vmem>>, vector<16xf32>,
          %get3A_317 = arith.index_cast %add3A_310 : i32 to index
          %get3A_318 = arith.constant 0 : index
          %get3A_319 = tpu.vector_load %arg12[%get3A_317, %get3A_318] {strides = array<i32>} : memref<80x128xf32, #tpu.memory_space<vmem>>, vector<16xf32>,
          %sub3A = arith.subf %get3A_316, %get3A_319 : vector<16xf32>
          %mul3A_320 = arith.mulf %sub3A, %gather3A : vector<16xf32>
          %swap3A_321 = arith.index_cast %add3A_310 : i32 to index
          %swap3A_322 = arith.constant 0 : index
          %swap3A_323 = tpu.vector_load %arg10[%swap3A_321, %swap3A_322] {strides = array<i32>} : memref<80x128xf32, #tpu.memory_space<vmem>>, vector<16xf32>,
          tpu.vector_store %arg10[%swap3A_321, %swap3A_322], %mul3A_320 {strides = array<i32>} : memref<80x128xf32, #tpu.memory_space<vmem>>, vector<16xf32>,
          %get3A_324 = arith.index_cast %add3A_310 : i32 to index
          %get3A_325 = arith.constant 16 : index
          %get3A_326 = tpu.vector_load %arg10[%get3A_324, %get3A_325] {strides = array<i32>} : memref<80x128xf32, #tpu.memory_space<vmem>>, vector<16xf32>,
          %get3A_327 = arith.index_cast %add3A_310 : i32 to index
          %get3A_328 = arith.constant 16 : index
          %get3A_329 = tpu.vector_load %arg12[%get3A_327, %get3A_328] {strides = array<i32>} : memref<80x128xf32, #tpu.memory_space<vmem>>, vector<16xf32>,
          %sub3A_330 = arith.subf %get3A_326, %get3A_329 : vector<16xf32>
          %mul3A_331 = arith.mulf %sub3A_330, %gather3A : vector<16xf32>
          %swap3A_332 = arith.index_cast %add3A_310 : i32 to index
          %swap3A_333 = arith.constant 16 : index
          %swap3A_334 = tpu.vector_load %arg10[%swap3A_332, %swap3A_333] {strides = array<i32>} : memref<80x128xf32, #tpu.memory_space<vmem>>, vector<16xf32>,
          tpu.vector_store %arg10[%swap3A_332, %swap3A_333], %mul3A_331 {strides = array<i32>} : memref<80x128xf32, #tpu.memory_space<vmem>>, vector<16xf32>,
          %get3A_335 = arith.index_cast %add3A_310 : i32 to index
          %get3A_336 = arith.constant 32 : index
          %get3A_337 = tpu.vector_load %arg10[%get3A_335, %get3A_336] {strides = array<i32>} : memref<80x128xf32, #tpu.memory_space<vmem>>, vector<16xf32>,
          %get3A_338 = arith.index_cast %add3A_310 : i32 to index
          %get3A_339 = arith.constant 32 : index
          %get3A_340 = tpu.vector_load %arg12[%get3A_338, %get3A_339] {strides = array<i32>} : memref<80x128xf32, #tpu.memory_space<vmem>>, vector<16xf32>,
          %sub3A_341 = arith.subf %get3A_337, %get3A_340 : vector<16xf32>
          %mul3A_342 = arith.mulf %sub3A_341, %gather3A : vector<16xf32>
          %swap3A_343 = arith.index_cast %add3A_310 : i32 to index
          %swap3A_344 = arith.constant 32 : index
          %swap3A_345 = tpu.vector_load %arg10[%swap3A_343, %swap3A_344] {strides = array<i32>} : memref<80x128xf32, #tpu.memory_space<vmem>>, vector<16xf32>,
          tpu.vector_store %arg10[%swap3A_343, %swap3A_344], %mul3A_342 {strides = array<i32>} : memref<80x128xf32, #tpu.memory_space<vmem>>, vector<16xf32>,
          %get3A_346 = arith.index_cast %add3A_310 : i32 to index
          %get3A_347 = arith.constant 48 : index
          %get3A_348 = tpu.vector_load %arg10[%get3A_346, %get3A_347] {strides = array<i32>} : memref<80x128xf32, #tpu.memory_space<vmem>>, vector<16xf32>,
          %get3A_349 = arith.index_cast %add3A_310 : i32 to index
          %get3A_350 = arith.constant 48 : index
          %get3A_351 = tpu.vector_load %arg12[%get3A_349, %get3A_350] {strides = array<i32>} : memref<80x128xf32, #tpu.memory_space<vmem>>, vector<16xf32>,
          %sub3A_352 = arith.subf %get3A_348, %get3A_351 : vector<16xf32>
          %mul3A_353 = arith.mulf %sub3A_352, %gather3A : vector<16xf32>
          %swap3A_354 = arith.index_cast %add3A_310 : i32 to index
          %swap3A_355 = arith.constant 48 : index
          %swap3A_356 = tpu.vector_load %arg10[%swap3A_354, %swap3A_355] {strides = array<i32>} : memref<80x128xf32, #tpu.memory_space<vmem>>, vector<16xf32>,
          tpu.vector_store %arg10[%swap3A_354, %swap3A_355], %mul3A_353 {strides = array<i32>} : memref<80x128xf32, #tpu.memory_space<vmem>>, vector<16xf32>,
          %get3A_357 = arith.index_cast %add3A_310 : i32 to index
          %get3A_358 = arith.constant 64 : index
          %get3A_359 = tpu.vector_load %arg10[%get3A_357, %get3A_358] {strides = array<i32>} : memref<80x128xf32, #tpu.memory_space<vmem>>, vector<16xf32>,
          %get3A_360 = arith.index_cast %add3A_310 : i32 to index
          %get3A_361 = arith.constant 64 : index
          %get3A_362 = tpu.vector_load %arg12[%get3A_360, %get3A_361] {strides = array<i32>} : memref<80x128xf32, #tpu.memory_space<vmem>>, vector<16xf32>,
          %sub3A_363 = arith.subf %get3A_359, %get3A_362 : vector<16xf32>
          %mul3A_364 = arith.mulf %sub3A_363, %gather3A : vector<16xf32>
          %swap3A_365 = arith.index_cast %add3A_310 : i32 to index
          %swap3A_366 = arith.constant 64 : index
          %swap3A_367 = tpu.vector_load %arg10[%swap3A_365, %swap3A_366] {strides = array<i32>} : memref<80x128xf32, #tpu.memory_space<vmem>>, vector<16xf32>,
          tpu.vector_store %arg10[%swap3A_365, %swap3A_366], %mul3A_364 {strides = array<i32>} : memref<80x128xf32, #tpu.memory_space<vmem>>, vector<16xf32>,
          %get3A_368 = arith.index_cast %add3A_310 : i32 to index
          %get3A_369 = arith.constant 80 : index
          %get3A_370 = tpu.vector_load %arg10[%get3A_368, %get3A_369] {strides = array<i32>} : memref<80x128xf32, #tpu.memory_space<vmem>>, vector<16xf32>,
          %get3A_371 = arith.index_cast %add3A_310 : i32 to index
          %get3A_372 = arith.constant 80 : index
          %get3A_373 = tpu.vector_load %arg12[%get3A_371, %get3A_372] {strides = array<i32>} : memref<80x128xf32, #tpu.memory_space<vmem>>, vector<16xf32>,
          %sub3A_374 = arith.subf %get3A_370, %get3A_373 : vector<16xf32>
          %mul3A_375 = arith.mulf %sub3A_374, %gather3A : vector<16xf32>
          %swap3A_376 = arith.index_cast %add3A_310 : i32 to index
          %swap3A_377 = arith.constant 80 : index
          %swap3A_378 = tpu.vector_load %arg10[%swap3A_376, %swap3A_377] {strides = array<i32>} : memref<80x128xf32, #tpu.memory_space<vmem>>, vector<16xf32>,
          tpu.vector_store %arg10[%swap3A_376, %swap3A_377], %mul3A_375 {strides = array<i32>} : memref<80x128xf32, #tpu.memory_space<vmem>>, vector<16xf32>,
          %get3A_379 = arith.index_cast %add3A_310 : i32 to index
          %get3A_380 = arith.constant 96 : index
          %get3A_381 = tpu.vector_load %arg10[%get3A_379, %get3A_380] {strides = array<i32>} : memref<80x128xf32, #tpu.memory_space<vmem>>, vector<16xf32>,
          %get3A_382 = arith.index_cast %add3A_310 : i32 to index
          %get3A_383 = arith.constant 96 : index
          %get3A_384 = tpu.vector_load %arg12[%get3A_382, %get3A_383] {strides = array<i32>} : memref<80x128xf32, #tpu.memory_space<vmem>>, vector<16xf32>,
          %sub3A_385 = arith.subf %get3A_381, %get3A_384 : vector<16xf32>
          %mul3A_386 = arith.mulf %sub3A_385, %gather3A : vector<16xf32>
          %swap3A_387 = arith.index_cast %add3A_310 : i32 to index
          %swap3A_388 = arith.constant 96 : index
          %swap3A_389 = tpu.vector_load %arg10[%swap3A_387, %swap3A_388] {strides = array<i32>} : memref<80x128xf32, #tpu.memory_space<vmem>>, vector<16xf32>,
          tpu.vector_store %arg10[%swap3A_387, %swap3A_388], %mul3A_386 {strides = array<i32>} : memref<80x128xf32, #tpu.memory_space<vmem>>, vector<16xf32>,
          %get3A_390 = arith.index_cast %add3A_310 : i32 to index
          %get3A_391 = arith.constant 112 : index
          %get3A_392 = tpu.vector_load %arg10[%get3A_390, %get3A_391] {strides = array<i32>} : memref<80x128xf32, #tpu.memory_space<vmem>>, vector<16xf32>,
          %get3A_393 = arith.index_cast %add3A_310 : i32 to index
          %get3A_394 = arith.constant 112 : index
          %get3A_395 = tpu.vector_load %arg12[%get3A_393, %get3A_394] {strides = array<i32>} : memref<80x128xf32, #tpu.memory_space<vmem>>, vector<16xf32>,
          %sub3A_396 = arith.subf %get3A_392, %get3A_395 : vector<16xf32>
          %mul3A_397 = arith.mulf %sub3A_396, %gather3A : vector<16xf32>
          %swap3A_398 = arith.index_cast %add3A_310 : i32 to index
          %swap3A_399 = arith.constant 112 : index
          %swap3A_400 = tpu.vector_load %arg10[%swap3A_398, %swap3A_399] {strides = array<i32>} : memref<80x128xf32, #tpu.memory_space<vmem>>, vector<16xf32>,
          tpu.vector_store %arg10[%swap3A_398, %swap3A_399], %mul3A_397 {strides = array<i32>} : memref<80x128xf32, #tpu.memory_space<vmem>>, vector<16xf32>,
          %add3A_401 = arith.constant 1 : i32
          %add3A_402 = arith.addi %mul3A_308, %add3A_401 : i32
          %broadcast_in_dim3A_403 = arith.constant 16 : i32
          %broadcast_in_dim3A_404 = vector.broadcast %broadcast_in_dim3A_403 : i32 to vector<16xi32>
          %add3A_405 = vector.broadcast %add3A_402 : i32 to vector<16xi32>
          %add3A_406 = arith.addi %broadcast_in_dim3A_404, %add3A_405 : vector<16xi32>
          %gather3A_407 = tpu.vector_load_idx %arg16[%add3A_406] : memref<96xf32, #tpu.memory_space<vmem>>[vector<16xi32>], vector<16xf32>,
          %get3A_408 = arith.index_cast %add3A_402 : i32 to index
          %get3A_409 = arith.constant 0 : index
          %get3A_410 = tpu.vector_load %arg10[%get3A_408, %get3A_409] {strides = array<i32>} : memref<80x128xf32, #tpu.memory_space<vmem>>, vector<16xf32>,
          %get3A_411 = arith.index_cast %add3A_402 : i32 to index
          %get3A_412 = arith.constant 0 : index
          %get3A_413 = tpu.vector_load %arg12[%get3A_411, %get3A_412] {strides = array<i32>} : memref<80x128xf32, #tpu.memory_space<vmem>>, vector<16xf32>,
          %sub3A_414 = arith.subf %get3A_410, %get3A_413 : vector<16xf32>
          %mul3A_415 = arith.mulf %sub3A_414, %gather3A_407 : vector<16xf32>
          %swap3A_416 = arith.index_cast %add3A_402 : i32 to index
          %swap3A_417 = arith.constant 0 : index
          %swap3A_418 = tpu.vector_load %arg10[%swap3A_416, %swap3A_417] {strides = array<i32>} : memref<80x128xf32, #tpu.memory_space<vmem>>, vector<16xf32>,
          tpu.vector_store %arg10[%swap3A_416, %swap3A_417], %mul3A_415 {strides = array<i32>} : memref<80x128xf32, #tpu.memory_space<vmem>>, vector<16xf32>,
          %get3A_419 = arith.index_cast %add3A_402 : i32 to index
          %get3A_420 = arith.constant 16 : index
          %get3A_421 = tpu.vector_load %arg10[%get3A_419, %get3A_420] {strides = array<i32>} : memref<80x128xf32, #tpu.memory_space<vmem>>, vector<16xf32>,
          %get3A_422 = arith.index_cast %add3A_402 : i32 to index
          %get3A_423 = arith.constant 16 : index
          %get3A_424 = tpu.vector_load %arg12[%get3A_422, %get3A_423] {strides = array<i32>} : memref<80x128xf32, #tpu.memory_space<vmem>>, vector<16xf32>,
          %sub3A_425 = arith.subf %get3A_421, %get3A_424 : vector<16xf32>
          %mul3A_426 = arith.mulf %sub3A_425, %gather3A_407 : vector<16xf32>
          %swap3A_427 = arith.index_cast %add3A_402 : i32 to index
          %swap3A_428 = arith.constant 16 : index
          %swap3A_429 = tpu.vector_load %arg10[%swap3A_427, %swap3A_428] {strides = array<i32>} : memref<80x128xf32, #tpu.memory_space<vmem>>, vector<16xf32>,
          tpu.vector_store %arg10[%swap3A_427, %swap3A_428], %mul3A_426 {strides = array<i32>} : memref<80x128xf32, #tpu.memory_space<vmem>>, vector<16xf32>,
          %get3A_430 = arith.index_cast %add3A_402 : i32 to index
          %get3A_431 = arith.constant 32 : index
          %get3A_432 = tpu.vector_load %arg10[%get3A_430, %get3A_431] {strides = array<i32>} : memref<80x128xf32, #tpu.memory_space<vmem>>, vector<16xf32>,
          %get3A_433 = arith.index_cast %add3A_402 : i32 to index
          %get3A_434 = arith.constant 32 : index
          %get3A_435 = tpu.vector_load %arg12[%get3A_433, %get3A_434] {strides = array<i32>} : memref<80x128xf32, #tpu.memory_space<vmem>>, vector<16xf32>,
          %sub3A_436 = arith.subf %get3A_432, %get3A_435 : vector<16xf32>
          %mul3A_437 = arith.mulf %sub3A_436, %gather3A_407 : vector<16xf32>
          %swap3A_438 = arith.index_cast %add3A_402 : i32 to index
          %swap3A_439 = arith.constant 32 : index
          %swap3A_440 = tpu.vector_load %arg10[%swap3A_438, %swap3A_439] {strides = array<i32>} : memref<80x128xf32, #tpu.memory_space<vmem>>, vector<16xf32>,
          tpu.vector_store %arg10[%swap3A_438, %swap3A_439], %mul3A_437 {strides = array<i32>} : memref<80x128xf32, #tpu.memory_space<vmem>>, vector<16xf32>,
          %get3A_441 = arith.index_cast %add3A_402 : i32 to index
          %get3A_442 = arith.constant 48 : index
          %get3A_443 = tpu.vector_load %arg10[%get3A_441, %get3A_442] {strides = array<i32>} : memref<80x128xf32, #tpu.memory_space<vmem>>, vector<16xf32>,
          %get3A_444 = arith.index_cast %add3A_402 : i32 to index
          %get3A_445 = arith.constant 48 : index
          %get3A_446 = tpu.vector_load %arg12[%get3A_444, %get3A_445] {strides = array<i32>} : memref<80x128xf32, #tpu.memory_space<vmem>>, vector<16xf32>,
          %sub3A_447 = arith.subf %get3A_443, %get3A_446 : vector<16xf32>
          %mul3A_448 = arith.mulf %sub3A_447, %gather3A_407 : vector<16xf32>
          %swap3A_449 = arith.index_cast %add3A_402 : i32 to index
          %swap3A_450 = arith.constant 48 : index
          %swap3A_451 = tpu.vector_load %arg10[%swap3A_449, %swap3A_450] {strides = array<i32>} : memref<80x128xf32, #tpu.memory_space<vmem>>, vector<16xf32>,
          tpu.vector_store %arg10[%swap3A_449, %swap3A_450], %mul3A_448 {strides = array<i32>} : memref<80x128xf32, #tpu.memory_space<vmem>>, vector<16xf32>,
          %get3A_452 = arith.index_cast %add3A_402 : i32 to index
          %get3A_453 = arith.constant 64 : index
          %get3A_454 = tpu.vector_load %arg10[%get3A_452, %get3A_453] {strides = array<i32>} : memref<80x128xf32, #tpu.memory_space<vmem>>, vector<16xf32>,
          %get3A_455 = arith.index_cast %add3A_402 : i32 to index
          %get3A_456 = arith.constant 64 : index
          %get3A_457 = tpu.vector_load %arg12[%get3A_455, %get3A_456] {strides = array<i32>} : memref<80x128xf32, #tpu.memory_space<vmem>>, vector<16xf32>,
          %sub3A_458 = arith.subf %get3A_454, %get3A_457 : vector<16xf32>
          %mul3A_459 = arith.mulf %sub3A_458, %gather3A_407 : vector<16xf32>
          %swap3A_460 = arith.index_cast %add3A_402 : i32 to index
          %swap3A_461 = arith.constant 64 : index
          %swap3A_462 = tpu.vector_load %arg10[%swap3A_460, %swap3A_461] {strides = array<i32>} : memref<80x128xf32, #tpu.memory_space<vmem>>, vector<16xf32>,
          tpu.vector_store %arg10[%swap3A_460, %swap3A_461], %mul3A_459 {strides = array<i32>} : memref<80x128xf32, #tpu.memory_space<vmem>>, vector<16xf32>,
          %get3A_463 = arith.index_cast %add3A_402 : i32 to index
          %get3A_464 = arith.constant 80 : index
          %get3A_465 = tpu.vector_load %arg10[%get3A_463, %get3A_464] {strides = array<i32>} : memref<80x128xf32, #tpu.memory_space<vmem>>, vector<16xf32>,
          %get3A_466 = arith.index_cast %add3A_402 : i32 to index
          %get3A_467 = arith.constant 80 : index
          %get3A_468 = tpu.vector_load %arg12[%get3A_466, %get3A_467] {strides = array<i32>} : memref<80x128xf32, #tpu.memory_space<vmem>>, vector<16xf32>,
          %sub3A_469 = arith.subf %get3A_465, %get3A_468 : vector<16xf32>
          %mul3A_470 = arith.mulf %sub3A_469, %gather3A_407 : vector<16xf32>
          %swap3A_471 = arith.index_cast %add3A_402 : i32 to index
          %swap3A_472 = arith.constant 80 : index
          %swap3A_473 = tpu.vector_load %arg10[%swap3A_471, %swap3A_472] {strides = array<i32>} : memref<80x128xf32, #tpu.memory_space<vmem>>, vector<16xf32>,
          tpu.vector_store %arg10[%swap3A_471, %swap3A_472], %mul3A_470 {strides = array<i32>} : memref<80x128xf32, #tpu.memory_space<vmem>>, vector<16xf32>,
          %get3A_474 = arith.index_cast %add3A_402 : i32 to index
          %get3A_475 = arith.constant 96 : index
          %get3A_476 = tpu.vector_load %arg10[%get3A_474, %get3A_475] {strides = array<i32>} : memref<80x128xf32, #tpu.memory_space<vmem>>, vector<16xf32>,
          %get3A_477 = arith.index_cast %add3A_402 : i32 to index
          %get3A_478 = arith.constant 96 : index
          %get3A_479 = tpu.vector_load %arg12[%get3A_477, %get3A_478] {strides = array<i32>} : memref<80x128xf32, #tpu.memory_space<vmem>>, vector<16xf32>,
          %sub3A_480 = arith.subf %get3A_476, %get3A_479 : vector<16xf32>
          %mul3A_481 = arith.mulf %sub3A_480, %gather3A_407 : vector<16xf32>
          %swap3A_482 = arith.index_cast %add3A_402 : i32 to index
          %swap3A_483 = arith.constant 96 : index
          %swap3A_484 = tpu.vector_load %arg10[%swap3A_482, %swap3A_483] {strides = array<i32>} : memref<80x128xf32, #tpu.memory_space<vmem>>, vector<16xf32>,
          tpu.vector_store %arg10[%swap3A_482, %swap3A_483], %mul3A_481 {strides = array<i32>} : memref<80x128xf32, #tpu.memory_space<vmem>>, vector<16xf32>,
          %get3A_485 = arith.index_cast %add3A_402 : i32 to index
          %get3A_486 = arith.constant 112 : index
          %get3A_487 = tpu.vector_load %arg10[%get3A_485, %get3A_486] {strides = array<i32>} : memref<80x128xf32, #tpu.memory_space<vmem>>, vector<16xf32>,
          %get3A_488 = arith.index_cast %add3A_402 : i32 to index
          %get3A_489 = arith.constant 112 : index
          %get3A_490 = tpu.vector_load %arg12[%get3A_488, %get3A_489] {strides = array<i32>} : memref<80x128xf32, #tpu.memory_space<vmem>>, vector<16xf32>,
          %sub3A_491 = arith.subf %get3A_487, %get3A_490 : vector<16xf32>
          %mul3A_492 = arith.mulf %sub3A_491, %gather3A_407 : vector<16xf32>
          %swap3A_493 = arith.index_cast %add3A_402 : i32 to index
          %swap3A_494 = arith.constant 112 : index
          %swap3A_495 = tpu.vector_load %arg10[%swap3A_493, %swap3A_494] {strides = array<i32>} : memref<80x128xf32, #tpu.memory_space<vmem>>, vector<16xf32>,
          tpu.vector_store %arg10[%swap3A_493, %swap3A_494], %mul3A_492 {strides = array<i32>} : memref<80x128xf32, #tpu.memory_space<vmem>>, vector<16xf32>,
          %add3A_496 = arith.constant 2 : i32
          %add3A_497 = arith.addi %mul3A_308, %add3A_496 : i32
          %broadcast_in_dim3A_498 = arith.constant 16 : i32
          %broadcast_in_dim3A_499 = vector.broadcast %broadcast_in_dim3A_498 : i32 to vector<16xi32>
          %add3A_500 = vector.broadcast %add3A_497 : i32 to vector<16xi32>
          %add3A_501 = arith.addi %broadcast_in_dim3A_499, %add3A_500 : vector<16xi32>
          %gather3A_502 = tpu.vector_load_idx %arg16[%add3A_501] : memref<96xf32, #tpu.memory_space<vmem>>[vector<16xi32>], vector<16xf32>,
          %get3A_503 = arith.index_cast %add3A_497 : i32 to index
          %get3A_504 = arith.constant 0 : index
          %get3A_505 = tpu.vector_load %arg10[%get3A_503, %get3A_504] {strides = array<i32>} : memref<80x128xf32, #tpu.memory_space<vmem>>, vector<16xf32>,
          %get3A_506 = arith.index_cast %add3A_497 : i32 to index
          %get3A_507 = arith.constant 0 : index
          %get3A_508 = tpu.vector_load %arg12[%get3A_506, %get3A_507] {strides = array<i32>} : memref<80x128xf32, #tpu.memory_space<vmem>>, vector<16xf32>,
          %sub3A_509 = arith.subf %get3A_505, %get3A_508 : vector<16xf32>
          %mul3A_510 = arith.mulf %sub3A_509, %gather3A_502 : vector<16xf32>
          %swap3A_511 = arith.index_cast %add3A_497 : i32 to index
          %swap3A_512 = arith.constant 0 : index
          %swap3A_513 = tpu.vector_load %arg10[%swap3A_511, %swap3A_512] {strides = array<i32>} : memref<80x128xf32, #tpu.memory_space<vmem>>, vector<16xf32>,
          tpu.vector_store %arg10[%swap3A_511, %swap3A_512], %mul3A_510 {strides = array<i32>} : memref<80x128xf32, #tpu.memory_space<vmem>>, vector<16xf32>,
          %get3A_514 = arith.index_cast %add3A_497 : i32 to index
          %get3A_515 = arith.constant 16 : index
          %get3A_516 = tpu.vector_load %arg10[%get3A_514, %get3A_515] {strides = array<i32>} : memref<80x128xf32, #tpu.memory_space<vmem>>, vector<16xf32>,
          %get3A_517 = arith.index_cast %add3A_497 : i32 to index
          %get3A_518 = arith.constant 16 : index
          %get3A_519 = tpu.vector_load %arg12[%get3A_517, %get3A_518] {strides = array<i32>} : memref<80x128xf32, #tpu.memory_space<vmem>>, vector<16xf32>,
          %sub3A_520 = arith.subf %get3A_516, %get3A_519 : vector<16xf32>
          %mul3A_521 = arith.mulf %sub3A_520, %gather3A_502 : vector<16xf32>
          %swap3A_522 = arith.index_cast %add3A_497 : i32 to index
          %swap3A_523 = arith.constant 16 : index
          %swap3A_524 = tpu.vector_load %arg10[%swap3A_522, %swap3A_523] {strides = array<i32>} : memref<80x128xf32, #tpu.memory_space<vmem>>, vector<16xf32>,
          tpu.vector_store %arg10[%swap3A_522, %swap3A_523], %mul3A_521 {strides = array<i32>} : memref<80x128xf32, #tpu.memory_space<vmem>>, vector<16xf32>,
          %get3A_525 = arith.index_cast %add3A_497 : i32 to index
          %get3A_526 = arith.constant 32 : index
          %get3A_527 = tpu.vector_load %arg10[%get3A_525, %get3A_526] {strides = array<i32>} : memref<80x128xf32, #tpu.memory_space<vmem>>, vector<16xf32>,
          %get3A_528 = arith.index_cast %add3A_497 : i32 to index
          %get3A_529 = arith.constant 32 : index
          %get3A_530 = tpu.vector_load %arg12[%get3A_528, %get3A_529] {strides = array<i32>} : memref<80x128xf32, #tpu.memory_space<vmem>>, vector<16xf32>,
          %sub3A_531 = arith.subf %get3A_527, %get3A_530 : vector<16xf32>
          %mul3A_532 = arith.mulf %sub3A_531, %gather3A_502 : vector<16xf32>
          %swap3A_533 = arith.index_cast %add3A_497 : i32 to index
          %swap3A_534 = arith.constant 32 : index
          %swap3A_535 = tpu.vector_load %arg10[%swap3A_533, %swap3A_534] {strides = array<i32>} : memref<80x128xf32, #tpu.memory_space<vmem>>, vector<16xf32>,
          tpu.vector_store %arg10[%swap3A_533, %swap3A_534], %mul3A_532 {strides = array<i32>} : memref<80x128xf32, #tpu.memory_space<vmem>>, vector<16xf32>,
          %get3A_536 = arith.index_cast %add3A_497 : i32 to index
          %get3A_537 = arith.constant 48 : index
          %get3A_538 = tpu.vector_load %arg10[%get3A_536, %get3A_537] {strides = array<i32>} : memref<80x128xf32, #tpu.memory_space<vmem>>, vector<16xf32>,
          %get3A_539 = arith.index_cast %add3A_497 : i32 to index
          %get3A_540 = arith.constant 48 : index
          %get3A_541 = tpu.vector_load %arg12[%get3A_539, %get3A_540] {strides = array<i32>} : memref<80x128xf32, #tpu.memory_space<vmem>>, vector<16xf32>,
          %sub3A_542 = arith.subf %get3A_538, %get3A_541 : vector<16xf32>
          %mul3A_543 = arith.mulf %sub3A_542, %gather3A_502 : vector<16xf32>
          %swap3A_544 = arith.index_cast %add3A_497 : i32 to index
          %swap3A_545 = arith.constant 48 : index
          %swap3A_546 = tpu.vector_load %arg10[%swap3A_544, %swap3A_545] {strides = array<i32>} : memref<80x128xf32, #tpu.memory_space<vmem>>, vector<16xf32>,
          tpu.vector_store %arg10[%swap3A_544, %swap3A_545], %mul3A_543 {strides = array<i32>} : memref<80x128xf32, #tpu.memory_space<vmem>>, vector<16xf32>,
          %get3A_547 = arith.index_cast %add3A_497 : i32 to index
          %get3A_548 = arith.constant 64 : index
          %get3A_549 = tpu.vector_load %arg10[%get3A_547, %get3A_548] {strides = array<i32>} : memref<80x128xf32, #tpu.memory_space<vmem>>, vector<16xf32>,
          %get3A_550 = arith.index_cast %add3A_497 : i32 to index
          %get3A_551 = arith.constant 64 : index
          %get3A_552 = tpu.vector_load %arg12[%get3A_550, %get3A_551] {strides = array<i32>} : memref<80x128xf32, #tpu.memory_space<vmem>>, vector<16xf32>,
          %sub3A_553 = arith.subf %get3A_549, %get3A_552 : vector<16xf32>
          %mul3A_554 = arith.mulf %sub3A_553, %gather3A_502 : vector<16xf32>
          %swap3A_555 = arith.index_cast %add3A_497 : i32 to index
          %swap3A_556 = arith.constant 64 : index
          %swap3A_557 = tpu.vector_load %arg10[%swap3A_555, %swap3A_556] {strides = array<i32>} : memref<80x128xf32, #tpu.memory_space<vmem>>, vector<16xf32>,
          tpu.vector_store %arg10[%swap3A_555, %swap3A_556], %mul3A_554 {strides = array<i32>} : memref<80x128xf32, #tpu.memory_space<vmem>>, vector<16xf32>,
          %get3A_558 = arith.index_cast %add3A_497 : i32 to index
          %get3A_559 = arith.constant 80 : index
          %get3A_560 = tpu.vector_load %arg10[%get3A_558, %get3A_559] {strides = array<i32>} : memref<80x128xf32, #tpu.memory_space<vmem>>, vector<16xf32>,
          %get3A_561 = arith.index_cast %add3A_497 : i32 to index
          %get3A_562 = arith.constant 80 : index
          %get3A_563 = tpu.vector_load %arg12[%get3A_561, %get3A_562] {strides = array<i32>} : memref<80x128xf32, #tpu.memory_space<vmem>>, vector<16xf32>,
          %sub3A_564 = arith.subf %get3A_560, %get3A_563 : vector<16xf32>
          %mul3A_565 = arith.mulf %sub3A_564, %gather3A_502 : vector<16xf32>
          %swap3A_566 = arith.index_cast %add3A_497 : i32 to index
          %swap3A_567 = arith.constant 80 : index
          %swap3A_568 = tpu.vector_load %arg10[%swap3A_566, %swap3A_567] {strides = array<i32>} : memref<80x128xf32, #tpu.memory_space<vmem>>, vector<16xf32>,
          tpu.vector_store %arg10[%swap3A_566, %swap3A_567], %mul3A_565 {strides = array<i32>} : memref<80x128xf32, #tpu.memory_space<vmem>>, vector<16xf32>,
          %get3A_569 = arith.index_cast %add3A_497 : i32 to index
          %get3A_570 = arith.constant 96 : index
          %get3A_571 = tpu.vector_load %arg10[%get3A_569, %get3A_570] {strides = array<i32>} : memref<80x128xf32, #tpu.memory_space<vmem>>, vector<16xf32>,
          %get3A_572 = arith.index_cast %add3A_497 : i32 to index
          %get3A_573 = arith.constant 96 : index
          %get3A_574 = tpu.vector_load %arg12[%get3A_572, %get3A_573] {strides = array<i32>} : memref<80x128xf32, #tpu.memory_space<vmem>>, vector<16xf32>,
          %sub3A_575 = arith.subf %get3A_571, %get3A_574 : vector<16xf32>
          %mul3A_576 = arith.mulf %sub3A_575, %gather3A_502 : vector<16xf32>
          %swap3A_577 = arith.index_cast %add3A_497 : i32 to index
          %swap3A_578 = arith.constant 96 : index
          %swap3A_579 = tpu.vector_load %arg10[%swap3A_577, %swap3A_578] {strides = array<i32>} : memref<80x128xf32, #tpu.memory_space<vmem>>, vector<16xf32>,
          tpu.vector_store %arg10[%swap3A_577, %swap3A_578], %mul3A_576 {strides = array<i32>} : memref<80x128xf32, #tpu.memory_space<vmem>>, vector<16xf32>,
          %get3A_580 = arith.index_cast %add3A_497 : i32 to index
          %get3A_581 = arith.constant 112 : index
          %get3A_582 = tpu.vector_load %arg10[%get3A_580, %get3A_581] {strides = array<i32>} : memref<80x128xf32, #tpu.memory_space<vmem>>, vector<16xf32>,
          %get3A_583 = arith.index_cast %add3A_497 : i32 to index
          %get3A_584 = arith.constant 112 : index
          %get3A_585 = tpu.vector_load %arg12[%get3A_583, %get3A_584] {strides = array<i32>} : memref<80x128xf32, #tpu.memory_space<vmem>>, vector<16xf32>,
          %sub3A_586 = arith.subf %get3A_582, %get3A_585 : vector<16xf32>
          %mul3A_587 = arith.mulf %sub3A_586, %gather3A_502 : vector<16xf32>
          %swap3A_588 = arith.index_cast %add3A_497 : i32 to index
          %swap3A_589 = arith.constant 112 : index
          %swap3A_590 = tpu.vector_load %arg10[%swap3A_588, %swap3A_589] {strides = array<i32>} : memref<80x128xf32, #tpu.memory_space<vmem>>, vector<16xf32>,
          tpu.vector_store %arg10[%swap3A_588, %swap3A_589], %mul3A_587 {strides = array<i32>} : memref<80x128xf32, #tpu.memory_space<vmem>>, vector<16xf32>,
          %add3A_591 = arith.constant 3 : i32
          %add3A_592 = arith.addi %mul3A_308, %add3A_591 : i32
          %broadcast_in_dim3A_593 = arith.constant 16 : i32
          %broadcast_in_dim3A_594 = vector.broadcast %broadcast_in_dim3A_593 : i32 to vector<16xi32>
          %add3A_595 = vector.broadcast %add3A_592 : i32 to vector<16xi32>
          %add3A_596 = arith.addi %broadcast_in_dim3A_594, %add3A_595 : vector<16xi32>
          %gather3A_597 = tpu.vector_load_idx %arg16[%add3A_596] : memref<96xf32, #tpu.memory_space<vmem>>[vector<16xi32>], vector<16xf32>,
          %get3A_598 = arith.index_cast %add3A_592 : i32 to index
          %get3A_599 = arith.constant 0 : index
          %get3A_600 = tpu.vector_load %arg10[%get3A_598, %get3A_599] {strides = array<i32>} : memref<80x128xf32, #tpu.memory_space<vmem>>, vector<16xf32>,
          %get3A_601 = arith.index_cast %add3A_592 : i32 to index
          %get3A_602 = arith.constant 0 : index
          %get3A_603 = tpu.vector_load %arg12[%get3A_601, %get3A_602] {strides = array<i32>} : memref<80x128xf32, #tpu.memory_space<vmem>>, vector<16xf32>,
          %sub3A_604 = arith.subf %get3A_600, %get3A_603 : vector<16xf32>
          %mul3A_605 = arith.mulf %sub3A_604, %gather3A_597 : vector<16xf32>
          %swap3A_606 = arith.index_cast %add3A_592 : i32 to index
          %swap3A_607 = arith.constant 0 : index
          %swap3A_608 = tpu.vector_load %arg10[%swap3A_606, %swap3A_607] {strides = array<i32>} : memref<80x128xf32, #tpu.memory_space<vmem>>, vector<16xf32>,
          tpu.vector_store %arg10[%swap3A_606, %swap3A_607], %mul3A_605 {strides = array<i32>} : memref<80x128xf32, #tpu.memory_space<vmem>>, vector<16xf32>,
          %get3A_609 = arith.index_cast %add3A_592 : i32 to index
          %get3A_610 = arith.constant 16 : index
          %get3A_611 = tpu.vector_load %arg10[%get3A_609, %get3A_610] {strides = array<i32>} : memref<80x128xf32, #tpu.memory_space<vmem>>, vector<16xf32>,
          %get3A_612 = arith.index_cast %add3A_592 : i32 to index
          %get3A_613 = arith.constant 16 : index
          %get3A_614 = tpu.vector_load %arg12[%get3A_612, %get3A_613] {strides = array<i32>} : memref<80x128xf32, #tpu.memory_space<vmem>>, vector<16xf32>,
          %sub3A_615 = arith.subf %get3A_611, %get3A_614 : vector<16xf32>
          %mul3A_616 = arith.mulf %sub3A_615, %gather3A_597 : vector<16xf32>
          %swap3A_617 = arith.index_cast %add3A_592 : i32 to index
          %swap3A_618 = arith.constant 16 : index
          %swap3A_619 = tpu.vector_load %arg10[%swap3A_617, %swap3A_618] {strides = array<i32>} : memref<80x128xf32, #tpu.memory_space<vmem>>, vector<16xf32>,
          tpu.vector_store %arg10[%swap3A_617, %swap3A_618], %mul3A_616 {strides = array<i32>} : memref<80x128xf32, #tpu.memory_space<vmem>>, vector<16xf32>,
          %get3A_620 = arith.index_cast %add3A_592 : i32 to index
          %get3A_621 = arith.constant 32 : index
          %get3A_622 = tpu.vector_load %arg10[%get3A_620, %get3A_621] {strides = array<i32>} : memref<80x128xf32, #tpu.memory_space<vmem>>, vector<16xf32>,
          %get3A_623 = arith.index_cast %add3A_592 : i32 to index
          %get3A_624 = arith.constant 32 : index
          %get3A_625 = tpu.vector_load %arg12[%get3A_623, %get3A_624] {strides = array<i32>} : memref<80x128xf32, #tpu.memory_space<vmem>>, vector<16xf32>,
          %sub3A_626 = arith.subf %get3A_622, %get3A_625 : vector<16xf32>
          %mul3A_627 = arith.mulf %sub3A_626, %gather3A_597 : vector<16xf32>
          %swap3A_628 = arith.index_cast %add3A_592 : i32 to index
          %swap3A_629 = arith.constant 32 : index
          %swap3A_630 = tpu.vector_load %arg10[%swap3A_628, %swap3A_629] {strides = array<i32>} : memref<80x128xf32, #tpu.memory_space<vmem>>, vector<16xf32>,
          tpu.vector_store %arg10[%swap3A_628, %swap3A_629], %mul3A_627 {strides = array<i32>} : memref<80x128xf32, #tpu.memory_space<vmem>>, vector<16xf32>,
          %get3A_631 = arith.index_cast %add3A_592 : i32 to index
          %get3A_632 = arith.constant 48 : index
          %get3A_633 = tpu.vector_load %arg10[%get3A_631, %get3A_632] {strides = array<i32>} : memref<80x128xf32, #tpu.memory_space<vmem>>, vector<16xf32>,
          %get3A_634 = arith.index_cast %add3A_592 : i32 to index
          %get3A_635 = arith.constant 48 : index
          %get3A_636 = tpu.vector_load %arg12[%get3A_634, %get3A_635] {strides = array<i32>} : memref<80x128xf32, #tpu.memory_space<vmem>>, vector<16xf32>,
          %sub3A_637 = arith.subf %get3A_633, %get3A_636 : vector<16xf32>
          %mul3A_638 = arith.mulf %sub3A_637, %gather3A_597 : vector<16xf32>
          %swap3A_639 = arith.index_cast %add3A_592 : i32 to index
          %swap3A_640 = arith.constant 48 : index
          %swap3A_641 = tpu.vector_load %arg10[%swap3A_639, %swap3A_640] {strides = array<i32>} : memref<80x128xf32, #tpu.memory_space<vmem>>, vector<16xf32>,
          tpu.vector_store %arg10[%swap3A_639, %swap3A_640], %mul3A_638 {strides = array<i32>} : memref<80x128xf32, #tpu.memory_space<vmem>>, vector<16xf32>,
          %get3A_642 = arith.index_cast %add3A_592 : i32 to index
          %get3A_643 = arith.constant 64 : index
          %get3A_644 = tpu.vector_load %arg10[%get3A_642, %get3A_643] {strides = array<i32>} : memref<80x128xf32, #tpu.memory_space<vmem>>, vector<16xf32>,
          %get3A_645 = arith.index_cast %add3A_592 : i32 to index
          %get3A_646 = arith.constant 64 : index
          %get3A_647 = tpu.vector_load %arg12[%get3A_645, %get3A_646] {strides = array<i32>} : memref<80x128xf32, #tpu.memory_space<vmem>>, vector<16xf32>,
          %sub3A_648 = arith.subf %get3A_644, %get3A_647 : vector<16xf32>
          %mul3A_649 = arith.mulf %sub3A_648, %gather3A_597 : vector<16xf32>
          %swap3A_650 = arith.index_cast %add3A_592 : i32 to index
          %swap3A_651 = arith.constant 64 : index
          %swap3A_652 = tpu.vector_load %arg10[%swap3A_650, %swap3A_651] {strides = array<i32>} : memref<80x128xf32, #tpu.memory_space<vmem>>, vector<16xf32>,
          tpu.vector_store %arg10[%swap3A_650, %swap3A_651], %mul3A_649 {strides = array<i32>} : memref<80x128xf32, #tpu.memory_space<vmem>>, vector<16xf32>,
          %get3A_653 = arith.index_cast %add3A_592 : i32 to index
          %get3A_654 = arith.constant 80 : index
          %get3A_655 = tpu.vector_load %arg10[%get3A_653, %get3A_654] {strides = array<i32>} : memref<80x128xf32, #tpu.memory_space<vmem>>, vector<16xf32>,
          %get3A_656 = arith.index_cast %add3A_592 : i32 to index
          %get3A_657 = arith.constant 80 : index
          %get3A_658 = tpu.vector_load %arg12[%get3A_656, %get3A_657] {strides = array<i32>} : memref<80x128xf32, #tpu.memory_space<vmem>>, vector<16xf32>,
          %sub3A_659 = arith.subf %get3A_655, %get3A_658 : vector<16xf32>
          %mul3A_660 = arith.mulf %sub3A_659, %gather3A_597 : vector<16xf32>
          %swap3A_661 = arith.index_cast %add3A_592 : i32 to index
          %swap3A_662 = arith.constant 80 : index
          %swap3A_663 = tpu.vector_load %arg10[%swap3A_661, %swap3A_662] {strides = array<i32>} : memref<80x128xf32, #tpu.memory_space<vmem>>, vector<16xf32>,
          tpu.vector_store %arg10[%swap3A_661, %swap3A_662], %mul3A_660 {strides = array<i32>} : memref<80x128xf32, #tpu.memory_space<vmem>>, vector<16xf32>,
          %get3A_664 = arith.index_cast %add3A_592 : i32 to index
          %get3A_665 = arith.constant 96 : index
          %get3A_666 = tpu.vector_load %arg10[%get3A_664, %get3A_665] {strides = array<i32>} : memref<80x128xf32, #tpu.memory_space<vmem>>, vector<16xf32>,
          %get3A_667 = arith.index_cast %add3A_592 : i32 to index
          %get3A_668 = arith.constant 96 : index
          %get3A_669 = tpu.vector_load %arg12[%get3A_667, %get3A_668] {strides = array<i32>} : memref<80x128xf32, #tpu.memory_space<vmem>>, vector<16xf32>,
          %sub3A_670 = arith.subf %get3A_666, %get3A_669 : vector<16xf32>
          %mul3A_671 = arith.mulf %sub3A_670, %gather3A_597 : vector<16xf32>
          %swap3A_672 = arith.index_cast %add3A_592 : i32 to index
          %swap3A_673 = arith.constant 96 : index
          %swap3A_674 = tpu.vector_load %arg10[%swap3A_672, %swap3A_673] {strides = array<i32>} : memref<80x128xf32, #tpu.memory_space<vmem>>, vector<16xf32>,
          tpu.vector_store %arg10[%swap3A_672, %swap3A_673], %mul3A_671 {strides = array<i32>} : memref<80x128xf32, #tpu.memory_space<vmem>>, vector<16xf32>,
          %get3A_675 = arith.index_cast %add3A_592 : i32 to index
          %get3A_676 = arith.constant 112 : index
          %get3A_677 = tpu.vector_load %arg10[%get3A_675, %get3A_676] {strides = array<i32>} : memref<80x128xf32, #tpu.memory_space<vmem>>, vector<16xf32>,
          %get3A_678 = arith.index_cast %add3A_592 : i32 to index
          %get3A_679 = arith.constant 112 : index
          %get3A_680 = tpu.vector_load %arg12[%get3A_678, %get3A_679] {strides = array<i32>} : memref<80x128xf32, #tpu.memory_space<vmem>>, vector<16xf32>,
          %sub3A_681 = arith.subf %get3A_677, %get3A_680 : vector<16xf32>
          %mul3A_682 = arith.mulf %sub3A_681, %gather3A_597 : vector<16xf32>
          %swap3A_683 = arith.index_cast %add3A_592 : i32 to index
          %swap3A_684 = arith.constant 112 : index
          %swap3A_685 = tpu.vector_load %arg10[%swap3A_683, %swap3A_684] {strides = array<i32>} : memref<80x128xf32, #tpu.memory_space<vmem>>, vector<16xf32>,
          tpu.vector_store %arg10[%swap3A_683, %swap3A_684], %mul3A_682 {strides = array<i32>} : memref<80x128xf32, #tpu.memory_space<vmem>>, vector<16xf32>,
          %add3A_686 = arith.constant 4 : i32
          %add3A_687 = arith.addi %mul3A_308, %add3A_686 : i32
          %broadcast_in_dim3A_688 = arith.constant 16 : i32
          %broadcast_in_dim3A_689 = vector.broadcast %broadcast_in_dim3A_688 : i32 to vector<16xi32>
          %add3A_690 = vector.broadcast %add3A_687 : i32 to vector<16xi32>
          %add3A_691 = arith.addi %broadcast_in_dim3A_689, %add3A_690 : vector<16xi32>
          %gather3A_692 = tpu.vector_load_idx %arg16[%add3A_691] : memref<96xf32, #tpu.memory_space<vmem>>[vector<16xi32>], vector<16xf32>,
          %get3A_693 = arith.index_cast %add3A_687 : i32 to index
          %get3A_694 = arith.constant 0 : index
          %get3A_695 = tpu.vector_load %arg10[%get3A_693, %get3A_694] {strides = array<i32>} : memref<80x128xf32, #tpu.memory_space<vmem>>, vector<16xf32>,
          %get3A_696 = arith.index_cast %add3A_687 : i32 to index
          %get3A_697 = arith.constant 0 : index
          %get3A_698 = tpu.vector_load %arg12[%get3A_696, %get3A_697] {strides = array<i32>} : memref<80x128xf32, #tpu.memory_space<vmem>>, vector<16xf32>,
          %sub3A_699 = arith.subf %get3A_695, %get3A_698 : vector<16xf32>
          %mul3A_700 = arith.mulf %sub3A_699, %gather3A_692 : vector<16xf32>
          %swap3A_701 = arith.index_cast %add3A_687 : i32 to index
          %swap3A_702 = arith.constant 0 : index
          %swap3A_703 = tpu.vector_load %arg10[%swap3A_701, %swap3A_702] {strides = array<i32>} : memref<80x128xf32, #tpu.memory_space<vmem>>, vector<16xf32>,
          tpu.vector_store %arg10[%swap3A_701, %swap3A_702], %mul3A_700 {strides = array<i32>} : memref<80x128xf32, #tpu.memory_space<vmem>>, vector<16xf32>,
          %get3A_704 = arith.index_cast %add3A_687 : i32 to index
          %get3A_705 = arith.constant 16 : index
          %get3A_706 = tpu.vector_load %arg10[%get3A_704, %get3A_705] {strides = array<i32>} : memref<80x128xf32, #tpu.memory_space<vmem>>, vector<16xf32>,
          %get3A_707 = arith.index_cast %add3A_687 : i32 to index
          %get3A_708 = arith.constant 16 : index
          %get3A_709 = tpu.vector_load %arg12[%get3A_707, %get3A_708] {strides = array<i32>} : memref<80x128xf32, #tpu.memory_space<vmem>>, vector<16xf32>,
          %sub3A_710 = arith.subf %get3A_706, %get3A_709 : vector<16xf32>
          %mul3A_711 = arith.mulf %sub3A_710, %gather3A_692 : vector<16xf32>
          %swap3A_712 = arith.index_cast %add3A_687 : i32 to index
          %swap3A_713 = arith.constant 16 : index
          %swap3A_714 = tpu.vector_load %arg10[%swap3A_712, %swap3A_713] {strides = array<i32>} : memref<80x128xf32, #tpu.memory_space<vmem>>, vector<16xf32>,
          tpu.vector_store %arg10[%swap3A_712, %swap3A_713], %mul3A_711 {strides = array<i32>} : memref<80x128xf32, #tpu.memory_space<vmem>>, vector<16xf32>,
          %get3A_715 = arith.index_cast %add3A_687 : i32 to index
          %get3A_716 = arith.constant 32 : index
          %get3A_717 = tpu.vector_load %arg10[%get3A_715, %get3A_716] {strides = array<i32>} : memref<80x128xf32, #tpu.memory_space<vmem>>, vector<16xf32>,
          %get3A_718 = arith.index_cast %add3A_687 : i32 to index
          %get3A_719 = arith.constant 32 : index
          %get3A_720 = tpu.vector_load %arg12[%get3A_718, %get3A_719] {strides = array<i32>} : memref<80x128xf32, #tpu.memory_space<vmem>>, vector<16xf32>,
          %sub3A_721 = arith.subf %get3A_717, %get3A_720 : vector<16xf32>
          %mul3A_722 = arith.mulf %sub3A_721, %gather3A_692 : vector<16xf32>
          %swap3A_723 = arith.index_cast %add3A_687 : i32 to index
          %swap3A_724 = arith.constant 32 : index
          %swap3A_725 = tpu.vector_load %arg10[%swap3A_723, %swap3A_724] {strides = array<i32>} : memref<80x128xf32, #tpu.memory_space<vmem>>, vector<16xf32>,
          tpu.vector_store %arg10[%swap3A_723, %swap3A_724], %mul3A_722 {strides = array<i32>} : memref<80x128xf32, #tpu.memory_space<vmem>>, vector<16xf32>,
          %get3A_726 = arith.index_cast %add3A_687 : i32 to index
          %get3A_727 = arith.constant 48 : index
          %get3A_728 = tpu.vector_load %arg10[%get3A_726, %get3A_727] {strides = array<i32>} : memref<80x128xf32, #tpu.memory_space<vmem>>, vector<16xf32>,
          %get3A_729 = arith.index_cast %add3A_687 : i32 to index
          %get3A_730 = arith.constant 48 : index
          %get3A_731 = tpu.vector_load %arg12[%get3A_729, %get3A_730] {strides = array<i32>} : memref<80x128xf32, #tpu.memory_space<vmem>>, vector<16xf32>,
          %sub3A_732 = arith.subf %get3A_728, %get3A_731 : vector<16xf32>
          %mul3A_733 = arith.mulf %sub3A_732, %gather3A_692 : vector<16xf32>
          %swap3A_734 = arith.index_cast %add3A_687 : i32 to index
          %swap3A_735 = arith.constant 48 : index
          %swap3A_736 = tpu.vector_load %arg10[%swap3A_734, %swap3A_735] {strides = array<i32>} : memref<80x128xf32, #tpu.memory_space<vmem>>, vector<16xf32>,
          tpu.vector_store %arg10[%swap3A_734, %swap3A_735], %mul3A_733 {strides = array<i32>} : memref<80x128xf32, #tpu.memory_space<vmem>>, vector<16xf32>,
          %get3A_737 = arith.index_cast %add3A_687 : i32 to index
          %get3A_738 = arith.constant 64 : index
          %get3A_739 = tpu.vector_load %arg10[%get3A_737, %get3A_738] {strides = array<i32>} : memref<80x128xf32, #tpu.memory_space<vmem>>, vector<16xf32>,
          %get3A_740 = arith.index_cast %add3A_687 : i32 to index
          %get3A_741 = arith.constant 64 : index
          %get3A_742 = tpu.vector_load %arg12[%get3A_740, %get3A_741] {strides = array<i32>} : memref<80x128xf32, #tpu.memory_space<vmem>>, vector<16xf32>,
          %sub3A_743 = arith.subf %get3A_739, %get3A_742 : vector<16xf32>
          %mul3A_744 = arith.mulf %sub3A_743, %gather3A_692 : vector<16xf32>
          %swap3A_745 = arith.index_cast %add3A_687 : i32 to index
          %swap3A_746 = arith.constant 64 : index
          %swap3A_747 = tpu.vector_load %arg10[%swap3A_745, %swap3A_746] {strides = array<i32>} : memref<80x128xf32, #tpu.memory_space<vmem>>, vector<16xf32>,
          tpu.vector_store %arg10[%swap3A_745, %swap3A_746], %mul3A_744 {strides = array<i32>} : memref<80x128xf32, #tpu.memory_space<vmem>>, vector<16xf32>,
          %get3A_748 = arith.index_cast %add3A_687 : i32 to index
          %get3A_749 = arith.constant 80 : index
          %get3A_750 = tpu.vector_load %arg10[%get3A_748, %get3A_749] {strides = array<i32>} : memref<80x128xf32, #tpu.memory_space<vmem>>, vector<16xf32>,
          %get3A_751 = arith.index_cast %add3A_687 : i32 to index
          %get3A_752 = arith.constant 80 : index
          %get3A_753 = tpu.vector_load %arg12[%get3A_751, %get3A_752] {strides = array<i32>} : memref<80x128xf32, #tpu.memory_space<vmem>>, vector<16xf32>,
          %sub3A_754 = arith.subf %get3A_750, %get3A_753 : vector<16xf32>
          %mul3A_755 = arith.mulf %sub3A_754, %gather3A_692 : vector<16xf32>
          %swap3A_756 = arith.index_cast %add3A_687 : i32 to index
          %swap3A_757 = arith.constant 80 : index
          %swap3A_758 = tpu.vector_load %arg10[%swap3A_756, %swap3A_757] {strides = array<i32>} : memref<80x128xf32, #tpu.memory_space<vmem>>, vector<16xf32>,
          tpu.vector_store %arg10[%swap3A_756, %swap3A_757], %mul3A_755 {strides = array<i32>} : memref<80x128xf32, #tpu.memory_space<vmem>>, vector<16xf32>,
          %get3A_759 = arith.index_cast %add3A_687 : i32 to index
          %get3A_760 = arith.constant 96 : index
          %get3A_761 = tpu.vector_load %arg10[%get3A_759, %get3A_760] {strides = array<i32>} : memref<80x128xf32, #tpu.memory_space<vmem>>, vector<16xf32>,
          %get3A_762 = arith.index_cast %add3A_687 : i32 to index
          %get3A_763 = arith.constant 96 : index
          %get3A_764 = tpu.vector_load %arg12[%get3A_762, %get3A_763] {strides = array<i32>} : memref<80x128xf32, #tpu.memory_space<vmem>>, vector<16xf32>,
          %sub3A_765 = arith.subf %get3A_761, %get3A_764 : vector<16xf32>
          %mul3A_766 = arith.mulf %sub3A_765, %gather3A_692 : vector<16xf32>
          %swap3A_767 = arith.index_cast %add3A_687 : i32 to index
          %swap3A_768 = arith.constant 96 : index
          %swap3A_769 = tpu.vector_load %arg10[%swap3A_767, %swap3A_768] {strides = array<i32>} : memref<80x128xf32, #tpu.memory_space<vmem>>, vector<16xf32>,
          tpu.vector_store %arg10[%swap3A_767, %swap3A_768], %mul3A_766 {strides = array<i32>} : memref<80x128xf32, #tpu.memory_space<vmem>>, vector<16xf32>,
          %get3A_770 = arith.index_cast %add3A_687 : i32 to index
          %get3A_771 = arith.constant 112 : index
          %get3A_772 = tpu.vector_load %arg10[%get3A_770, %get3A_771] {strides = array<i32>} : memref<80x128xf32, #tpu.memory_space<vmem>>, vector<16xf32>,
          %get3A_773 = arith.index_cast %add3A_687 : i32 to index
          %get3A_774 = arith.constant 112 : index
          %get3A_775 = tpu.vector_load %arg12[%get3A_773, %get3A_774] {strides = array<i32>} : memref<80x128xf32, #tpu.memory_space<vmem>>, vector<16xf32>,
          %sub3A_776 = arith.subf %get3A_772, %get3A_775 : vector<16xf32>
          %mul3A_777 = arith.mulf %sub3A_776, %gather3A_692 : vector<16xf32>
          %swap3A_778 = arith.index_cast %add3A_687 : i32 to index
          %swap3A_779 = arith.constant 112 : index
          %swap3A_780 = tpu.vector_load %arg10[%swap3A_778, %swap3A_779] {strides = array<i32>} : memref<80x128xf32, #tpu.memory_space<vmem>>, vector<16xf32>,
          tpu.vector_store %arg10[%swap3A_778, %swap3A_779], %mul3A_777 {strides = array<i32>} : memref<80x128xf32, #tpu.memory_space<vmem>>, vector<16xf32>,
          %add3A_781 = arith.constant 5 : i32
          %add3A_782 = arith.addi %mul3A_308, %add3A_781 : i32
          %broadcast_in_dim3A_783 = arith.constant 16 : i32
          %broadcast_in_dim3A_784 = vector.broadcast %broadcast_in_dim3A_783 : i32 to vector<16xi32>
          %add3A_785 = vector.broadcast %add3A_782 : i32 to vector<16xi32>
          %add3A_786 = arith.addi %broadcast_in_dim3A_784, %add3A_785 : vector<16xi32>
          %gather3A_787 = tpu.vector_load_idx %arg16[%add3A_786] : memref<96xf32, #tpu.memory_space<vmem>>[vector<16xi32>], vector<16xf32>,
          %get3A_788 = arith.index_cast %add3A_782 : i32 to index
          %get3A_789 = arith.constant 0 : index
          %get3A_790 = tpu.vector_load %arg10[%get3A_788, %get3A_789] {strides = array<i32>} : memref<80x128xf32, #tpu.memory_space<vmem>>, vector<16xf32>,
          %get3A_791 = arith.index_cast %add3A_782 : i32 to index
          %get3A_792 = arith.constant 0 : index
          %get3A_793 = tpu.vector_load %arg12[%get3A_791, %get3A_792] {strides = array<i32>} : memref<80x128xf32, #tpu.memory_space<vmem>>, vector<16xf32>,
          %sub3A_794 = arith.subf %get3A_790, %get3A_793 : vector<16xf32>
          %mul3A_795 = arith.mulf %sub3A_794, %gather3A_787 : vector<16xf32>
          %swap3A_796 = arith.index_cast %add3A_782 : i32 to index
          %swap3A_797 = arith.constant 0 : index
          %swap3A_798 = tpu.vector_load %arg10[%swap3A_796, %swap3A_797] {strides = array<i32>} : memref<80x128xf32, #tpu.memory_space<vmem>>, vector<16xf32>,
          tpu.vector_store %arg10[%swap3A_796, %swap3A_797], %mul3A_795 {strides = array<i32>} : memref<80x128xf32, #tpu.memory_space<vmem>>, vector<16xf32>,
          %get3A_799 = arith.index_cast %add3A_782 : i32 to index
          %get3A_800 = arith.constant 16 : index
          %get3A_801 = tpu.vector_load %arg10[%get3A_799, %get3A_800] {strides = array<i32>} : memref<80x128xf32, #tpu.memory_space<vmem>>, vector<16xf32>,
          %get3A_802 = arith.index_cast %add3A_782 : i32 to index
          %get3A_803 = arith.constant 16 : index
          %get3A_804 = tpu.vector_load %arg12[%get3A_802, %get3A_803] {strides = array<i32>} : memref<80x128xf32, #tpu.memory_space<vmem>>, vector<16xf32>,
          %sub3A_805 = arith.subf %get3A_801, %get3A_804 : vector<16xf32>
          %mul3A_806 = arith.mulf %sub3A_805, %gather3A_787 : vector<16xf32>
          %swap3A_807 = arith.index_cast %add3A_782 : i32 to index
          %swap3A_808 = arith.constant 16 : index
          %swap3A_809 = tpu.vector_load %arg10[%swap3A_807, %swap3A_808] {strides = array<i32>} : memref<80x128xf32, #tpu.memory_space<vmem>>, vector<16xf32>,
          tpu.vector_store %arg10[%swap3A_807, %swap3A_808], %mul3A_806 {strides = array<i32>} : memref<80x128xf32, #tpu.memory_space<vmem>>, vector<16xf32>,
          %get3A_810 = arith.index_cast %add3A_782 : i32 to index
          %get3A_811 = arith.constant 32 : index
          %get3A_812 = tpu.vector_load %arg10[%get3A_810, %get3A_811] {strides = array<i32>} : memref<80x128xf32, #tpu.memory_space<vmem>>, vector<16xf32>,
          %get3A_813 = arith.index_cast %add3A_782 : i32 to index
          %get3A_814 = arith.constant 32 : index
          %get3A_815 = tpu.vector_load %arg12[%get3A_813, %get3A_814] {strides = array<i32>} : memref<80x128xf32, #tpu.memory_space<vmem>>, vector<16xf32>,
          %sub3A_816 = arith.subf %get3A_812, %get3A_815 : vector<16xf32>
          %mul3A_817 = arith.mulf %sub3A_816, %gather3A_787 : vector<16xf32>
          %swap3A_818 = arith.index_cast %add3A_782 : i32 to index
          %swap3A_819 = arith.constant 32 : index
          %swap3A_820 = tpu.vector_load %arg10[%swap3A_818, %swap3A_819] {strides = array<i32>} : memref<80x128xf32, #tpu.memory_space<vmem>>, vector<16xf32>,
          tpu.vector_store %arg10[%swap3A_818, %swap3A_819], %mul3A_817 {strides = array<i32>} : memref<80x128xf32, #tpu.memory_space<vmem>>, vector<16xf32>,
          %get3A_821 = arith.index_cast %add3A_782 : i32 to index
          %get3A_822 = arith.constant 48 : index
          %get3A_823 = tpu.vector_load %arg10[%get3A_821, %get3A_822] {strides = array<i32>} : memref<80x128xf32, #tpu.memory_space<vmem>>, vector<16xf32>,
          %get3A_824 = arith.index_cast %add3A_782 : i32 to index
          %get3A_825 = arith.constant 48 : index
          %get3A_826 = tpu.vector_load %arg12[%get3A_824, %get3A_825] {strides = array<i32>} : memref<80x128xf32, #tpu.memory_space<vmem>>, vector<16xf32>,
          %sub3A_827 = arith.subf %get3A_823, %get3A_826 : vector<16xf32>
          %mul3A_828 = arith.mulf %sub3A_827, %gather3A_787 : vector<16xf32>
          %swap3A_829 = arith.index_cast %add3A_782 : i32 to index
          %swap3A_830 = arith.constant 48 : index
          %swap3A_831 = tpu.vector_load %arg10[%swap3A_829, %swap3A_830] {strides = array<i32>} : memref<80x128xf32, #tpu.memory_space<vmem>>, vector<16xf32>,
          tpu.vector_store %arg10[%swap3A_829, %swap3A_830], %mul3A_828 {strides = array<i32>} : memref<80x128xf32, #tpu.memory_space<vmem>>, vector<16xf32>,
          %get3A_832 = arith.index_cast %add3A_782 : i32 to index
          %get3A_833 = arith.constant 64 : index
          %get3A_834 = tpu.vector_load %arg10[%get3A_832, %get3A_833] {strides = array<i32>} : memref<80x128xf32, #tpu.memory_space<vmem>>, vector<16xf32>,
          %get3A_835 = arith.index_cast %add3A_782 : i32 to index
          %get3A_836 = arith.constant 64 : index
          %get3A_837 = tpu.vector_load %arg12[%get3A_835, %get3A_836] {strides = array<i32>} : memref<80x128xf32, #tpu.memory_space<vmem>>, vector<16xf32>,
          %sub3A_838 = arith.subf %get3A_834, %get3A_837 : vector<16xf32>
          %mul3A_839 = arith.mulf %sub3A_838, %gather3A_787 : vector<16xf32>
          %swap3A_840 = arith.index_cast %add3A_782 : i32 to index
          %swap3A_841 = arith.constant 64 : index
          %swap3A_842 = tpu.vector_load %arg10[%swap3A_840, %swap3A_841] {strides = array<i32>} : memref<80x128xf32, #tpu.memory_space<vmem>>, vector<16xf32>,
          tpu.vector_store %arg10[%swap3A_840, %swap3A_841], %mul3A_839 {strides = array<i32>} : memref<80x128xf32, #tpu.memory_space<vmem>>, vector<16xf32>,
          %get3A_843 = arith.index_cast %add3A_782 : i32 to index
          %get3A_844 = arith.constant 80 : index
          %get3A_845 = tpu.vector_load %arg10[%get3A_843, %get3A_844] {strides = array<i32>} : memref<80x128xf32, #tpu.memory_space<vmem>>, vector<16xf32>,
          %get3A_846 = arith.index_cast %add3A_782 : i32 to index
          %get3A_847 = arith.constant 80 : index
          %get3A_848 = tpu.vector_load %arg12[%get3A_846, %get3A_847] {strides = array<i32>} : memref<80x128xf32, #tpu.memory_space<vmem>>, vector<16xf32>,
          %sub3A_849 = arith.subf %get3A_845, %get3A_848 : vector<16xf32>
          %mul3A_850 = arith.mulf %sub3A_849, %gather3A_787 : vector<16xf32>
          %swap3A_851 = arith.index_cast %add3A_782 : i32 to index
          %swap3A_852 = arith.constant 80 : index
          %swap3A_853 = tpu.vector_load %arg10[%swap3A_851, %swap3A_852] {strides = array<i32>} : memref<80x128xf32, #tpu.memory_space<vmem>>, vector<16xf32>,
          tpu.vector_store %arg10[%swap3A_851, %swap3A_852], %mul3A_850 {strides = array<i32>} : memref<80x128xf32, #tpu.memory_space<vmem>>, vector<16xf32>,
          %get3A_854 = arith.index_cast %add3A_782 : i32 to index
          %get3A_855 = arith.constant 96 : index
          %get3A_856 = tpu.vector_load %arg10[%get3A_854, %get3A_855] {strides = array<i32>} : memref<80x128xf32, #tpu.memory_space<vmem>>, vector<16xf32>,
          %get3A_857 = arith.index_cast %add3A_782 : i32 to index
          %get3A_858 = arith.constant 96 : index
          %get3A_859 = tpu.vector_load %arg12[%get3A_857, %get3A_858] {strides = array<i32>} : memref<80x128xf32, #tpu.memory_space<vmem>>, vector<16xf32>,
          %sub3A_860 = arith.subf %get3A_856, %get3A_859 : vector<16xf32>
          %mul3A_861 = arith.mulf %sub3A_860, %gather3A_787 : vector<16xf32>
          %swap3A_862 = arith.index_cast %add3A_782 : i32 to index
          %swap3A_863 = arith.constant 96 : index
          %swap3A_864 = tpu.vector_load %arg10[%swap3A_862, %swap3A_863] {strides = array<i32>} : memref<80x128xf32, #tpu.memory_space<vmem>>, vector<16xf32>,
          tpu.vector_store %arg10[%swap3A_862, %swap3A_863], %mul3A_861 {strides = array<i32>} : memref<80x128xf32, #tpu.memory_space<vmem>>, vector<16xf32>,
          %get3A_865 = arith.index_cast %add3A_782 : i32 to index
          %get3A_866 = arith.constant 112 : index
          %get3A_867 = tpu.vector_load %arg10[%get3A_865, %get3A_866] {strides = array<i32>} : memref<80x128xf32, #tpu.memory_space<vmem>>, vector<16xf32>,
          %get3A_868 = arith.index_cast %add3A_782 : i32 to index
          %get3A_869 = arith.constant 112 : index
          %get3A_870 = tpu.vector_load %arg12[%get3A_868, %get3A_869] {strides = array<i32>} : memref<80x128xf32, #tpu.memory_space<vmem>>, vector<16xf32>,
          %sub3A_871 = arith.subf %get3A_867, %get3A_870 : vector<16xf32>
          %mul3A_872 = arith.mulf %sub3A_871, %gather3A_787 : vector<16xf32>
          %swap3A_873 = arith.index_cast %add3A_782 : i32 to index
          %swap3A_874 = arith.constant 112 : index
          %swap3A_875 = tpu.vector_load %arg10[%swap3A_873, %swap3A_874] {strides = array<i32>} : memref<80x128xf32, #tpu.memory_space<vmem>>, vector<16xf32>,
          tpu.vector_store %arg10[%swap3A_873, %swap3A_874], %mul3A_872 {strides = array<i32>} : memref<80x128xf32, #tpu.memory_space<vmem>>, vector<16xf32>,
          %add3A_876 = arith.constant 6 : i32
          %add3A_877 = arith.addi %mul3A_308, %add3A_876 : i32
          %broadcast_in_dim3A_878 = arith.constant 16 : i32
          %broadcast_in_dim3A_879 = vector.broadcast %broadcast_in_dim3A_878 : i32 to vector<16xi32>
          %add3A_880 = vector.broadcast %add3A_877 : i32 to vector<16xi32>
          %add3A_881 = arith.addi %broadcast_in_dim3A_879, %add3A_880 : vector<16xi32>
          %gather3A_882 = tpu.vector_load_idx %arg16[%add3A_881] : memref<96xf32, #tpu.memory_space<vmem>>[vector<16xi32>], vector<16xf32>,
          %get3A_883 = arith.index_cast %add3A_877 : i32 to index
          %get3A_884 = arith.constant 0 : index
          %get3A_885 = tpu.vector_load %arg10[%get3A_883, %get3A_884] {strides = array<i32>} : memref<80x128xf32, #tpu.memory_space<vmem>>, vector<16xf32>,
          %get3A_886 = arith.index_cast %add3A_877 : i32 to index
          %get3A_887 = arith.constant 0 : index
          %get3A_888 = tpu.vector_load %arg12[%get3A_886, %get3A_887] {strides = array<i32>} : memref<80x128xf32, #tpu.memory_space<vmem>>, vector<16xf32>,
          %sub3A_889 = arith.subf %get3A_885, %get3A_888 : vector<16xf32>
          %mul3A_890 = arith.mulf %sub3A_889, %gather3A_882 : vector<16xf32>
          %swap3A_891 = arith.index_cast %add3A_877 : i32 to index
          %swap3A_892 = arith.constant 0 : index
          %swap3A_893 = tpu.vector_load %arg10[%swap3A_891, %swap3A_892] {strides = array<i32>} : memref<80x128xf32, #tpu.memory_space<vmem>>, vector<16xf32>,
          tpu.vector_store %arg10[%swap3A_891, %swap3A_892], %mul3A_890 {strides = array<i32>} : memref<80x128xf32, #tpu.memory_space<vmem>>, vector<16xf32>,
          %get3A_894 = arith.index_cast %add3A_877 : i32 to index
          %get3A_895 = arith.constant 16 : index
          %get3A_896 = tpu.vector_load %arg10[%get3A_894, %get3A_895] {strides = array<i32>} : memref<80x128xf32, #tpu.memory_space<vmem>>, vector<16xf32>,
          %get3A_897 = arith.index_cast %add3A_877 : i32 to index
          %get3A_898 = arith.constant 16 : index
          %get3A_899 = tpu.vector_load %arg12[%get3A_897, %get3A_898] {strides = array<i32>} : memref<80x128xf32, #tpu.memory_space<vmem>>, vector<16xf32>,
          %sub3A_900 = arith.subf %get3A_896, %get3A_899 : vector<16xf32>
          %mul3A_901 = arith.mulf %sub3A_900, %gather3A_882 : vector<16xf32>
          %swap3A_902 = arith.index_cast %add3A_877 : i32 to index
          %swap3A_903 = arith.constant 16 : index
          %swap3A_904 = tpu.vector_load %arg10[%swap3A_902, %swap3A_903] {strides = array<i32>} : memref<80x128xf32, #tpu.memory_space<vmem>>, vector<16xf32>,
          tpu.vector_store %arg10[%swap3A_902, %swap3A_903], %mul3A_901 {strides = array<i32>} : memref<80x128xf32, #tpu.memory_space<vmem>>, vector<16xf32>,
          %get3A_905 = arith.index_cast %add3A_877 : i32 to index
          %get3A_906 = arith.constant 32 : index
          %get3A_907 = tpu.vector_load %arg10[%get3A_905, %get3A_906] {strides = array<i32>} : memref<80x128xf32, #tpu.memory_space<vmem>>, vector<16xf32>,
          %get3A_908 = arith.index_cast %add3A_877 : i32 to index
          %get3A_909 = arith.constant 32 : index
          %get3A_910 = tpu.vector_load %arg12[%get3A_908, %get3A_909] {strides = array<i32>} : memref<80x128xf32, #tpu.memory_space<vmem>>, vector<16xf32>,
          %sub3A_911 = arith.subf %get3A_907, %get3A_910 : vector<16xf32>
          %mul3A_912 = arith.mulf %sub3A_911, %gather3A_882 : vector<16xf32>
          %swap3A_913 = arith.index_cast %add3A_877 : i32 to index
          %swap3A_914 = arith.constant 32 : index
          %swap3A_915 = tpu.vector_load %arg10[%swap3A_913, %swap3A_914] {strides = array<i32>} : memref<80x128xf32, #tpu.memory_space<vmem>>, vector<16xf32>,
          tpu.vector_store %arg10[%swap3A_913, %swap3A_914], %mul3A_912 {strides = array<i32>} : memref<80x128xf32, #tpu.memory_space<vmem>>, vector<16xf32>,
          %get3A_916 = arith.index_cast %add3A_877 : i32 to index
          %get3A_917 = arith.constant 48 : index
          %get3A_918 = tpu.vector_load %arg10[%get3A_916, %get3A_917] {strides = array<i32>} : memref<80x128xf32, #tpu.memory_space<vmem>>, vector<16xf32>,
          %get3A_919 = arith.index_cast %add3A_877 : i32 to index
          %get3A_920 = arith.constant 48 : index
          %get3A_921 = tpu.vector_load %arg12[%get3A_919, %get3A_920] {strides = array<i32>} : memref<80x128xf32, #tpu.memory_space<vmem>>, vector<16xf32>,
          %sub3A_922 = arith.subf %get3A_918, %get3A_921 : vector<16xf32>
          %mul3A_923 = arith.mulf %sub3A_922, %gather3A_882 : vector<16xf32>
          %swap3A_924 = arith.index_cast %add3A_877 : i32 to index
          %swap3A_925 = arith.constant 48 : index
          %swap3A_926 = tpu.vector_load %arg10[%swap3A_924, %swap3A_925] {strides = array<i32>} : memref<80x128xf32, #tpu.memory_space<vmem>>, vector<16xf32>,
          tpu.vector_store %arg10[%swap3A_924, %swap3A_925], %mul3A_923 {strides = array<i32>} : memref<80x128xf32, #tpu.memory_space<vmem>>, vector<16xf32>,
          %get3A_927 = arith.index_cast %add3A_877 : i32 to index
          %get3A_928 = arith.constant 64 : index
          %get3A_929 = tpu.vector_load %arg10[%get3A_927, %get3A_928] {strides = array<i32>} : memref<80x128xf32, #tpu.memory_space<vmem>>, vector<16xf32>,
          %get3A_930 = arith.index_cast %add3A_877 : i32 to index
          %get3A_931 = arith.constant 64 : index
          %get3A_932 = tpu.vector_load %arg12[%get3A_930, %get3A_931] {strides = array<i32>} : memref<80x128xf32, #tpu.memory_space<vmem>>, vector<16xf32>,
          %sub3A_933 = arith.subf %get3A_929, %get3A_932 : vector<16xf32>
          %mul3A_934 = arith.mulf %sub3A_933, %gather3A_882 : vector<16xf32>
          %swap3A_935 = arith.index_cast %add3A_877 : i32 to index
          %swap3A_936 = arith.constant 64 : index
          %swap3A_937 = tpu.vector_load %arg10[%swap3A_935, %swap3A_936] {strides = array<i32>} : memref<80x128xf32, #tpu.memory_space<vmem>>, vector<16xf32>,
          tpu.vector_store %arg10[%swap3A_935, %swap3A_936], %mul3A_934 {strides = array<i32>} : memref<80x128xf32, #tpu.memory_space<vmem>>, vector<16xf32>,
          %get3A_938 = arith.index_cast %add3A_877 : i32 to index
          %get3A_939 = arith.constant 80 : index
          %get3A_940 = tpu.vector_load %arg10[%get3A_938, %get3A_939] {strides = array<i32>} : memref<80x128xf32, #tpu.memory_space<vmem>>, vector<16xf32>,
          %get3A_941 = arith.index_cast %add3A_877 : i32 to index
          %get3A_942 = arith.constant 80 : index
          %get3A_943 = tpu.vector_load %arg12[%get3A_941, %get3A_942] {strides = array<i32>} : memref<80x128xf32, #tpu.memory_space<vmem>>, vector<16xf32>,
          %sub3A_944 = arith.subf %get3A_940, %get3A_943 : vector<16xf32>
          %mul3A_945 = arith.mulf %sub3A_944, %gather3A_882 : vector<16xf32>
          %swap3A_946 = arith.index_cast %add3A_877 : i32 to index
          %swap3A_947 = arith.constant 80 : index
          %swap3A_948 = tpu.vector_load %arg10[%swap3A_946, %swap3A_947] {strides = array<i32>} : memref<80x128xf32, #tpu.memory_space<vmem>>, vector<16xf32>,
          tpu.vector_store %arg10[%swap3A_946, %swap3A_947], %mul3A_945 {strides = array<i32>} : memref<80x128xf32, #tpu.memory_space<vmem>>, vector<16xf32>,
          %get3A_949 = arith.index_cast %add3A_877 : i32 to index
          %get3A_950 = arith.constant 96 : index
          %get3A_951 = tpu.vector_load %arg10[%get3A_949, %get3A_950] {strides = array<i32>} : memref<80x128xf32, #tpu.memory_space<vmem>>, vector<16xf32>,
          %get3A_952 = arith.index_cast %add3A_877 : i32 to index
          %get3A_953 = arith.constant 96 : index
          %get3A_954 = tpu.vector_load %arg12[%get3A_952, %get3A_953] {strides = array<i32>} : memref<80x128xf32, #tpu.memory_space<vmem>>, vector<16xf32>,
          %sub3A_955 = arith.subf %get3A_951, %get3A_954 : vector<16xf32>
          %mul3A_956 = arith.mulf %sub3A_955, %gather3A_882 : vector<16xf32>
          %swap3A_957 = arith.index_cast %add3A_877 : i32 to index
          %swap3A_958 = arith.constant 96 : index
          %swap3A_959 = tpu.vector_load %arg10[%swap3A_957, %swap3A_958] {strides = array<i32>} : memref<80x128xf32, #tpu.memory_space<vmem>>, vector<16xf32>,
          tpu.vector_store %arg10[%swap3A_957, %swap3A_958], %mul3A_956 {strides = array<i32>} : memref<80x128xf32, #tpu.memory_space<vmem>>, vector<16xf32>,
          %get3A_960 = arith.index_cast %add3A_877 : i32 to index
          %get3A_961 = arith.constant 112 : index
          %get3A_962 = tpu.vector_load %arg10[%get3A_960, %get3A_961] {strides = array<i32>} : memref<80x128xf32, #tpu.memory_space<vmem>>, vector<16xf32>,
          %get3A_963 = arith.index_cast %add3A_877 : i32 to index
          %get3A_964 = arith.constant 112 : index
          %get3A_965 = tpu.vector_load %arg12[%get3A_963, %get3A_964] {strides = array<i32>} : memref<80x128xf32, #tpu.memory_space<vmem>>, vector<16xf32>,
          %sub3A_966 = arith.subf %get3A_962, %get3A_965 : vector<16xf32>
          %mul3A_967 = arith.mulf %sub3A_966, %gather3A_882 : vector<16xf32>
          %swap3A_968 = arith.index_cast %add3A_877 : i32 to index
          %swap3A_969 = arith.constant 112 : index
          %swap3A_970 = tpu.vector_load %arg10[%swap3A_968, %swap3A_969] {strides = array<i32>} : memref<80x128xf32, #tpu.memory_space<vmem>>, vector<16xf32>,
          tpu.vector_store %arg10[%swap3A_968, %swap3A_969], %mul3A_967 {strides = array<i32>} : memref<80x128xf32, #tpu.memory_space<vmem>>, vector<16xf32>,
          %add3A_971 = arith.constant 7 : i32
          %add3A_972 = arith.addi %mul3A_308, %add3A_971 : i32
          %broadcast_in_dim3A_973 = arith.constant 16 : i32
          %broadcast_in_dim3A_974 = vector.broadcast %broadcast_in_dim3A_973 : i32 to vector<16xi32>
          %add3A_975 = vector.broadcast %add3A_972 : i32 to vector<16xi32>
          %add3A_976 = arith.addi %broadcast_in_dim3A_974, %add3A_975 : vector<16xi32>
          %gather3A_977 = tpu.vector_load_idx %arg16[%add3A_976] : memref<96xf32, #tpu.memory_space<vmem>>[vector<16xi32>], vector<16xf32>,
          %get3A_978 = arith.index_cast %add3A_972 : i32 to index
          %get3A_979 = arith.constant 0 : index
          %get3A_980 = tpu.vector_load %arg10[%get3A_978, %get3A_979] {strides = array<i32>} : memref<80x128xf32, #tpu.memory_space<vmem>>, vector<16xf32>,
          %get3A_981 = arith.index_cast %add3A_972 : i32 to index
          %get3A_982 = arith.constant 0 : index
          %get3A_983 = tpu.vector_load %arg12[%get3A_981, %get3A_982] {strides = array<i32>} : memref<80x128xf32, #tpu.memory_space<vmem>>, vector<16xf32>,
          %sub3A_984 = arith.subf %get3A_980, %get3A_983 : vector<16xf32>
          %mul3A_985 = arith.mulf %sub3A_984, %gather3A_977 : vector<16xf32>
          %swap3A_986 = arith.index_cast %add3A_972 : i32 to index
          %swap3A_987 = arith.constant 0 : index
          %swap3A_988 = tpu.vector_load %arg10[%swap3A_986, %swap3A_987] {strides = array<i32>} : memref<80x128xf32, #tpu.memory_space<vmem>>, vector<16xf32>,
          tpu.vector_store %arg10[%swap3A_986, %swap3A_987], %mul3A_985 {strides = array<i32>} : memref<80x128xf32, #tpu.memory_space<vmem>>, vector<16xf32>,
          %get3A_989 = arith.index_cast %add3A_972 : i32 to index
          %get3A_990 = arith.constant 16 : index
          %get3A_991 = tpu.vector_load %arg10[%get3A_989, %get3A_990] {strides = array<i32>} : memref<80x128xf32, #tpu.memory_space<vmem>>, vector<16xf32>,
          %get3A_992 = arith.index_cast %add3A_972 : i32 to index
          %get3A_993 = arith.constant 16 : index
          %get3A_994 = tpu.vector_load %arg12[%get3A_992, %get3A_993] {strides = array<i32>} : memref<80x128xf32, #tpu.memory_space<vmem>>, vector<16xf32>,
          %sub3A_995 = arith.subf %get3A_991, %get3A_994 : vector<16xf32>
          %mul3A_996 = arith.mulf %sub3A_995, %gather3A_977 : vector<16xf32>
          %swap3A_997 = arith.index_cast %add3A_972 : i32 to index
          %swap3A_998 = arith.constant 16 : index
          %swap3A_999 = tpu.vector_load %arg10[%swap3A_997, %swap3A_998] {strides = array<i32>} : memref<80x128xf32, #tpu.memory_space<vmem>>, vector<16xf32>,
          tpu.vector_store %arg10[%swap3A_997, %swap3A_998], %mul3A_996 {strides = array<i32>} : memref<80x128xf32, #tpu.memory_space<vmem>>, vector<16xf32>,
          %get3A_1000 = arith.index_cast %add3A_972 : i32 to index
          %get3A_1001 = arith.constant 32 : index
          %get3A_1002 = tpu.vector_load %arg10[%get3A_1000, %get3A_1001] {strides = array<i32>} : memref<80x128xf32, #tpu.memory_space<vmem>>, vector<16xf32>,
          %get3A_1003 = arith.index_cast %add3A_972 : i32 to index
          %get3A_1004 = arith.constant 32 : index
          %get3A_1005 = tpu.vector_load %arg12[%get3A_1003, %get3A_1004] {strides = array<i32>} : memref<80x128xf32, #tpu.memory_space<vmem>>, vector<16xf32>,
          %sub3A_1006 = arith.subf %get3A_1002, %get3A_1005 : vector<16xf32>
          %mul3A_1007 = arith.mulf %sub3A_1006, %gather3A_977 : vector<16xf32>
          %swap3A_1008 = arith.index_cast %add3A_972 : i32 to index
          %swap3A_1009 = arith.constant 32 : index
          %swap3A_1010 = tpu.vector_load %arg10[%swap3A_1008, %swap3A_1009] {strides = array<i32>} : memref<80x128xf32, #tpu.memory_space<vmem>>, vector<16xf32>,
          tpu.vector_store %arg10[%swap3A_1008, %swap3A_1009], %mul3A_1007 {strides = array<i32>} : memref<80x128xf32, #tpu.memory_space<vmem>>, vector<16xf32>,
          %get3A_1011 = arith.index_cast %add3A_972 : i32 to index
          %get3A_1012 = arith.constant 48 : index
          %get3A_1013 = tpu.vector_load %arg10[%get3A_1011, %get3A_1012] {strides = array<i32>} : memref<80x128xf32, #tpu.memory_space<vmem>>, vector<16xf32>,
          %get3A_1014 = arith.index_cast %add3A_972 : i32 to index
          %get3A_1015 = arith.constant 48 : index
          %get3A_1016 = tpu.vector_load %arg12[%get3A_1014, %get3A_1015] {strides = array<i32>} : memref<80x128xf32, #tpu.memory_space<vmem>>, vector<16xf32>,
          %sub3A_1017 = arith.subf %get3A_1013, %get3A_1016 : vector<16xf32>
          %mul3A_1018 = arith.mulf %sub3A_1017, %gather3A_977 : vector<16xf32>
          %swap3A_1019 = arith.index_cast %add3A_972 : i32 to index
          %swap3A_1020 = arith.constant 48 : index
          %swap3A_1021 = tpu.vector_load %arg10[%swap3A_1019, %swap3A_1020] {strides = array<i32>} : memref<80x128xf32, #tpu.memory_space<vmem>>, vector<16xf32>,
          tpu.vector_store %arg10[%swap3A_1019, %swap3A_1020], %mul3A_1018 {strides = array<i32>} : memref<80x128xf32, #tpu.memory_space<vmem>>, vector<16xf32>,
          %get3A_1022 = arith.index_cast %add3A_972 : i32 to index
          %get3A_1023 = arith.constant 64 : index
          %get3A_1024 = tpu.vector_load %arg10[%get3A_1022, %get3A_1023] {strides = array<i32>} : memref<80x128xf32, #tpu.memory_space<vmem>>, vector<16xf32>,
          %get3A_1025 = arith.index_cast %add3A_972 : i32 to index
          %get3A_1026 = arith.constant 64 : index
          %get3A_1027 = tpu.vector_load %arg12[%get3A_1025, %get3A_1026] {strides = array<i32>} : memref<80x128xf32, #tpu.memory_space<vmem>>, vector<16xf32>,
          %sub3A_1028 = arith.subf %get3A_1024, %get3A_1027 : vector<16xf32>
          %mul3A_1029 = arith.mulf %sub3A_1028, %gather3A_977 : vector<16xf32>
          %swap3A_1030 = arith.index_cast %add3A_972 : i32 to index
          %swap3A_1031 = arith.constant 64 : index
          %swap3A_1032 = tpu.vector_load %arg10[%swap3A_1030, %swap3A_1031] {strides = array<i32>} : memref<80x128xf32, #tpu.memory_space<vmem>>, vector<16xf32>,
          tpu.vector_store %arg10[%swap3A_1030, %swap3A_1031], %mul3A_1029 {strides = array<i32>} : memref<80x128xf32, #tpu.memory_space<vmem>>, vector<16xf32>,
          %get3A_1033 = arith.index_cast %add3A_972 : i32 to index
          %get3A_1034 = arith.constant 80 : index
          %get3A_1035 = tpu.vector_load %arg10[%get3A_1033, %get3A_1034] {strides = array<i32>} : memref<80x128xf32, #tpu.memory_space<vmem>>, vector<16xf32>,
          %get3A_1036 = arith.index_cast %add3A_972 : i32 to index
          %get3A_1037 = arith.constant 80 : index
          %get3A_1038 = tpu.vector_load %arg12[%get3A_1036, %get3A_1037] {strides = array<i32>} : memref<80x128xf32, #tpu.memory_space<vmem>>, vector<16xf32>,
          %sub3A_1039 = arith.subf %get3A_1035, %get3A_1038 : vector<16xf32>
          %mul3A_1040 = arith.mulf %sub3A_1039, %gather3A_977 : vector<16xf32>
          %swap3A_1041 = arith.index_cast %add3A_972 : i32 to index
          %swap3A_1042 = arith.constant 80 : index
          %swap3A_1043 = tpu.vector_load %arg10[%swap3A_1041, %swap3A_1042] {strides = array<i32>} : memref<80x128xf32, #tpu.memory_space<vmem>>, vector<16xf32>,
          tpu.vector_store %arg10[%swap3A_1041, %swap3A_1042], %mul3A_1040 {strides = array<i32>} : memref<80x128xf32, #tpu.memory_space<vmem>>, vector<16xf32>,
          %get3A_1044 = arith.index_cast %add3A_972 : i32 to index
          %get3A_1045 = arith.constant 96 : index
          %get3A_1046 = tpu.vector_load %arg10[%get3A_1044, %get3A_1045] {strides = array<i32>} : memref<80x128xf32, #tpu.memory_space<vmem>>, vector<16xf32>,
          %get3A_1047 = arith.index_cast %add3A_972 : i32 to index
          %get3A_1048 = arith.constant 96 : index
          %get3A_1049 = tpu.vector_load %arg12[%get3A_1047, %get3A_1048] {strides = array<i32>} : memref<80x128xf32, #tpu.memory_space<vmem>>, vector<16xf32>,
          %sub3A_1050 = arith.subf %get3A_1046, %get3A_1049 : vector<16xf32>
          %mul3A_1051 = arith.mulf %sub3A_1050, %gather3A_977 : vector<16xf32>
          %swap3A_1052 = arith.index_cast %add3A_972 : i32 to index
          %swap3A_1053 = arith.constant 96 : index
          %swap3A_1054 = tpu.vector_load %arg10[%swap3A_1052, %swap3A_1053] {strides = array<i32>} : memref<80x128xf32, #tpu.memory_space<vmem>>, vector<16xf32>,
          tpu.vector_store %arg10[%swap3A_1052, %swap3A_1053], %mul3A_1051 {strides = array<i32>} : memref<80x128xf32, #tpu.memory_space<vmem>>, vector<16xf32>,
          %get3A_1055 = arith.index_cast %add3A_972 : i32 to index
          %get3A_1056 = arith.constant 112 : index
          %get3A_1057 = tpu.vector_load %arg10[%get3A_1055, %get3A_1056] {strides = array<i32>} : memref<80x128xf32, #tpu.memory_space<vmem>>, vector<16xf32>,
          %get3A_1058 = arith.index_cast %add3A_972 : i32 to index
          %get3A_1059 = arith.constant 112 : index
          %get3A_1060 = tpu.vector_load %arg12[%get3A_1058, %get3A_1059] {strides = array<i32>} : memref<80x128xf32, #tpu.memory_space<vmem>>, vector<16xf32>,
          %sub3A_1061 = arith.subf %get3A_1057, %get3A_1060 : vector<16xf32>
          %mul3A_1062 = arith.mulf %sub3A_1061, %gather3A_977 : vector<16xf32>
          %swap3A_1063 = arith.index_cast %add3A_972 : i32 to index
          %swap3A_1064 = arith.constant 112 : index
          %swap3A_1065 = tpu.vector_load %arg10[%swap3A_1063, %swap3A_1064] {strides = array<i32>} : memref<80x128xf32, #tpu.memory_space<vmem>>, vector<16xf32>,
          tpu.vector_store %arg10[%swap3A_1063, %swap3A_1064], %mul3A_1062 {strides = array<i32>} : memref<80x128xf32, #tpu.memory_space<vmem>>, vector<16xf32>,
          %add3A_1066 = arith.constant 8 : i32
          %add3A_1067 = arith.addi %mul3A_308, %add3A_1066 : i32
          %broadcast_in_dim3A_1068 = arith.constant 16 : i32
          %broadcast_in_dim3A_1069 = vector.broadcast %broadcast_in_dim3A_1068 : i32 to vector<16xi32>
          %add3A_1070 = vector.broadcast %add3A_1067 : i32 to vector<16xi32>
          %add3A_1071 = arith.addi %broadcast_in_dim3A_1069, %add3A_1070 : vector<16xi32>
          %gather3A_1072 = tpu.vector_load_idx %arg16[%add3A_1071] : memref<96xf32, #tpu.memory_space<vmem>>[vector<16xi32>], vector<16xf32>,
          %get3A_1073 = arith.index_cast %add3A_1067 : i32 to index
          %get3A_1074 = arith.constant 0 : index
          %get3A_1075 = tpu.vector_load %arg10[%get3A_1073, %get3A_1074] {strides = array<i32>} : memref<80x128xf32, #tpu.memory_space<vmem>>, vector<16xf32>,
          %get3A_1076 = arith.index_cast %add3A_1067 : i32 to index
          %get3A_1077 = arith.constant 0 : index
          %get3A_1078 = tpu.vector_load %arg12[%get3A_1076, %get3A_1077] {strides = array<i32>} : memref<80x128xf32, #tpu.memory_space<vmem>>, vector<16xf32>,
          %sub3A_1079 = arith.subf %get3A_1075, %get3A_1078 : vector<16xf32>
          %mul3A_1080 = arith.mulf %sub3A_1079, %gather3A_1072 : vector<16xf32>
          %swap3A_1081 = arith.index_cast %add3A_1067 : i32 to index
          %swap3A_1082 = arith.constant 0 : index
          %swap3A_1083 = tpu.vector_load %arg10[%swap3A_1081, %swap3A_1082] {strides = array<i32>} : memref<80x128xf32, #tpu.memory_space<vmem>>, vector<16xf32>,
          tpu.vector_store %arg10[%swap3A_1081, %swap3A_1082], %mul3A_1080 {strides = array<i32>} : memref<80x128xf32, #tpu.memory_space<vmem>>, vector<16xf32>,
          %get3A_1084 = arith.index_cast %add3A_1067 : i32 to index
          %get3A_1085 = arith.constant 16 : index
          %get3A_1086 = tpu.vector_load %arg10[%get3A_1084, %get3A_1085] {strides = array<i32>} : memref<80x128xf32, #tpu.memory_space<vmem>>, vector<16xf32>,
          %get3A_1087 = arith.index_cast %add3A_1067 : i32 to index
          %get3A_1088 = arith.constant 16 : index
          %get3A_1089 = tpu.vector_load %arg12[%get3A_1087, %get3A_1088] {strides = array<i32>} : memref<80x128xf32, #tpu.memory_space<vmem>>, vector<16xf32>,
          %sub3A_1090 = arith.subf %get3A_1086, %get3A_1089 : vector<16xf32>
          %mul3A_1091 = arith.mulf %sub3A_1090, %gather3A_1072 : vector<16xf32>
          %swap3A_1092 = arith.index_cast %add3A_1067 : i32 to index
          %swap3A_1093 = arith.constant 16 : index
          %swap3A_1094 = tpu.vector_load %arg10[%swap3A_1092, %swap3A_1093] {strides = array<i32>} : memref<80x128xf32, #tpu.memory_space<vmem>>, vector<16xf32>,
          tpu.vector_store %arg10[%swap3A_1092, %swap3A_1093], %mul3A_1091 {strides = array<i32>} : memref<80x128xf32, #tpu.memory_space<vmem>>, vector<16xf32>,
          %get3A_1095 = arith.index_cast %add3A_1067 : i32 to index
          %get3A_1096 = arith.constant 32 : index
          %get3A_1097 = tpu.vector_load %arg10[%get3A_1095, %get3A_1096] {strides = array<i32>} : memref<80x128xf32, #tpu.memory_space<vmem>>, vector<16xf32>,
          %get3A_1098 = arith.index_cast %add3A_1067 : i32 to index
          %get3A_1099 = arith.constant 32 : index
          %get3A_1100 = tpu.vector_load %arg12[%get3A_1098, %get3A_1099] {strides = array<i32>} : memref<80x128xf32, #tpu.memory_space<vmem>>, vector<16xf32>,
          %sub3A_1101 = arith.subf %get3A_1097, %get3A_1100 : vector<16xf32>
          %mul3A_1102 = arith.mulf %sub3A_1101, %gather3A_1072 : vector<16xf32>
          %swap3A_1103 = arith.index_cast %add3A_1067 : i32 to index
          %swap3A_1104 = arith.constant 32 : index
          %swap3A_1105 = tpu.vector_load %arg10[%swap3A_1103, %swap3A_1104] {strides = array<i32>} : memref<80x128xf32, #tpu.memory_space<vmem>>, vector<16xf32>,
          tpu.vector_store %arg10[%swap3A_1103, %swap3A_1104], %mul3A_1102 {strides = array<i32>} : memref<80x128xf32, #tpu.memory_space<vmem>>, vector<16xf32>,
          %get3A_1106 = arith.index_cast %add3A_1067 : i32 to index
          %get3A_1107 = arith.constant 48 : index
          %get3A_1108 = tpu.vector_load %arg10[%get3A_1106, %get3A_1107] {strides = array<i32>} : memref<80x128xf32, #tpu.memory_space<vmem>>, vector<16xf32>,
          %get3A_1109 = arith.index_cast %add3A_1067 : i32 to index
          %get3A_1110 = arith.constant 48 : index
          %get3A_1111 = tpu.vector_load %arg12[%get3A_1109, %get3A_1110] {strides = array<i32>} : memref<80x128xf32, #tpu.memory_space<vmem>>, vector<16xf32>,
          %sub3A_1112 = arith.subf %get3A_1108, %get3A_1111 : vector<16xf32>
          %mul3A_1113 = arith.mulf %sub3A_1112, %gather3A_1072 : vector<16xf32>
          %swap3A_1114 = arith.index_cast %add3A_1067 : i32 to index
          %swap3A_1115 = arith.constant 48 : index
          %swap3A_1116 = tpu.vector_load %arg10[%swap3A_1114, %swap3A_1115] {strides = array<i32>} : memref<80x128xf32, #tpu.memory_space<vmem>>, vector<16xf32>,
          tpu.vector_store %arg10[%swap3A_1114, %swap3A_1115], %mul3A_1113 {strides = array<i32>} : memref<80x128xf32, #tpu.memory_space<vmem>>, vector<16xf32>,
          %get3A_1117 = arith.index_cast %add3A_1067 : i32 to index
          %get3A_1118 = arith.constant 64 : index
          %get3A_1119 = tpu.vector_load %arg10[%get3A_1117, %get3A_1118] {strides = array<i32>} : memref<80x128xf32, #tpu.memory_space<vmem>>, vector<16xf32>,
          %get3A_1120 = arith.index_cast %add3A_1067 : i32 to index
          %get3A_1121 = arith.constant 64 : index
          %get3A_1122 = tpu.vector_load %arg12[%get3A_1120, %get3A_1121] {strides = array<i32>} : memref<80x128xf32, #tpu.memory_space<vmem>>, vector<16xf32>,
          %sub3A_1123 = arith.subf %get3A_1119, %get3A_1122 : vector<16xf32>
          %mul3A_1124 = arith.mulf %sub3A_1123, %gather3A_1072 : vector<16xf32>
          %swap3A_1125 = arith.index_cast %add3A_1067 : i32 to index
          %swap3A_1126 = arith.constant 64 : index
          %swap3A_1127 = tpu.vector_load %arg10[%swap3A_1125, %swap3A_1126] {strides = array<i32>} : memref<80x128xf32, #tpu.memory_space<vmem>>, vector<16xf32>,
          tpu.vector_store %arg10[%swap3A_1125, %swap3A_1126], %mul3A_1124 {strides = array<i32>} : memref<80x128xf32, #tpu.memory_space<vmem>>, vector<16xf32>,
          %get3A_1128 = arith.index_cast %add3A_1067 : i32 to index
          %get3A_1129 = arith.constant 80 : index
          %get3A_1130 = tpu.vector_load %arg10[%get3A_1128, %get3A_1129] {strides = array<i32>} : memref<80x128xf32, #tpu.memory_space<vmem>>, vector<16xf32>,
          %get3A_1131 = arith.index_cast %add3A_1067 : i32 to index
          %get3A_1132 = arith.constant 80 : index
          %get3A_1133 = tpu.vector_load %arg12[%get3A_1131, %get3A_1132] {strides = array<i32>} : memref<80x128xf32, #tpu.memory_space<vmem>>, vector<16xf32>,
          %sub3A_1134 = arith.subf %get3A_1130, %get3A_1133 : vector<16xf32>
          %mul3A_1135 = arith.mulf %sub3A_1134, %gather3A_1072 : vector<16xf32>
          %swap3A_1136 = arith.index_cast %add3A_1067 : i32 to index
          %swap3A_1137 = arith.constant 80 : index
          %swap3A_1138 = tpu.vector_load %arg10[%swap3A_1136, %swap3A_1137] {strides = array<i32>} : memref<80x128xf32, #tpu.memory_space<vmem>>, vector<16xf32>,
          tpu.vector_store %arg10[%swap3A_1136, %swap3A_1137], %mul3A_1135 {strides = array<i32>} : memref<80x128xf32, #tpu.memory_space<vmem>>, vector<16xf32>,
          %get3A_1139 = arith.index_cast %add3A_1067 : i32 to index
          %get3A_1140 = arith.constant 96 : index
          %get3A_1141 = tpu.vector_load %arg10[%get3A_1139, %get3A_1140] {strides = array<i32>} : memref<80x128xf32, #tpu.memory_space<vmem>>, vector<16xf32>,
          %get3A_1142 = arith.index_cast %add3A_1067 : i32 to index
          %get3A_1143 = arith.constant 96 : index
          %get3A_1144 = tpu.vector_load %arg12[%get3A_1142, %get3A_1143] {strides = array<i32>} : memref<80x128xf32, #tpu.memory_space<vmem>>, vector<16xf32>,
          %sub3A_1145 = arith.subf %get3A_1141, %get3A_1144 : vector<16xf32>
          %mul3A_1146 = arith.mulf %sub3A_1145, %gather3A_1072 : vector<16xf32>
          %swap3A_1147 = arith.index_cast %add3A_1067 : i32 to index
          %swap3A_1148 = arith.constant 96 : index
          %swap3A_1149 = tpu.vector_load %arg10[%swap3A_1147, %swap3A_1148] {strides = array<i32>} : memref<80x128xf32, #tpu.memory_space<vmem>>, vector<16xf32>,
          tpu.vector_store %arg10[%swap3A_1147, %swap3A_1148], %mul3A_1146 {strides = array<i32>} : memref<80x128xf32, #tpu.memory_space<vmem>>, vector<16xf32>,
          %get3A_1150 = arith.index_cast %add3A_1067 : i32 to index
          %get3A_1151 = arith.constant 112 : index
          %get3A_1152 = tpu.vector_load %arg10[%get3A_1150, %get3A_1151] {strides = array<i32>} : memref<80x128xf32, #tpu.memory_space<vmem>>, vector<16xf32>,
          %get3A_1153 = arith.index_cast %add3A_1067 : i32 to index
          %get3A_1154 = arith.constant 112 : index
          %get3A_1155 = tpu.vector_load %arg12[%get3A_1153, %get3A_1154] {strides = array<i32>} : memref<80x128xf32, #tpu.memory_space<vmem>>, vector<16xf32>,
          %sub3A_1156 = arith.subf %get3A_1152, %get3A_1155 : vector<16xf32>
          %mul3A_1157 = arith.mulf %sub3A_1156, %gather3A_1072 : vector<16xf32>
          %swap3A_1158 = arith.index_cast %add3A_1067 : i32 to index
          %swap3A_1159 = arith.constant 112 : index
          %swap3A_1160 = tpu.vector_load %arg10[%swap3A_1158, %swap3A_1159] {strides = array<i32>} : memref<80x128xf32, #tpu.memory_space<vmem>>, vector<16xf32>,
          tpu.vector_store %arg10[%swap3A_1158, %swap3A_1159], %mul3A_1157 {strides = array<i32>} : memref<80x128xf32, #tpu.memory_space<vmem>>, vector<16xf32>,
          %add3A_1161 = arith.constant 9 : i32
          %add3A_1162 = arith.addi %mul3A_308, %add3A_1161 : i32
          %broadcast_in_dim3A_1163 = arith.constant 16 : i32
          %broadcast_in_dim3A_1164 = vector.broadcast %broadcast_in_dim3A_1163 : i32 to vector<16xi32>
          %add3A_1165 = vector.broadcast %add3A_1162 : i32 to vector<16xi32>
          %add3A_1166 = arith.addi %broadcast_in_dim3A_1164, %add3A_1165 : vector<16xi32>
          %gather3A_1167 = tpu.vector_load_idx %arg16[%add3A_1166] : memref<96xf32, #tpu.memory_space<vmem>>[vector<16xi32>], vector<16xf32>,
          %get3A_1168 = arith.index_cast %add3A_1162 : i32 to index
          %get3A_1169 = arith.constant 0 : index
          %get3A_1170 = tpu.vector_load %arg10[%get3A_1168, %get3A_1169] {strides = array<i32>} : memref<80x128xf32, #tpu.memory_space<vmem>>, vector<16xf32>,
          %get3A_1171 = arith.index_cast %add3A_1162 : i32 to index
          %get3A_1172 = arith.constant 0 : index
          %get3A_1173 = tpu.vector_load %arg12[%get3A_1171, %get3A_1172] {strides = array<i32>} : memref<80x128xf32, #tpu.memory_space<vmem>>, vector<16xf32>,
          %sub3A_1174 = arith.subf %get3A_1170, %get3A_1173 : vector<16xf32>
          %mul3A_1175 = arith.mulf %sub3A_1174, %gather3A_1167 : vector<16xf32>
          %swap3A_1176 = arith.index_cast %add3A_1162 : i32 to index
          %swap3A_1177 = arith.constant 0 : index
          %swap3A_1178 = tpu.vector_load %arg10[%swap3A_1176, %swap3A_1177] {strides = array<i32>} : memref<80x128xf32, #tpu.memory_space<vmem>>, vector<16xf32>,
          tpu.vector_store %arg10[%swap3A_1176, %swap3A_1177], %mul3A_1175 {strides = array<i32>} : memref<80x128xf32, #tpu.memory_space<vmem>>, vector<16xf32>,
          %get3A_1179 = arith.index_cast %add3A_1162 : i32 to index
          %get3A_1180 = arith.constant 16 : index
          %get3A_1181 = tpu.vector_load %arg10[%get3A_1179, %get3A_1180] {strides = array<i32>} : memref<80x128xf32, #tpu.memory_space<vmem>>, vector<16xf32>,
          %get3A_1182 = arith.index_cast %add3A_1162 : i32 to index
          %get3A_1183 = arith.constant 16 : index
          %get3A_1184 = tpu.vector_load %arg12[%get3A_1182, %get3A_1183] {strides = array<i32>} : memref<80x128xf32, #tpu.memory_space<vmem>>, vector<16xf32>,
          %sub3A_1185 = arith.subf %get3A_1181, %get3A_1184 : vector<16xf32>
          %mul3A_1186 = arith.mulf %sub3A_1185, %gather3A_1167 : vector<16xf32>
          %swap3A_1187 = arith.index_cast %add3A_1162 : i32 to index
          %swap3A_1188 = arith.constant 16 : index
          %swap3A_1189 = tpu.vector_load %arg10[%swap3A_1187, %swap3A_1188] {strides = array<i32>} : memref<80x128xf32, #tpu.memory_space<vmem>>, vector<16xf32>,
          tpu.vector_store %arg10[%swap3A_1187, %swap3A_1188], %mul3A_1186 {strides = array<i32>} : memref<80x128xf32, #tpu.memory_space<vmem>>, vector<16xf32>,
          %get3A_1190 = arith.index_cast %add3A_1162 : i32 to index
          %get3A_1191 = arith.constant 32 : index
          %get3A_1192 = tpu.vector_load %arg10[%get3A_1190, %get3A_1191] {strides = array<i32>} : memref<80x128xf32, #tpu.memory_space<vmem>>, vector<16xf32>,
          %get3A_1193 = arith.index_cast %add3A_1162 : i32 to index
          %get3A_1194 = arith.constant 32 : index
          %get3A_1195 = tpu.vector_load %arg12[%get3A_1193, %get3A_1194] {strides = array<i32>} : memref<80x128xf32, #tpu.memory_space<vmem>>, vector<16xf32>,
          %sub3A_1196 = arith.subf %get3A_1192, %get3A_1195 : vector<16xf32>
          %mul3A_1197 = arith.mulf %sub3A_1196, %gather3A_1167 : vector<16xf32>
          %swap3A_1198 = arith.index_cast %add3A_1162 : i32 to index
          %swap3A_1199 = arith.constant 32 : index
          %swap3A_1200 = tpu.vector_load %arg10[%swap3A_1198, %swap3A_1199] {strides = array<i32>} : memref<80x128xf32, #tpu.memory_space<vmem>>, vector<16xf32>,
          tpu.vector_store %arg10[%swap3A_1198, %swap3A_1199], %mul3A_1197 {strides = array<i32>} : memref<80x128xf32, #tpu.memory_space<vmem>>, vector<16xf32>,
          %get3A_1201 = arith.index_cast %add3A_1162 : i32 to index
          %get3A_1202 = arith.constant 48 : index
          %get3A_1203 = tpu.vector_load %arg10[%get3A_1201, %get3A_1202] {strides = array<i32>} : memref<80x128xf32, #tpu.memory_space<vmem>>, vector<16xf32>,
          %get3A_1204 = arith.index_cast %add3A_1162 : i32 to index
          %get3A_1205 = arith.constant 48 : index
          %get3A_1206 = tpu.vector_load %arg12[%get3A_1204, %get3A_1205] {strides = array<i32>} : memref<80x128xf32, #tpu.memory_space<vmem>>, vector<16xf32>,
          %sub3A_1207 = arith.subf %get3A_1203, %get3A_1206 : vector<16xf32>
          %mul3A_1208 = arith.mulf %sub3A_1207, %gather3A_1167 : vector<16xf32>
          %swap3A_1209 = arith.index_cast %add3A_1162 : i32 to index
          %swap3A_1210 = arith.constant 48 : index
          %swap3A_1211 = tpu.vector_load %arg10[%swap3A_1209, %swap3A_1210] {strides = array<i32>} : memref<80x128xf32, #tpu.memory_space<vmem>>, vector<16xf32>,
          tpu.vector_store %arg10[%swap3A_1209, %swap3A_1210], %mul3A_1208 {strides = array<i32>} : memref<80x128xf32, #tpu.memory_space<vmem>>, vector<16xf32>,
          %get3A_1212 = arith.index_cast %add3A_1162 : i32 to index
          %get3A_1213 = arith.constant 64 : index
          %get3A_1214 = tpu.vector_load %arg10[%get3A_1212, %get3A_1213] {strides = array<i32>} : memref<80x128xf32, #tpu.memory_space<vmem>>, vector<16xf32>,
          %get3A_1215 = arith.index_cast %add3A_1162 : i32 to index
          %get3A_1216 = arith.constant 64 : index
          %get3A_1217 = tpu.vector_load %arg12[%get3A_1215, %get3A_1216] {strides = array<i32>} : memref<80x128xf32, #tpu.memory_space<vmem>>, vector<16xf32>,
          %sub3A_1218 = arith.subf %get3A_1214, %get3A_1217 : vector<16xf32>
          %mul3A_1219 = arith.mulf %sub3A_1218, %gather3A_1167 : vector<16xf32>
          %swap3A_1220 = arith.index_cast %add3A_1162 : i32 to index
          %swap3A_1221 = arith.constant 64 : index
          %swap3A_1222 = tpu.vector_load %arg10[%swap3A_1220, %swap3A_1221] {strides = array<i32>} : memref<80x128xf32, #tpu.memory_space<vmem>>, vector<16xf32>,
          tpu.vector_store %arg10[%swap3A_1220, %swap3A_1221], %mul3A_1219 {strides = array<i32>} : memref<80x128xf32, #tpu.memory_space<vmem>>, vector<16xf32>,
          %get3A_1223 = arith.index_cast %add3A_1162 : i32 to index
          %get3A_1224 = arith.constant 80 : index
          %get3A_1225 = tpu.vector_load %arg10[%get3A_1223, %get3A_1224] {strides = array<i32>} : memref<80x128xf32, #tpu.memory_space<vmem>>, vector<16xf32>,
          %get3A_1226 = arith.index_cast %add3A_1162 : i32 to index
          %get3A_1227 = arith.constant 80 : index
          %get3A_1228 = tpu.vector_load %arg12[%get3A_1226, %get3A_1227] {strides = array<i32>} : memref<80x128xf32, #tpu.memory_space<vmem>>, vector<16xf32>,
          %sub3A_1229 = arith.subf %get3A_1225, %get3A_1228 : vector<16xf32>
          %mul3A_1230 = arith.mulf %sub3A_1229, %gather3A_1167 : vector<16xf32>
          %swap3A_1231 = arith.index_cast %add3A_1162 : i32 to index
          %swap3A_1232 = arith.constant 80 : index
          %swap3A_1233 = tpu.vector_load %arg10[%swap3A_1231, %swap3A_1232] {strides = array<i32>} : memref<80x128xf32, #tpu.memory_space<vmem>>, vector<16xf32>,
          tpu.vector_store %arg10[%swap3A_1231, %swap3A_1232], %mul3A_1230 {strides = array<i32>} : memref<80x128xf32, #tpu.memory_space<vmem>>, vector<16xf32>,
          %get3A_1234 = arith.index_cast %add3A_1162 : i32 to index
          %get3A_1235 = arith.constant 96 : index
          %get3A_1236 = tpu.vector_load %arg10[%get3A_1234, %get3A_1235] {strides = array<i32>} : memref<80x128xf32, #tpu.memory_space<vmem>>, vector<16xf32>,
          %get3A_1237 = arith.index_cast %add3A_1162 : i32 to index
          %get3A_1238 = arith.constant 96 : index
          %get3A_1239 = tpu.vector_load %arg12[%get3A_1237, %get3A_1238] {strides = array<i32>} : memref<80x128xf32, #tpu.memory_space<vmem>>, vector<16xf32>,
          %sub3A_1240 = arith.subf %get3A_1236, %get3A_1239 : vector<16xf32>
          %mul3A_1241 = arith.mulf %sub3A_1240, %gather3A_1167 : vector<16xf32>
          %swap3A_1242 = arith.index_cast %add3A_1162 : i32 to index
          %swap3A_1243 = arith.constant 96 : index
          %swap3A_1244 = tpu.vector_load %arg10[%swap3A_1242, %swap3A_1243] {strides = array<i32>} : memref<80x128xf32, #tpu.memory_space<vmem>>, vector<16xf32>,
          tpu.vector_store %arg10[%swap3A_1242, %swap3A_1243], %mul3A_1241 {strides = array<i32>} : memref<80x128xf32, #tpu.memory_space<vmem>>, vector<16xf32>,
          %get3A_1245 = arith.index_cast %add3A_1162 : i32 to index
          %get3A_1246 = arith.constant 112 : index
          %get3A_1247 = tpu.vector_load %arg10[%get3A_1245, %get3A_1246] {strides = array<i32>} : memref<80x128xf32, #tpu.memory_space<vmem>>, vector<16xf32>,
          %get3A_1248 = arith.index_cast %add3A_1162 : i32 to index
          %get3A_1249 = arith.constant 112 : index
          %get3A_1250 = tpu.vector_load %arg12[%get3A_1248, %get3A_1249] {strides = array<i32>} : memref<80x128xf32, #tpu.memory_space<vmem>>, vector<16xf32>,
          %sub3A_1251 = arith.subf %get3A_1247, %get3A_1250 : vector<16xf32>
          %mul3A_1252 = arith.mulf %sub3A_1251, %gather3A_1167 : vector<16xf32>
          %swap3A_1253 = arith.index_cast %add3A_1162 : i32 to index
          %swap3A_1254 = arith.constant 112 : index
          %swap3A_1255 = tpu.vector_load %arg10[%swap3A_1253, %swap3A_1254] {strides = array<i32>} : memref<80x128xf32, #tpu.memory_space<vmem>>, vector<16xf32>,
          tpu.vector_store %arg10[%swap3A_1253, %swap3A_1254], %mul3A_1252 {strides = array<i32>} : memref<80x128xf32, #tpu.memory_space<vmem>>, vector<16xf32>,
          %add3A_1256 = arith.constant 10 : i32
          %add3A_1257 = arith.addi %mul3A_308, %add3A_1256 : i32
          %broadcast_in_dim3A_1258 = arith.constant 16 : i32
          %broadcast_in_dim3A_1259 = vector.broadcast %broadcast_in_dim3A_1258 : i32 to vector<16xi32>
          %add3A_1260 = vector.broadcast %add3A_1257 : i32 to vector<16xi32>
          %add3A_1261 = arith.addi %broadcast_in_dim3A_1259, %add3A_1260 : vector<16xi32>
          %gather3A_1262 = tpu.vector_load_idx %arg16[%add3A_1261] : memref<96xf32, #tpu.memory_space<vmem>>[vector<16xi32>], vector<16xf32>,
          %get3A_1263 = arith.index_cast %add3A_1257 : i32 to index
          %get3A_1264 = arith.constant 0 : index
          %get3A_1265 = tpu.vector_load %arg10[%get3A_1263, %get3A_1264] {strides = array<i32>} : memref<80x128xf32, #tpu.memory_space<vmem>>, vector<16xf32>,
          %get3A_1266 = arith.index_cast %add3A_1257 : i32 to index
          %get3A_1267 = arith.constant 0 : index
          %get3A_1268 = tpu.vector_load %arg12[%get3A_1266, %get3A_1267] {strides = array<i32>} : memref<80x128xf32, #tpu.memory_space<vmem>>, vector<16xf32>,
          %sub3A_1269 = arith.subf %get3A_1265, %get3A_1268 : vector<16xf32>
          %mul3A_1270 = arith.mulf %sub3A_1269, %gather3A_1262 : vector<16xf32>
          %swap3A_1271 = arith.index_cast %add3A_1257 : i32 to index
          %swap3A_1272 = arith.constant 0 : index
          %swap3A_1273 = tpu.vector_load %arg10[%swap3A_1271, %swap3A_1272] {strides = array<i32>} : memref<80x128xf32, #tpu.memory_space<vmem>>, vector<16xf32>,
          tpu.vector_store %arg10[%swap3A_1271, %swap3A_1272], %mul3A_1270 {strides = array<i32>} : memref<80x128xf32, #tpu.memory_space<vmem>>, vector<16xf32>,
          %get3A_1274 = arith.index_cast %add3A_1257 : i32 to index
          %get3A_1275 = arith.constant 16 : index
          %get3A_1276 = tpu.vector_load %arg10[%get3A_1274, %get3A_1275] {strides = array<i32>} : memref<80x128xf32, #tpu.memory_space<vmem>>, vector<16xf32>,
          %get3A_1277 = arith.index_cast %add3A_1257 : i32 to index
          %get3A_1278 = arith.constant 16 : index
          %get3A_1279 = tpu.vector_load %arg12[%get3A_1277, %get3A_1278] {strides = array<i32>} : memref<80x128xf32, #tpu.memory_space<vmem>>, vector<16xf32>,
          %sub3A_1280 = arith.subf %get3A_1276, %get3A_1279 : vector<16xf32>
          %mul3A_1281 = arith.mulf %sub3A_1280, %gather3A_1262 : vector<16xf32>
          %swap3A_1282 = arith.index_cast %add3A_1257 : i32 to index
          %swap3A_1283 = arith.constant 16 : index
          %swap3A_1284 = tpu.vector_load %arg10[%swap3A_1282, %swap3A_1283] {strides = array<i32>} : memref<80x128xf32, #tpu.memory_space<vmem>>, vector<16xf32>,
          tpu.vector_store %arg10[%swap3A_1282, %swap3A_1283], %mul3A_1281 {strides = array<i32>} : memref<80x128xf32, #tpu.memory_space<vmem>>, vector<16xf32>,
          %get3A_1285 = arith.index_cast %add3A_1257 : i32 to index
          %get3A_1286 = arith.constant 32 : index
          %get3A_1287 = tpu.vector_load %arg10[%get3A_1285, %get3A_1286] {strides = array<i32>} : memref<80x128xf32, #tpu.memory_space<vmem>>, vector<16xf32>,
          %get3A_1288 = arith.index_cast %add3A_1257 : i32 to index
          %get3A_1289 = arith.constant 32 : index
          %get3A_1290 = tpu.vector_load %arg12[%get3A_1288, %get3A_1289] {strides = array<i32>} : memref<80x128xf32, #tpu.memory_space<vmem>>, vector<16xf32>,
          %sub3A_1291 = arith.subf %get3A_1287, %get3A_1290 : vector<16xf32>
          %mul3A_1292 = arith.mulf %sub3A_1291, %gather3A_1262 : vector<16xf32>
          %swap3A_1293 = arith.index_cast %add3A_1257 : i32 to index
          %swap3A_1294 = arith.constant 32 : index
          %swap3A_1295 = tpu.vector_load %arg10[%swap3A_1293, %swap3A_1294] {strides = array<i32>} : memref<80x128xf32, #tpu.memory_space<vmem>>, vector<16xf32>,
          tpu.vector_store %arg10[%swap3A_1293, %swap3A_1294], %mul3A_1292 {strides = array<i32>} : memref<80x128xf32, #tpu.memory_space<vmem>>, vector<16xf32>,
          %get3A_1296 = arith.index_cast %add3A_1257 : i32 to index
          %get3A_1297 = arith.constant 48 : index
          %get3A_1298 = tpu.vector_load %arg10[%get3A_1296, %get3A_1297] {strides = array<i32>} : memref<80x128xf32, #tpu.memory_space<vmem>>, vector<16xf32>,
          %get3A_1299 = arith.index_cast %add3A_1257 : i32 to index
          %get3A_1300 = arith.constant 48 : index
          %get3A_1301 = tpu.vector_load %arg12[%get3A_1299, %get3A_1300] {strides = array<i32>} : memref<80x128xf32, #tpu.memory_space<vmem>>, vector<16xf32>,
          %sub3A_1302 = arith.subf %get3A_1298, %get3A_1301 : vector<16xf32>
          %mul3A_1303 = arith.mulf %sub3A_1302, %gather3A_1262 : vector<16xf32>
          %swap3A_1304 = arith.index_cast %add3A_1257 : i32 to index
          %swap3A_1305 = arith.constant 48 : index
          %swap3A_1306 = tpu.vector_load %arg10[%swap3A_1304, %swap3A_1305] {strides = array<i32>} : memref<80x128xf32, #tpu.memory_space<vmem>>, vector<16xf32>,
          tpu.vector_store %arg10[%swap3A_1304, %swap3A_1305], %mul3A_1303 {strides = array<i32>} : memref<80x128xf32, #tpu.memory_space<vmem>>, vector<16xf32>,
          %get3A_1307 = arith.index_cast %add3A_1257 : i32 to index
          %get3A_1308 = arith.constant 64 : index
          %get3A_1309 = tpu.vector_load %arg10[%get3A_1307, %get3A_1308] {strides = array<i32>} : memref<80x128xf32, #tpu.memory_space<vmem>>, vector<16xf32>,
          %get3A_1310 = arith.index_cast %add3A_1257 : i32 to index
          %get3A_1311 = arith.constant 64 : index
          %get3A_1312 = tpu.vector_load %arg12[%get3A_1310, %get3A_1311] {strides = array<i32>} : memref<80x128xf32, #tpu.memory_space<vmem>>, vector<16xf32>,
          %sub3A_1313 = arith.subf %get3A_1309, %get3A_1312 : vector<16xf32>
          %mul3A_1314 = arith.mulf %sub3A_1313, %gather3A_1262 : vector<16xf32>
          %swap3A_1315 = arith.index_cast %add3A_1257 : i32 to index
          %swap3A_1316 = arith.constant 64 : index
          %swap3A_1317 = tpu.vector_load %arg10[%swap3A_1315, %swap3A_1316] {strides = array<i32>} : memref<80x128xf32, #tpu.memory_space<vmem>>, vector<16xf32>,
          tpu.vector_store %arg10[%swap3A_1315, %swap3A_1316], %mul3A_1314 {strides = array<i32>} : memref<80x128xf32, #tpu.memory_space<vmem>>, vector<16xf32>,
          %get3A_1318 = arith.index_cast %add3A_1257 : i32 to index
          %get3A_1319 = arith.constant 80 : index
          %get3A_1320 = tpu.vector_load %arg10[%get3A_1318, %get3A_1319] {strides = array<i32>} : memref<80x128xf32, #tpu.memory_space<vmem>>, vector<16xf32>,
          %get3A_1321 = arith.index_cast %add3A_1257 : i32 to index
          %get3A_1322 = arith.constant 80 : index
          %get3A_1323 = tpu.vector_load %arg12[%get3A_1321, %get3A_1322] {strides = array<i32>} : memref<80x128xf32, #tpu.memory_space<vmem>>, vector<16xf32>,
          %sub3A_1324 = arith.subf %get3A_1320, %get3A_1323 : vector<16xf32>
          %mul3A_1325 = arith.mulf %sub3A_1324, %gather3A_1262 : vector<16xf32>
          %swap3A_1326 = arith.index_cast %add3A_1257 : i32 to index
          %swap3A_1327 = arith.constant 80 : index
          %swap3A_1328 = tpu.vector_load %arg10[%swap3A_1326, %swap3A_1327] {strides = array<i32>} : memref<80x128xf32, #tpu.memory_space<vmem>>, vector<16xf32>,
          tpu.vector_store %arg10[%swap3A_1326, %swap3A_1327], %mul3A_1325 {strides = array<i32>} : memref<80x128xf32, #tpu.memory_space<vmem>>, vector<16xf32>,
          %get3A_1329 = arith.index_cast %add3A_1257 : i32 to index
          %get3A_1330 = arith.constant 96 : index
          %get3A_1331 = tpu.vector_load %arg10[%get3A_1329, %get3A_1330] {strides = array<i32>} : memref<80x128xf32, #tpu.memory_space<vmem>>, vector<16xf32>,
          %get3A_1332 = arith.index_cast %add3A_1257 : i32 to index
          %get3A_1333 = arith.constant 96 : index
          %get3A_1334 = tpu.vector_load %arg12[%get3A_1332, %get3A_1333] {strides = array<i32>} : memref<80x128xf32, #tpu.memory_space<vmem>>, vector<16xf32>,
          %sub3A_1335 = arith.subf %get3A_1331, %get3A_1334 : vector<16xf32>
          %mul3A_1336 = arith.mulf %sub3A_1335, %gather3A_1262 : vector<16xf32>
          %swap3A_1337 = arith.index_cast %add3A_1257 : i32 to index
          %swap3A_1338 = arith.constant 96 : index
          %swap3A_1339 = tpu.vector_load %arg10[%swap3A_1337, %swap3A_1338] {strides = array<i32>} : memref<80x128xf32, #tpu.memory_space<vmem>>, vector<16xf32>,
          tpu.vector_store %arg10[%swap3A_1337, %swap3A_1338], %mul3A_1336 {strides = array<i32>} : memref<80x128xf32, #tpu.memory_space<vmem>>, vector<16xf32>,
          %get3A_1340 = arith.index_cast %add3A_1257 : i32 to index
          %get3A_1341 = arith.constant 112 : index
          %get3A_1342 = tpu.vector_load %arg10[%get3A_1340, %get3A_1341] {strides = array<i32>} : memref<80x128xf32, #tpu.memory_space<vmem>>, vector<16xf32>,
          %get3A_1343 = arith.index_cast %add3A_1257 : i32 to index
          %get3A_1344 = arith.constant 112 : index
          %get3A_1345 = tpu.vector_load %arg12[%get3A_1343, %get3A_1344] {strides = array<i32>} : memref<80x128xf32, #tpu.memory_space<vmem>>, vector<16xf32>,
          %sub3A_1346 = arith.subf %get3A_1342, %get3A_1345 : vector<16xf32>
          %mul3A_1347 = arith.mulf %sub3A_1346, %gather3A_1262 : vector<16xf32>
          %swap3A_1348 = arith.index_cast %add3A_1257 : i32 to index
          %swap3A_1349 = arith.constant 112 : index
          %swap3A_1350 = tpu.vector_load %arg10[%swap3A_1348, %swap3A_1349] {strides = array<i32>} : memref<80x128xf32, #tpu.memory_space<vmem>>, vector<16xf32>,
          tpu.vector_store %arg10[%swap3A_1348, %swap3A_1349], %mul3A_1347 {strides = array<i32>} : memref<80x128xf32, #tpu.memory_space<vmem>>, vector<16xf32>,
          %add3A_1351 = arith.constant 11 : i32
          %add3A_1352 = arith.addi %mul3A_308, %add3A_1351 : i32
          %broadcast_in_dim3A_1353 = arith.constant 16 : i32
          %broadcast_in_dim3A_1354 = vector.broadcast %broadcast_in_dim3A_1353 : i32 to vector<16xi32>
          %add3A_1355 = vector.broadcast %add3A_1352 : i32 to vector<16xi32>
          %add3A_1356 = arith.addi %broadcast_in_dim3A_1354, %add3A_1355 : vector<16xi32>
          %gather3A_1357 = tpu.vector_load_idx %arg16[%add3A_1356] : memref<96xf32, #tpu.memory_space<vmem>>[vector<16xi32>], vector<16xf32>,
          %get3A_1358 = arith.index_cast %add3A_1352 : i32 to index
          %get3A_1359 = arith.constant 0 : index
          %get3A_1360 = tpu.vector_load %arg10[%get3A_1358, %get3A_1359] {strides = array<i32>} : memref<80x128xf32, #tpu.memory_space<vmem>>, vector<16xf32>,
          %get3A_1361 = arith.index_cast %add3A_1352 : i32 to index
          %get3A_1362 = arith.constant 0 : index
          %get3A_1363 = tpu.vector_load %arg12[%get3A_1361, %get3A_1362] {strides = array<i32>} : memref<80x128xf32, #tpu.memory_space<vmem>>, vector<16xf32>,
          %sub3A_1364 = arith.subf %get3A_1360, %get3A_1363 : vector<16xf32>
          %mul3A_1365 = arith.mulf %sub3A_1364, %gather3A_1357 : vector<16xf32>
          %swap3A_1366 = arith.index_cast %add3A_1352 : i32 to index
          %swap3A_1367 = arith.constant 0 : index
          %swap3A_1368 = tpu.vector_load %arg10[%swap3A_1366, %swap3A_1367] {strides = array<i32>} : memref<80x128xf32, #tpu.memory_space<vmem>>, vector<16xf32>,
          tpu.vector_store %arg10[%swap3A_1366, %swap3A_1367], %mul3A_1365 {strides = array<i32>} : memref<80x128xf32, #tpu.memory_space<vmem>>, vector<16xf32>,
          %get3A_1369 = arith.index_cast %add3A_1352 : i32 to index
          %get3A_1370 = arith.constant 16 : index
          %get3A_1371 = tpu.vector_load %arg10[%get3A_1369, %get3A_1370] {strides = array<i32>} : memref<80x128xf32, #tpu.memory_space<vmem>>, vector<16xf32>,
          %get3A_1372 = arith.index_cast %add3A_1352 : i32 to index
          %get3A_1373 = arith.constant 16 : index
          %get3A_1374 = tpu.vector_load %arg12[%get3A_1372, %get3A_1373] {strides = array<i32>} : memref<80x128xf32, #tpu.memory_space<vmem>>, vector<16xf32>,
          %sub3A_1375 = arith.subf %get3A_1371, %get3A_1374 : vector<16xf32>
          %mul3A_1376 = arith.mulf %sub3A_1375, %gather3A_1357 : vector<16xf32>
          %swap3A_1377 = arith.index_cast %add3A_1352 : i32 to index
          %swap3A_1378 = arith.constant 16 : index
          %swap3A_1379 = tpu.vector_load %arg10[%swap3A_1377, %swap3A_1378] {strides = array<i32>} : memref<80x128xf32, #tpu.memory_space<vmem>>, vector<16xf32>,
          tpu.vector_store %arg10[%swap3A_1377, %swap3A_1378], %mul3A_1376 {strides = array<i32>} : memref<80x128xf32, #tpu.memory_space<vmem>>, vector<16xf32>,
          %get3A_1380 = arith.index_cast %add3A_1352 : i32 to index
          %get3A_1381 = arith.constant 32 : index
          %get3A_1382 = tpu.vector_load %arg10[%get3A_1380, %get3A_1381] {strides = array<i32>} : memref<80x128xf32, #tpu.memory_space<vmem>>, vector<16xf32>,
          %get3A_1383 = arith.index_cast %add3A_1352 : i32 to index
          %get3A_1384 = arith.constant 32 : index
          %get3A_1385 = tpu.vector_load %arg12[%get3A_1383, %get3A_1384] {strides = array<i32>} : memref<80x128xf32, #tpu.memory_space<vmem>>, vector<16xf32>,
          %sub3A_1386 = arith.subf %get3A_1382, %get3A_1385 : vector<16xf32>
          %mul3A_1387 = arith.mulf %sub3A_1386, %gather3A_1357 : vector<16xf32>
          %swap3A_1388 = arith.index_cast %add3A_1352 : i32 to index
          %swap3A_1389 = arith.constant 32 : index
          %swap3A_1390 = tpu.vector_load %arg10[%swap3A_1388, %swap3A_1389] {strides = array<i32>} : memref<80x128xf32, #tpu.memory_space<vmem>>, vector<16xf32>,
          tpu.vector_store %arg10[%swap3A_1388, %swap3A_1389], %mul3A_1387 {strides = array<i32>} : memref<80x128xf32, #tpu.memory_space<vmem>>, vector<16xf32>,
          %get3A_1391 = arith.index_cast %add3A_1352 : i32 to index
          %get3A_1392 = arith.constant 48 : index
          %get3A_1393 = tpu.vector_load %arg10[%get3A_1391, %get3A_1392] {strides = array<i32>} : memref<80x128xf32, #tpu.memory_space<vmem>>, vector<16xf32>,
          %get3A_1394 = arith.index_cast %add3A_1352 : i32 to index
          %get3A_1395 = arith.constant 48 : index
          %get3A_1396 = tpu.vector_load %arg12[%get3A_1394, %get3A_1395] {strides = array<i32>} : memref<80x128xf32, #tpu.memory_space<vmem>>, vector<16xf32>,
          %sub3A_1397 = arith.subf %get3A_1393, %get3A_1396 : vector<16xf32>
          %mul3A_1398 = arith.mulf %sub3A_1397, %gather3A_1357 : vector<16xf32>
          %swap3A_1399 = arith.index_cast %add3A_1352 : i32 to index
          %swap3A_1400 = arith.constant 48 : index
          %swap3A_1401 = tpu.vector_load %arg10[%swap3A_1399, %swap3A_1400] {strides = array<i32>} : memref<80x128xf32, #tpu.memory_space<vmem>>, vector<16xf32>,
          tpu.vector_store %arg10[%swap3A_1399, %swap3A_1400], %mul3A_1398 {strides = array<i32>} : memref<80x128xf32, #tpu.memory_space<vmem>>, vector<16xf32>,
          %get3A_1402 = arith.index_cast %add3A_1352 : i32 to index
          %get3A_1403 = arith.constant 64 : index
          %get3A_1404 = tpu.vector_load %arg10[%get3A_1402, %get3A_1403] {strides = array<i32>} : memref<80x128xf32, #tpu.memory_space<vmem>>, vector<16xf32>,
          %get3A_1405 = arith.index_cast %add3A_1352 : i32 to index
          %get3A_1406 = arith.constant 64 : index
          %get3A_1407 = tpu.vector_load %arg12[%get3A_1405, %get3A_1406] {strides = array<i32>} : memref<80x128xf32, #tpu.memory_space<vmem>>, vector<16xf32>,
          %sub3A_1408 = arith.subf %get3A_1404, %get3A_1407 : vector<16xf32>
          %mul3A_1409 = arith.mulf %sub3A_1408, %gather3A_1357 : vector<16xf32>
          %swap3A_1410 = arith.index_cast %add3A_1352 : i32 to index
          %swap3A_1411 = arith.constant 64 : index
          %swap3A_1412 = tpu.vector_load %arg10[%swap3A_1410, %swap3A_1411] {strides = array<i32>} : memref<80x128xf32, #tpu.memory_space<vmem>>, vector<16xf32>,
          tpu.vector_store %arg10[%swap3A_1410, %swap3A_1411], %mul3A_1409 {strides = array<i32>} : memref<80x128xf32, #tpu.memory_space<vmem>>, vector<16xf32>,
          %get3A_1413 = arith.index_cast %add3A_1352 : i32 to index
          %get3A_1414 = arith.constant 80 : index
          %get3A_1415 = tpu.vector_load %arg10[%get3A_1413, %get3A_1414] {strides = array<i32>} : memref<80x128xf32, #tpu.memory_space<vmem>>, vector<16xf32>,
          %get3A_1416 = arith.index_cast %add3A_1352 : i32 to index
          %get3A_1417 = arith.constant 80 : index
          %get3A_1418 = tpu.vector_load %arg12[%get3A_1416, %get3A_1417] {strides = array<i32>} : memref<80x128xf32, #tpu.memory_space<vmem>>, vector<16xf32>,
          %sub3A_1419 = arith.subf %get3A_1415, %get3A_1418 : vector<16xf32>
          %mul3A_1420 = arith.mulf %sub3A_1419, %gather3A_1357 : vector<16xf32>
          %swap3A_1421 = arith.index_cast %add3A_1352 : i32 to index
          %swap3A_1422 = arith.constant 80 : index
          %swap3A_1423 = tpu.vector_load %arg10[%swap3A_1421, %swap3A_1422] {strides = array<i32>} : memref<80x128xf32, #tpu.memory_space<vmem>>, vector<16xf32>,
          tpu.vector_store %arg10[%swap3A_1421, %swap3A_1422], %mul3A_1420 {strides = array<i32>} : memref<80x128xf32, #tpu.memory_space<vmem>>, vector<16xf32>,
          %get3A_1424 = arith.index_cast %add3A_1352 : i32 to index
          %get3A_1425 = arith.constant 96 : index
          %get3A_1426 = tpu.vector_load %arg10[%get3A_1424, %get3A_1425] {strides = array<i32>} : memref<80x128xf32, #tpu.memory_space<vmem>>, vector<16xf32>,
          %get3A_1427 = arith.index_cast %add3A_1352 : i32 to index
          %get3A_1428 = arith.constant 96 : index
          %get3A_1429 = tpu.vector_load %arg12[%get3A_1427, %get3A_1428] {strides = array<i32>} : memref<80x128xf32, #tpu.memory_space<vmem>>, vector<16xf32>,
          %sub3A_1430 = arith.subf %get3A_1426, %get3A_1429 : vector<16xf32>
          %mul3A_1431 = arith.mulf %sub3A_1430, %gather3A_1357 : vector<16xf32>
          %swap3A_1432 = arith.index_cast %add3A_1352 : i32 to index
          %swap3A_1433 = arith.constant 96 : index
          %swap3A_1434 = tpu.vector_load %arg10[%swap3A_1432, %swap3A_1433] {strides = array<i32>} : memref<80x128xf32, #tpu.memory_space<vmem>>, vector<16xf32>,
          tpu.vector_store %arg10[%swap3A_1432, %swap3A_1433], %mul3A_1431 {strides = array<i32>} : memref<80x128xf32, #tpu.memory_space<vmem>>, vector<16xf32>,
          %get3A_1435 = arith.index_cast %add3A_1352 : i32 to index
          %get3A_1436 = arith.constant 112 : index
          %get3A_1437 = tpu.vector_load %arg10[%get3A_1435, %get3A_1436] {strides = array<i32>} : memref<80x128xf32, #tpu.memory_space<vmem>>, vector<16xf32>,
          %get3A_1438 = arith.index_cast %add3A_1352 : i32 to index
          %get3A_1439 = arith.constant 112 : index
          %get3A_1440 = tpu.vector_load %arg12[%get3A_1438, %get3A_1439] {strides = array<i32>} : memref<80x128xf32, #tpu.memory_space<vmem>>, vector<16xf32>,
          %sub3A_1441 = arith.subf %get3A_1437, %get3A_1440 : vector<16xf32>
          %mul3A_1442 = arith.mulf %sub3A_1441, %gather3A_1357 : vector<16xf32>
          %swap3A_1443 = arith.index_cast %add3A_1352 : i32 to index
          %swap3A_1444 = arith.constant 112 : index
          %swap3A_1445 = tpu.vector_load %arg10[%swap3A_1443, %swap3A_1444] {strides = array<i32>} : memref<80x128xf32, #tpu.memory_space<vmem>>, vector<16xf32>,
          tpu.vector_store %arg10[%swap3A_1443, %swap3A_1444], %mul3A_1442 {strides = array<i32>} : memref<80x128xf32, #tpu.memory_space<vmem>>, vector<16xf32>,
          %add3A_1446 = arith.constant 12 : i32
          %add3A_1447 = arith.addi %mul3A_308, %add3A_1446 : i32
          %broadcast_in_dim3A_1448 = arith.constant 16 : i32
          %broadcast_in_dim3A_1449 = vector.broadcast %broadcast_in_dim3A_1448 : i32 to vector<16xi32>
          %add3A_1450 = vector.broadcast %add3A_1447 : i32 to vector<16xi32>
          %add3A_1451 = arith.addi %broadcast_in_dim3A_1449, %add3A_1450 : vector<16xi32>
          %gather3A_1452 = tpu.vector_load_idx %arg16[%add3A_1451] : memref<96xf32, #tpu.memory_space<vmem>>[vector<16xi32>], vector<16xf32>,
          %get3A_1453 = arith.index_cast %add3A_1447 : i32 to index
          %get3A_1454 = arith.constant 0 : index
          %get3A_1455 = tpu.vector_load %arg10[%get3A_1453, %get3A_1454] {strides = array<i32>} : memref<80x128xf32, #tpu.memory_space<vmem>>, vector<16xf32>,
          %get3A_1456 = arith.index_cast %add3A_1447 : i32 to index
          %get3A_1457 = arith.constant 0 : index
          %get3A_1458 = tpu.vector_load %arg12[%get3A_1456, %get3A_1457] {strides = array<i32>} : memref<80x128xf32, #tpu.memory_space<vmem>>, vector<16xf32>,
          %sub3A_1459 = arith.subf %get3A_1455, %get3A_1458 : vector<16xf32>
          %mul3A_1460 = arith.mulf %sub3A_1459, %gather3A_1452 : vector<16xf32>
          %swap3A_1461 = arith.index_cast %add3A_1447 : i32 to index
          %swap3A_1462 = arith.constant 0 : index
          %swap3A_1463 = tpu.vector_load %arg10[%swap3A_1461, %swap3A_1462] {strides = array<i32>} : memref<80x128xf32, #tpu.memory_space<vmem>>, vector<16xf32>,
          tpu.vector_store %arg10[%swap3A_1461, %swap3A_1462], %mul3A_1460 {strides = array<i32>} : memref<80x128xf32, #tpu.memory_space<vmem>>, vector<16xf32>,
          %get3A_1464 = arith.index_cast %add3A_1447 : i32 to index
          %get3A_1465 = arith.constant 16 : index
          %get3A_1466 = tpu.vector_load %arg10[%get3A_1464, %get3A_1465] {strides = array<i32>} : memref<80x128xf32, #tpu.memory_space<vmem>>, vector<16xf32>,
          %get3A_1467 = arith.index_cast %add3A_1447 : i32 to index
          %get3A_1468 = arith.constant 16 : index
          %get3A_1469 = tpu.vector_load %arg12[%get3A_1467, %get3A_1468] {strides = array<i32>} : memref<80x128xf32, #tpu.memory_space<vmem>>, vector<16xf32>,
          %sub3A_1470 = arith.subf %get3A_1466, %get3A_1469 : vector<16xf32>
          %mul3A_1471 = arith.mulf %sub3A_1470, %gather3A_1452 : vector<16xf32>
          %swap3A_1472 = arith.index_cast %add3A_1447 : i32 to index
          %swap3A_1473 = arith.constant 16 : index
          %swap3A_1474 = tpu.vector_load %arg10[%swap3A_1472, %swap3A_1473] {strides = array<i32>} : memref<80x128xf32, #tpu.memory_space<vmem>>, vector<16xf32>,
          tpu.vector_store %arg10[%swap3A_1472, %swap3A_1473], %mul3A_1471 {strides = array<i32>} : memref<80x128xf32, #tpu.memory_space<vmem>>, vector<16xf32>,
          %get3A_1475 = arith.index_cast %add3A_1447 : i32 to index
          %get3A_1476 = arith.constant 32 : index
          %get3A_1477 = tpu.vector_load %arg10[%get3A_1475, %get3A_1476] {strides = array<i32>} : memref<80x128xf32, #tpu.memory_space<vmem>>, vector<16xf32>,
          %get3A_1478 = arith.index_cast %add3A_1447 : i32 to index
          %get3A_1479 = arith.constant 32 : index
          %get3A_1480 = tpu.vector_load %arg12[%get3A_1478, %get3A_1479] {strides = array<i32>} : memref<80x128xf32, #tpu.memory_space<vmem>>, vector<16xf32>,
          %sub3A_1481 = arith.subf %get3A_1477, %get3A_1480 : vector<16xf32>
          %mul3A_1482 = arith.mulf %sub3A_1481, %gather3A_1452 : vector<16xf32>
          %swap3A_1483 = arith.index_cast %add3A_1447 : i32 to index
          %swap3A_1484 = arith.constant 32 : index
          %swap3A_1485 = tpu.vector_load %arg10[%swap3A_1483, %swap3A_1484] {strides = array<i32>} : memref<80x128xf32, #tpu.memory_space<vmem>>, vector<16xf32>,
          tpu.vector_store %arg10[%swap3A_1483, %swap3A_1484], %mul3A_1482 {strides = array<i32>} : memref<80x128xf32, #tpu.memory_space<vmem>>, vector<16xf32>,
          %get3A_1486 = arith.index_cast %add3A_1447 : i32 to index
          %get3A_1487 = arith.constant 48 : index
          %get3A_1488 = tpu.vector_load %arg10[%get3A_1486, %get3A_1487] {strides = array<i32>} : memref<80x128xf32, #tpu.memory_space<vmem>>, vector<16xf32>,
          %get3A_1489 = arith.index_cast %add3A_1447 : i32 to index
          %get3A_1490 = arith.constant 48 : index
          %get3A_1491 = tpu.vector_load %arg12[%get3A_1489, %get3A_1490] {strides = array<i32>} : memref<80x128xf32, #tpu.memory_space<vmem>>, vector<16xf32>,
          %sub3A_1492 = arith.subf %get3A_1488, %get3A_1491 : vector<16xf32>
          %mul3A_1493 = arith.mulf %sub3A_1492, %gather3A_1452 : vector<16xf32>
          %swap3A_1494 = arith.index_cast %add3A_1447 : i32 to index
          %swap3A_1495 = arith.constant 48 : index
          %swap3A_1496 = tpu.vector_load %arg10[%swap3A_1494, %swap3A_1495] {strides = array<i32>} : memref<80x128xf32, #tpu.memory_space<vmem>>, vector<16xf32>,
          tpu.vector_store %arg10[%swap3A_1494, %swap3A_1495], %mul3A_1493 {strides = array<i32>} : memref<80x128xf32, #tpu.memory_space<vmem>>, vector<16xf32>,
          %get3A_1497 = arith.index_cast %add3A_1447 : i32 to index
          %get3A_1498 = arith.constant 64 : index
          %get3A_1499 = tpu.vector_load %arg10[%get3A_1497, %get3A_1498] {strides = array<i32>} : memref<80x128xf32, #tpu.memory_space<vmem>>, vector<16xf32>,
          %get3A_1500 = arith.index_cast %add3A_1447 : i32 to index
          %get3A_1501 = arith.constant 64 : index
          %get3A_1502 = tpu.vector_load %arg12[%get3A_1500, %get3A_1501] {strides = array<i32>} : memref<80x128xf32, #tpu.memory_space<vmem>>, vector<16xf32>,
          %sub3A_1503 = arith.subf %get3A_1499, %get3A_1502 : vector<16xf32>
          %mul3A_1504 = arith.mulf %sub3A_1503, %gather3A_1452 : vector<16xf32>
          %swap3A_1505 = arith.index_cast %add3A_1447 : i32 to index
          %swap3A_1506 = arith.constant 64 : index
          %swap3A_1507 = tpu.vector_load %arg10[%swap3A_1505, %swap3A_1506] {strides = array<i32>} : memref<80x128xf32, #tpu.memory_space<vmem>>, vector<16xf32>,
          tpu.vector_store %arg10[%swap3A_1505, %swap3A_1506], %mul3A_1504 {strides = array<i32>} : memref<80x128xf32, #tpu.memory_space<vmem>>, vector<16xf32>,
          %get3A_1508 = arith.index_cast %add3A_1447 : i32 to index
          %get3A_1509 = arith.constant 80 : index
          %get3A_1510 = tpu.vector_load %arg10[%get3A_1508, %get3A_1509] {strides = array<i32>} : memref<80x128xf32, #tpu.memory_space<vmem>>, vector<16xf32>,
          %get3A_1511 = arith.index_cast %add3A_1447 : i32 to index
          %get3A_1512 = arith.constant 80 : index
          %get3A_1513 = tpu.vector_load %arg12[%get3A_1511, %get3A_1512] {strides = array<i32>} : memref<80x128xf32, #tpu.memory_space<vmem>>, vector<16xf32>,
          %sub3A_1514 = arith.subf %get3A_1510, %get3A_1513 : vector<16xf32>
          %mul3A_1515 = arith.mulf %sub3A_1514, %gather3A_1452 : vector<16xf32>
          %swap3A_1516 = arith.index_cast %add3A_1447 : i32 to index
          %swap3A_1517 = arith.constant 80 : index
          %swap3A_1518 = tpu.vector_load %arg10[%swap3A_1516, %swap3A_1517] {strides = array<i32>} : memref<80x128xf32, #tpu.memory_space<vmem>>, vector<16xf32>,
          tpu.vector_store %arg10[%swap3A_1516, %swap3A_1517], %mul3A_1515 {strides = array<i32>} : memref<80x128xf32, #tpu.memory_space<vmem>>, vector<16xf32>,
          %get3A_1519 = arith.index_cast %add3A_1447 : i32 to index
          %get3A_1520 = arith.constant 96 : index
          %get3A_1521 = tpu.vector_load %arg10[%get3A_1519, %get3A_1520] {strides = array<i32>} : memref<80x128xf32, #tpu.memory_space<vmem>>, vector<16xf32>,
          %get3A_1522 = arith.index_cast %add3A_1447 : i32 to index
          %get3A_1523 = arith.constant 96 : index
          %get3A_1524 = tpu.vector_load %arg12[%get3A_1522, %get3A_1523] {strides = array<i32>} : memref<80x128xf32, #tpu.memory_space<vmem>>, vector<16xf32>,
          %sub3A_1525 = arith.subf %get3A_1521, %get3A_1524 : vector<16xf32>
          %mul3A_1526 = arith.mulf %sub3A_1525, %gather3A_1452 : vector<16xf32>
          %swap3A_1527 = arith.index_cast %add3A_1447 : i32 to index
          %swap3A_1528 = arith.constant 96 : index
          %swap3A_1529 = tpu.vector_load %arg10[%swap3A_1527, %swap3A_1528] {strides = array<i32>} : memref<80x128xf32, #tpu.memory_space<vmem>>, vector<16xf32>,
          tpu.vector_store %arg10[%swap3A_1527, %swap3A_1528], %mul3A_1526 {strides = array<i32>} : memref<80x128xf32, #tpu.memory_space<vmem>>, vector<16xf32>,
          %get3A_1530 = arith.index_cast %add3A_1447 : i32 to index
          %get3A_1531 = arith.constant 112 : index
          %get3A_1532 = tpu.vector_load %arg10[%get3A_1530, %get3A_1531] {strides = array<i32>} : memref<80x128xf32, #tpu.memory_space<vmem>>, vector<16xf32>,
          %get3A_1533 = arith.index_cast %add3A_1447 : i32 to index
          %get3A_1534 = arith.constant 112 : index
          %get3A_1535 = tpu.vector_load %arg12[%get3A_1533, %get3A_1534] {strides = array<i32>} : memref<80x128xf32, #tpu.memory_space<vmem>>, vector<16xf32>,
          %sub3A_1536 = arith.subf %get3A_1532, %get3A_1535 : vector<16xf32>
          %mul3A_1537 = arith.mulf %sub3A_1536, %gather3A_1452 : vector<16xf32>
          %swap3A_1538 = arith.index_cast %add3A_1447 : i32 to index
          %swap3A_1539 = arith.constant 112 : index
          %swap3A_1540 = tpu.vector_load %arg10[%swap3A_1538, %swap3A_1539] {strides = array<i32>} : memref<80x128xf32, #tpu.memory_space<vmem>>, vector<16xf32>,
          tpu.vector_store %arg10[%swap3A_1538, %swap3A_1539], %mul3A_1537 {strides = array<i32>} : memref<80x128xf32, #tpu.memory_space<vmem>>, vector<16xf32>,
          %add3A_1541 = arith.constant 13 : i32
          %add3A_1542 = arith.addi %mul3A_308, %add3A_1541 : i32
          %broadcast_in_dim3A_1543 = arith.constant 16 : i32
          %broadcast_in_dim3A_1544 = vector.broadcast %broadcast_in_dim3A_1543 : i32 to vector<16xi32>
          %add3A_1545 = vector.broadcast %add3A_1542 : i32 to vector<16xi32>
          %add3A_1546 = arith.addi %broadcast_in_dim3A_1544, %add3A_1545 : vector<16xi32>
          %gather3A_1547 = tpu.vector_load_idx %arg16[%add3A_1546] : memref<96xf32, #tpu.memory_space<vmem>>[vector<16xi32>], vector<16xf32>,
          %get3A_1548 = arith.index_cast %add3A_1542 : i32 to index
          %get3A_1549 = arith.constant 0 : index
          %get3A_1550 = tpu.vector_load %arg10[%get3A_1548, %get3A_1549] {strides = array<i32>} : memref<80x128xf32, #tpu.memory_space<vmem>>, vector<16xf32>,
          %get3A_1551 = arith.index_cast %add3A_1542 : i32 to index
          %get3A_1552 = arith.constant 0 : index
          %get3A_1553 = tpu.vector_load %arg12[%get3A_1551, %get3A_1552] {strides = array<i32>} : memref<80x128xf32, #tpu.memory_space<vmem>>, vector<16xf32>,
          %sub3A_1554 = arith.subf %get3A_1550, %get3A_1553 : vector<16xf32>
          %mul3A_1555 = arith.mulf %sub3A_1554, %gather3A_1547 : vector<16xf32>
          %swap3A_1556 = arith.index_cast %add3A_1542 : i32 to index
          %swap3A_1557 = arith.constant 0 : index
          %swap3A_1558 = tpu.vector_load %arg10[%swap3A_1556, %swap3A_1557] {strides = array<i32>} : memref<80x128xf32, #tpu.memory_space<vmem>>, vector<16xf32>,
          tpu.vector_store %arg10[%swap3A_1556, %swap3A_1557], %mul3A_1555 {strides = array<i32>} : memref<80x128xf32, #tpu.memory_space<vmem>>, vector<16xf32>,
          %get3A_1559 = arith.index_cast %add3A_1542 : i32 to index
          %get3A_1560 = arith.constant 16 : index
          %get3A_1561 = tpu.vector_load %arg10[%get3A_1559, %get3A_1560] {strides = array<i32>} : memref<80x128xf32, #tpu.memory_space<vmem>>, vector<16xf32>,
          %get3A_1562 = arith.index_cast %add3A_1542 : i32 to index
          %get3A_1563 = arith.constant 16 : index
          %get3A_1564 = tpu.vector_load %arg12[%get3A_1562, %get3A_1563] {strides = array<i32>} : memref<80x128xf32, #tpu.memory_space<vmem>>, vector<16xf32>,
          %sub3A_1565 = arith.subf %get3A_1561, %get3A_1564 : vector<16xf32>
          %mul3A_1566 = arith.mulf %sub3A_1565, %gather3A_1547 : vector<16xf32>
          %swap3A_1567 = arith.index_cast %add3A_1542 : i32 to index
          %swap3A_1568 = arith.constant 16 : index
          %swap3A_1569 = tpu.vector_load %arg10[%swap3A_1567, %swap3A_1568] {strides = array<i32>} : memref<80x128xf32, #tpu.memory_space<vmem>>, vector<16xf32>,
          tpu.vector_store %arg10[%swap3A_1567, %swap3A_1568], %mul3A_1566 {strides = array<i32>} : memref<80x128xf32, #tpu.memory_space<vmem>>, vector<16xf32>,
          %get3A_1570 = arith.index_cast %add3A_1542 : i32 to index
          %get3A_1571 = arith.constant 32 : index
          %get3A_1572 = tpu.vector_load %arg10[%get3A_1570, %get3A_1571] {strides = array<i32>} : memref<80x128xf32, #tpu.memory_space<vmem>>, vector<16xf32>,
          %get3A_1573 = arith.index_cast %add3A_1542 : i32 to index
          %get3A_1574 = arith.constant 32 : index
          %get3A_1575 = tpu.vector_load %arg12[%get3A_1573, %get3A_1574] {strides = array<i32>} : memref<80x128xf32, #tpu.memory_space<vmem>>, vector<16xf32>,
          %sub3A_1576 = arith.subf %get3A_1572, %get3A_1575 : vector<16xf32>
          %mul3A_1577 = arith.mulf %sub3A_1576, %gather3A_1547 : vector<16xf32>
          %swap3A_1578 = arith.index_cast %add3A_1542 : i32 to index
          %swap3A_1579 = arith.constant 32 : index
          %swap3A_1580 = tpu.vector_load %arg10[%swap3A_1578, %swap3A_1579] {strides = array<i32>} : memref<80x128xf32, #tpu.memory_space<vmem>>, vector<16xf32>,
          tpu.vector_store %arg10[%swap3A_1578, %swap3A_1579], %mul3A_1577 {strides = array<i32>} : memref<80x128xf32, #tpu.memory_space<vmem>>, vector<16xf32>,
          %get3A_1581 = arith.index_cast %add3A_1542 : i32 to index
          %get3A_1582 = arith.constant 48 : index
          %get3A_1583 = tpu.vector_load %arg10[%get3A_1581, %get3A_1582] {strides = array<i32>} : memref<80x128xf32, #tpu.memory_space<vmem>>, vector<16xf32>,
          %get3A_1584 = arith.index_cast %add3A_1542 : i32 to index
          %get3A_1585 = arith.constant 48 : index
          %get3A_1586 = tpu.vector_load %arg12[%get3A_1584, %get3A_1585] {strides = array<i32>} : memref<80x128xf32, #tpu.memory_space<vmem>>, vector<16xf32>,
          %sub3A_1587 = arith.subf %get3A_1583, %get3A_1586 : vector<16xf32>
          %mul3A_1588 = arith.mulf %sub3A_1587, %gather3A_1547 : vector<16xf32>
          %swap3A_1589 = arith.index_cast %add3A_1542 : i32 to index
          %swap3A_1590 = arith.constant 48 : index
          %swap3A_1591 = tpu.vector_load %arg10[%swap3A_1589, %swap3A_1590] {strides = array<i32>} : memref<80x128xf32, #tpu.memory_space<vmem>>, vector<16xf32>,
          tpu.vector_store %arg10[%swap3A_1589, %swap3A_1590], %mul3A_1588 {strides = array<i32>} : memref<80x128xf32, #tpu.memory_space<vmem>>, vector<16xf32>,
          %get3A_1592 = arith.index_cast %add3A_1542 : i32 to index
          %get3A_1593 = arith.constant 64 : index
          %get3A_1594 = tpu.vector_load %arg10[%get3A_1592, %get3A_1593] {strides = array<i32>} : memref<80x128xf32, #tpu.memory_space<vmem>>, vector<16xf32>,
          %get3A_1595 = arith.index_cast %add3A_1542 : i32 to index
          %get3A_1596 = arith.constant 64 : index
          %get3A_1597 = tpu.vector_load %arg12[%get3A_1595, %get3A_1596] {strides = array<i32>} : memref<80x128xf32, #tpu.memory_space<vmem>>, vector<16xf32>,
          %sub3A_1598 = arith.subf %get3A_1594, %get3A_1597 : vector<16xf32>
          %mul3A_1599 = arith.mulf %sub3A_1598, %gather3A_1547 : vector<16xf32>
          %swap3A_1600 = arith.index_cast %add3A_1542 : i32 to index
          %swap3A_1601 = arith.constant 64 : index
          %swap3A_1602 = tpu.vector_load %arg10[%swap3A_1600, %swap3A_1601] {strides = array<i32>} : memref<80x128xf32, #tpu.memory_space<vmem>>, vector<16xf32>,
          tpu.vector_store %arg10[%swap3A_1600, %swap3A_1601], %mul3A_1599 {strides = array<i32>} : memref<80x128xf32, #tpu.memory_space<vmem>>, vector<16xf32>,
          %get3A_1603 = arith.index_cast %add3A_1542 : i32 to index
          %get3A_1604 = arith.constant 80 : index
          %get3A_1605 = tpu.vector_load %arg10[%get3A_1603, %get3A_1604] {strides = array<i32>} : memref<80x128xf32, #tpu.memory_space<vmem>>, vector<16xf32>,
          %get3A_1606 = arith.index_cast %add3A_1542 : i32 to index
          %get3A_1607 = arith.constant 80 : index
          %get3A_1608 = tpu.vector_load %arg12[%get3A_1606, %get3A_1607] {strides = array<i32>} : memref<80x128xf32, #tpu.memory_space<vmem>>, vector<16xf32>,
          %sub3A_1609 = arith.subf %get3A_1605, %get3A_1608 : vector<16xf32>
          %mul3A_1610 = arith.mulf %sub3A_1609, %gather3A_1547 : vector<16xf32>
          %swap3A_1611 = arith.index_cast %add3A_1542 : i32 to index
          %swap3A_1612 = arith.constant 80 : index
          %swap3A_1613 = tpu.vector_load %arg10[%swap3A_1611, %swap3A_1612] {strides = array<i32>} : memref<80x128xf32, #tpu.memory_space<vmem>>, vector<16xf32>,
          tpu.vector_store %arg10[%swap3A_1611, %swap3A_1612], %mul3A_1610 {strides = array<i32>} : memref<80x128xf32, #tpu.memory_space<vmem>>, vector<16xf32>,
          %get3A_1614 = arith.index_cast %add3A_1542 : i32 to index
          %get3A_1615 = arith.constant 96 : index
          %get3A_1616 = tpu.vector_load %arg10[%get3A_1614, %get3A_1615] {strides = array<i32>} : memref<80x128xf32, #tpu.memory_space<vmem>>, vector<16xf32>,
          %get3A_1617 = arith.index_cast %add3A_1542 : i32 to index
          %get3A_1618 = arith.constant 96 : index
          %get3A_1619 = tpu.vector_load %arg12[%get3A_1617, %get3A_1618] {strides = array<i32>} : memref<80x128xf32, #tpu.memory_space<vmem>>, vector<16xf32>,
          %sub3A_1620 = arith.subf %get3A_1616, %get3A_1619 : vector<16xf32>
          %mul3A_1621 = arith.mulf %sub3A_1620, %gather3A_1547 : vector<16xf32>
          %swap3A_1622 = arith.index_cast %add3A_1542 : i32 to index
          %swap3A_1623 = arith.constant 96 : index
          %swap3A_1624 = tpu.vector_load %arg10[%swap3A_1622, %swap3A_1623] {strides = array<i32>} : memref<80x128xf32, #tpu.memory_space<vmem>>, vector<16xf32>,
          tpu.vector_store %arg10[%swap3A_1622, %swap3A_1623], %mul3A_1621 {strides = array<i32>} : memref<80x128xf32, #tpu.memory_space<vmem>>, vector<16xf32>,
          %get3A_1625 = arith.index_cast %add3A_1542 : i32 to index
          %get3A_1626 = arith.constant 112 : index
          %get3A_1627 = tpu.vector_load %arg10[%get3A_1625, %get3A_1626] {strides = array<i32>} : memref<80x128xf32, #tpu.memory_space<vmem>>, vector<16xf32>,
          %get3A_1628 = arith.index_cast %add3A_1542 : i32 to index
          %get3A_1629 = arith.constant 112 : index
          %get3A_1630 = tpu.vector_load %arg12[%get3A_1628, %get3A_1629] {strides = array<i32>} : memref<80x128xf32, #tpu.memory_space<vmem>>, vector<16xf32>,
          %sub3A_1631 = arith.subf %get3A_1627, %get3A_1630 : vector<16xf32>
          %mul3A_1632 = arith.mulf %sub3A_1631, %gather3A_1547 : vector<16xf32>
          %swap3A_1633 = arith.index_cast %add3A_1542 : i32 to index
          %swap3A_1634 = arith.constant 112 : index
          %swap3A_1635 = tpu.vector_load %arg10[%swap3A_1633, %swap3A_1634] {strides = array<i32>} : memref<80x128xf32, #tpu.memory_space<vmem>>, vector<16xf32>,
          tpu.vector_store %arg10[%swap3A_1633, %swap3A_1634], %mul3A_1632 {strides = array<i32>} : memref<80x128xf32, #tpu.memory_space<vmem>>, vector<16xf32>,
          %add3A_1636 = arith.constant 14 : i32
          %add3A_1637 = arith.addi %mul3A_308, %add3A_1636 : i32
          %broadcast_in_dim3A_1638 = arith.constant 16 : i32
          %broadcast_in_dim3A_1639 = vector.broadcast %broadcast_in_dim3A_1638 : i32 to vector<16xi32>
          %add3A_1640 = vector.broadcast %add3A_1637 : i32 to vector<16xi32>
          %add3A_1641 = arith.addi %broadcast_in_dim3A_1639, %add3A_1640 : vector<16xi32>
          %gather3A_1642 = tpu.vector_load_idx %arg16[%add3A_1641] : memref<96xf32, #tpu.memory_space<vmem>>[vector<16xi32>], vector<16xf32>,
          %get3A_1643 = arith.index_cast %add3A_1637 : i32 to index
          %get3A_1644 = arith.constant 0 : index
          %get3A_1645 = tpu.vector_load %arg10[%get3A_1643, %get3A_1644] {strides = array<i32>} : memref<80x128xf32, #tpu.memory_space<vmem>>, vector<16xf32>,
          %get3A_1646 = arith.index_cast %add3A_1637 : i32 to index
          %get3A_1647 = arith.constant 0 : index
          %get3A_1648 = tpu.vector_load %arg12[%get3A_1646, %get3A_1647] {strides = array<i32>} : memref<80x128xf32, #tpu.memory_space<vmem>>, vector<16xf32>,
          %sub3A_1649 = arith.subf %get3A_1645, %get3A_1648 : vector<16xf32>
          %mul3A_1650 = arith.mulf %sub3A_1649, %gather3A_1642 : vector<16xf32>
          %swap3A_1651 = arith.index_cast %add3A_1637 : i32 to index
          %swap3A_1652 = arith.constant 0 : index
          %swap3A_1653 = tpu.vector_load %arg10[%swap3A_1651, %swap3A_1652] {strides = array<i32>} : memref<80x128xf32, #tpu.memory_space<vmem>>, vector<16xf32>,
          tpu.vector_store %arg10[%swap3A_1651, %swap3A_1652], %mul3A_1650 {strides = array<i32>} : memref<80x128xf32, #tpu.memory_space<vmem>>, vector<16xf32>,
          %get3A_1654 = arith.index_cast %add3A_1637 : i32 to index
          %get3A_1655 = arith.constant 16 : index
          %get3A_1656 = tpu.vector_load %arg10[%get3A_1654, %get3A_1655] {strides = array<i32>} : memref<80x128xf32, #tpu.memory_space<vmem>>, vector<16xf32>,
          %get3A_1657 = arith.index_cast %add3A_1637 : i32 to index
          %get3A_1658 = arith.constant 16 : index
          %get3A_1659 = tpu.vector_load %arg12[%get3A_1657, %get3A_1658] {strides = array<i32>} : memref<80x128xf32, #tpu.memory_space<vmem>>, vector<16xf32>,
          %sub3A_1660 = arith.subf %get3A_1656, %get3A_1659 : vector<16xf32>
          %mul3A_1661 = arith.mulf %sub3A_1660, %gather3A_1642 : vector<16xf32>
          %swap3A_1662 = arith.index_cast %add3A_1637 : i32 to index
          %swap3A_1663 = arith.constant 16 : index
          %swap3A_1664 = tpu.vector_load %arg10[%swap3A_1662, %swap3A_1663] {strides = array<i32>} : memref<80x128xf32, #tpu.memory_space<vmem>>, vector<16xf32>,
          tpu.vector_store %arg10[%swap3A_1662, %swap3A_1663], %mul3A_1661 {strides = array<i32>} : memref<80x128xf32, #tpu.memory_space<vmem>>, vector<16xf32>,
          %get3A_1665 = arith.index_cast %add3A_1637 : i32 to index
          %get3A_1666 = arith.constant 32 : index
          %get3A_1667 = tpu.vector_load %arg10[%get3A_1665, %get3A_1666] {strides = array<i32>} : memref<80x128xf32, #tpu.memory_space<vmem>>, vector<16xf32>,
          %get3A_1668 = arith.index_cast %add3A_1637 : i32 to index
          %get3A_1669 = arith.constant 32 : index
          %get3A_1670 = tpu.vector_load %arg12[%get3A_1668, %get3A_1669] {strides = array<i32>} : memref<80x128xf32, #tpu.memory_space<vmem>>, vector<16xf32>,
          %sub3A_1671 = arith.subf %get3A_1667, %get3A_1670 : vector<16xf32>
          %mul3A_1672 = arith.mulf %sub3A_1671, %gather3A_1642 : vector<16xf32>
          %swap3A_1673 = arith.index_cast %add3A_1637 : i32 to index
          %swap3A_1674 = arith.constant 32 : index
          %swap3A_1675 = tpu.vector_load %arg10[%swap3A_1673, %swap3A_1674] {strides = array<i32>} : memref<80x128xf32, #tpu.memory_space<vmem>>, vector<16xf32>,
          tpu.vector_store %arg10[%swap3A_1673, %swap3A_1674], %mul3A_1672 {strides = array<i32>} : memref<80x128xf32, #tpu.memory_space<vmem>>, vector<16xf32>,
          %get3A_1676 = arith.index_cast %add3A_1637 : i32 to index
          %get3A_1677 = arith.constant 48 : index
          %get3A_1678 = tpu.vector_load %arg10[%get3A_1676, %get3A_1677] {strides = array<i32>} : memref<80x128xf32, #tpu.memory_space<vmem>>, vector<16xf32>,
          %get3A_1679 = arith.index_cast %add3A_1637 : i32 to index
          %get3A_1680 = arith.constant 48 : index
          %get3A_1681 = tpu.vector_load %arg12[%get3A_1679, %get3A_1680] {strides = array<i32>} : memref<80x128xf32, #tpu.memory_space<vmem>>, vector<16xf32>,
          %sub3A_1682 = arith.subf %get3A_1678, %get3A_1681 : vector<16xf32>
          %mul3A_1683 = arith.mulf %sub3A_1682, %gather3A_1642 : vector<16xf32>
          %swap3A_1684 = arith.index_cast %add3A_1637 : i32 to index
          %swap3A_1685 = arith.constant 48 : index
          %swap3A_1686 = tpu.vector_load %arg10[%swap3A_1684, %swap3A_1685] {strides = array<i32>} : memref<80x128xf32, #tpu.memory_space<vmem>>, vector<16xf32>,
          tpu.vector_store %arg10[%swap3A_1684, %swap3A_1685], %mul3A_1683 {strides = array<i32>} : memref<80x128xf32, #tpu.memory_space<vmem>>, vector<16xf32>,
          %get3A_1687 = arith.index_cast %add3A_1637 : i32 to index
          %get3A_1688 = arith.constant 64 : index
          %get3A_1689 = tpu.vector_load %arg10[%get3A_1687, %get3A_1688] {strides = array<i32>} : memref<80x128xf32, #tpu.memory_space<vmem>>, vector<16xf32>,
          %get3A_1690 = arith.index_cast %add3A_1637 : i32 to index
          %get3A_1691 = arith.constant 64 : index
          %get3A_1692 = tpu.vector_load %arg12[%get3A_1690, %get3A_1691] {strides = array<i32>} : memref<80x128xf32, #tpu.memory_space<vmem>>, vector<16xf32>,
          %sub3A_1693 = arith.subf %get3A_1689, %get3A_1692 : vector<16xf32>
          %mul3A_1694 = arith.mulf %sub3A_1693, %gather3A_1642 : vector<16xf32>
          %swap3A_1695 = arith.index_cast %add3A_1637 : i32 to index
          %swap3A_1696 = arith.constant 64 : index
          %swap3A_1697 = tpu.vector_load %arg10[%swap3A_1695, %swap3A_1696] {strides = array<i32>} : memref<80x128xf32, #tpu.memory_space<vmem>>, vector<16xf32>,
          tpu.vector_store %arg10[%swap3A_1695, %swap3A_1696], %mul3A_1694 {strides = array<i32>} : memref<80x128xf32, #tpu.memory_space<vmem>>, vector<16xf32>,
          %get3A_1698 = arith.index_cast %add3A_1637 : i32 to index
          %get3A_1699 = arith.constant 80 : index
          %get3A_1700 = tpu.vector_load %arg10[%get3A_1698, %get3A_1699] {strides = array<i32>} : memref<80x128xf32, #tpu.memory_space<vmem>>, vector<16xf32>,
          %get3A_1701 = arith.index_cast %add3A_1637 : i32 to index
          %get3A_1702 = arith.constant 80 : index
          %get3A_1703 = tpu.vector_load %arg12[%get3A_1701, %get3A_1702] {strides = array<i32>} : memref<80x128xf32, #tpu.memory_space<vmem>>, vector<16xf32>,
          %sub3A_1704 = arith.subf %get3A_1700, %get3A_1703 : vector<16xf32>
          %mul3A_1705 = arith.mulf %sub3A_1704, %gather3A_1642 : vector<16xf32>
          %swap3A_1706 = arith.index_cast %add3A_1637 : i32 to index
          %swap3A_1707 = arith.constant 80 : index
          %swap3A_1708 = tpu.vector_load %arg10[%swap3A_1706, %swap3A_1707] {strides = array<i32>} : memref<80x128xf32, #tpu.memory_space<vmem>>, vector<16xf32>,
          tpu.vector_store %arg10[%swap3A_1706, %swap3A_1707], %mul3A_1705 {strides = array<i32>} : memref<80x128xf32, #tpu.memory_space<vmem>>, vector<16xf32>,
          %get3A_1709 = arith.index_cast %add3A_1637 : i32 to index
          %get3A_1710 = arith.constant 96 : index
          %get3A_1711 = tpu.vector_load %arg10[%get3A_1709, %get3A_1710] {strides = array<i32>} : memref<80x128xf32, #tpu.memory_space<vmem>>, vector<16xf32>,
          %get3A_1712 = arith.index_cast %add3A_1637 : i32 to index
          %get3A_1713 = arith.constant 96 : index
          %get3A_1714 = tpu.vector_load %arg12[%get3A_1712, %get3A_1713] {strides = array<i32>} : memref<80x128xf32, #tpu.memory_space<vmem>>, vector<16xf32>,
          %sub3A_1715 = arith.subf %get3A_1711, %get3A_1714 : vector<16xf32>
          %mul3A_1716 = arith.mulf %sub3A_1715, %gather3A_1642 : vector<16xf32>
          %swap3A_1717 = arith.index_cast %add3A_1637 : i32 to index
          %swap3A_1718 = arith.constant 96 : index
          %swap3A_1719 = tpu.vector_load %arg10[%swap3A_1717, %swap3A_1718] {strides = array<i32>} : memref<80x128xf32, #tpu.memory_space<vmem>>, vector<16xf32>,
          tpu.vector_store %arg10[%swap3A_1717, %swap3A_1718], %mul3A_1716 {strides = array<i32>} : memref<80x128xf32, #tpu.memory_space<vmem>>, vector<16xf32>,
          %get3A_1720 = arith.index_cast %add3A_1637 : i32 to index
          %get3A_1721 = arith.constant 112 : index
          %get3A_1722 = tpu.vector_load %arg10[%get3A_1720, %get3A_1721] {strides = array<i32>} : memref<80x128xf32, #tpu.memory_space<vmem>>, vector<16xf32>,
          %get3A_1723 = arith.index_cast %add3A_1637 : i32 to index
          %get3A_1724 = arith.constant 112 : index
          %get3A_1725 = tpu.vector_load %arg12[%get3A_1723, %get3A_1724] {strides = array<i32>} : memref<80x128xf32, #tpu.memory_space<vmem>>, vector<16xf32>,
          %sub3A_1726 = arith.subf %get3A_1722, %get3A_1725 : vector<16xf32>
          %mul3A_1727 = arith.mulf %sub3A_1726, %gather3A_1642 : vector<16xf32>
          %swap3A_1728 = arith.index_cast %add3A_1637 : i32 to index
          %swap3A_1729 = arith.constant 112 : index
          %swap3A_1730 = tpu.vector_load %arg10[%swap3A_1728, %swap3A_1729] {strides = array<i32>} : memref<80x128xf32, #tpu.memory_space<vmem>>, vector<16xf32>,
          tpu.vector_store %arg10[%swap3A_1728, %swap3A_1729], %mul3A_1727 {strides = array<i32>} : memref<80x128xf32, #tpu.memory_space<vmem>>, vector<16xf32>,
          %add3A_1731 = arith.constant 15 : i32
          %add3A_1732 = arith.addi %mul3A_308, %add3A_1731 : i32
          %broadcast_in_dim3A_1733 = arith.constant 16 : i32
          %broadcast_in_dim3A_1734 = vector.broadcast %broadcast_in_dim3A_1733 : i32 to vector<16xi32>
          %add3A_1735 = vector.broadcast %add3A_1732 : i32 to vector<16xi32>
          %add3A_1736 = arith.addi %broadcast_in_dim3A_1734, %add3A_1735 : vector<16xi32>
          %gather3A_1737 = tpu.vector_load_idx %arg16[%add3A_1736] : memref<96xf32, #tpu.memory_space<vmem>>[vector<16xi32>], vector<16xf32>,
          %get3A_1738 = arith.index_cast %add3A_1732 : i32 to index
          %get3A_1739 = arith.constant 0 : index
          %get3A_1740 = tpu.vector_load %arg10[%get3A_1738, %get3A_1739] {strides = array<i32>} : memref<80x128xf32, #tpu.memory_space<vmem>>, vector<16xf32>,
          %get3A_1741 = arith.index_cast %add3A_1732 : i32 to index
          %get3A_1742 = arith.constant 0 : index
          %get3A_1743 = tpu.vector_load %arg12[%get3A_1741, %get3A_1742] {strides = array<i32>} : memref<80x128xf32, #tpu.memory_space<vmem>>, vector<16xf32>,
          %sub3A_1744 = arith.subf %get3A_1740, %get3A_1743 : vector<16xf32>
          %mul3A_1745 = arith.mulf %sub3A_1744, %gather3A_1737 : vector<16xf32>
          %swap3A_1746 = arith.index_cast %add3A_1732 : i32 to index
          %swap3A_1747 = arith.constant 0 : index
          %swap3A_1748 = tpu.vector_load %arg10[%swap3A_1746, %swap3A_1747] {strides = array<i32>} : memref<80x128xf32, #tpu.memory_space<vmem>>, vector<16xf32>,
          tpu.vector_store %arg10[%swap3A_1746, %swap3A_1747], %mul3A_1745 {strides = array<i32>} : memref<80x128xf32, #tpu.memory_space<vmem>>, vector<16xf32>,
          %get3A_1749 = arith.index_cast %add3A_1732 : i32 to index
          %get3A_1750 = arith.constant 16 : index
          %get3A_1751 = tpu.vector_load %arg10[%get3A_1749, %get3A_1750] {strides = array<i32>} : memref<80x128xf32, #tpu.memory_space<vmem>>, vector<16xf32>,
          %get3A_1752 = arith.index_cast %add3A_1732 : i32 to index
          %get3A_1753 = arith.constant 16 : index
          %get3A_1754 = tpu.vector_load %arg12[%get3A_1752, %get3A_1753] {strides = array<i32>} : memref<80x128xf32, #tpu.memory_space<vmem>>, vector<16xf32>,
          %sub3A_1755 = arith.subf %get3A_1751, %get3A_1754 : vector<16xf32>
          %mul3A_1756 = arith.mulf %sub3A_1755, %gather3A_1737 : vector<16xf32>
          %swap3A_1757 = arith.index_cast %add3A_1732 : i32 to index
          %swap3A_1758 = arith.constant 16 : index
          %swap3A_1759 = tpu.vector_load %arg10[%swap3A_1757, %swap3A_1758] {strides = array<i32>} : memref<80x128xf32, #tpu.memory_space<vmem>>, vector<16xf32>,
          tpu.vector_store %arg10[%swap3A_1757, %swap3A_1758], %mul3A_1756 {strides = array<i32>} : memref<80x128xf32, #tpu.memory_space<vmem>>, vector<16xf32>,
          %get3A_1760 = arith.index_cast %add3A_1732 : i32 to index
          %get3A_1761 = arith.constant 32 : index
          %get3A_1762 = tpu.vector_load %arg10[%get3A_1760, %get3A_1761] {strides = array<i32>} : memref<80x128xf32, #tpu.memory_space<vmem>>, vector<16xf32>,
          %get3A_1763 = arith.index_cast %add3A_1732 : i32 to index
          %get3A_1764 = arith.constant 32 : index
          %get3A_1765 = tpu.vector_load %arg12[%get3A_1763, %get3A_1764] {strides = array<i32>} : memref<80x128xf32, #tpu.memory_space<vmem>>, vector<16xf32>,
          %sub3A_1766 = arith.subf %get3A_1762, %get3A_1765 : vector<16xf32>
          %mul3A_1767 = arith.mulf %sub3A_1766, %gather3A_1737 : vector<16xf32>
          %swap3A_1768 = arith.index_cast %add3A_1732 : i32 to index
          %swap3A_1769 = arith.constant 32 : index
          %swap3A_1770 = tpu.vector_load %arg10[%swap3A_1768, %swap3A_1769] {strides = array<i32>} : memref<80x128xf32, #tpu.memory_space<vmem>>, vector<16xf32>,
          tpu.vector_store %arg10[%swap3A_1768, %swap3A_1769], %mul3A_1767 {strides = array<i32>} : memref<80x128xf32, #tpu.memory_space<vmem>>, vector<16xf32>,
          %get3A_1771 = arith.index_cast %add3A_1732 : i32 to index
          %get3A_1772 = arith.constant 48 : index
          %get3A_1773 = tpu.vector_load %arg10[%get3A_1771, %get3A_1772] {strides = array<i32>} : memref<80x128xf32, #tpu.memory_space<vmem>>, vector<16xf32>,
          %get3A_1774 = arith.index_cast %add3A_1732 : i32 to index
          %get3A_1775 = arith.constant 48 : index
          %get3A_1776 = tpu.vector_load %arg12[%get3A_1774, %get3A_1775] {strides = array<i32>} : memref<80x128xf32, #tpu.memory_space<vmem>>, vector<16xf32>,
          %sub3A_1777 = arith.subf %get3A_1773, %get3A_1776 : vector<16xf32>
          %mul3A_1778 = arith.mulf %sub3A_1777, %gather3A_1737 : vector<16xf32>
          %swap3A_1779 = arith.index_cast %add3A_1732 : i32 to index
          %swap3A_1780 = arith.constant 48 : index
          %swap3A_1781 = tpu.vector_load %arg10[%swap3A_1779, %swap3A_1780] {strides = array<i32>} : memref<80x128xf32, #tpu.memory_space<vmem>>, vector<16xf32>,
          tpu.vector_store %arg10[%swap3A_1779, %swap3A_1780], %mul3A_1778 {strides = array<i32>} : memref<80x128xf32, #tpu.memory_space<vmem>>, vector<16xf32>,
          %get3A_1782 = arith.index_cast %add3A_1732 : i32 to index
          %get3A_1783 = arith.constant 64 : index
          %get3A_1784 = tpu.vector_load %arg10[%get3A_1782, %get3A_1783] {strides = array<i32>} : memref<80x128xf32, #tpu.memory_space<vmem>>, vector<16xf32>,
          %get3A_1785 = arith.index_cast %add3A_1732 : i32 to index
          %get3A_1786 = arith.constant 64 : index
          %get3A_1787 = tpu.vector_load %arg12[%get3A_1785, %get3A_1786] {strides = array<i32>} : memref<80x128xf32, #tpu.memory_space<vmem>>, vector<16xf32>,
          %sub3A_1788 = arith.subf %get3A_1784, %get3A_1787 : vector<16xf32>
          %mul3A_1789 = arith.mulf %sub3A_1788, %gather3A_1737 : vector<16xf32>
          %swap3A_1790 = arith.index_cast %add3A_1732 : i32 to index
          %swap3A_1791 = arith.constant 64 : index
          %swap3A_1792 = tpu.vector_load %arg10[%swap3A_1790, %swap3A_1791] {strides = array<i32>} : memref<80x128xf32, #tpu.memory_space<vmem>>, vector<16xf32>,
          tpu.vector_store %arg10[%swap3A_1790, %swap3A_1791], %mul3A_1789 {strides = array<i32>} : memref<80x128xf32, #tpu.memory_space<vmem>>, vector<16xf32>,
          %get3A_1793 = arith.index_cast %add3A_1732 : i32 to index
          %get3A_1794 = arith.constant 80 : index
          %get3A_1795 = tpu.vector_load %arg10[%get3A_1793, %get3A_1794] {strides = array<i32>} : memref<80x128xf32, #tpu.memory_space<vmem>>, vector<16xf32>,
          %get3A_1796 = arith.index_cast %add3A_1732 : i32 to index
          %get3A_1797 = arith.constant 80 : index
          %get3A_1798 = tpu.vector_load %arg12[%get3A_1796, %get3A_1797] {strides = array<i32>} : memref<80x128xf32, #tpu.memory_space<vmem>>, vector<16xf32>,
          %sub3A_1799 = arith.subf %get3A_1795, %get3A_1798 : vector<16xf32>
          %mul3A_1800 = arith.mulf %sub3A_1799, %gather3A_1737 : vector<16xf32>
          %swap3A_1801 = arith.index_cast %add3A_1732 : i32 to index
          %swap3A_1802 = arith.constant 80 : index
          %swap3A_1803 = tpu.vector_load %arg10[%swap3A_1801, %swap3A_1802] {strides = array<i32>} : memref<80x128xf32, #tpu.memory_space<vmem>>, vector<16xf32>,
          tpu.vector_store %arg10[%swap3A_1801, %swap3A_1802], %mul3A_1800 {strides = array<i32>} : memref<80x128xf32, #tpu.memory_space<vmem>>, vector<16xf32>,
          %get3A_1804 = arith.index_cast %add3A_1732 : i32 to index
          %get3A_1805 = arith.constant 96 : index
          %get3A_1806 = tpu.vector_load %arg10[%get3A_1804, %get3A_1805] {strides = array<i32>} : memref<80x128xf32, #tpu.memory_space<vmem>>, vector<16xf32>,
          %get3A_1807 = arith.index_cast %add3A_1732 : i32 to index
          %get3A_1808 = arith.constant 96 : index
          %get3A_1809 = tpu.vector_load %arg12[%get3A_1807, %get3A_1808] {strides = array<i32>} : memref<80x128xf32, #tpu.memory_space<vmem>>, vector<16xf32>,
          %sub3A_1810 = arith.subf %get3A_1806, %get3A_1809 : vector<16xf32>
          %mul3A_1811 = arith.mulf %sub3A_1810, %gather3A_1737 : vector<16xf32>
          %swap3A_1812 = arith.index_cast %add3A_1732 : i32 to index
          %swap3A_1813 = arith.constant 96 : index
          %swap3A_1814 = tpu.vector_load %arg10[%swap3A_1812, %swap3A_1813] {strides = array<i32>} : memref<80x128xf32, #tpu.memory_space<vmem>>, vector<16xf32>,
          tpu.vector_store %arg10[%swap3A_1812, %swap3A_1813], %mul3A_1811 {strides = array<i32>} : memref<80x128xf32, #tpu.memory_space<vmem>>, vector<16xf32>,
          %get3A_1815 = arith.index_cast %add3A_1732 : i32 to index
          %get3A_1816 = arith.constant 112 : index
          %get3A_1817 = tpu.vector_load %arg10[%get3A_1815, %get3A_1816] {strides = array<i32>} : memref<80x128xf32, #tpu.memory_space<vmem>>, vector<16xf32>,
          %get3A_1818 = arith.index_cast %add3A_1732 : i32 to index
          %get3A_1819 = arith.constant 112 : index
          %get3A_1820 = tpu.vector_load %arg12[%get3A_1818, %get3A_1819] {strides = array<i32>} : memref<80x128xf32, #tpu.memory_space<vmem>>, vector<16xf32>,
          %sub3A_1821 = arith.subf %get3A_1817, %get3A_1820 : vector<16xf32>
          %mul3A_1822 = arith.mulf %sub3A_1821, %gather3A_1737 : vector<16xf32>
          %swap3A_1823 = arith.index_cast %add3A_1732 : i32 to index
          %swap3A_1824 = arith.constant 112 : index
          %swap3A_1825 = tpu.vector_load %arg10[%swap3A_1823, %swap3A_1824] {strides = array<i32>} : memref<80x128xf32, #tpu.memory_space<vmem>>, vector<16xf32>,
          tpu.vector_store %arg10[%swap3A_1823, %swap3A_1824], %mul3A_1822 {strides = array<i32>} : memref<80x128xf32, #tpu.memory_space<vmem>>, vector<16xf32>,
          %scan3A_1826 = arith.constant 0 : i32
          scf.yield %scan3A_1826 : i32
        }
        %scan3A_301 = arith.constant 5 : i32
        %dma_start3A_302 = arith.constant 0 : i32
        %dma_start3A_303 = arith.constant 0 : i32
        %dma_start3A_304 = tpu.memref_slice %arg23[%dma_start3A_302, %dma_start3A_303] : memref<10000x128xf32, #tpu.memory_space<vmem_shared>> -> memref<10000x128xf32, #tpu.memory_space<vmem_shared>>
        tpu.enqueue_indirect_dma source(%arg10 : memref<80x128xf32, #tpu.memory_space<vmem>>) target(%dma_start3A_304 : memref<10000x128xf32, #tpu.memory_space<vmem_shared>>) offsets(%arg22 : memref<80xi32, #tpu.memory_space<vmem>>) semaphore(%arg34 : memref<!tpu.dma_semaphore, #tpu.memory_space<semaphore_mem>>) {add = true}
      } else {
      }
      %lt3A_258 = arith.constant 125 : i32
      %lt3A_259 = arith.cmpi slt, %mul3A_236, %lt3A_258 : i32
      %convert_element_type3A_260 = arith.extui %lt3A_259 : i1 to i32
      %cond3A_261 = arith.constant 0 : i32
      %cond3A_262 = arith.cmpi ne, %convert_element_type3A_260, %cond3A_261 : i32
      scf.if %cond3A_262 {
        %dma_wait3A_295 = arith.constant 2 : i32
        %dma_wait3A_296 = arith.constant 0 : i32
        %dma_wait3A_297 = tpu.memref_slice %arg13[%dma_wait3A_295, %dma_wait3A_296] : memref<3x80xi32, #tpu.memory_space<vmem>> -> memref<1x80xi32, #tpu.memory_space<vmem>>
        %dma_wait3A_298 = tpu.memref_squeeze %dma_wait3A_297 : memref<1x80xi32, #tpu.memory_space<vmem>> -> memref<80xi32, #tpu.memory_space<vmem>>
        %dma_wait3A_299 = arith.constant 0 : i32
        %dma_wait3A_300 = tpu.memref_slice %arg4[%dma_wait3A_299] : memref<10000xf32, #tpu.memory_space<hbm>> -> memref<10000xf32, #tpu.memory_space<hbm>>
        tpu.wait_indirect_dma semaphore(%arg35 : memref<!tpu.dma_semaphore, #tpu.memory_space<semaphore_mem>>) src(%dma_wait3A_300 : memref<10000xf32, #tpu.memory_space<hbm>>) dst(%arg17 : memref<80xf32, #tpu.memory_space<vmem>>)
        %dma_wait3A_301 = arith.constant 1 : i32
        %dma_wait3A_302 = arith.constant 0 : i32
        %dma_wait3A_303 = tpu.memref_slice %arg13[%dma_wait3A_301, %dma_wait3A_302] : memref<3x80xi32, #tpu.memory_space<vmem>> -> memref<1x80xi32, #tpu.memory_space<vmem>>
        %dma_wait3A_304 = tpu.memref_squeeze %dma_wait3A_303 : memref<1x80xi32, #tpu.memory_space<vmem>> -> memref<80xi32, #tpu.memory_space<vmem>>
        %dma_wait3A_305 = arith.constant 0 : i32
        %dma_wait3A_306 = tpu.memref_slice %arg5[%dma_wait3A_305] : memref<10000xf32, #tpu.memory_space<hbm>> -> memref<10000xf32, #tpu.memory_space<hbm>>
        tpu.wait_indirect_dma semaphore(%arg37 : memref<!tpu.dma_semaphore, #tpu.memory_space<semaphore_mem>>) src(%dma_wait3A_306 : memref<10000xf32, #tpu.memory_space<hbm>>) dst(%arg19 : memref<80xf32, #tpu.memory_space<vmem>>)
        %get3A = arith.constant 0 : index
        %get3A_307 = tpu.vector_load %arg17[%get3A] {strides = array<i32>} : memref<80xf32, #tpu.memory_space<vmem>>, vector<16xf32>,
        %get3A_308 = arith.constant 0 : index
        %get3A_309 = tpu.vector_load %arg19[%get3A_308] {strides = array<i32>} : memref<80xf32, #tpu.memory_space<vmem>>, vector<16xf32>,
        %add3A_310 = arith.addf %get3A_307, %get3A_309 : vector<16xf32>
        %ge3A_311 = arith.constant 0.000000e+00 : f32
        %ge3A_312 = vector.broadcast %ge3A_311 : f32 to vector<16xf32>
        %ge3A_313 = arith.cmpf oge, %add3A_310, %ge3A_312 : vector<16xf32>
        %mul3A_314 = arith.constant 2.000000e-01 : f32
        %mul3A_315 = vector.broadcast %mul3A_314 : f32 to vector<16xf32>
        %mul3A_316 = arith.mulf %mul3A_315, %add3A_310 : vector<16xf32>
        %select_n3A = arith.select %ge3A_313, %add3A_310, %mul3A_316 : vector<16xi1>, vector<16xf32>
        %neg3A = arith.constant 0.000000e+00 : f32
        %neg3A_317 = vector.broadcast %neg3A : f32 to vector<16xf32>
        %neg3A_318 = arith.subf %neg3A_317, %select_n3A : vector<16xf32>
        %exp3A = math.exp %neg3A_318 : vector<16xf32>
        %swap3A_319 = arith.constant 16 : index
        %swap3A_320 = tpu.vector_load %arg15[%swap3A_319] {strides = array<i32>} : memref<96xf32, #tpu.memory_space<vmem>>, vector<16xf32>,
        tpu.vector_store %arg15[%swap3A_319], %exp3A {strides = array<i32>} : memref<96xf32, #tpu.memory_space<vmem>>, vector<16xf32>,
        %get3A_321 = arith.constant 16 : index
        %get3A_322 = tpu.vector_load %arg17[%get3A_321] {strides = array<i32>} : memref<80xf32, #tpu.memory_space<vmem>>, vector<16xf32>,
        %get3A_323 = arith.constant 16 : index
        %get3A_324 = tpu.vector_load %arg19[%get3A_323] {strides = array<i32>} : memref<80xf32, #tpu.memory_space<vmem>>, vector<16xf32>,
        %add3A_325 = arith.addf %get3A_322, %get3A_324 : vector<16xf32>
        %ge3A_326 = arith.constant 0.000000e+00 : f32
        %ge3A_327 = vector.broadcast %ge3A_326 : f32 to vector<16xf32>
        %ge3A_328 = arith.cmpf oge, %add3A_325, %ge3A_327 : vector<16xf32>
        %mul3A_329 = arith.constant 2.000000e-01 : f32
        %mul3A_330 = vector.broadcast %mul3A_329 : f32 to vector<16xf32>
        %mul3A_331 = arith.mulf %mul3A_330, %add3A_325 : vector<16xf32>
        %select_n3A_332 = arith.select %ge3A_328, %add3A_325, %mul3A_331 : vector<16xi1>, vector<16xf32>
        %neg3A_333 = arith.constant 0.000000e+00 : f32
        %neg3A_334 = vector.broadcast %neg3A_333 : f32 to vector<16xf32>
        %neg3A_335 = arith.subf %neg3A_334, %select_n3A_332 : vector<16xf32>
        %exp3A_336 = math.exp %neg3A_335 : vector<16xf32>
        %swap3A_337 = arith.constant 32 : index
        %swap3A_338 = tpu.vector_load %arg15[%swap3A_337] {strides = array<i32>} : memref<96xf32, #tpu.memory_space<vmem>>, vector<16xf32>,
        tpu.vector_store %arg15[%swap3A_337], %exp3A_336 {strides = array<i32>} : memref<96xf32, #tpu.memory_space<vmem>>, vector<16xf32>,
        %get3A_339 = arith.constant 32 : index
        %get3A_340 = tpu.vector_load %arg17[%get3A_339] {strides = array<i32>} : memref<80xf32, #tpu.memory_space<vmem>>, vector<16xf32>,
        %get3A_341 = arith.constant 32 : index
        %get3A_342 = tpu.vector_load %arg19[%get3A_341] {strides = array<i32>} : memref<80xf32, #tpu.memory_space<vmem>>, vector<16xf32>,
        %add3A_343 = arith.addf %get3A_340, %get3A_342 : vector<16xf32>
        %ge3A_344 = arith.constant 0.000000e+00 : f32
        %ge3A_345 = vector.broadcast %ge3A_344 : f32 to vector<16xf32>
        %ge3A_346 = arith.cmpf oge, %add3A_343, %ge3A_345 : vector<16xf32>
        %mul3A_347 = arith.constant 2.000000e-01 : f32
        %mul3A_348 = vector.broadcast %mul3A_347 : f32 to vector<16xf32>
        %mul3A_349 = arith.mulf %mul3A_348, %add3A_343 : vector<16xf32>
        %select_n3A_350 = arith.select %ge3A_346, %add3A_343, %mul3A_349 : vector<16xi1>, vector<16xf32>
        %neg3A_351 = arith.constant 0.000000e+00 : f32
        %neg3A_352 = vector.broadcast %neg3A_351 : f32 to vector<16xf32>
        %neg3A_353 = arith.subf %neg3A_352, %select_n3A_350 : vector<16xf32>
        %exp3A_354 = math.exp %neg3A_353 : vector<16xf32>
        %swap3A_355 = arith.constant 48 : index
        %swap3A_356 = tpu.vector_load %arg15[%swap3A_355] {strides = array<i32>} : memref<96xf32, #tpu.memory_space<vmem>>, vector<16xf32>,
        tpu.vector_store %arg15[%swap3A_355], %exp3A_354 {strides = array<i32>} : memref<96xf32, #tpu.memory_space<vmem>>, vector<16xf32>,
        %get3A_357 = arith.constant 48 : index
        %get3A_358 = tpu.vector_load %arg17[%get3A_357] {strides = array<i32>} : memref<80xf32, #tpu.memory_space<vmem>>, vector<16xf32>,
        %get3A_359 = arith.constant 48 : index
        %get3A_360 = tpu.vector_load %arg19[%get3A_359] {strides = array<i32>} : memref<80xf32, #tpu.memory_space<vmem>>, vector<16xf32>,
        %add3A_361 = arith.addf %get3A_358, %get3A_360 : vector<16xf32>
        %ge3A_362 = arith.constant 0.000000e+00 : f32
        %ge3A_363 = vector.broadcast %ge3A_362 : f32 to vector<16xf32>
        %ge3A_364 = arith.cmpf oge, %add3A_361, %ge3A_363 : vector<16xf32>
        %mul3A_365 = arith.constant 2.000000e-01 : f32
        %mul3A_366 = vector.broadcast %mul3A_365 : f32 to vector<16xf32>
        %mul3A_367 = arith.mulf %mul3A_366, %add3A_361 : vector<16xf32>
        %select_n3A_368 = arith.select %ge3A_364, %add3A_361, %mul3A_367 : vector<16xi1>, vector<16xf32>
        %neg3A_369 = arith.constant 0.000000e+00 : f32
        %neg3A_370 = vector.broadcast %neg3A_369 : f32 to vector<16xf32>
        %neg3A_371 = arith.subf %neg3A_370, %select_n3A_368 : vector<16xf32>
        %exp3A_372 = math.exp %neg3A_371 : vector<16xf32>
        %swap3A_373 = arith.constant 64 : index
        %swap3A_374 = tpu.vector_load %arg15[%swap3A_373] {strides = array<i32>} : memref<96xf32, #tpu.memory_space<vmem>>, vector<16xf32>,
        tpu.vector_store %arg15[%swap3A_373], %exp3A_372 {strides = array<i32>} : memref<96xf32, #tpu.memory_space<vmem>>, vector<16xf32>,
        %get3A_375 = arith.constant 64 : index
        %get3A_376 = tpu.vector_load %arg17[%get3A_375] {strides = array<i32>} : memref<80xf32, #tpu.memory_space<vmem>>, vector<16xf32>,
        %get3A_377 = arith.constant 64 : index
        %get3A_378 = tpu.vector_load %arg19[%get3A_377] {strides = array<i32>} : memref<80xf32, #tpu.memory_space<vmem>>, vector<16xf32>,
        %add3A_379 = arith.addf %get3A_376, %get3A_378 : vector<16xf32>
        %ge3A_380 = arith.constant 0.000000e+00 : f32
        %ge3A_381 = vector.broadcast %ge3A_380 : f32 to vector<16xf32>
        %ge3A_382 = arith.cmpf oge, %add3A_379, %ge3A_381 : vector<16xf32>
        %mul3A_383 = arith.constant 2.000000e-01 : f32
        %mul3A_384 = vector.broadcast %mul3A_383 : f32 to vector<16xf32>
        %mul3A_385 = arith.mulf %mul3A_384, %add3A_379 : vector<16xf32>
        %select_n3A_386 = arith.select %ge3A_382, %add3A_379, %mul3A_385 : vector<16xi1>, vector<16xf32>
        %neg3A_387 = arith.constant 0.000000e+00 : f32
        %neg3A_388 = vector.broadcast %neg3A_387 : f32 to vector<16xf32>
        %neg3A_389 = arith.subf %neg3A_388, %select_n3A_386 : vector<16xf32>
        %exp3A_390 = math.exp %neg3A_389 : vector<16xf32>
        %swap3A_391 = arith.constant 80 : index
        %swap3A_392 = tpu.vector_load %arg15[%swap3A_391] {strides = array<i32>} : memref<96xf32, #tpu.memory_space<vmem>>, vector<16xf32>,
        tpu.vector_store %arg15[%swap3A_391], %exp3A_390 {strides = array<i32>} : memref<96xf32, #tpu.memory_space<vmem>>, vector<16xf32>,
        %dma_start3A_393 = arith.constant 16 : i32
        %dma_start3A_394 = tpu.memref_slice %arg15[%dma_start3A_393] : memref<96xf32, #tpu.memory_space<vmem>> -> memref<80xf32, #tpu.memory_space<vmem>>
        %dma_start3A_395 = arith.constant 0 : i32
        %dma_start3A_396 = tpu.memref_slice %arg24[%dma_start3A_395] : memref<10000xf32, #tpu.memory_space<vmem_shared>> -> memref<10000xf32, #tpu.memory_space<vmem_shared>>
        tpu.enqueue_indirect_dma source(%dma_start3A_394 : memref<80xf32, #tpu.memory_space<vmem>>) target(%dma_start3A_396 : memref<10000xf32, #tpu.memory_space<vmem_shared>>) offsets(%arg21 : memref<80xi32, #tpu.memory_space<vmem>>) semaphore(%arg31 : memref<!tpu.dma_semaphore, #tpu.memory_space<semaphore_mem>>) {add = true}
        %dma_wait3A_397 = arith.constant 2 : i32
        %dma_wait3A_398 = arith.constant 0 : i32
        %dma_wait3A_399 = tpu.memref_slice %arg13[%dma_wait3A_397, %dma_wait3A_398] : memref<3x80xi32, #tpu.memory_space<vmem>> -> memref<1x80xi32, #tpu.memory_space<vmem>>
        %dma_wait3A_400 = tpu.memref_squeeze %dma_wait3A_399 : memref<1x80xi32, #tpu.memory_space<vmem>> -> memref<80xi32, #tpu.memory_space<vmem>>
        %dma_wait3A_401 = arith.constant 0 : i32
        %dma_wait3A_402 = arith.constant 0 : i32
        %dma_wait3A_403 = tpu.memref_slice %arg2[%dma_wait3A_401, %dma_wait3A_402] : memref<10000x128xf32, #tpu.memory_space<hbm>> -> memref<10000x128xf32, #tpu.memory_space<hbm>>
        tpu.wait_indirect_dma semaphore(%arg27 : memref<!tpu.dma_semaphore, #tpu.memory_space<semaphore_mem>>) src(%dma_wait3A_403 : memref<10000x128xf32, #tpu.memory_space<hbm>>) dst(%arg9 : memref<80x128xf32, #tpu.memory_space<vmem>>)
        %dma_wait3A_404 = arith.constant 1 : i32
        %dma_wait3A_405 = arith.constant 0 : i32
        %dma_wait3A_406 = tpu.memref_slice %arg13[%dma_wait3A_404, %dma_wait3A_405] : memref<3x80xi32, #tpu.memory_space<vmem>> -> memref<1x80xi32, #tpu.memory_space<vmem>>
        %dma_wait3A_407 = tpu.memref_squeeze %dma_wait3A_406 : memref<1x80xi32, #tpu.memory_space<vmem>> -> memref<80xi32, #tpu.memory_space<vmem>>
        %dma_wait3A_408 = arith.constant 0 : i32
        %dma_wait3A_409 = arith.constant 0 : i32
        %dma_wait3A_410 = tpu.memref_slice %arg3[%dma_wait3A_408, %dma_wait3A_409] : memref<10000x128xf32, #tpu.memory_space<hbm>> -> memref<10000x128xf32, #tpu.memory_space<hbm>>
        tpu.wait_indirect_dma semaphore(%arg29 : memref<!tpu.dma_semaphore, #tpu.memory_space<semaphore_mem>>) src(%dma_wait3A_410 : memref<10000x128xf32, #tpu.memory_space<hbm>>) dst(%arg11 : memref<80x128xf32, #tpu.memory_space<vmem>>)
      } else {
      }
      %mul3A_263 = arith.constant 2 : i32
      %mul3A_264 = arith.muli %mul3A_263, %scan3A_233 : i32
      %add3A_265 = arith.constant 1 : i32
      %add3A_266 = arith.addi %mul3A_264, %add3A_265 : i32
      %ge3A_267 = arith.constant 2 : i32
      %ge3A_268 = arith.cmpi sge, %add3A_266, %ge3A_267 : i32
      %convert_element_type3A_269 = arith.extui %ge3A_268 : i1 to i32
      %cond3A_270 = arith.constant 0 : i32
      %cond3A_271 = arith.cmpi ne, %convert_element_type3A_269, %cond3A_270 : i32
      scf.if %cond3A_271 {
        %dma_wait3A_295 = arith.constant 0 : i32
        %dma_wait3A_296 = arith.constant 0 : i32
        %dma_wait3A_297 = tpu.memref_slice %arg23[%dma_wait3A_295, %dma_wait3A_296] : memref<10000x128xf32, #tpu.memory_space<vmem_shared>> -> memref<10000x128xf32, #tpu.memory_space<vmem_shared>>
        tpu.wait_indirect_dma semaphore(%arg34 : memref<!tpu.dma_semaphore, #tpu.memory_space<semaphore_mem>>) src(%arg10 : memref<80x128xf32, #tpu.memory_space<vmem>>) dst(%dma_wait3A_297 : memref<10000x128xf32, #tpu.memory_space<vmem_shared>>)
        %dma_wait3A_298 = arith.constant 16 : i32
        %dma_wait3A_299 = tpu.memref_slice %arg16[%dma_wait3A_298] : memref<96xf32, #tpu.memory_space<vmem>> -> memref<80xf32, #tpu.memory_space<vmem>>
        %dma_wait3A_300 = arith.constant 0 : i32
        %dma_wait3A_301 = tpu.memref_slice %arg24[%dma_wait3A_300] : memref<10000xf32, #tpu.memory_space<vmem_shared>> -> memref<10000xf32, #tpu.memory_space<vmem_shared>>
        tpu.wait_indirect_dma semaphore(%arg32 : memref<!tpu.dma_semaphore, #tpu.memory_space<semaphore_mem>>) src(%dma_wait3A_299 : memref<80xf32, #tpu.memory_space<vmem>>) dst(%dma_wait3A_301 : memref<10000xf32, #tpu.memory_space<vmem_shared>>)
      } else {
      }
      %lt3A_272 = arith.constant 125 : i32
      %lt3A_273 = arith.cmpi slt, %add3A_266, %lt3A_272 : i32
      %convert_element_type3A_274 = arith.extui %lt3A_273 : i1 to i32
      %cond3A_275 = arith.constant 0 : i32
      %cond3A_276 = arith.cmpi ne, %convert_element_type3A_274, %cond3A_275 : i32
      scf.if %cond3A_276 {
        %dma_wait3A_295 = arith.constant 0 : i32
        %dma_wait3A_296 = arith.constant 0 : i32
        %dma_wait3A_297 = arith.constant 0 : i32
        %dma_wait3A_298 = tpu.memref_slice %arg14[%dma_wait3A_296, %dma_wait3A_297] : memref<3x80xi32, #tpu.memory_space<vmem>> -> memref<1x80xi32, #tpu.memory_space<vmem>>
        %dma_wait3A_299 = tpu.memref_squeeze %dma_wait3A_298 : memref<1x80xi32, #tpu.memory_space<vmem>> -> memref<80xi32, #tpu.memory_space<vmem>>
        %dma_wait3A_300 = arith.constant 0 : i32
        %dma_wait3A_301 = tpu.memref_slice %arg6[%dma_wait3A_295, %dma_wait3A_300] : memref<12000x80xi32, #tpu.memory_space<hbm>> -> memref<1x80xi32, #tpu.memory_space<hbm>>
        %dma_wait3A_302 = tpu.memref_squeeze %dma_wait3A_301 : memref<1x80xi32, #tpu.memory_space<hbm>> -> memref<80xi32, #tpu.memory_space<hbm>>
        %dma_wait3A_303 = arith.constant 0 : i32
        %dma_wait3A_304 = tpu.memref_slice %arg14[%dma_wait3A_296, %dma_wait3A_303] : memref<3x80xi32, #tpu.memory_space<vmem>> -> memref<1x80xi32, #tpu.memory_space<vmem>>
        %dma_wait3A_305 = tpu.memref_squeeze %dma_wait3A_304 : memref<1x80xi32, #tpu.memory_space<vmem>> -> memref<80xi32, #tpu.memory_space<vmem>>
        %dma_wait3A_306 = arith.constant 0 : i32
        %dma_wait3A_307 = tpu.memref_slice %arg6[%dma_wait3A_295, %dma_wait3A_306] : memref<12000x80xi32, #tpu.memory_space<hbm>> -> memref<1x80xi32, #tpu.memory_space<hbm>>
        %dma_wait3A_308 = tpu.memref_squeeze %dma_wait3A_307 : memref<1x80xi32, #tpu.memory_space<hbm>> -> memref<80xi32, #tpu.memory_space<hbm>>
        tpu.wait_dma2 semaphore(%arg26 : memref<!tpu.dma_semaphore, #tpu.memory_space<semaphore_mem>>) src(%dma_wait3A_308 : memref<80xi32, #tpu.memory_space<hbm>>) dst(%dma_wait3A_305 : memref<80xi32, #tpu.memory_space<vmem>>)
        %dma_wait3A_309 = arith.constant 0 : i32
        %dma_wait3A_310 = arith.constant 1 : i32
        %dma_wait3A_311 = arith.constant 0 : i32
        %dma_wait3A_312 = tpu.memref_slice %arg14[%dma_wait3A_310, %dma_wait3A_311] : memref<3x80xi32, #tpu.memory_space<vmem>> -> memref<1x80xi32, #tpu.memory_space<vmem>>
        %dma_wait3A_313 = tpu.memref_squeeze %dma_wait3A_312 : memref<1x80xi32, #tpu.memory_space<vmem>> -> memref<80xi32, #tpu.memory_space<vmem>>
        %dma_wait3A_314 = arith.constant 0 : i32
        %dma_wait3A_315 = tpu.memref_slice %arg6[%dma_wait3A_309, %dma_wait3A_314] : memref<12000x80xi32, #tpu.memory_space<hbm>> -> memref<1x80xi32, #tpu.memory_space<hbm>>
        %dma_wait3A_316 = tpu.memref_squeeze %dma_wait3A_315 : memref<1x80xi32, #tpu.memory_space<hbm>> -> memref<80xi32, #tpu.memory_space<hbm>>
        %dma_wait3A_317 = arith.constant 0 : i32
        %dma_wait3A_318 = tpu.memref_slice %arg14[%dma_wait3A_310, %dma_wait3A_317] : memref<3x80xi32, #tpu.memory_space<vmem>> -> memref<1x80xi32, #tpu.memory_space<vmem>>
        %dma_wait3A_319 = tpu.memref_squeeze %dma_wait3A_318 : memref<1x80xi32, #tpu.memory_space<vmem>> -> memref<80xi32, #tpu.memory_space<vmem>>
        %dma_wait3A_320 = arith.constant 0 : i32
        %dma_wait3A_321 = tpu.memref_slice %arg6[%dma_wait3A_309, %dma_wait3A_320] : memref<12000x80xi32, #tpu.memory_space<hbm>> -> memref<1x80xi32, #tpu.memory_space<hbm>>
        %dma_wait3A_322 = tpu.memref_squeeze %dma_wait3A_321 : memref<1x80xi32, #tpu.memory_space<hbm>> -> memref<80xi32, #tpu.memory_space<hbm>>
        tpu.wait_dma2 semaphore(%arg26 : memref<!tpu.dma_semaphore, #tpu.memory_space<semaphore_mem>>) src(%dma_wait3A_322 : memref<80xi32, #tpu.memory_space<hbm>>) dst(%dma_wait3A_319 : memref<80xi32, #tpu.memory_space<vmem>>)
        %dma_wait3A_323 = arith.constant 0 : i32
        %dma_wait3A_324 = arith.constant 2 : i32
        %dma_wait3A_325 = arith.constant 0 : i32
        %dma_wait3A_326 = tpu.memref_slice %arg14[%dma_wait3A_324, %dma_wait3A_325] : memref<3x80xi32, #tpu.memory_space<vmem>> -> memref<1x80xi32, #tpu.memory_space<vmem>>
        %dma_wait3A_327 = tpu.memref_squeeze %dma_wait3A_326 : memref<1x80xi32, #tpu.memory_space<vmem>> -> memref<80xi32, #tpu.memory_space<vmem>>
        %dma_wait3A_328 = arith.constant 0 : i32
        %dma_wait3A_329 = tpu.memref_slice %arg6[%dma_wait3A_323, %dma_wait3A_328] : memref<12000x80xi32, #tpu.memory_space<hbm>> -> memref<1x80xi32, #tpu.memory_space<hbm>>
        %dma_wait3A_330 = tpu.memref_squeeze %dma_wait3A_329 : memref<1x80xi32, #tpu.memory_space<hbm>> -> memref<80xi32, #tpu.memory_space<hbm>>
        %dma_wait3A_331 = arith.constant 0 : i32
        %dma_wait3A_332 = tpu.memref_slice %arg14[%dma_wait3A_324, %dma_wait3A_331] : memref<3x80xi32, #tpu.memory_space<vmem>> -> memref<1x80xi32, #tpu.memory_space<vmem>>
        %dma_wait3A_333 = tpu.memref_squeeze %dma_wait3A_332 : memref<1x80xi32, #tpu.memory_space<vmem>> -> memref<80xi32, #tpu.memory_space<vmem>>
        %dma_wait3A_334 = arith.constant 0 : i32
        %dma_wait3A_335 = tpu.memref_slice %arg6[%dma_wait3A_323, %dma_wait3A_334] : memref<12000x80xi32, #tpu.memory_space<hbm>> -> memref<1x80xi32, #tpu.memory_space<hbm>>
        %dma_wait3A_336 = tpu.memref_squeeze %dma_wait3A_335 : memref<1x80xi32, #tpu.memory_space<hbm>> -> memref<80xi32, #tpu.memory_space<hbm>>
        tpu.wait_dma2 semaphore(%arg26 : memref<!tpu.dma_semaphore, #tpu.memory_space<semaphore_mem>>) src(%dma_wait3A_336 : memref<80xi32, #tpu.memory_space<hbm>>) dst(%dma_wait3A_333 : memref<80xi32, #tpu.memory_space<vmem>>)
        %dma_start3A_337 = arith.constant 2 : i32
        %dma_start3A_338 = arith.constant 0 : i32
        %dma_start3A_339 = tpu.memref_slice %arg14[%dma_start3A_337, %dma_start3A_338] : memref<3x80xi32, #tpu.memory_space<vmem>> -> memref<1x80xi32, #tpu.memory_space<vmem>>
        %dma_start3A_340 = tpu.memref_squeeze %dma_start3A_339 : memref<1x80xi32, #tpu.memory_space<vmem>> -> memref<80xi32, #tpu.memory_space<vmem>>
        %dma_start3A_341 = arith.constant 0 : i32
        %dma_start3A_342 = arith.constant 0 : i32
        %dma_start3A_343 = tpu.memref_slice %arg2[%dma_start3A_341, %dma_start3A_342] : memref<10000x128xf32, #tpu.memory_space<hbm>> -> memref<10000x128xf32, #tpu.memory_space<hbm>>
        tpu.enqueue_indirect_dma source(%dma_start3A_343 : memref<10000x128xf32, #tpu.memory_space<hbm>>) target(%arg10 : memref<80x128xf32, #tpu.memory_space<vmem>>) offsets(%dma_start3A_340 : memref<80xi32, #tpu.memory_space<vmem>>) semaphore(%arg28 : memref<!tpu.dma_semaphore, #tpu.memory_space<semaphore_mem>>)
        %dma_start3A_344 = arith.constant 1 : i32
        %dma_start3A_345 = arith.constant 0 : i32
        %dma_start3A_346 = tpu.memref_slice %arg14[%dma_start3A_344, %dma_start3A_345] : memref<3x80xi32, #tpu.memory_space<vmem>> -> memref<1x80xi32, #tpu.memory_space<vmem>>
        %dma_start3A_347 = tpu.memref_squeeze %dma_start3A_346 : memref<1x80xi32, #tpu.memory_space<vmem>> -> memref<80xi32, #tpu.memory_space<vmem>>
        %dma_start3A_348 = arith.constant 0 : i32
        %dma_start3A_349 = arith.constant 0 : i32
        %dma_start3A_350 = tpu.memref_slice %arg3[%dma_start3A_348, %dma_start3A_349] : memref<10000x128xf32, #tpu.memory_space<hbm>> -> memref<10000x128xf32, #tpu.memory_space<hbm>>
        tpu.enqueue_indirect_dma source(%dma_start3A_350 : memref<10000x128xf32, #tpu.memory_space<hbm>>) target(%arg12 : memref<80x128xf32, #tpu.memory_space<vmem>>) offsets(%dma_start3A_347 : memref<80xi32, #tpu.memory_space<vmem>>) semaphore(%arg30 : memref<!tpu.dma_semaphore, #tpu.memory_space<semaphore_mem>>)
        %dma_start3A_351 = arith.constant 2 : i32
        %dma_start3A_352 = arith.constant 0 : i32
        %dma_start3A_353 = tpu.memref_slice %arg14[%dma_start3A_351, %dma_start3A_352] : memref<3x80xi32, #tpu.memory_space<vmem>> -> memref<1x80xi32, #tpu.memory_space<vmem>>
        %dma_start3A_354 = tpu.memref_squeeze %dma_start3A_353 : memref<1x80xi32, #tpu.memory_space<vmem>> -> memref<80xi32, #tpu.memory_space<vmem>>
        %dma_start3A_355 = arith.constant 0 : i32
        %dma_start3A_356 = tpu.memref_slice %arg4[%dma_start3A_355] : memref<10000xf32, #tpu.memory_space<hbm>> -> memref<10000xf32, #tpu.memory_space<hbm>>
        tpu.enqueue_indirect_dma source(%dma_start3A_356 : memref<10000xf32, #tpu.memory_space<hbm>>) target(%arg18 : memref<80xf32, #tpu.memory_space<vmem>>) offsets(%dma_start3A_354 : memref<80xi32, #tpu.memory_space<vmem>>) semaphore(%arg36 : memref<!tpu.dma_semaphore, #tpu.memory_space<semaphore_mem>>)
        %dma_start3A_357 = arith.constant 1 : i32
        %dma_start3A_358 = arith.constant 0 : i32
        %dma_start3A_359 = tpu.memref_slice %arg14[%dma_start3A_357, %dma_start3A_358] : memref<3x80xi32, #tpu.memory_space<vmem>> -> memref<1x80xi32, #tpu.memory_space<vmem>>
        %dma_start3A_360 = tpu.memref_squeeze %dma_start3A_359 : memref<1x80xi32, #tpu.memory_space<vmem>> -> memref<80xi32, #tpu.memory_space<vmem>>
        %dma_start3A_361 = arith.constant 0 : i32
        %dma_start3A_362 = tpu.memref_slice %arg5[%dma_start3A_361] : memref<10000xf32, #tpu.memory_space<hbm>> -> memref<10000xf32, #tpu.memory_space<hbm>>
        tpu.enqueue_indirect_dma source(%dma_start3A_362 : memref<10000xf32, #tpu.memory_space<hbm>>) target(%arg20 : memref<80xf32, #tpu.memory_space<vmem>>) offsets(%dma_start3A_360 : memref<80xi32, #tpu.memory_space<vmem>>) semaphore(%arg38 : memref<!tpu.dma_semaphore, #tpu.memory_space<semaphore_mem>>)
        %get3A = arith.constant 0 : i32
        %get3A_363 = arith.index_cast %get3A : i32 to index
        %get3A_364 = arith.constant 0 : index
        %get3A_365 = tpu.vector_load %arg14[%get3A_363, %get3A_364] {strides = array<i32>} : memref<3x80xi32, #tpu.memory_space<vmem>>, vector<16xi32>,
        %swap3A_366 = arith.constant 0 : index
        %swap3A_367 = tpu.vector_load %arg22[%swap3A_366] {strides = array<i32>} : memref<80xi32, #tpu.memory_space<vmem>>, vector<16xi32>,
        tpu.vector_store %arg22[%swap3A_366], %get3A_365 {strides = array<i32>} : memref<80xi32, #tpu.memory_space<vmem>>, vector<16xi32>,
        %get3A_368 = arith.constant 0 : i32
        %get3A_369 = arith.index_cast %get3A_368 : i32 to index
        %get3A_370 = arith.constant 16 : index
        %get3A_371 = tpu.vector_load %arg14[%get3A_369, %get3A_370] {strides = array<i32>} : memref<3x80xi32, #tpu.memory_space<vmem>>, vector<16xi32>,
        %swap3A_372 = arith.constant 16 : index
        %swap3A_373 = tpu.vector_load %arg22[%swap3A_372] {strides = array<i32>} : memref<80xi32, #tpu.memory_space<vmem>>, vector<16xi32>,
        tpu.vector_store %arg22[%swap3A_372], %get3A_371 {strides = array<i32>} : memref<80xi32, #tpu.memory_space<vmem>>, vector<16xi32>,
        %get3A_374 = arith.constant 0 : i32
        %get3A_375 = arith.index_cast %get3A_374 : i32 to index
        %get3A_376 = arith.constant 32 : index
        %get3A_377 = tpu.vector_load %arg14[%get3A_375, %get3A_376] {strides = array<i32>} : memref<3x80xi32, #tpu.memory_space<vmem>>, vector<16xi32>,
        %swap3A_378 = arith.constant 32 : index
        %swap3A_379 = tpu.vector_load %arg22[%swap3A_378] {strides = array<i32>} : memref<80xi32, #tpu.memory_space<vmem>>, vector<16xi32>,
        tpu.vector_store %arg22[%swap3A_378], %get3A_377 {strides = array<i32>} : memref<80xi32, #tpu.memory_space<vmem>>, vector<16xi32>,
        %get3A_380 = arith.constant 0 : i32
        %get3A_381 = arith.index_cast %get3A_380 : i32 to index
        %get3A_382 = arith.constant 48 : index
        %get3A_383 = tpu.vector_load %arg14[%get3A_381, %get3A_382] {strides = array<i32>} : memref<3x80xi32, #tpu.memory_space<vmem>>, vector<16xi32>,
        %swap3A_384 = arith.constant 48 : index
        %swap3A_385 = tpu.vector_load %arg22[%swap3A_384] {strides = array<i32>} : memref<80xi32, #tpu.memory_space<vmem>>, vector<16xi32>,
        tpu.vector_store %arg22[%swap3A_384], %get3A_383 {strides = array<i32>} : memref<80xi32, #tpu.memory_space<vmem>>, vector<16xi32>,
        %get3A_386 = arith.constant 0 : i32
        %get3A_387 = arith.index_cast %get3A_386 : i32 to index
        %get3A_388 = arith.constant 64 : index
        %get3A_389 = tpu.vector_load %arg14[%get3A_387, %get3A_388] {strides = array<i32>} : memref<3x80xi32, #tpu.memory_space<vmem>>, vector<16xi32>,
        %swap3A_390 = arith.constant 64 : index
        %swap3A_391 = tpu.vector_load %arg22[%swap3A_390] {strides = array<i32>} : memref<80xi32, #tpu.memory_space<vmem>>, vector<16xi32>,
        tpu.vector_store %arg22[%swap3A_390], %get3A_389 {strides = array<i32>} : memref<80xi32, #tpu.memory_space<vmem>>, vector<16xi32>,
      } else {
      }
      %add3A_277 = arith.constant 1 : i32
      %add3A_278 = arith.addi %add3A_266, %add3A_277 : i32
      %lt3A_279 = arith.constant 125 : i32
      %lt3A_280 = arith.cmpi slt, %add3A_278, %lt3A_279 : i32
      %convert_element_type3A_281 = arith.extui %lt3A_280 : i1 to i32
      %cond3A_282 = arith.constant 0 : i32
      %cond3A_283 = arith.cmpi ne, %convert_element_type3A_281, %cond3A_282 : i32
      scf.if %cond3A_283 {
        %add3A_295 = arith.constant 1 : i32
        %add3A_296 = arith.addi %add3A_266, %add3A_295 : i32
        %mul3A_297 = arith.constant 125 : i32
        %mul3A_298 = arith.muli %add3A, %mul3A_297 : i32
        %add3A_299 = arith.addi %mul3A_298, %add3A_296 : i32
        %add3A_300 = arith.constant 0 : i32
        %add3A_301 = arith.addi %add3A_300, %add3A_299 : i32
        %dma_start3A_302 = arith.constant 0 : i32
        %dma_start3A_303 = arith.constant 0 : i32
        %dma_start3A_304 = tpu.memref_slice %arg13[%dma_start3A_302, %dma_start3A_303] : memref<3x80xi32, #tpu.memory_space<vmem>> -> memref<1x80xi32, #tpu.memory_space<vmem>>
        %dma_start3A_305 = tpu.memref_squeeze %dma_start3A_304 : memref<1x80xi32, #tpu.memory_space<vmem>> -> memref<80xi32, #tpu.memory_space<vmem>>
        %dma_start3A_306 = arith.constant 0 : i32
        %dma_start3A_307 = tpu.memref_slice %arg6[%add3A_301, %dma_start3A_306] : memref<12000x80xi32, #tpu.memory_space<hbm>> -> memref<1x80xi32, #tpu.memory_space<hbm>>
        %dma_start3A_308 = tpu.memref_squeeze %dma_start3A_307 : memref<1x80xi32, #tpu.memory_space<hbm>> -> memref<80xi32, #tpu.memory_space<hbm>>
        %dma_start3A_309 = arith.constant 0 : i32
        %dma_start3A_310 = tpu.memref_slice %arg13[%dma_start3A_302, %dma_start3A_309] : memref<3x80xi32, #tpu.memory_space<vmem>> -> memref<1x80xi32, #tpu.memory_space<vmem>>
        %dma_start3A_311 = tpu.memref_squeeze %dma_start3A_310 : memref<1x80xi32, #tpu.memory_space<vmem>> -> memref<80xi32, #tpu.memory_space<vmem>>
        %dma_start3A_312 = arith.constant 0 : i32
        %dma_start3A_313 = tpu.memref_slice %arg6[%add3A_301, %dma_start3A_312] : memref<12000x80xi32, #tpu.memory_space<hbm>> -> memref<1x80xi32, #tpu.memory_space<hbm>>
        %dma_start3A_314 = tpu.memref_squeeze %dma_start3A_313 : memref<1x80xi32, #tpu.memory_space<hbm>> -> memref<80xi32, #tpu.memory_space<hbm>>
        tpu.enqueue_dma source(%dma_start3A_314 : memref<80xi32, #tpu.memory_space<hbm>>) target(%dma_start3A_311 : memref<80xi32, #tpu.memory_space<vmem>>) target_semaphore(%arg25 : memref<!tpu.dma_semaphore, #tpu.memory_space<semaphore_mem>>)
        %add3A_315 = arith.constant 4000 : i32
        %add3A_316 = arith.addi %add3A_315, %add3A_299 : i32
        %dma_start3A_317 = arith.constant 1 : i32
        %dma_start3A_318 = arith.constant 0 : i32
        %dma_start3A_319 = tpu.memref_slice %arg13[%dma_start3A_317, %dma_start3A_318] : memref<3x80xi32, #tpu.memory_space<vmem>> -> memref<1x80xi32, #tpu.memory_space<vmem>>
        %dma_start3A_320 = tpu.memref_squeeze %dma_start3A_319 : memref<1x80xi32, #tpu.memory_space<vmem>> -> memref<80xi32, #tpu.memory_space<vmem>>
        %dma_start3A_321 = arith.constant 0 : i32
        %dma_start3A_322 = tpu.memref_slice %arg6[%add3A_316, %dma_start3A_321] : memref<12000x80xi32, #tpu.memory_space<hbm>> -> memref<1x80xi32, #tpu.memory_space<hbm>>
        %dma_start3A_323 = tpu.memref_squeeze %dma_start3A_322 : memref<1x80xi32, #tpu.memory_space<hbm>> -> memref<80xi32, #tpu.memory_space<hbm>>
        %dma_start3A_324 = arith.constant 0 : i32
        %dma_start3A_325 = tpu.memref_slice %arg13[%dma_start3A_317, %dma_start3A_324] : memref<3x80xi32, #tpu.memory_space<vmem>> -> memref<1x80xi32, #tpu.memory_space<vmem>>
        %dma_start3A_326 = tpu.memref_squeeze %dma_start3A_325 : memref<1x80xi32, #tpu.memory_space<vmem>> -> memref<80xi32, #tpu.memory_space<vmem>>
        %dma_start3A_327 = arith.constant 0 : i32
        %dma_start3A_328 = tpu.memref_slice %arg6[%add3A_316, %dma_start3A_327] : memref<12000x80xi32, #tpu.memory_space<hbm>> -> memref<1x80xi32, #tpu.memory_space<hbm>>
        %dma_start3A_329 = tpu.memref_squeeze %dma_start3A_328 : memref<1x80xi32, #tpu.memory_space<hbm>> -> memref<80xi32, #tpu.memory_space<hbm>>
        tpu.enqueue_dma source(%dma_start3A_329 : memref<80xi32, #tpu.memory_space<hbm>>) target(%dma_start3A_326 : memref<80xi32, #tpu.memory_space<vmem>>) target_semaphore(%arg25 : memref<!tpu.dma_semaphore, #tpu.memory_space<semaphore_mem>>)
        %add3A_330 = arith.constant 8000 : i32
        %add3A_331 = arith.addi %add3A_330, %add3A_299 : i32
        %dma_start3A_332 = arith.constant 2 : i32
        %dma_start3A_333 = arith.constant 0 : i32
        %dma_start3A_334 = tpu.memref_slice %arg13[%dma_start3A_332, %dma_start3A_333] : memref<3x80xi32, #tpu.memory_space<vmem>> -> memref<1x80xi32, #tpu.memory_space<vmem>>
        %dma_start3A_335 = tpu.memref_squeeze %dma_start3A_334 : memref<1x80xi32, #tpu.memory_space<vmem>> -> memref<80xi32, #tpu.memory_space<vmem>>
        %dma_start3A_336 = arith.constant 0 : i32
        %dma_start3A_337 = tpu.memref_slice %arg6[%add3A_331, %dma_start3A_336] : memref<12000x80xi32, #tpu.memory_space<hbm>> -> memref<1x80xi32, #tpu.memory_space<hbm>>
        %dma_start3A_338 = tpu.memref_squeeze %dma_start3A_337 : memref<1x80xi32, #tpu.memory_space<hbm>> -> memref<80xi32, #tpu.memory_space<hbm>>
        %dma_start3A_339 = arith.constant 0 : i32
        %dma_start3A_340 = tpu.memref_slice %arg13[%dma_start3A_332, %dma_start3A_339] : memref<3x80xi32, #tpu.memory_space<vmem>> -> memref<1x80xi32, #tpu.memory_space<vmem>>
        %dma_start3A_341 = tpu.memref_squeeze %dma_start3A_340 : memref<1x80xi32, #tpu.memory_space<vmem>> -> memref<80xi32, #tpu.memory_space<vmem>>
        %dma_start3A_342 = arith.constant 0 : i32
        %dma_start3A_343 = tpu.memref_slice %arg6[%add3A_331, %dma_start3A_342] : memref<12000x80xi32, #tpu.memory_space<hbm>> -> memref<1x80xi32, #tpu.memory_space<hbm>>
        %dma_start3A_344 = tpu.memref_squeeze %dma_start3A_343 : memref<1x80xi32, #tpu.memory_space<hbm>> -> memref<80xi32, #tpu.memory_space<hbm>>
        tpu.enqueue_dma source(%dma_start3A_344 : memref<80xi32, #tpu.memory_space<hbm>>) target(%dma_start3A_341 : memref<80xi32, #tpu.memory_space<vmem>>) target_semaphore(%arg25 : memref<!tpu.dma_semaphore, #tpu.memory_space<semaphore_mem>>)
      } else {
      }
      %ge3A_284 = arith.constant 1 : i32
      %ge3A_285 = arith.cmpi sge, %add3A_266, %ge3A_284 : i32
      %convert_element_type3A_286 = arith.extui %ge3A_285 : i1 to i32
      %cond3A_287 = arith.constant 0 : i32
      %cond3A_288 = arith.cmpi ne, %convert_element_type3A_286, %cond3A_287 : i32
      scf.if %cond3A_288 {
        %scan3A_295 = arith.constant 0 : i32
        %scan3A_296 = arith.constant 0 : i32
        %scan3A_297 = arith.constant 5 : i32
        %scan3A_298 = arith.addi %scan3A_296, %scan3A_297 : i32
        %scan3A_299 = arith.constant 1 : i32
        %scan3A_300 = scf.for %scan3A_305 = %scan3A_296 to %scan3A_298 step %scan3A_299 iter_args(%scan3A_306 = %scan3A_295) -> (i32)  : i32 {
          %mul3A_307 = arith.constant 16 : i32
          %mul3A_308 = arith.muli %scan3A_305, %mul3A_307 : i32
          %add3A_309 = arith.constant 0 : i32
          %add3A_310 = arith.addi %mul3A_308, %add3A_309 : i32
          %broadcast_in_dim3A_311 = arith.constant 16 : i32
          %broadcast_in_dim3A_312 = vector.broadcast %broadcast_in_dim3A_311 : i32 to vector<16xi32>
          %add3A_313 = vector.broadcast %add3A_310 : i32 to vector<16xi32>
          %add3A_314 = arith.addi %broadcast_in_dim3A_312, %add3A_313 : vector<16xi32>
          %gather3A = tpu.vector_load_idx %arg15[%add3A_314] : memref<96xf32, #tpu.memory_space<vmem>>[vector<16xi32>], vector<16xf32>,
          %get3A = arith.index_cast %add3A_310 : i32 to index
          %get3A_315 = arith.constant 0 : index
          %get3A_316 = tpu.vector_load %arg9[%get3A, %get3A_315] {strides = array<i32>} : memref<80x128xf32, #tpu.memory_space<vmem>>, vector<16xf32>,
          %get3A_317 = arith.index_cast %add3A_310 : i32 to index
          %get3A_318 = arith.constant 0 : index
          %get3A_319 = tpu.vector_load %arg11[%get3A_317, %get3A_318] {strides = array<i32>} : memref<80x128xf32, #tpu.memory_space<vmem>>, vector<16xf32>,
          %sub3A = arith.subf %get3A_316, %get3A_319 : vector<16xf32>
          %mul3A_320 = arith.mulf %sub3A, %gather3A : vector<16xf32>
          %swap3A_321 = arith.index_cast %add3A_310 : i32 to index
          %swap3A_322 = arith.constant 0 : index
          %swap3A_323 = tpu.vector_load %arg9[%swap3A_321, %swap3A_322] {strides = array<i32>} : memref<80x128xf32, #tpu.memory_space<vmem>>, vector<16xf32>,
          tpu.vector_store %arg9[%swap3A_321, %swap3A_322], %mul3A_320 {strides = array<i32>} : memref<80x128xf32, #tpu.memory_space<vmem>>, vector<16xf32>,
          %get3A_324 = arith.index_cast %add3A_310 : i32 to index
          %get3A_325 = arith.constant 16 : index
          %get3A_326 = tpu.vector_load %arg9[%get3A_324, %get3A_325] {strides = array<i32>} : memref<80x128xf32, #tpu.memory_space<vmem>>, vector<16xf32>,
          %get3A_327 = arith.index_cast %add3A_310 : i32 to index
          %get3A_328 = arith.constant 16 : index
          %get3A_329 = tpu.vector_load %arg11[%get3A_327, %get3A_328] {strides = array<i32>} : memref<80x128xf32, #tpu.memory_space<vmem>>, vector<16xf32>,
          %sub3A_330 = arith.subf %get3A_326, %get3A_329 : vector<16xf32>
          %mul3A_331 = arith.mulf %sub3A_330, %gather3A : vector<16xf32>
          %swap3A_332 = arith.index_cast %add3A_310 : i32 to index
          %swap3A_333 = arith.constant 16 : index
          %swap3A_334 = tpu.vector_load %arg9[%swap3A_332, %swap3A_333] {strides = array<i32>} : memref<80x128xf32, #tpu.memory_space<vmem>>, vector<16xf32>,
          tpu.vector_store %arg9[%swap3A_332, %swap3A_333], %mul3A_331 {strides = array<i32>} : memref<80x128xf32, #tpu.memory_space<vmem>>, vector<16xf32>,
          %get3A_335 = arith.index_cast %add3A_310 : i32 to index
          %get3A_336 = arith.constant 32 : index
          %get3A_337 = tpu.vector_load %arg9[%get3A_335, %get3A_336] {strides = array<i32>} : memref<80x128xf32, #tpu.memory_space<vmem>>, vector<16xf32>,
          %get3A_338 = arith.index_cast %add3A_310 : i32 to index
          %get3A_339 = arith.constant 32 : index
          %get3A_340 = tpu.vector_load %arg11[%get3A_338, %get3A_339] {strides = array<i32>} : memref<80x128xf32, #tpu.memory_space<vmem>>, vector<16xf32>,
          %sub3A_341 = arith.subf %get3A_337, %get3A_340 : vector<16xf32>
          %mul3A_342 = arith.mulf %sub3A_341, %gather3A : vector<16xf32>
          %swap3A_343 = arith.index_cast %add3A_310 : i32 to index
          %swap3A_344 = arith.constant 32 : index
          %swap3A_345 = tpu.vector_load %arg9[%swap3A_343, %swap3A_344] {strides = array<i32>} : memref<80x128xf32, #tpu.memory_space<vmem>>, vector<16xf32>,
          tpu.vector_store %arg9[%swap3A_343, %swap3A_344], %mul3A_342 {strides = array<i32>} : memref<80x128xf32, #tpu.memory_space<vmem>>, vector<16xf32>,
          %get3A_346 = arith.index_cast %add3A_310 : i32 to index
          %get3A_347 = arith.constant 48 : index
          %get3A_348 = tpu.vector_load %arg9[%get3A_346, %get3A_347] {strides = array<i32>} : memref<80x128xf32, #tpu.memory_space<vmem>>, vector<16xf32>,
          %get3A_349 = arith.index_cast %add3A_310 : i32 to index
          %get3A_350 = arith.constant 48 : index
          %get3A_351 = tpu.vector_load %arg11[%get3A_349, %get3A_350] {strides = array<i32>} : memref<80x128xf32, #tpu.memory_space<vmem>>, vector<16xf32>,
          %sub3A_352 = arith.subf %get3A_348, %get3A_351 : vector<16xf32>
          %mul3A_353 = arith.mulf %sub3A_352, %gather3A : vector<16xf32>
          %swap3A_354 = arith.index_cast %add3A_310 : i32 to index
          %swap3A_355 = arith.constant 48 : index
          %swap3A_356 = tpu.vector_load %arg9[%swap3A_354, %swap3A_355] {strides = array<i32>} : memref<80x128xf32, #tpu.memory_space<vmem>>, vector<16xf32>,
          tpu.vector_store %arg9[%swap3A_354, %swap3A_355], %mul3A_353 {strides = array<i32>} : memref<80x128xf32, #tpu.memory_space<vmem>>, vector<16xf32>,
          %get3A_357 = arith.index_cast %add3A_310 : i32 to index
          %get3A_358 = arith.constant 64 : index
          %get3A_359 = tpu.vector_load %arg9[%get3A_357, %get3A_358] {strides = array<i32>} : memref<80x128xf32, #tpu.memory_space<vmem>>, vector<16xf32>,
          %get3A_360 = arith.index_cast %add3A_310 : i32 to index
          %get3A_361 = arith.constant 64 : index
          %get3A_362 = tpu.vector_load %arg11[%get3A_360, %get3A_361] {strides = array<i32>} : memref<80x128xf32, #tpu.memory_space<vmem>>, vector<16xf32>,
          %sub3A_363 = arith.subf %get3A_359, %get3A_362 : vector<16xf32>
          %mul3A_364 = arith.mulf %sub3A_363, %gather3A : vector<16xf32>
          %swap3A_365 = arith.index_cast %add3A_310 : i32 to index
          %swap3A_366 = arith.constant 64 : index
          %swap3A_367 = tpu.vector_load %arg9[%swap3A_365, %swap3A_366] {strides = array<i32>} : memref<80x128xf32, #tpu.memory_space<vmem>>, vector<16xf32>,
          tpu.vector_store %arg9[%swap3A_365, %swap3A_366], %mul3A_364 {strides = array<i32>} : memref<80x128xf32, #tpu.memory_space<vmem>>, vector<16xf32>,
          %get3A_368 = arith.index_cast %add3A_310 : i32 to index
          %get3A_369 = arith.constant 80 : index
          %get3A_370 = tpu.vector_load %arg9[%get3A_368, %get3A_369] {strides = array<i32>} : memref<80x128xf32, #tpu.memory_space<vmem>>, vector<16xf32>,
          %get3A_371 = arith.index_cast %add3A_310 : i32 to index
          %get3A_372 = arith.constant 80 : index
          %get3A_373 = tpu.vector_load %arg11[%get3A_371, %get3A_372] {strides = array<i32>} : memref<80x128xf32, #tpu.memory_space<vmem>>, vector<16xf32>,
          %sub3A_374 = arith.subf %get3A_370, %get3A_373 : vector<16xf32>
          %mul3A_375 = arith.mulf %sub3A_374, %gather3A : vector<16xf32>
          %swap3A_376 = arith.index_cast %add3A_310 : i32 to index
          %swap3A_377 = arith.constant 80 : index
          %swap3A_378 = tpu.vector_load %arg9[%swap3A_376, %swap3A_377] {strides = array<i32>} : memref<80x128xf32, #tpu.memory_space<vmem>>, vector<16xf32>,
          tpu.vector_store %arg9[%swap3A_376, %swap3A_377], %mul3A_375 {strides = array<i32>} : memref<80x128xf32, #tpu.memory_space<vmem>>, vector<16xf32>,
          %get3A_379 = arith.index_cast %add3A_310 : i32 to index
          %get3A_380 = arith.constant 96 : index
          %get3A_381 = tpu.vector_load %arg9[%get3A_379, %get3A_380] {strides = array<i32>} : memref<80x128xf32, #tpu.memory_space<vmem>>, vector<16xf32>,
          %get3A_382 = arith.index_cast %add3A_310 : i32 to index
          %get3A_383 = arith.constant 96 : index
          %get3A_384 = tpu.vector_load %arg11[%get3A_382, %get3A_383] {strides = array<i32>} : memref<80x128xf32, #tpu.memory_space<vmem>>, vector<16xf32>,
          %sub3A_385 = arith.subf %get3A_381, %get3A_384 : vector<16xf32>
          %mul3A_386 = arith.mulf %sub3A_385, %gather3A : vector<16xf32>
          %swap3A_387 = arith.index_cast %add3A_310 : i32 to index
          %swap3A_388 = arith.constant 96 : index
          %swap3A_389 = tpu.vector_load %arg9[%swap3A_387, %swap3A_388] {strides = array<i32>} : memref<80x128xf32, #tpu.memory_space<vmem>>, vector<16xf32>,
          tpu.vector_store %arg9[%swap3A_387, %swap3A_388], %mul3A_386 {strides = array<i32>} : memref<80x128xf32, #tpu.memory_space<vmem>>, vector<16xf32>,
          %get3A_390 = arith.index_cast %add3A_310 : i32 to index
          %get3A_391 = arith.constant 112 : index
          %get3A_392 = tpu.vector_load %arg9[%get3A_390, %get3A_391] {strides = array<i32>} : memref<80x128xf32, #tpu.memory_space<vmem>>, vector<16xf32>,
          %get3A_393 = arith.index_cast %add3A_310 : i32 to index
          %get3A_394 = arith.constant 112 : index
          %get3A_395 = tpu.vector_load %arg11[%get3A_393, %get3A_394] {strides = array<i32>} : memref<80x128xf32, #tpu.memory_space<vmem>>, vector<16xf32>,
          %sub3A_396 = arith.subf %get3A_392, %get3A_395 : vector<16xf32>
          %mul3A_397 = arith.mulf %sub3A_396, %gather3A : vector<16xf32>
          %swap3A_398 = arith.index_cast %add3A_310 : i32 to index
          %swap3A_399 = arith.constant 112 : index
          %swap3A_400 = tpu.vector_load %arg9[%swap3A_398, %swap3A_399] {strides = array<i32>} : memref<80x128xf32, #tpu.memory_space<vmem>>, vector<16xf32>,
          tpu.vector_store %arg9[%swap3A_398, %swap3A_399], %mul3A_397 {strides = array<i32>} : memref<80x128xf32, #tpu.memory_space<vmem>>, vector<16xf32>,
          %add3A_401 = arith.constant 1 : i32
          %add3A_402 = arith.addi %mul3A_308, %add3A_401 : i32
          %broadcast_in_dim3A_403 = arith.constant 16 : i32
          %broadcast_in_dim3A_404 = vector.broadcast %broadcast_in_dim3A_403 : i32 to vector<16xi32>
          %add3A_405 = vector.broadcast %add3A_402 : i32 to vector<16xi32>
          %add3A_406 = arith.addi %broadcast_in_dim3A_404, %add3A_405 : vector<16xi32>
          %gather3A_407 = tpu.vector_load_idx %arg15[%add3A_406] : memref<96xf32, #tpu.memory_space<vmem>>[vector<16xi32>], vector<16xf32>,
          %get3A_408 = arith.index_cast %add3A_402 : i32 to index
          %get3A_409 = arith.constant 0 : index
          %get3A_410 = tpu.vector_load %arg9[%get3A_408, %get3A_409] {strides = array<i32>} : memref<80x128xf32, #tpu.memory_space<vmem>>, vector<16xf32>,
          %get3A_411 = arith.index_cast %add3A_402 : i32 to index
          %get3A_412 = arith.constant 0 : index
          %get3A_413 = tpu.vector_load %arg11[%get3A_411, %get3A_412] {strides = array<i32>} : memref<80x128xf32, #tpu.memory_space<vmem>>, vector<16xf32>,
          %sub3A_414 = arith.subf %get3A_410, %get3A_413 : vector<16xf32>
          %mul3A_415 = arith.mulf %sub3A_414, %gather3A_407 : vector<16xf32>
          %swap3A_416 = arith.index_cast %add3A_402 : i32 to index
          %swap3A_417 = arith.constant 0 : index
          %swap3A_418 = tpu.vector_load %arg9[%swap3A_416, %swap3A_417] {strides = array<i32>} : memref<80x128xf32, #tpu.memory_space<vmem>>, vector<16xf32>,
          tpu.vector_store %arg9[%swap3A_416, %swap3A_417], %mul3A_415 {strides = array<i32>} : memref<80x128xf32, #tpu.memory_space<vmem>>, vector<16xf32>,
          %get3A_419 = arith.index_cast %add3A_402 : i32 to index
          %get3A_420 = arith.constant 16 : index
          %get3A_421 = tpu.vector_load %arg9[%get3A_419, %get3A_420] {strides = array<i32>} : memref<80x128xf32, #tpu.memory_space<vmem>>, vector<16xf32>,
          %get3A_422 = arith.index_cast %add3A_402 : i32 to index
          %get3A_423 = arith.constant 16 : index
          %get3A_424 = tpu.vector_load %arg11[%get3A_422, %get3A_423] {strides = array<i32>} : memref<80x128xf32, #tpu.memory_space<vmem>>, vector<16xf32>,
          %sub3A_425 = arith.subf %get3A_421, %get3A_424 : vector<16xf32>
          %mul3A_426 = arith.mulf %sub3A_425, %gather3A_407 : vector<16xf32>
          %swap3A_427 = arith.index_cast %add3A_402 : i32 to index
          %swap3A_428 = arith.constant 16 : index
          %swap3A_429 = tpu.vector_load %arg9[%swap3A_427, %swap3A_428] {strides = array<i32>} : memref<80x128xf32, #tpu.memory_space<vmem>>, vector<16xf32>,
          tpu.vector_store %arg9[%swap3A_427, %swap3A_428], %mul3A_426 {strides = array<i32>} : memref<80x128xf32, #tpu.memory_space<vmem>>, vector<16xf32>,
          %get3A_430 = arith.index_cast %add3A_402 : i32 to index
          %get3A_431 = arith.constant 32 : index
          %get3A_432 = tpu.vector_load %arg9[%get3A_430, %get3A_431] {strides = array<i32>} : memref<80x128xf32, #tpu.memory_space<vmem>>, vector<16xf32>,
          %get3A_433 = arith.index_cast %add3A_402 : i32 to index
          %get3A_434 = arith.constant 32 : index
          %get3A_435 = tpu.vector_load %arg11[%get3A_433, %get3A_434] {strides = array<i32>} : memref<80x128xf32, #tpu.memory_space<vmem>>, vector<16xf32>,
          %sub3A_436 = arith.subf %get3A_432, %get3A_435 : vector<16xf32>
          %mul3A_437 = arith.mulf %sub3A_436, %gather3A_407 : vector<16xf32>
          %swap3A_438 = arith.index_cast %add3A_402 : i32 to index
          %swap3A_439 = arith.constant 32 : index
          %swap3A_440 = tpu.vector_load %arg9[%swap3A_438, %swap3A_439] {strides = array<i32>} : memref<80x128xf32, #tpu.memory_space<vmem>>, vector<16xf32>,
          tpu.vector_store %arg9[%swap3A_438, %swap3A_439], %mul3A_437 {strides = array<i32>} : memref<80x128xf32, #tpu.memory_space<vmem>>, vector<16xf32>,
          %get3A_441 = arith.index_cast %add3A_402 : i32 to index
          %get3A_442 = arith.constant 48 : index
          %get3A_443 = tpu.vector_load %arg9[%get3A_441, %get3A_442] {strides = array<i32>} : memref<80x128xf32, #tpu.memory_space<vmem>>, vector<16xf32>,
          %get3A_444 = arith.index_cast %add3A_402 : i32 to index
          %get3A_445 = arith.constant 48 : index
          %get3A_446 = tpu.vector_load %arg11[%get3A_444, %get3A_445] {strides = array<i32>} : memref<80x128xf32, #tpu.memory_space<vmem>>, vector<16xf32>,
          %sub3A_447 = arith.subf %get3A_443, %get3A_446 : vector<16xf32>
          %mul3A_448 = arith.mulf %sub3A_447, %gather3A_407 : vector<16xf32>
          %swap3A_449 = arith.index_cast %add3A_402 : i32 to index
          %swap3A_450 = arith.constant 48 : index
          %swap3A_451 = tpu.vector_load %arg9[%swap3A_449, %swap3A_450] {strides = array<i32>} : memref<80x128xf32, #tpu.memory_space<vmem>>, vector<16xf32>,
          tpu.vector_store %arg9[%swap3A_449, %swap3A_450], %mul3A_448 {strides = array<i32>} : memref<80x128xf32, #tpu.memory_space<vmem>>, vector<16xf32>,
          %get3A_452 = arith.index_cast %add3A_402 : i32 to index
          %get3A_453 = arith.constant 64 : index
          %get3A_454 = tpu.vector_load %arg9[%get3A_452, %get3A_453] {strides = array<i32>} : memref<80x128xf32, #tpu.memory_space<vmem>>, vector<16xf32>,
          %get3A_455 = arith.index_cast %add3A_402 : i32 to index
          %get3A_456 = arith.constant 64 : index
          %get3A_457 = tpu.vector_load %arg11[%get3A_455, %get3A_456] {strides = array<i32>} : memref<80x128xf32, #tpu.memory_space<vmem>>, vector<16xf32>,
          %sub3A_458 = arith.subf %get3A_454, %get3A_457 : vector<16xf32>
          %mul3A_459 = arith.mulf %sub3A_458, %gather3A_407 : vector<16xf32>
          %swap3A_460 = arith.index_cast %add3A_402 : i32 to index
          %swap3A_461 = arith.constant 64 : index
          %swap3A_462 = tpu.vector_load %arg9[%swap3A_460, %swap3A_461] {strides = array<i32>} : memref<80x128xf32, #tpu.memory_space<vmem>>, vector<16xf32>,
          tpu.vector_store %arg9[%swap3A_460, %swap3A_461], %mul3A_459 {strides = array<i32>} : memref<80x128xf32, #tpu.memory_space<vmem>>, vector<16xf32>,
          %get3A_463 = arith.index_cast %add3A_402 : i32 to index
          %get3A_464 = arith.constant 80 : index
          %get3A_465 = tpu.vector_load %arg9[%get3A_463, %get3A_464] {strides = array<i32>} : memref<80x128xf32, #tpu.memory_space<vmem>>, vector<16xf32>,
          %get3A_466 = arith.index_cast %add3A_402 : i32 to index
          %get3A_467 = arith.constant 80 : index
          %get3A_468 = tpu.vector_load %arg11[%get3A_466, %get3A_467] {strides = array<i32>} : memref<80x128xf32, #tpu.memory_space<vmem>>, vector<16xf32>,
          %sub3A_469 = arith.subf %get3A_465, %get3A_468 : vector<16xf32>
          %mul3A_470 = arith.mulf %sub3A_469, %gather3A_407 : vector<16xf32>
          %swap3A_471 = arith.index_cast %add3A_402 : i32 to index
          %swap3A_472 = arith.constant 80 : index
          %swap3A_473 = tpu.vector_load %arg9[%swap3A_471, %swap3A_472] {strides = array<i32>} : memref<80x128xf32, #tpu.memory_space<vmem>>, vector<16xf32>,
          tpu.vector_store %arg9[%swap3A_471, %swap3A_472], %mul3A_470 {strides = array<i32>} : memref<80x128xf32, #tpu.memory_space<vmem>>, vector<16xf32>,
          %get3A_474 = arith.index_cast %add3A_402 : i32 to index
          %get3A_475 = arith.constant 96 : index
          %get3A_476 = tpu.vector_load %arg9[%get3A_474, %get3A_475] {strides = array<i32>} : memref<80x128xf32, #tpu.memory_space<vmem>>, vector<16xf32>,
          %get3A_477 = arith.index_cast %add3A_402 : i32 to index
          %get3A_478 = arith.constant 96 : index
          %get3A_479 = tpu.vector_load %arg11[%get3A_477, %get3A_478] {strides = array<i32>} : memref<80x128xf32, #tpu.memory_space<vmem>>, vector<16xf32>,
          %sub3A_480 = arith.subf %get3A_476, %get3A_479 : vector<16xf32>
          %mul3A_481 = arith.mulf %sub3A_480, %gather3A_407 : vector<16xf32>
          %swap3A_482 = arith.index_cast %add3A_402 : i32 to index
          %swap3A_483 = arith.constant 96 : index
          %swap3A_484 = tpu.vector_load %arg9[%swap3A_482, %swap3A_483] {strides = array<i32>} : memref<80x128xf32, #tpu.memory_space<vmem>>, vector<16xf32>,
          tpu.vector_store %arg9[%swap3A_482, %swap3A_483], %mul3A_481 {strides = array<i32>} : memref<80x128xf32, #tpu.memory_space<vmem>>, vector<16xf32>,
          %get3A_485 = arith.index_cast %add3A_402 : i32 to index
          %get3A_486 = arith.constant 112 : index
          %get3A_487 = tpu.vector_load %arg9[%get3A_485, %get3A_486] {strides = array<i32>} : memref<80x128xf32, #tpu.memory_space<vmem>>, vector<16xf32>,
          %get3A_488 = arith.index_cast %add3A_402 : i32 to index
          %get3A_489 = arith.constant 112 : index
          %get3A_490 = tpu.vector_load %arg11[%get3A_488, %get3A_489] {strides = array<i32>} : memref<80x128xf32, #tpu.memory_space<vmem>>, vector<16xf32>,
          %sub3A_491 = arith.subf %get3A_487, %get3A_490 : vector<16xf32>
          %mul3A_492 = arith.mulf %sub3A_491, %gather3A_407 : vector<16xf32>
          %swap3A_493 = arith.index_cast %add3A_402 : i32 to index
          %swap3A_494 = arith.constant 112 : index
          %swap3A_495 = tpu.vector_load %arg9[%swap3A_493, %swap3A_494] {strides = array<i32>} : memref<80x128xf32, #tpu.memory_space<vmem>>, vector<16xf32>,
          tpu.vector_store %arg9[%swap3A_493, %swap3A_494], %mul3A_492 {strides = array<i32>} : memref<80x128xf32, #tpu.memory_space<vmem>>, vector<16xf32>,
          %add3A_496 = arith.constant 2 : i32
          %add3A_497 = arith.addi %mul3A_308, %add3A_496 : i32
          %broadcast_in_dim3A_498 = arith.constant 16 : i32
          %broadcast_in_dim3A_499 = vector.broadcast %broadcast_in_dim3A_498 : i32 to vector<16xi32>
          %add3A_500 = vector.broadcast %add3A_497 : i32 to vector<16xi32>
          %add3A_501 = arith.addi %broadcast_in_dim3A_499, %add3A_500 : vector<16xi32>
          %gather3A_502 = tpu.vector_load_idx %arg15[%add3A_501] : memref<96xf32, #tpu.memory_space<vmem>>[vector<16xi32>], vector<16xf32>,
          %get3A_503 = arith.index_cast %add3A_497 : i32 to index
          %get3A_504 = arith.constant 0 : index
          %get3A_505 = tpu.vector_load %arg9[%get3A_503, %get3A_504] {strides = array<i32>} : memref<80x128xf32, #tpu.memory_space<vmem>>, vector<16xf32>,
          %get3A_506 = arith.index_cast %add3A_497 : i32 to index
          %get3A_507 = arith.constant 0 : index
          %get3A_508 = tpu.vector_load %arg11[%get3A_506, %get3A_507] {strides = array<i32>} : memref<80x128xf32, #tpu.memory_space<vmem>>, vector<16xf32>,
          %sub3A_509 = arith.subf %get3A_505, %get3A_508 : vector<16xf32>
          %mul3A_510 = arith.mulf %sub3A_509, %gather3A_502 : vector<16xf32>
          %swap3A_511 = arith.index_cast %add3A_497 : i32 to index
          %swap3A_512 = arith.constant 0 : index
          %swap3A_513 = tpu.vector_load %arg9[%swap3A_511, %swap3A_512] {strides = array<i32>} : memref<80x128xf32, #tpu.memory_space<vmem>>, vector<16xf32>,
          tpu.vector_store %arg9[%swap3A_511, %swap3A_512], %mul3A_510 {strides = array<i32>} : memref<80x128xf32, #tpu.memory_space<vmem>>, vector<16xf32>,
          %get3A_514 = arith.index_cast %add3A_497 : i32 to index
          %get3A_515 = arith.constant 16 : index
          %get3A_516 = tpu.vector_load %arg9[%get3A_514, %get3A_515] {strides = array<i32>} : memref<80x128xf32, #tpu.memory_space<vmem>>, vector<16xf32>,
          %get3A_517 = arith.index_cast %add3A_497 : i32 to index
          %get3A_518 = arith.constant 16 : index
          %get3A_519 = tpu.vector_load %arg11[%get3A_517, %get3A_518] {strides = array<i32>} : memref<80x128xf32, #tpu.memory_space<vmem>>, vector<16xf32>,
          %sub3A_520 = arith.subf %get3A_516, %get3A_519 : vector<16xf32>
          %mul3A_521 = arith.mulf %sub3A_520, %gather3A_502 : vector<16xf32>
          %swap3A_522 = arith.index_cast %add3A_497 : i32 to index
          %swap3A_523 = arith.constant 16 : index
          %swap3A_524 = tpu.vector_load %arg9[%swap3A_522, %swap3A_523] {strides = array<i32>} : memref<80x128xf32, #tpu.memory_space<vmem>>, vector<16xf32>,
          tpu.vector_store %arg9[%swap3A_522, %swap3A_523], %mul3A_521 {strides = array<i32>} : memref<80x128xf32, #tpu.memory_space<vmem>>, vector<16xf32>,
          %get3A_525 = arith.index_cast %add3A_497 : i32 to index
          %get3A_526 = arith.constant 32 : index
          %get3A_527 = tpu.vector_load %arg9[%get3A_525, %get3A_526] {strides = array<i32>} : memref<80x128xf32, #tpu.memory_space<vmem>>, vector<16xf32>,
          %get3A_528 = arith.index_cast %add3A_497 : i32 to index
          %get3A_529 = arith.constant 32 : index
          %get3A_530 = tpu.vector_load %arg11[%get3A_528, %get3A_529] {strides = array<i32>} : memref<80x128xf32, #tpu.memory_space<vmem>>, vector<16xf32>,
          %sub3A_531 = arith.subf %get3A_527, %get3A_530 : vector<16xf32>
          %mul3A_532 = arith.mulf %sub3A_531, %gather3A_502 : vector<16xf32>
          %swap3A_533 = arith.index_cast %add3A_497 : i32 to index
          %swap3A_534 = arith.constant 32 : index
          %swap3A_535 = tpu.vector_load %arg9[%swap3A_533, %swap3A_534] {strides = array<i32>} : memref<80x128xf32, #tpu.memory_space<vmem>>, vector<16xf32>,
          tpu.vector_store %arg9[%swap3A_533, %swap3A_534], %mul3A_532 {strides = array<i32>} : memref<80x128xf32, #tpu.memory_space<vmem>>, vector<16xf32>,
          %get3A_536 = arith.index_cast %add3A_497 : i32 to index
          %get3A_537 = arith.constant 48 : index
          %get3A_538 = tpu.vector_load %arg9[%get3A_536, %get3A_537] {strides = array<i32>} : memref<80x128xf32, #tpu.memory_space<vmem>>, vector<16xf32>,
          %get3A_539 = arith.index_cast %add3A_497 : i32 to index
          %get3A_540 = arith.constant 48 : index
          %get3A_541 = tpu.vector_load %arg11[%get3A_539, %get3A_540] {strides = array<i32>} : memref<80x128xf32, #tpu.memory_space<vmem>>, vector<16xf32>,
          %sub3A_542 = arith.subf %get3A_538, %get3A_541 : vector<16xf32>
          %mul3A_543 = arith.mulf %sub3A_542, %gather3A_502 : vector<16xf32>
          %swap3A_544 = arith.index_cast %add3A_497 : i32 to index
          %swap3A_545 = arith.constant 48 : index
          %swap3A_546 = tpu.vector_load %arg9[%swap3A_544, %swap3A_545] {strides = array<i32>} : memref<80x128xf32, #tpu.memory_space<vmem>>, vector<16xf32>,
          tpu.vector_store %arg9[%swap3A_544, %swap3A_545], %mul3A_543 {strides = array<i32>} : memref<80x128xf32, #tpu.memory_space<vmem>>, vector<16xf32>,
          %get3A_547 = arith.index_cast %add3A_497 : i32 to index
          %get3A_548 = arith.constant 64 : index
          %get3A_549 = tpu.vector_load %arg9[%get3A_547, %get3A_548] {strides = array<i32>} : memref<80x128xf32, #tpu.memory_space<vmem>>, vector<16xf32>,
          %get3A_550 = arith.index_cast %add3A_497 : i32 to index
          %get3A_551 = arith.constant 64 : index
          %get3A_552 = tpu.vector_load %arg11[%get3A_550, %get3A_551] {strides = array<i32>} : memref<80x128xf32, #tpu.memory_space<vmem>>, vector<16xf32>,
          %sub3A_553 = arith.subf %get3A_549, %get3A_552 : vector<16xf32>
          %mul3A_554 = arith.mulf %sub3A_553, %gather3A_502 : vector<16xf32>
          %swap3A_555 = arith.index_cast %add3A_497 : i32 to index
          %swap3A_556 = arith.constant 64 : index
          %swap3A_557 = tpu.vector_load %arg9[%swap3A_555, %swap3A_556] {strides = array<i32>} : memref<80x128xf32, #tpu.memory_space<vmem>>, vector<16xf32>,
          tpu.vector_store %arg9[%swap3A_555, %swap3A_556], %mul3A_554 {strides = array<i32>} : memref<80x128xf32, #tpu.memory_space<vmem>>, vector<16xf32>,
          %get3A_558 = arith.index_cast %add3A_497 : i32 to index
          %get3A_559 = arith.constant 80 : index
          %get3A_560 = tpu.vector_load %arg9[%get3A_558, %get3A_559] {strides = array<i32>} : memref<80x128xf32, #tpu.memory_space<vmem>>, vector<16xf32>,
          %get3A_561 = arith.index_cast %add3A_497 : i32 to index
          %get3A_562 = arith.constant 80 : index
          %get3A_563 = tpu.vector_load %arg11[%get3A_561, %get3A_562] {strides = array<i32>} : memref<80x128xf32, #tpu.memory_space<vmem>>, vector<16xf32>,
          %sub3A_564 = arith.subf %get3A_560, %get3A_563 : vector<16xf32>
          %mul3A_565 = arith.mulf %sub3A_564, %gather3A_502 : vector<16xf32>
          %swap3A_566 = arith.index_cast %add3A_497 : i32 to index
          %swap3A_567 = arith.constant 80 : index
          %swap3A_568 = tpu.vector_load %arg9[%swap3A_566, %swap3A_567] {strides = array<i32>} : memref<80x128xf32, #tpu.memory_space<vmem>>, vector<16xf32>,
          tpu.vector_store %arg9[%swap3A_566, %swap3A_567], %mul3A_565 {strides = array<i32>} : memref<80x128xf32, #tpu.memory_space<vmem>>, vector<16xf32>,
          %get3A_569 = arith.index_cast %add3A_497 : i32 to index
          %get3A_570 = arith.constant 96 : index
          %get3A_571 = tpu.vector_load %arg9[%get3A_569, %get3A_570] {strides = array<i32>} : memref<80x128xf32, #tpu.memory_space<vmem>>, vector<16xf32>,
          %get3A_572 = arith.index_cast %add3A_497 : i32 to index
          %get3A_573 = arith.constant 96 : index
          %get3A_574 = tpu.vector_load %arg11[%get3A_572, %get3A_573] {strides = array<i32>} : memref<80x128xf32, #tpu.memory_space<vmem>>, vector<16xf32>,
          %sub3A_575 = arith.subf %get3A_571, %get3A_574 : vector<16xf32>
          %mul3A_576 = arith.mulf %sub3A_575, %gather3A_502 : vector<16xf32>
          %swap3A_577 = arith.index_cast %add3A_497 : i32 to index
          %swap3A_578 = arith.constant 96 : index
          %swap3A_579 = tpu.vector_load %arg9[%swap3A_577, %swap3A_578] {strides = array<i32>} : memref<80x128xf32, #tpu.memory_space<vmem>>, vector<16xf32>,
          tpu.vector_store %arg9[%swap3A_577, %swap3A_578], %mul3A_576 {strides = array<i32>} : memref<80x128xf32, #tpu.memory_space<vmem>>, vector<16xf32>,
          %get3A_580 = arith.index_cast %add3A_497 : i32 to index
          %get3A_581 = arith.constant 112 : index
          %get3A_582 = tpu.vector_load %arg9[%get3A_580, %get3A_581] {strides = array<i32>} : memref<80x128xf32, #tpu.memory_space<vmem>>, vector<16xf32>,
          %get3A_583 = arith.index_cast %add3A_497 : i32 to index
          %get3A_584 = arith.constant 112 : index
          %get3A_585 = tpu.vector_load %arg11[%get3A_583, %get3A_584] {strides = array<i32>} : memref<80x128xf32, #tpu.memory_space<vmem>>, vector<16xf32>,
          %sub3A_586 = arith.subf %get3A_582, %get3A_585 : vector<16xf32>
          %mul3A_587 = arith.mulf %sub3A_586, %gather3A_502 : vector<16xf32>
          %swap3A_588 = arith.index_cast %add3A_497 : i32 to index
          %swap3A_589 = arith.constant 112 : index
          %swap3A_590 = tpu.vector_load %arg9[%swap3A_588, %swap3A_589] {strides = array<i32>} : memref<80x128xf32, #tpu.memory_space<vmem>>, vector<16xf32>,
          tpu.vector_store %arg9[%swap3A_588, %swap3A_589], %mul3A_587 {strides = array<i32>} : memref<80x128xf32, #tpu.memory_space<vmem>>, vector<16xf32>,
          %add3A_591 = arith.constant 3 : i32
          %add3A_592 = arith.addi %mul3A_308, %add3A_591 : i32
          %broadcast_in_dim3A_593 = arith.constant 16 : i32
          %broadcast_in_dim3A_594 = vector.broadcast %broadcast_in_dim3A_593 : i32 to vector<16xi32>
          %add3A_595 = vector.broadcast %add3A_592 : i32 to vector<16xi32>
          %add3A_596 = arith.addi %broadcast_in_dim3A_594, %add3A_595 : vector<16xi32>
          %gather3A_597 = tpu.vector_load_idx %arg15[%add3A_596] : memref<96xf32, #tpu.memory_space<vmem>>[vector<16xi32>], vector<16xf32>,
          %get3A_598 = arith.index_cast %add3A_592 : i32 to index
          %get3A_599 = arith.constant 0 : index
          %get3A_600 = tpu.vector_load %arg9[%get3A_598, %get3A_599] {strides = array<i32>} : memref<80x128xf32, #tpu.memory_space<vmem>>, vector<16xf32>,
          %get3A_601 = arith.index_cast %add3A_592 : i32 to index
          %get3A_602 = arith.constant 0 : index
          %get3A_603 = tpu.vector_load %arg11[%get3A_601, %get3A_602] {strides = array<i32>} : memref<80x128xf32, #tpu.memory_space<vmem>>, vector<16xf32>,
          %sub3A_604 = arith.subf %get3A_600, %get3A_603 : vector<16xf32>
          %mul3A_605 = arith.mulf %sub3A_604, %gather3A_597 : vector<16xf32>
          %swap3A_606 = arith.index_cast %add3A_592 : i32 to index
          %swap3A_607 = arith.constant 0 : index
          %swap3A_608 = tpu.vector_load %arg9[%swap3A_606, %swap3A_607] {strides = array<i32>} : memref<80x128xf32, #tpu.memory_space<vmem>>, vector<16xf32>,
          tpu.vector_store %arg9[%swap3A_606, %swap3A_607], %mul3A_605 {strides = array<i32>} : memref<80x128xf32, #tpu.memory_space<vmem>>, vector<16xf32>,
          %get3A_609 = arith.index_cast %add3A_592 : i32 to index
          %get3A_610 = arith.constant 16 : index
          %get3A_611 = tpu.vector_load %arg9[%get3A_609, %get3A_610] {strides = array<i32>} : memref<80x128xf32, #tpu.memory_space<vmem>>, vector<16xf32>,
          %get3A_612 = arith.index_cast %add3A_592 : i32 to index
          %get3A_613 = arith.constant 16 : index
          %get3A_614 = tpu.vector_load %arg11[%get3A_612, %get3A_613] {strides = array<i32>} : memref<80x128xf32, #tpu.memory_space<vmem>>, vector<16xf32>,
          %sub3A_615 = arith.subf %get3A_611, %get3A_614 : vector<16xf32>
          %mul3A_616 = arith.mulf %sub3A_615, %gather3A_597 : vector<16xf32>
          %swap3A_617 = arith.index_cast %add3A_592 : i32 to index
          %swap3A_618 = arith.constant 16 : index
          %swap3A_619 = tpu.vector_load %arg9[%swap3A_617, %swap3A_618] {strides = array<i32>} : memref<80x128xf32, #tpu.memory_space<vmem>>, vector<16xf32>,
          tpu.vector_store %arg9[%swap3A_617, %swap3A_618], %mul3A_616 {strides = array<i32>} : memref<80x128xf32, #tpu.memory_space<vmem>>, vector<16xf32>,
          %get3A_620 = arith.index_cast %add3A_592 : i32 to index
          %get3A_621 = arith.constant 32 : index
          %get3A_622 = tpu.vector_load %arg9[%get3A_620, %get3A_621] {strides = array<i32>} : memref<80x128xf32, #tpu.memory_space<vmem>>, vector<16xf32>,
          %get3A_623 = arith.index_cast %add3A_592 : i32 to index
          %get3A_624 = arith.constant 32 : index
          %get3A_625 = tpu.vector_load %arg11[%get3A_623, %get3A_624] {strides = array<i32>} : memref<80x128xf32, #tpu.memory_space<vmem>>, vector<16xf32>,
          %sub3A_626 = arith.subf %get3A_622, %get3A_625 : vector<16xf32>
          %mul3A_627 = arith.mulf %sub3A_626, %gather3A_597 : vector<16xf32>
          %swap3A_628 = arith.index_cast %add3A_592 : i32 to index
          %swap3A_629 = arith.constant 32 : index
          %swap3A_630 = tpu.vector_load %arg9[%swap3A_628, %swap3A_629] {strides = array<i32>} : memref<80x128xf32, #tpu.memory_space<vmem>>, vector<16xf32>,
          tpu.vector_store %arg9[%swap3A_628, %swap3A_629], %mul3A_627 {strides = array<i32>} : memref<80x128xf32, #tpu.memory_space<vmem>>, vector<16xf32>,
          %get3A_631 = arith.index_cast %add3A_592 : i32 to index
          %get3A_632 = arith.constant 48 : index
          %get3A_633 = tpu.vector_load %arg9[%get3A_631, %get3A_632] {strides = array<i32>} : memref<80x128xf32, #tpu.memory_space<vmem>>, vector<16xf32>,
          %get3A_634 = arith.index_cast %add3A_592 : i32 to index
          %get3A_635 = arith.constant 48 : index
          %get3A_636 = tpu.vector_load %arg11[%get3A_634, %get3A_635] {strides = array<i32>} : memref<80x128xf32, #tpu.memory_space<vmem>>, vector<16xf32>,
          %sub3A_637 = arith.subf %get3A_633, %get3A_636 : vector<16xf32>
          %mul3A_638 = arith.mulf %sub3A_637, %gather3A_597 : vector<16xf32>
          %swap3A_639 = arith.index_cast %add3A_592 : i32 to index
          %swap3A_640 = arith.constant 48 : index
          %swap3A_641 = tpu.vector_load %arg9[%swap3A_639, %swap3A_640] {strides = array<i32>} : memref<80x128xf32, #tpu.memory_space<vmem>>, vector<16xf32>,
          tpu.vector_store %arg9[%swap3A_639, %swap3A_640], %mul3A_638 {strides = array<i32>} : memref<80x128xf32, #tpu.memory_space<vmem>>, vector<16xf32>,
          %get3A_642 = arith.index_cast %add3A_592 : i32 to index
          %get3A_643 = arith.constant 64 : index
          %get3A_644 = tpu.vector_load %arg9[%get3A_642, %get3A_643] {strides = array<i32>} : memref<80x128xf32, #tpu.memory_space<vmem>>, vector<16xf32>,
          %get3A_645 = arith.index_cast %add3A_592 : i32 to index
          %get3A_646 = arith.constant 64 : index
          %get3A_647 = tpu.vector_load %arg11[%get3A_645, %get3A_646] {strides = array<i32>} : memref<80x128xf32, #tpu.memory_space<vmem>>, vector<16xf32>,
          %sub3A_648 = arith.subf %get3A_644, %get3A_647 : vector<16xf32>
          %mul3A_649 = arith.mulf %sub3A_648, %gather3A_597 : vector<16xf32>
          %swap3A_650 = arith.index_cast %add3A_592 : i32 to index
          %swap3A_651 = arith.constant 64 : index
          %swap3A_652 = tpu.vector_load %arg9[%swap3A_650, %swap3A_651] {strides = array<i32>} : memref<80x128xf32, #tpu.memory_space<vmem>>, vector<16xf32>,
          tpu.vector_store %arg9[%swap3A_650, %swap3A_651], %mul3A_649 {strides = array<i32>} : memref<80x128xf32, #tpu.memory_space<vmem>>, vector<16xf32>,
          %get3A_653 = arith.index_cast %add3A_592 : i32 to index
          %get3A_654 = arith.constant 80 : index
          %get3A_655 = tpu.vector_load %arg9[%get3A_653, %get3A_654] {strides = array<i32>} : memref<80x128xf32, #tpu.memory_space<vmem>>, vector<16xf32>,
          %get3A_656 = arith.index_cast %add3A_592 : i32 to index
          %get3A_657 = arith.constant 80 : index
          %get3A_658 = tpu.vector_load %arg11[%get3A_656, %get3A_657] {strides = array<i32>} : memref<80x128xf32, #tpu.memory_space<vmem>>, vector<16xf32>,
          %sub3A_659 = arith.subf %get3A_655, %get3A_658 : vector<16xf32>
          %mul3A_660 = arith.mulf %sub3A_659, %gather3A_597 : vector<16xf32>
          %swap3A_661 = arith.index_cast %add3A_592 : i32 to index
          %swap3A_662 = arith.constant 80 : index
          %swap3A_663 = tpu.vector_load %arg9[%swap3A_661, %swap3A_662] {strides = array<i32>} : memref<80x128xf32, #tpu.memory_space<vmem>>, vector<16xf32>,
          tpu.vector_store %arg9[%swap3A_661, %swap3A_662], %mul3A_660 {strides = array<i32>} : memref<80x128xf32, #tpu.memory_space<vmem>>, vector<16xf32>,
          %get3A_664 = arith.index_cast %add3A_592 : i32 to index
          %get3A_665 = arith.constant 96 : index
          %get3A_666 = tpu.vector_load %arg9[%get3A_664, %get3A_665] {strides = array<i32>} : memref<80x128xf32, #tpu.memory_space<vmem>>, vector<16xf32>,
          %get3A_667 = arith.index_cast %add3A_592 : i32 to index
          %get3A_668 = arith.constant 96 : index
          %get3A_669 = tpu.vector_load %arg11[%get3A_667, %get3A_668] {strides = array<i32>} : memref<80x128xf32, #tpu.memory_space<vmem>>, vector<16xf32>,
          %sub3A_670 = arith.subf %get3A_666, %get3A_669 : vector<16xf32>
          %mul3A_671 = arith.mulf %sub3A_670, %gather3A_597 : vector<16xf32>
          %swap3A_672 = arith.index_cast %add3A_592 : i32 to index
          %swap3A_673 = arith.constant 96 : index
          %swap3A_674 = tpu.vector_load %arg9[%swap3A_672, %swap3A_673] {strides = array<i32>} : memref<80x128xf32, #tpu.memory_space<vmem>>, vector<16xf32>,
          tpu.vector_store %arg9[%swap3A_672, %swap3A_673], %mul3A_671 {strides = array<i32>} : memref<80x128xf32, #tpu.memory_space<vmem>>, vector<16xf32>,
          %get3A_675 = arith.index_cast %add3A_592 : i32 to index
          %get3A_676 = arith.constant 112 : index
          %get3A_677 = tpu.vector_load %arg9[%get3A_675, %get3A_676] {strides = array<i32>} : memref<80x128xf32, #tpu.memory_space<vmem>>, vector<16xf32>,
          %get3A_678 = arith.index_cast %add3A_592 : i32 to index
          %get3A_679 = arith.constant 112 : index
          %get3A_680 = tpu.vector_load %arg11[%get3A_678, %get3A_679] {strides = array<i32>} : memref<80x128xf32, #tpu.memory_space<vmem>>, vector<16xf32>,
          %sub3A_681 = arith.subf %get3A_677, %get3A_680 : vector<16xf32>
          %mul3A_682 = arith.mulf %sub3A_681, %gather3A_597 : vector<16xf32>
          %swap3A_683 = arith.index_cast %add3A_592 : i32 to index
          %swap3A_684 = arith.constant 112 : index
          %swap3A_685 = tpu.vector_load %arg9[%swap3A_683, %swap3A_684] {strides = array<i32>} : memref<80x128xf32, #tpu.memory_space<vmem>>, vector<16xf32>,
          tpu.vector_store %arg9[%swap3A_683, %swap3A_684], %mul3A_682 {strides = array<i32>} : memref<80x128xf32, #tpu.memory_space<vmem>>, vector<16xf32>,
          %add3A_686 = arith.constant 4 : i32
          %add3A_687 = arith.addi %mul3A_308, %add3A_686 : i32
          %broadcast_in_dim3A_688 = arith.constant 16 : i32
          %broadcast_in_dim3A_689 = vector.broadcast %broadcast_in_dim3A_688 : i32 to vector<16xi32>
          %add3A_690 = vector.broadcast %add3A_687 : i32 to vector<16xi32>
          %add3A_691 = arith.addi %broadcast_in_dim3A_689, %add3A_690 : vector<16xi32>
          %gather3A_692 = tpu.vector_load_idx %arg15[%add3A_691] : memref<96xf32, #tpu.memory_space<vmem>>[vector<16xi32>], vector<16xf32>,
          %get3A_693 = arith.index_cast %add3A_687 : i32 to index
          %get3A_694 = arith.constant 0 : index
          %get3A_695 = tpu.vector_load %arg9[%get3A_693, %get3A_694] {strides = array<i32>} : memref<80x128xf32, #tpu.memory_space<vmem>>, vector<16xf32>,
          %get3A_696 = arith.index_cast %add3A_687 : i32 to index
          %get3A_697 = arith.constant 0 : index
          %get3A_698 = tpu.vector_load %arg11[%get3A_696, %get3A_697] {strides = array<i32>} : memref<80x128xf32, #tpu.memory_space<vmem>>, vector<16xf32>,
          %sub3A_699 = arith.subf %get3A_695, %get3A_698 : vector<16xf32>
          %mul3A_700 = arith.mulf %sub3A_699, %gather3A_692 : vector<16xf32>
          %swap3A_701 = arith.index_cast %add3A_687 : i32 to index
          %swap3A_702 = arith.constant 0 : index
          %swap3A_703 = tpu.vector_load %arg9[%swap3A_701, %swap3A_702] {strides = array<i32>} : memref<80x128xf32, #tpu.memory_space<vmem>>, vector<16xf32>,
          tpu.vector_store %arg9[%swap3A_701, %swap3A_702], %mul3A_700 {strides = array<i32>} : memref<80x128xf32, #tpu.memory_space<vmem>>, vector<16xf32>,
          %get3A_704 = arith.index_cast %add3A_687 : i32 to index
          %get3A_705 = arith.constant 16 : index
          %get3A_706 = tpu.vector_load %arg9[%get3A_704, %get3A_705] {strides = array<i32>} : memref<80x128xf32, #tpu.memory_space<vmem>>, vector<16xf32>,
          %get3A_707 = arith.index_cast %add3A_687 : i32 to index
          %get3A_708 = arith.constant 16 : index
          %get3A_709 = tpu.vector_load %arg11[%get3A_707, %get3A_708] {strides = array<i32>} : memref<80x128xf32, #tpu.memory_space<vmem>>, vector<16xf32>,
          %sub3A_710 = arith.subf %get3A_706, %get3A_709 : vector<16xf32>
          %mul3A_711 = arith.mulf %sub3A_710, %gather3A_692 : vector<16xf32>
          %swap3A_712 = arith.index_cast %add3A_687 : i32 to index
          %swap3A_713 = arith.constant 16 : index
          %swap3A_714 = tpu.vector_load %arg9[%swap3A_712, %swap3A_713] {strides = array<i32>} : memref<80x128xf32, #tpu.memory_space<vmem>>, vector<16xf32>,
          tpu.vector_store %arg9[%swap3A_712, %swap3A_713], %mul3A_711 {strides = array<i32>} : memref<80x128xf32, #tpu.memory_space<vmem>>, vector<16xf32>,
          %get3A_715 = arith.index_cast %add3A_687 : i32 to index
          %get3A_716 = arith.constant 32 : index
          %get3A_717 = tpu.vector_load %arg9[%get3A_715, %get3A_716] {strides = array<i32>} : memref<80x128xf32, #tpu.memory_space<vmem>>, vector<16xf32>,
          %get3A_718 = arith.index_cast %add3A_687 : i32 to index
          %get3A_719 = arith.constant 32 : index
          %get3A_720 = tpu.vector_load %arg11[%get3A_718, %get3A_719] {strides = array<i32>} : memref<80x128xf32, #tpu.memory_space<vmem>>, vector<16xf32>,
          %sub3A_721 = arith.subf %get3A_717, %get3A_720 : vector<16xf32>
          %mul3A_722 = arith.mulf %sub3A_721, %gather3A_692 : vector<16xf32>
          %swap3A_723 = arith.index_cast %add3A_687 : i32 to index
          %swap3A_724 = arith.constant 32 : index
          %swap3A_725 = tpu.vector_load %arg9[%swap3A_723, %swap3A_724] {strides = array<i32>} : memref<80x128xf32, #tpu.memory_space<vmem>>, vector<16xf32>,
          tpu.vector_store %arg9[%swap3A_723, %swap3A_724], %mul3A_722 {strides = array<i32>} : memref<80x128xf32, #tpu.memory_space<vmem>>, vector<16xf32>,
          %get3A_726 = arith.index_cast %add3A_687 : i32 to index
          %get3A_727 = arith.constant 48 : index
          %get3A_728 = tpu.vector_load %arg9[%get3A_726, %get3A_727] {strides = array<i32>} : memref<80x128xf32, #tpu.memory_space<vmem>>, vector<16xf32>,
          %get3A_729 = arith.index_cast %add3A_687 : i32 to index
          %get3A_730 = arith.constant 48 : index
          %get3A_731 = tpu.vector_load %arg11[%get3A_729, %get3A_730] {strides = array<i32>} : memref<80x128xf32, #tpu.memory_space<vmem>>, vector<16xf32>,
          %sub3A_732 = arith.subf %get3A_728, %get3A_731 : vector<16xf32>
          %mul3A_733 = arith.mulf %sub3A_732, %gather3A_692 : vector<16xf32>
          %swap3A_734 = arith.index_cast %add3A_687 : i32 to index
          %swap3A_735 = arith.constant 48 : index
          %swap3A_736 = tpu.vector_load %arg9[%swap3A_734, %swap3A_735] {strides = array<i32>} : memref<80x128xf32, #tpu.memory_space<vmem>>, vector<16xf32>,
          tpu.vector_store %arg9[%swap3A_734, %swap3A_735], %mul3A_733 {strides = array<i32>} : memref<80x128xf32, #tpu.memory_space<vmem>>, vector<16xf32>,
          %get3A_737 = arith.index_cast %add3A_687 : i32 to index
          %get3A_738 = arith.constant 64 : index
          %get3A_739 = tpu.vector_load %arg9[%get3A_737, %get3A_738] {strides = array<i32>} : memref<80x128xf32, #tpu.memory_space<vmem>>, vector<16xf32>,
          %get3A_740 = arith.index_cast %add3A_687 : i32 to index
          %get3A_741 = arith.constant 64 : index
          %get3A_742 = tpu.vector_load %arg11[%get3A_740, %get3A_741] {strides = array<i32>} : memref<80x128xf32, #tpu.memory_space<vmem>>, vector<16xf32>,
          %sub3A_743 = arith.subf %get3A_739, %get3A_742 : vector<16xf32>
          %mul3A_744 = arith.mulf %sub3A_743, %gather3A_692 : vector<16xf32>
          %swap3A_745 = arith.index_cast %add3A_687 : i32 to index
          %swap3A_746 = arith.constant 64 : index
          %swap3A_747 = tpu.vector_load %arg9[%swap3A_745, %swap3A_746] {strides = array<i32>} : memref<80x128xf32, #tpu.memory_space<vmem>>, vector<16xf32>,
          tpu.vector_store %arg9[%swap3A_745, %swap3A_746], %mul3A_744 {strides = array<i32>} : memref<80x128xf32, #tpu.memory_space<vmem>>, vector<16xf32>,
          %get3A_748 = arith.index_cast %add3A_687 : i32 to index
          %get3A_749 = arith.constant 80 : index
          %get3A_750 = tpu.vector_load %arg9[%get3A_748, %get3A_749] {strides = array<i32>} : memref<80x128xf32, #tpu.memory_space<vmem>>, vector<16xf32>,
          %get3A_751 = arith.index_cast %add3A_687 : i32 to index
          %get3A_752 = arith.constant 80 : index
          %get3A_753 = tpu.vector_load %arg11[%get3A_751, %get3A_752] {strides = array<i32>} : memref<80x128xf32, #tpu.memory_space<vmem>>, vector<16xf32>,
          %sub3A_754 = arith.subf %get3A_750, %get3A_753 : vector<16xf32>
          %mul3A_755 = arith.mulf %sub3A_754, %gather3A_692 : vector<16xf32>
          %swap3A_756 = arith.index_cast %add3A_687 : i32 to index
          %swap3A_757 = arith.constant 80 : index
          %swap3A_758 = tpu.vector_load %arg9[%swap3A_756, %swap3A_757] {strides = array<i32>} : memref<80x128xf32, #tpu.memory_space<vmem>>, vector<16xf32>,
          tpu.vector_store %arg9[%swap3A_756, %swap3A_757], %mul3A_755 {strides = array<i32>} : memref<80x128xf32, #tpu.memory_space<vmem>>, vector<16xf32>,
          %get3A_759 = arith.index_cast %add3A_687 : i32 to index
          %get3A_760 = arith.constant 96 : index
          %get3A_761 = tpu.vector_load %arg9[%get3A_759, %get3A_760] {strides = array<i32>} : memref<80x128xf32, #tpu.memory_space<vmem>>, vector<16xf32>,
          %get3A_762 = arith.index_cast %add3A_687 : i32 to index
          %get3A_763 = arith.constant 96 : index
          %get3A_764 = tpu.vector_load %arg11[%get3A_762, %get3A_763] {strides = array<i32>} : memref<80x128xf32, #tpu.memory_space<vmem>>, vector<16xf32>,
          %sub3A_765 = arith.subf %get3A_761, %get3A_764 : vector<16xf32>
          %mul3A_766 = arith.mulf %sub3A_765, %gather3A_692 : vector<16xf32>
          %swap3A_767 = arith.index_cast %add3A_687 : i32 to index
          %swap3A_768 = arith.constant 96 : index
          %swap3A_769 = tpu.vector_load %arg9[%swap3A_767, %swap3A_768] {strides = array<i32>} : memref<80x128xf32, #tpu.memory_space<vmem>>, vector<16xf32>,
          tpu.vector_store %arg9[%swap3A_767, %swap3A_768], %mul3A_766 {strides = array<i32>} : memref<80x128xf32, #tpu.memory_space<vmem>>, vector<16xf32>,
          %get3A_770 = arith.index_cast %add3A_687 : i32 to index
          %get3A_771 = arith.constant 112 : index
          %get3A_772 = tpu.vector_load %arg9[%get3A_770, %get3A_771] {strides = array<i32>} : memref<80x128xf32, #tpu.memory_space<vmem>>, vector<16xf32>,
          %get3A_773 = arith.index_cast %add3A_687 : i32 to index
          %get3A_774 = arith.constant 112 : index
          %get3A_775 = tpu.vector_load %arg11[%get3A_773, %get3A_774] {strides = array<i32>} : memref<80x128xf32, #tpu.memory_space<vmem>>, vector<16xf32>,
          %sub3A_776 = arith.subf %get3A_772, %get3A_775 : vector<16xf32>
          %mul3A_777 = arith.mulf %sub3A_776, %gather3A_692 : vector<16xf32>
          %swap3A_778 = arith.index_cast %add3A_687 : i32 to index
          %swap3A_779 = arith.constant 112 : index
          %swap3A_780 = tpu.vector_load %arg9[%swap3A_778, %swap3A_779] {strides = array<i32>} : memref<80x128xf32, #tpu.memory_space<vmem>>, vector<16xf32>,
          tpu.vector_store %arg9[%swap3A_778, %swap3A_779], %mul3A_777 {strides = array<i32>} : memref<80x128xf32, #tpu.memory_space<vmem>>, vector<16xf32>,
          %add3A_781 = arith.constant 5 : i32
          %add3A_782 = arith.addi %mul3A_308, %add3A_781 : i32
          %broadcast_in_dim3A_783 = arith.constant 16 : i32
          %broadcast_in_dim3A_784 = vector.broadcast %broadcast_in_dim3A_783 : i32 to vector<16xi32>
          %add3A_785 = vector.broadcast %add3A_782 : i32 to vector<16xi32>
          %add3A_786 = arith.addi %broadcast_in_dim3A_784, %add3A_785 : vector<16xi32>
          %gather3A_787 = tpu.vector_load_idx %arg15[%add3A_786] : memref<96xf32, #tpu.memory_space<vmem>>[vector<16xi32>], vector<16xf32>,
          %get3A_788 = arith.index_cast %add3A_782 : i32 to index
          %get3A_789 = arith.constant 0 : index
          %get3A_790 = tpu.vector_load %arg9[%get3A_788, %get3A_789] {strides = array<i32>} : memref<80x128xf32, #tpu.memory_space<vmem>>, vector<16xf32>,
          %get3A_791 = arith.index_cast %add3A_782 : i32 to index
          %get3A_792 = arith.constant 0 : index
          %get3A_793 = tpu.vector_load %arg11[%get3A_791, %get3A_792] {strides = array<i32>} : memref<80x128xf32, #tpu.memory_space<vmem>>, vector<16xf32>,
          %sub3A_794 = arith.subf %get3A_790, %get3A_793 : vector<16xf32>
          %mul3A_795 = arith.mulf %sub3A_794, %gather3A_787 : vector<16xf32>
          %swap3A_796 = arith.index_cast %add3A_782 : i32 to index
          %swap3A_797 = arith.constant 0 : index
          %swap3A_798 = tpu.vector_load %arg9[%swap3A_796, %swap3A_797] {strides = array<i32>} : memref<80x128xf32, #tpu.memory_space<vmem>>, vector<16xf32>,
          tpu.vector_store %arg9[%swap3A_796, %swap3A_797], %mul3A_795 {strides = array<i32>} : memref<80x128xf32, #tpu.memory_space<vmem>>, vector<16xf32>,
          %get3A_799 = arith.index_cast %add3A_782 : i32 to index
          %get3A_800 = arith.constant 16 : index
          %get3A_801 = tpu.vector_load %arg9[%get3A_799, %get3A_800] {strides = array<i32>} : memref<80x128xf32, #tpu.memory_space<vmem>>, vector<16xf32>,
          %get3A_802 = arith.index_cast %add3A_782 : i32 to index
          %get3A_803 = arith.constant 16 : index
          %get3A_804 = tpu.vector_load %arg11[%get3A_802, %get3A_803] {strides = array<i32>} : memref<80x128xf32, #tpu.memory_space<vmem>>, vector<16xf32>,
          %sub3A_805 = arith.subf %get3A_801, %get3A_804 : vector<16xf32>
          %mul3A_806 = arith.mulf %sub3A_805, %gather3A_787 : vector<16xf32>
          %swap3A_807 = arith.index_cast %add3A_782 : i32 to index
          %swap3A_808 = arith.constant 16 : index
          %swap3A_809 = tpu.vector_load %arg9[%swap3A_807, %swap3A_808] {strides = array<i32>} : memref<80x128xf32, #tpu.memory_space<vmem>>, vector<16xf32>,
          tpu.vector_store %arg9[%swap3A_807, %swap3A_808], %mul3A_806 {strides = array<i32>} : memref<80x128xf32, #tpu.memory_space<vmem>>, vector<16xf32>,
          %get3A_810 = arith.index_cast %add3A_782 : i32 to index
          %get3A_811 = arith.constant 32 : index
          %get3A_812 = tpu.vector_load %arg9[%get3A_810, %get3A_811] {strides = array<i32>} : memref<80x128xf32, #tpu.memory_space<vmem>>, vector<16xf32>,
          %get3A_813 = arith.index_cast %add3A_782 : i32 to index
          %get3A_814 = arith.constant 32 : index
          %get3A_815 = tpu.vector_load %arg11[%get3A_813, %get3A_814] {strides = array<i32>} : memref<80x128xf32, #tpu.memory_space<vmem>>, vector<16xf32>,
          %sub3A_816 = arith.subf %get3A_812, %get3A_815 : vector<16xf32>
          %mul3A_817 = arith.mulf %sub3A_816, %gather3A_787 : vector<16xf32>
          %swap3A_818 = arith.index_cast %add3A_782 : i32 to index
          %swap3A_819 = arith.constant 32 : index
          %swap3A_820 = tpu.vector_load %arg9[%swap3A_818, %swap3A_819] {strides = array<i32>} : memref<80x128xf32, #tpu.memory_space<vmem>>, vector<16xf32>,
          tpu.vector_store %arg9[%swap3A_818, %swap3A_819], %mul3A_817 {strides = array<i32>} : memref<80x128xf32, #tpu.memory_space<vmem>>, vector<16xf32>,
          %get3A_821 = arith.index_cast %add3A_782 : i32 to index
          %get3A_822 = arith.constant 48 : index
          %get3A_823 = tpu.vector_load %arg9[%get3A_821, %get3A_822] {strides = array<i32>} : memref<80x128xf32, #tpu.memory_space<vmem>>, vector<16xf32>,
          %get3A_824 = arith.index_cast %add3A_782 : i32 to index
          %get3A_825 = arith.constant 48 : index
          %get3A_826 = tpu.vector_load %arg11[%get3A_824, %get3A_825] {strides = array<i32>} : memref<80x128xf32, #tpu.memory_space<vmem>>, vector<16xf32>,
          %sub3A_827 = arith.subf %get3A_823, %get3A_826 : vector<16xf32>
          %mul3A_828 = arith.mulf %sub3A_827, %gather3A_787 : vector<16xf32>
          %swap3A_829 = arith.index_cast %add3A_782 : i32 to index
          %swap3A_830 = arith.constant 48 : index
          %swap3A_831 = tpu.vector_load %arg9[%swap3A_829, %swap3A_830] {strides = array<i32>} : memref<80x128xf32, #tpu.memory_space<vmem>>, vector<16xf32>,
          tpu.vector_store %arg9[%swap3A_829, %swap3A_830], %mul3A_828 {strides = array<i32>} : memref<80x128xf32, #tpu.memory_space<vmem>>, vector<16xf32>,
          %get3A_832 = arith.index_cast %add3A_782 : i32 to index
          %get3A_833 = arith.constant 64 : index
          %get3A_834 = tpu.vector_load %arg9[%get3A_832, %get3A_833] {strides = array<i32>} : memref<80x128xf32, #tpu.memory_space<vmem>>, vector<16xf32>,
          %get3A_835 = arith.index_cast %add3A_782 : i32 to index
          %get3A_836 = arith.constant 64 : index
          %get3A_837 = tpu.vector_load %arg11[%get3A_835, %get3A_836] {strides = array<i32>} : memref<80x128xf32, #tpu.memory_space<vmem>>, vector<16xf32>,
          %sub3A_838 = arith.subf %get3A_834, %get3A_837 : vector<16xf32>
          %mul3A_839 = arith.mulf %sub3A_838, %gather3A_787 : vector<16xf32>
          %swap3A_840 = arith.index_cast %add3A_782 : i32 to index
          %swap3A_841 = arith.constant 64 : index
          %swap3A_842 = tpu.vector_load %arg9[%swap3A_840, %swap3A_841] {strides = array<i32>} : memref<80x128xf32, #tpu.memory_space<vmem>>, vector<16xf32>,
          tpu.vector_store %arg9[%swap3A_840, %swap3A_841], %mul3A_839 {strides = array<i32>} : memref<80x128xf32, #tpu.memory_space<vmem>>, vector<16xf32>,
          %get3A_843 = arith.index_cast %add3A_782 : i32 to index
          %get3A_844 = arith.constant 80 : index
          %get3A_845 = tpu.vector_load %arg9[%get3A_843, %get3A_844] {strides = array<i32>} : memref<80x128xf32, #tpu.memory_space<vmem>>, vector<16xf32>,
          %get3A_846 = arith.index_cast %add3A_782 : i32 to index
          %get3A_847 = arith.constant 80 : index
          %get3A_848 = tpu.vector_load %arg11[%get3A_846, %get3A_847] {strides = array<i32>} : memref<80x128xf32, #tpu.memory_space<vmem>>, vector<16xf32>,
          %sub3A_849 = arith.subf %get3A_845, %get3A_848 : vector<16xf32>
          %mul3A_850 = arith.mulf %sub3A_849, %gather3A_787 : vector<16xf32>
          %swap3A_851 = arith.index_cast %add3A_782 : i32 to index
          %swap3A_852 = arith.constant 80 : index
          %swap3A_853 = tpu.vector_load %arg9[%swap3A_851, %swap3A_852] {strides = array<i32>} : memref<80x128xf32, #tpu.memory_space<vmem>>, vector<16xf32>,
          tpu.vector_store %arg9[%swap3A_851, %swap3A_852], %mul3A_850 {strides = array<i32>} : memref<80x128xf32, #tpu.memory_space<vmem>>, vector<16xf32>,
          %get3A_854 = arith.index_cast %add3A_782 : i32 to index
          %get3A_855 = arith.constant 96 : index
          %get3A_856 = tpu.vector_load %arg9[%get3A_854, %get3A_855] {strides = array<i32>} : memref<80x128xf32, #tpu.memory_space<vmem>>, vector<16xf32>,
          %get3A_857 = arith.index_cast %add3A_782 : i32 to index
          %get3A_858 = arith.constant 96 : index
          %get3A_859 = tpu.vector_load %arg11[%get3A_857, %get3A_858] {strides = array<i32>} : memref<80x128xf32, #tpu.memory_space<vmem>>, vector<16xf32>,
          %sub3A_860 = arith.subf %get3A_856, %get3A_859 : vector<16xf32>
          %mul3A_861 = arith.mulf %sub3A_860, %gather3A_787 : vector<16xf32>
          %swap3A_862 = arith.index_cast %add3A_782 : i32 to index
          %swap3A_863 = arith.constant 96 : index
          %swap3A_864 = tpu.vector_load %arg9[%swap3A_862, %swap3A_863] {strides = array<i32>} : memref<80x128xf32, #tpu.memory_space<vmem>>, vector<16xf32>,
          tpu.vector_store %arg9[%swap3A_862, %swap3A_863], %mul3A_861 {strides = array<i32>} : memref<80x128xf32, #tpu.memory_space<vmem>>, vector<16xf32>,
          %get3A_865 = arith.index_cast %add3A_782 : i32 to index
          %get3A_866 = arith.constant 112 : index
          %get3A_867 = tpu.vector_load %arg9[%get3A_865, %get3A_866] {strides = array<i32>} : memref<80x128xf32, #tpu.memory_space<vmem>>, vector<16xf32>,
          %get3A_868 = arith.index_cast %add3A_782 : i32 to index
          %get3A_869 = arith.constant 112 : index
          %get3A_870 = tpu.vector_load %arg11[%get3A_868, %get3A_869] {strides = array<i32>} : memref<80x128xf32, #tpu.memory_space<vmem>>, vector<16xf32>,
          %sub3A_871 = arith.subf %get3A_867, %get3A_870 : vector<16xf32>
          %mul3A_872 = arith.mulf %sub3A_871, %gather3A_787 : vector<16xf32>
          %swap3A_873 = arith.index_cast %add3A_782 : i32 to index
          %swap3A_874 = arith.constant 112 : index
          %swap3A_875 = tpu.vector_load %arg9[%swap3A_873, %swap3A_874] {strides = array<i32>} : memref<80x128xf32, #tpu.memory_space<vmem>>, vector<16xf32>,
          tpu.vector_store %arg9[%swap3A_873, %swap3A_874], %mul3A_872 {strides = array<i32>} : memref<80x128xf32, #tpu.memory_space<vmem>>, vector<16xf32>,
          %add3A_876 = arith.constant 6 : i32
          %add3A_877 = arith.addi %mul3A_308, %add3A_876 : i32
          %broadcast_in_dim3A_878 = arith.constant 16 : i32
          %broadcast_in_dim3A_879 = vector.broadcast %broadcast_in_dim3A_878 : i32 to vector<16xi32>
          %add3A_880 = vector.broadcast %add3A_877 : i32 to vector<16xi32>
          %add3A_881 = arith.addi %broadcast_in_dim3A_879, %add3A_880 : vector<16xi32>
          %gather3A_882 = tpu.vector_load_idx %arg15[%add3A_881] : memref<96xf32, #tpu.memory_space<vmem>>[vector<16xi32>], vector<16xf32>,
          %get3A_883 = arith.index_cast %add3A_877 : i32 to index
          %get3A_884 = arith.constant 0 : index
          %get3A_885 = tpu.vector_load %arg9[%get3A_883, %get3A_884] {strides = array<i32>} : memref<80x128xf32, #tpu.memory_space<vmem>>, vector<16xf32>,
          %get3A_886 = arith.index_cast %add3A_877 : i32 to index
          %get3A_887 = arith.constant 0 : index
          %get3A_888 = tpu.vector_load %arg11[%get3A_886, %get3A_887] {strides = array<i32>} : memref<80x128xf32, #tpu.memory_space<vmem>>, vector<16xf32>,
          %sub3A_889 = arith.subf %get3A_885, %get3A_888 : vector<16xf32>
          %mul3A_890 = arith.mulf %sub3A_889, %gather3A_882 : vector<16xf32>
          %swap3A_891 = arith.index_cast %add3A_877 : i32 to index
          %swap3A_892 = arith.constant 0 : index
          %swap3A_893 = tpu.vector_load %arg9[%swap3A_891, %swap3A_892] {strides = array<i32>} : memref<80x128xf32, #tpu.memory_space<vmem>>, vector<16xf32>,
          tpu.vector_store %arg9[%swap3A_891, %swap3A_892], %mul3A_890 {strides = array<i32>} : memref<80x128xf32, #tpu.memory_space<vmem>>, vector<16xf32>,
          %get3A_894 = arith.index_cast %add3A_877 : i32 to index
          %get3A_895 = arith.constant 16 : index
          %get3A_896 = tpu.vector_load %arg9[%get3A_894, %get3A_895] {strides = array<i32>} : memref<80x128xf32, #tpu.memory_space<vmem>>, vector<16xf32>,
          %get3A_897 = arith.index_cast %add3A_877 : i32 to index
          %get3A_898 = arith.constant 16 : index
          %get3A_899 = tpu.vector_load %arg11[%get3A_897, %get3A_898] {strides = array<i32>} : memref<80x128xf32, #tpu.memory_space<vmem>>, vector<16xf32>,
          %sub3A_900 = arith.subf %get3A_896, %get3A_899 : vector<16xf32>
          %mul3A_901 = arith.mulf %sub3A_900, %gather3A_882 : vector<16xf32>
          %swap3A_902 = arith.index_cast %add3A_877 : i32 to index
          %swap3A_903 = arith.constant 16 : index
          %swap3A_904 = tpu.vector_load %arg9[%swap3A_902, %swap3A_903] {strides = array<i32>} : memref<80x128xf32, #tpu.memory_space<vmem>>, vector<16xf32>,
          tpu.vector_store %arg9[%swap3A_902, %swap3A_903], %mul3A_901 {strides = array<i32>} : memref<80x128xf32, #tpu.memory_space<vmem>>, vector<16xf32>,
          %get3A_905 = arith.index_cast %add3A_877 : i32 to index
          %get3A_906 = arith.constant 32 : index
          %get3A_907 = tpu.vector_load %arg9[%get3A_905, %get3A_906] {strides = array<i32>} : memref<80x128xf32, #tpu.memory_space<vmem>>, vector<16xf32>,
          %get3A_908 = arith.index_cast %add3A_877 : i32 to index
          %get3A_909 = arith.constant 32 : index
          %get3A_910 = tpu.vector_load %arg11[%get3A_908, %get3A_909] {strides = array<i32>} : memref<80x128xf32, #tpu.memory_space<vmem>>, vector<16xf32>,
          %sub3A_911 = arith.subf %get3A_907, %get3A_910 : vector<16xf32>
          %mul3A_912 = arith.mulf %sub3A_911, %gather3A_882 : vector<16xf32>
          %swap3A_913 = arith.index_cast %add3A_877 : i32 to index
          %swap3A_914 = arith.constant 32 : index
          %swap3A_915 = tpu.vector_load %arg9[%swap3A_913, %swap3A_914] {strides = array<i32>} : memref<80x128xf32, #tpu.memory_space<vmem>>, vector<16xf32>,
          tpu.vector_store %arg9[%swap3A_913, %swap3A_914], %mul3A_912 {strides = array<i32>} : memref<80x128xf32, #tpu.memory_space<vmem>>, vector<16xf32>,
          %get3A_916 = arith.index_cast %add3A_877 : i32 to index
          %get3A_917 = arith.constant 48 : index
          %get3A_918 = tpu.vector_load %arg9[%get3A_916, %get3A_917] {strides = array<i32>} : memref<80x128xf32, #tpu.memory_space<vmem>>, vector<16xf32>,
          %get3A_919 = arith.index_cast %add3A_877 : i32 to index
          %get3A_920 = arith.constant 48 : index
          %get3A_921 = tpu.vector_load %arg11[%get3A_919, %get3A_920] {strides = array<i32>} : memref<80x128xf32, #tpu.memory_space<vmem>>, vector<16xf32>,
          %sub3A_922 = arith.subf %get3A_918, %get3A_921 : vector<16xf32>
          %mul3A_923 = arith.mulf %sub3A_922, %gather3A_882 : vector<16xf32>
          %swap3A_924 = arith.index_cast %add3A_877 : i32 to index
          %swap3A_925 = arith.constant 48 : index
          %swap3A_926 = tpu.vector_load %arg9[%swap3A_924, %swap3A_925] {strides = array<i32>} : memref<80x128xf32, #tpu.memory_space<vmem>>, vector<16xf32>,
          tpu.vector_store %arg9[%swap3A_924, %swap3A_925], %mul3A_923 {strides = array<i32>} : memref<80x128xf32, #tpu.memory_space<vmem>>, vector<16xf32>,
          %get3A_927 = arith.index_cast %add3A_877 : i32 to index
          %get3A_928 = arith.constant 64 : index
          %get3A_929 = tpu.vector_load %arg9[%get3A_927, %get3A_928] {strides = array<i32>} : memref<80x128xf32, #tpu.memory_space<vmem>>, vector<16xf32>,
          %get3A_930 = arith.index_cast %add3A_877 : i32 to index
          %get3A_931 = arith.constant 64 : index
          %get3A_932 = tpu.vector_load %arg11[%get3A_930, %get3A_931] {strides = array<i32>} : memref<80x128xf32, #tpu.memory_space<vmem>>, vector<16xf32>,
          %sub3A_933 = arith.subf %get3A_929, %get3A_932 : vector<16xf32>
          %mul3A_934 = arith.mulf %sub3A_933, %gather3A_882 : vector<16xf32>
          %swap3A_935 = arith.index_cast %add3A_877 : i32 to index
          %swap3A_936 = arith.constant 64 : index
          %swap3A_937 = tpu.vector_load %arg9[%swap3A_935, %swap3A_936] {strides = array<i32>} : memref<80x128xf32, #tpu.memory_space<vmem>>, vector<16xf32>,
          tpu.vector_store %arg9[%swap3A_935, %swap3A_936], %mul3A_934 {strides = array<i32>} : memref<80x128xf32, #tpu.memory_space<vmem>>, vector<16xf32>,
          %get3A_938 = arith.index_cast %add3A_877 : i32 to index
          %get3A_939 = arith.constant 80 : index
          %get3A_940 = tpu.vector_load %arg9[%get3A_938, %get3A_939] {strides = array<i32>} : memref<80x128xf32, #tpu.memory_space<vmem>>, vector<16xf32>,
          %get3A_941 = arith.index_cast %add3A_877 : i32 to index
          %get3A_942 = arith.constant 80 : index
          %get3A_943 = tpu.vector_load %arg11[%get3A_941, %get3A_942] {strides = array<i32>} : memref<80x128xf32, #tpu.memory_space<vmem>>, vector<16xf32>,
          %sub3A_944 = arith.subf %get3A_940, %get3A_943 : vector<16xf32>
          %mul3A_945 = arith.mulf %sub3A_944, %gather3A_882 : vector<16xf32>
          %swap3A_946 = arith.index_cast %add3A_877 : i32 to index
          %swap3A_947 = arith.constant 80 : index
          %swap3A_948 = tpu.vector_load %arg9[%swap3A_946, %swap3A_947] {strides = array<i32>} : memref<80x128xf32, #tpu.memory_space<vmem>>, vector<16xf32>,
          tpu.vector_store %arg9[%swap3A_946, %swap3A_947], %mul3A_945 {strides = array<i32>} : memref<80x128xf32, #tpu.memory_space<vmem>>, vector<16xf32>,
          %get3A_949 = arith.index_cast %add3A_877 : i32 to index
          %get3A_950 = arith.constant 96 : index
          %get3A_951 = tpu.vector_load %arg9[%get3A_949, %get3A_950] {strides = array<i32>} : memref<80x128xf32, #tpu.memory_space<vmem>>, vector<16xf32>,
          %get3A_952 = arith.index_cast %add3A_877 : i32 to index
          %get3A_953 = arith.constant 96 : index
          %get3A_954 = tpu.vector_load %arg11[%get3A_952, %get3A_953] {strides = array<i32>} : memref<80x128xf32, #tpu.memory_space<vmem>>, vector<16xf32>,
          %sub3A_955 = arith.subf %get3A_951, %get3A_954 : vector<16xf32>
          %mul3A_956 = arith.mulf %sub3A_955, %gather3A_882 : vector<16xf32>
          %swap3A_957 = arith.index_cast %add3A_877 : i32 to index
          %swap3A_958 = arith.constant 96 : index
          %swap3A_959 = tpu.vector_load %arg9[%swap3A_957, %swap3A_958] {strides = array<i32>} : memref<80x128xf32, #tpu.memory_space<vmem>>, vector<16xf32>,
          tpu.vector_store %arg9[%swap3A_957, %swap3A_958], %mul3A_956 {strides = array<i32>} : memref<80x128xf32, #tpu.memory_space<vmem>>, vector<16xf32>,
          %get3A_960 = arith.index_cast %add3A_877 : i32 to index
          %get3A_961 = arith.constant 112 : index
          %get3A_962 = tpu.vector_load %arg9[%get3A_960, %get3A_961] {strides = array<i32>} : memref<80x128xf32, #tpu.memory_space<vmem>>, vector<16xf32>,
          %get3A_963 = arith.index_cast %add3A_877 : i32 to index
          %get3A_964 = arith.constant 112 : index
          %get3A_965 = tpu.vector_load %arg11[%get3A_963, %get3A_964] {strides = array<i32>} : memref<80x128xf32, #tpu.memory_space<vmem>>, vector<16xf32>,
          %sub3A_966 = arith.subf %get3A_962, %get3A_965 : vector<16xf32>
          %mul3A_967 = arith.mulf %sub3A_966, %gather3A_882 : vector<16xf32>
          %swap3A_968 = arith.index_cast %add3A_877 : i32 to index
          %swap3A_969 = arith.constant 112 : index
          %swap3A_970 = tpu.vector_load %arg9[%swap3A_968, %swap3A_969] {strides = array<i32>} : memref<80x128xf32, #tpu.memory_space<vmem>>, vector<16xf32>,
          tpu.vector_store %arg9[%swap3A_968, %swap3A_969], %mul3A_967 {strides = array<i32>} : memref<80x128xf32, #tpu.memory_space<vmem>>, vector<16xf32>,
          %add3A_971 = arith.constant 7 : i32
          %add3A_972 = arith.addi %mul3A_308, %add3A_971 : i32
          %broadcast_in_dim3A_973 = arith.constant 16 : i32
          %broadcast_in_dim3A_974 = vector.broadcast %broadcast_in_dim3A_973 : i32 to vector<16xi32>
          %add3A_975 = vector.broadcast %add3A_972 : i32 to vector<16xi32>
          %add3A_976 = arith.addi %broadcast_in_dim3A_974, %add3A_975 : vector<16xi32>
          %gather3A_977 = tpu.vector_load_idx %arg15[%add3A_976] : memref<96xf32, #tpu.memory_space<vmem>>[vector<16xi32>], vector<16xf32>,
          %get3A_978 = arith.index_cast %add3A_972 : i32 to index
          %get3A_979 = arith.constant 0 : index
          %get3A_980 = tpu.vector_load %arg9[%get3A_978, %get3A_979] {strides = array<i32>} : memref<80x128xf32, #tpu.memory_space<vmem>>, vector<16xf32>,
          %get3A_981 = arith.index_cast %add3A_972 : i32 to index
          %get3A_982 = arith.constant 0 : index
          %get3A_983 = tpu.vector_load %arg11[%get3A_981, %get3A_982] {strides = array<i32>} : memref<80x128xf32, #tpu.memory_space<vmem>>, vector<16xf32>,
          %sub3A_984 = arith.subf %get3A_980, %get3A_983 : vector<16xf32>
          %mul3A_985 = arith.mulf %sub3A_984, %gather3A_977 : vector<16xf32>
          %swap3A_986 = arith.index_cast %add3A_972 : i32 to index
          %swap3A_987 = arith.constant 0 : index
          %swap3A_988 = tpu.vector_load %arg9[%swap3A_986, %swap3A_987] {strides = array<i32>} : memref<80x128xf32, #tpu.memory_space<vmem>>, vector<16xf32>,
          tpu.vector_store %arg9[%swap3A_986, %swap3A_987], %mul3A_985 {strides = array<i32>} : memref<80x128xf32, #tpu.memory_space<vmem>>, vector<16xf32>,
          %get3A_989 = arith.index_cast %add3A_972 : i32 to index
          %get3A_990 = arith.constant 16 : index
          %get3A_991 = tpu.vector_load %arg9[%get3A_989, %get3A_990] {strides = array<i32>} : memref<80x128xf32, #tpu.memory_space<vmem>>, vector<16xf32>,
          %get3A_992 = arith.index_cast %add3A_972 : i32 to index
          %get3A_993 = arith.constant 16 : index
          %get3A_994 = tpu.vector_load %arg11[%get3A_992, %get3A_993] {strides = array<i32>} : memref<80x128xf32, #tpu.memory_space<vmem>>, vector<16xf32>,
          %sub3A_995 = arith.subf %get3A_991, %get3A_994 : vector<16xf32>
          %mul3A_996 = arith.mulf %sub3A_995, %gather3A_977 : vector<16xf32>
          %swap3A_997 = arith.index_cast %add3A_972 : i32 to index
          %swap3A_998 = arith.constant 16 : index
          %swap3A_999 = tpu.vector_load %arg9[%swap3A_997, %swap3A_998] {strides = array<i32>} : memref<80x128xf32, #tpu.memory_space<vmem>>, vector<16xf32>,
          tpu.vector_store %arg9[%swap3A_997, %swap3A_998], %mul3A_996 {strides = array<i32>} : memref<80x128xf32, #tpu.memory_space<vmem>>, vector<16xf32>,
          %get3A_1000 = arith.index_cast %add3A_972 : i32 to index
          %get3A_1001 = arith.constant 32 : index
          %get3A_1002 = tpu.vector_load %arg9[%get3A_1000, %get3A_1001] {strides = array<i32>} : memref<80x128xf32, #tpu.memory_space<vmem>>, vector<16xf32>,
          %get3A_1003 = arith.index_cast %add3A_972 : i32 to index
          %get3A_1004 = arith.constant 32 : index
          %get3A_1005 = tpu.vector_load %arg11[%get3A_1003, %get3A_1004] {strides = array<i32>} : memref<80x128xf32, #tpu.memory_space<vmem>>, vector<16xf32>,
          %sub3A_1006 = arith.subf %get3A_1002, %get3A_1005 : vector<16xf32>
          %mul3A_1007 = arith.mulf %sub3A_1006, %gather3A_977 : vector<16xf32>
          %swap3A_1008 = arith.index_cast %add3A_972 : i32 to index
          %swap3A_1009 = arith.constant 32 : index
          %swap3A_1010 = tpu.vector_load %arg9[%swap3A_1008, %swap3A_1009] {strides = array<i32>} : memref<80x128xf32, #tpu.memory_space<vmem>>, vector<16xf32>,
          tpu.vector_store %arg9[%swap3A_1008, %swap3A_1009], %mul3A_1007 {strides = array<i32>} : memref<80x128xf32, #tpu.memory_space<vmem>>, vector<16xf32>,
          %get3A_1011 = arith.index_cast %add3A_972 : i32 to index
          %get3A_1012 = arith.constant 48 : index
          %get3A_1013 = tpu.vector_load %arg9[%get3A_1011, %get3A_1012] {strides = array<i32>} : memref<80x128xf32, #tpu.memory_space<vmem>>, vector<16xf32>,
          %get3A_1014 = arith.index_cast %add3A_972 : i32 to index
          %get3A_1015 = arith.constant 48 : index
          %get3A_1016 = tpu.vector_load %arg11[%get3A_1014, %get3A_1015] {strides = array<i32>} : memref<80x128xf32, #tpu.memory_space<vmem>>, vector<16xf32>,
          %sub3A_1017 = arith.subf %get3A_1013, %get3A_1016 : vector<16xf32>
          %mul3A_1018 = arith.mulf %sub3A_1017, %gather3A_977 : vector<16xf32>
          %swap3A_1019 = arith.index_cast %add3A_972 : i32 to index
          %swap3A_1020 = arith.constant 48 : index
          %swap3A_1021 = tpu.vector_load %arg9[%swap3A_1019, %swap3A_1020] {strides = array<i32>} : memref<80x128xf32, #tpu.memory_space<vmem>>, vector<16xf32>,
          tpu.vector_store %arg9[%swap3A_1019, %swap3A_1020], %mul3A_1018 {strides = array<i32>} : memref<80x128xf32, #tpu.memory_space<vmem>>, vector<16xf32>,
          %get3A_1022 = arith.index_cast %add3A_972 : i32 to index
          %get3A_1023 = arith.constant 64 : index
          %get3A_1024 = tpu.vector_load %arg9[%get3A_1022, %get3A_1023] {strides = array<i32>} : memref<80x128xf32, #tpu.memory_space<vmem>>, vector<16xf32>,
          %get3A_1025 = arith.index_cast %add3A_972 : i32 to index
          %get3A_1026 = arith.constant 64 : index
          %get3A_1027 = tpu.vector_load %arg11[%get3A_1025, %get3A_1026] {strides = array<i32>} : memref<80x128xf32, #tpu.memory_space<vmem>>, vector<16xf32>,
          %sub3A_1028 = arith.subf %get3A_1024, %get3A_1027 : vector<16xf32>
          %mul3A_1029 = arith.mulf %sub3A_1028, %gather3A_977 : vector<16xf32>
          %swap3A_1030 = arith.index_cast %add3A_972 : i32 to index
          %swap3A_1031 = arith.constant 64 : index
          %swap3A_1032 = tpu.vector_load %arg9[%swap3A_1030, %swap3A_1031] {strides = array<i32>} : memref<80x128xf32, #tpu.memory_space<vmem>>, vector<16xf32>,
          tpu.vector_store %arg9[%swap3A_1030, %swap3A_1031], %mul3A_1029 {strides = array<i32>} : memref<80x128xf32, #tpu.memory_space<vmem>>, vector<16xf32>,
          %get3A_1033 = arith.index_cast %add3A_972 : i32 to index
          %get3A_1034 = arith.constant 80 : index
          %get3A_1035 = tpu.vector_load %arg9[%get3A_1033, %get3A_1034] {strides = array<i32>} : memref<80x128xf32, #tpu.memory_space<vmem>>, vector<16xf32>,
          %get3A_1036 = arith.index_cast %add3A_972 : i32 to index
          %get3A_1037 = arith.constant 80 : index
          %get3A_1038 = tpu.vector_load %arg11[%get3A_1036, %get3A_1037] {strides = array<i32>} : memref<80x128xf32, #tpu.memory_space<vmem>>, vector<16xf32>,
          %sub3A_1039 = arith.subf %get3A_1035, %get3A_1038 : vector<16xf32>
          %mul3A_1040 = arith.mulf %sub3A_1039, %gather3A_977 : vector<16xf32>
          %swap3A_1041 = arith.index_cast %add3A_972 : i32 to index
          %swap3A_1042 = arith.constant 80 : index
          %swap3A_1043 = tpu.vector_load %arg9[%swap3A_1041, %swap3A_1042] {strides = array<i32>} : memref<80x128xf32, #tpu.memory_space<vmem>>, vector<16xf32>,
          tpu.vector_store %arg9[%swap3A_1041, %swap3A_1042], %mul3A_1040 {strides = array<i32>} : memref<80x128xf32, #tpu.memory_space<vmem>>, vector<16xf32>,
          %get3A_1044 = arith.index_cast %add3A_972 : i32 to index
          %get3A_1045 = arith.constant 96 : index
          %get3A_1046 = tpu.vector_load %arg9[%get3A_1044, %get3A_1045] {strides = array<i32>} : memref<80x128xf32, #tpu.memory_space<vmem>>, vector<16xf32>,
          %get3A_1047 = arith.index_cast %add3A_972 : i32 to index
          %get3A_1048 = arith.constant 96 : index
          %get3A_1049 = tpu.vector_load %arg11[%get3A_1047, %get3A_1048] {strides = array<i32>} : memref<80x128xf32, #tpu.memory_space<vmem>>, vector<16xf32>,
          %sub3A_1050 = arith.subf %get3A_1046, %get3A_1049 : vector<16xf32>
          %mul3A_1051 = arith.mulf %sub3A_1050, %gather3A_977 : vector<16xf32>
          %swap3A_1052 = arith.index_cast %add3A_972 : i32 to index
          %swap3A_1053 = arith.constant 96 : index
          %swap3A_1054 = tpu.vector_load %arg9[%swap3A_1052, %swap3A_1053] {strides = array<i32>} : memref<80x128xf32, #tpu.memory_space<vmem>>, vector<16xf32>,
          tpu.vector_store %arg9[%swap3A_1052, %swap3A_1053], %mul3A_1051 {strides = array<i32>} : memref<80x128xf32, #tpu.memory_space<vmem>>, vector<16xf32>,
          %get3A_1055 = arith.index_cast %add3A_972 : i32 to index
          %get3A_1056 = arith.constant 112 : index
          %get3A_1057 = tpu.vector_load %arg9[%get3A_1055, %get3A_1056] {strides = array<i32>} : memref<80x128xf32, #tpu.memory_space<vmem>>, vector<16xf32>,
          %get3A_1058 = arith.index_cast %add3A_972 : i32 to index
          %get3A_1059 = arith.constant 112 : index
          %get3A_1060 = tpu.vector_load %arg11[%get3A_1058, %get3A_1059] {strides = array<i32>} : memref<80x128xf32, #tpu.memory_space<vmem>>, vector<16xf32>,
          %sub3A_1061 = arith.subf %get3A_1057, %get3A_1060 : vector<16xf32>
          %mul3A_1062 = arith.mulf %sub3A_1061, %gather3A_977 : vector<16xf32>
          %swap3A_1063 = arith.index_cast %add3A_972 : i32 to index
          %swap3A_1064 = arith.constant 112 : index
          %swap3A_1065 = tpu.vector_load %arg9[%swap3A_1063, %swap3A_1064] {strides = array<i32>} : memref<80x128xf32, #tpu.memory_space<vmem>>, vector<16xf32>,
          tpu.vector_store %arg9[%swap3A_1063, %swap3A_1064], %mul3A_1062 {strides = array<i32>} : memref<80x128xf32, #tpu.memory_space<vmem>>, vector<16xf32>,
          %add3A_1066 = arith.constant 8 : i32
          %add3A_1067 = arith.addi %mul3A_308, %add3A_1066 : i32
          %broadcast_in_dim3A_1068 = arith.constant 16 : i32
          %broadcast_in_dim3A_1069 = vector.broadcast %broadcast_in_dim3A_1068 : i32 to vector<16xi32>
          %add3A_1070 = vector.broadcast %add3A_1067 : i32 to vector<16xi32>
          %add3A_1071 = arith.addi %broadcast_in_dim3A_1069, %add3A_1070 : vector<16xi32>
          %gather3A_1072 = tpu.vector_load_idx %arg15[%add3A_1071] : memref<96xf32, #tpu.memory_space<vmem>>[vector<16xi32>], vector<16xf32>,
          %get3A_1073 = arith.index_cast %add3A_1067 : i32 to index
          %get3A_1074 = arith.constant 0 : index
          %get3A_1075 = tpu.vector_load %arg9[%get3A_1073, %get3A_1074] {strides = array<i32>} : memref<80x128xf32, #tpu.memory_space<vmem>>, vector<16xf32>,
          %get3A_1076 = arith.index_cast %add3A_1067 : i32 to index
          %get3A_1077 = arith.constant 0 : index
          %get3A_1078 = tpu.vector_load %arg11[%get3A_1076, %get3A_1077] {strides = array<i32>} : memref<80x128xf32, #tpu.memory_space<vmem>>, vector<16xf32>,
          %sub3A_1079 = arith.subf %get3A_1075, %get3A_1078 : vector<16xf32>
          %mul3A_1080 = arith.mulf %sub3A_1079, %gather3A_1072 : vector<16xf32>
          %swap3A_1081 = arith.index_cast %add3A_1067 : i32 to index
          %swap3A_1082 = arith.constant 0 : index
          %swap3A_1083 = tpu.vector_load %arg9[%swap3A_1081, %swap3A_1082] {strides = array<i32>} : memref<80x128xf32, #tpu.memory_space<vmem>>, vector<16xf32>,
          tpu.vector_store %arg9[%swap3A_1081, %swap3A_1082], %mul3A_1080 {strides = array<i32>} : memref<80x128xf32, #tpu.memory_space<vmem>>, vector<16xf32>,
          %get3A_1084 = arith.index_cast %add3A_1067 : i32 to index
          %get3A_1085 = arith.constant 16 : index
          %get3A_1086 = tpu.vector_load %arg9[%get3A_1084, %get3A_1085] {strides = array<i32>} : memref<80x128xf32, #tpu.memory_space<vmem>>, vector<16xf32>,
          %get3A_1087 = arith.index_cast %add3A_1067 : i32 to index
          %get3A_1088 = arith.constant 16 : index
          %get3A_1089 = tpu.vector_load %arg11[%get3A_1087, %get3A_1088] {strides = array<i32>} : memref<80x128xf32, #tpu.memory_space<vmem>>, vector<16xf32>,
          %sub3A_1090 = arith.subf %get3A_1086, %get3A_1089 : vector<16xf32>
          %mul3A_1091 = arith.mulf %sub3A_1090, %gather3A_1072 : vector<16xf32>
          %swap3A_1092 = arith.index_cast %add3A_1067 : i32 to index
          %swap3A_1093 = arith.constant 16 : index
          %swap3A_1094 = tpu.vector_load %arg9[%swap3A_1092, %swap3A_1093] {strides = array<i32>} : memref<80x128xf32, #tpu.memory_space<vmem>>, vector<16xf32>,
          tpu.vector_store %arg9[%swap3A_1092, %swap3A_1093], %mul3A_1091 {strides = array<i32>} : memref<80x128xf32, #tpu.memory_space<vmem>>, vector<16xf32>,
          %get3A_1095 = arith.index_cast %add3A_1067 : i32 to index
          %get3A_1096 = arith.constant 32 : index
          %get3A_1097 = tpu.vector_load %arg9[%get3A_1095, %get3A_1096] {strides = array<i32>} : memref<80x128xf32, #tpu.memory_space<vmem>>, vector<16xf32>,
          %get3A_1098 = arith.index_cast %add3A_1067 : i32 to index
          %get3A_1099 = arith.constant 32 : index
          %get3A_1100 = tpu.vector_load %arg11[%get3A_1098, %get3A_1099] {strides = array<i32>} : memref<80x128xf32, #tpu.memory_space<vmem>>, vector<16xf32>,
          %sub3A_1101 = arith.subf %get3A_1097, %get3A_1100 : vector<16xf32>
          %mul3A_1102 = arith.mulf %sub3A_1101, %gather3A_1072 : vector<16xf32>
          %swap3A_1103 = arith.index_cast %add3A_1067 : i32 to index
          %swap3A_1104 = arith.constant 32 : index
          %swap3A_1105 = tpu.vector_load %arg9[%swap3A_1103, %swap3A_1104] {strides = array<i32>} : memref<80x128xf32, #tpu.memory_space<vmem>>, vector<16xf32>,
          tpu.vector_store %arg9[%swap3A_1103, %swap3A_1104], %mul3A_1102 {strides = array<i32>} : memref<80x128xf32, #tpu.memory_space<vmem>>, vector<16xf32>,
          %get3A_1106 = arith.index_cast %add3A_1067 : i32 to index
          %get3A_1107 = arith.constant 48 : index
          %get3A_1108 = tpu.vector_load %arg9[%get3A_1106, %get3A_1107] {strides = array<i32>} : memref<80x128xf32, #tpu.memory_space<vmem>>, vector<16xf32>,
          %get3A_1109 = arith.index_cast %add3A_1067 : i32 to index
          %get3A_1110 = arith.constant 48 : index
          %get3A_1111 = tpu.vector_load %arg11[%get3A_1109, %get3A_1110] {strides = array<i32>} : memref<80x128xf32, #tpu.memory_space<vmem>>, vector<16xf32>,
          %sub3A_1112 = arith.subf %get3A_1108, %get3A_1111 : vector<16xf32>
          %mul3A_1113 = arith.mulf %sub3A_1112, %gather3A_1072 : vector<16xf32>
          %swap3A_1114 = arith.index_cast %add3A_1067 : i32 to index
          %swap3A_1115 = arith.constant 48 : index
          %swap3A_1116 = tpu.vector_load %arg9[%swap3A_1114, %swap3A_1115] {strides = array<i32>} : memref<80x128xf32, #tpu.memory_space<vmem>>, vector<16xf32>,
          tpu.vector_store %arg9[%swap3A_1114, %swap3A_1115], %mul3A_1113 {strides = array<i32>} : memref<80x128xf32, #tpu.memory_space<vmem>>, vector<16xf32>,
          %get3A_1117 = arith.index_cast %add3A_1067 : i32 to index
          %get3A_1118 = arith.constant 64 : index
          %get3A_1119 = tpu.vector_load %arg9[%get3A_1117, %get3A_1118] {strides = array<i32>} : memref<80x128xf32, #tpu.memory_space<vmem>>, vector<16xf32>,
          %get3A_1120 = arith.index_cast %add3A_1067 : i32 to index
          %get3A_1121 = arith.constant 64 : index
          %get3A_1122 = tpu.vector_load %arg11[%get3A_1120, %get3A_1121] {strides = array<i32>} : memref<80x128xf32, #tpu.memory_space<vmem>>, vector<16xf32>,
          %sub3A_1123 = arith.subf %get3A_1119, %get3A_1122 : vector<16xf32>
          %mul3A_1124 = arith.mulf %sub3A_1123, %gather3A_1072 : vector<16xf32>
          %swap3A_1125 = arith.index_cast %add3A_1067 : i32 to index
          %swap3A_1126 = arith.constant 64 : index
          %swap3A_1127 = tpu.vector_load %arg9[%swap3A_1125, %swap3A_1126] {strides = array<i32>} : memref<80x128xf32, #tpu.memory_space<vmem>>, vector<16xf32>,
          tpu.vector_store %arg9[%swap3A_1125, %swap3A_1126], %mul3A_1124 {strides = array<i32>} : memref<80x128xf32, #tpu.memory_space<vmem>>, vector<16xf32>,
          %get3A_1128 = arith.index_cast %add3A_1067 : i32 to index
          %get3A_1129 = arith.constant 80 : index
          %get3A_1130 = tpu.vector_load %arg9[%get3A_1128, %get3A_1129] {strides = array<i32>} : memref<80x128xf32, #tpu.memory_space<vmem>>, vector<16xf32>,
          %get3A_1131 = arith.index_cast %add3A_1067 : i32 to index
          %get3A_1132 = arith.constant 80 : index
          %get3A_1133 = tpu.vector_load %arg11[%get3A_1131, %get3A_1132] {strides = array<i32>} : memref<80x128xf32, #tpu.memory_space<vmem>>, vector<16xf32>,
          %sub3A_1134 = arith.subf %get3A_1130, %get3A_1133 : vector<16xf32>
          %mul3A_1135 = arith.mulf %sub3A_1134, %gather3A_1072 : vector<16xf32>
          %swap3A_1136 = arith.index_cast %add3A_1067 : i32 to index
          %swap3A_1137 = arith.constant 80 : index
          %swap3A_1138 = tpu.vector_load %arg9[%swap3A_1136, %swap3A_1137] {strides = array<i32>} : memref<80x128xf32, #tpu.memory_space<vmem>>, vector<16xf32>,
          tpu.vector_store %arg9[%swap3A_1136, %swap3A_1137], %mul3A_1135 {strides = array<i32>} : memref<80x128xf32, #tpu.memory_space<vmem>>, vector<16xf32>,
          %get3A_1139 = arith.index_cast %add3A_1067 : i32 to index
          %get3A_1140 = arith.constant 96 : index
          %get3A_1141 = tpu.vector_load %arg9[%get3A_1139, %get3A_1140] {strides = array<i32>} : memref<80x128xf32, #tpu.memory_space<vmem>>, vector<16xf32>,
          %get3A_1142 = arith.index_cast %add3A_1067 : i32 to index
          %get3A_1143 = arith.constant 96 : index
          %get3A_1144 = tpu.vector_load %arg11[%get3A_1142, %get3A_1143] {strides = array<i32>} : memref<80x128xf32, #tpu.memory_space<vmem>>, vector<16xf32>,
          %sub3A_1145 = arith.subf %get3A_1141, %get3A_1144 : vector<16xf32>
          %mul3A_1146 = arith.mulf %sub3A_1145, %gather3A_1072 : vector<16xf32>
          %swap3A_1147 = arith.index_cast %add3A_1067 : i32 to index
          %swap3A_1148 = arith.constant 96 : index
          %swap3A_1149 = tpu.vector_load %arg9[%swap3A_1147, %swap3A_1148] {strides = array<i32>} : memref<80x128xf32, #tpu.memory_space<vmem>>, vector<16xf32>,
          tpu.vector_store %arg9[%swap3A_1147, %swap3A_1148], %mul3A_1146 {strides = array<i32>} : memref<80x128xf32, #tpu.memory_space<vmem>>, vector<16xf32>,
          %get3A_1150 = arith.index_cast %add3A_1067 : i32 to index
          %get3A_1151 = arith.constant 112 : index
          %get3A_1152 = tpu.vector_load %arg9[%get3A_1150, %get3A_1151] {strides = array<i32>} : memref<80x128xf32, #tpu.memory_space<vmem>>, vector<16xf32>,
          %get3A_1153 = arith.index_cast %add3A_1067 : i32 to index
          %get3A_1154 = arith.constant 112 : index
          %get3A_1155 = tpu.vector_load %arg11[%get3A_1153, %get3A_1154] {strides = array<i32>} : memref<80x128xf32, #tpu.memory_space<vmem>>, vector<16xf32>,
          %sub3A_1156 = arith.subf %get3A_1152, %get3A_1155 : vector<16xf32>
          %mul3A_1157 = arith.mulf %sub3A_1156, %gather3A_1072 : vector<16xf32>
          %swap3A_1158 = arith.index_cast %add3A_1067 : i32 to index
          %swap3A_1159 = arith.constant 112 : index
          %swap3A_1160 = tpu.vector_load %arg9[%swap3A_1158, %swap3A_1159] {strides = array<i32>} : memref<80x128xf32, #tpu.memory_space<vmem>>, vector<16xf32>,
          tpu.vector_store %arg9[%swap3A_1158, %swap3A_1159], %mul3A_1157 {strides = array<i32>} : memref<80x128xf32, #tpu.memory_space<vmem>>, vector<16xf32>,
          %add3A_1161 = arith.constant 9 : i32
          %add3A_1162 = arith.addi %mul3A_308, %add3A_1161 : i32
          %broadcast_in_dim3A_1163 = arith.constant 16 : i32
          %broadcast_in_dim3A_1164 = vector.broadcast %broadcast_in_dim3A_1163 : i32 to vector<16xi32>
          %add3A_1165 = vector.broadcast %add3A_1162 : i32 to vector<16xi32>
          %add3A_1166 = arith.addi %broadcast_in_dim3A_1164, %add3A_1165 : vector<16xi32>
          %gather3A_1167 = tpu.vector_load_idx %arg15[%add3A_1166] : memref<96xf32, #tpu.memory_space<vmem>>[vector<16xi32>], vector<16xf32>,
          %get3A_1168 = arith.index_cast %add3A_1162 : i32 to index
          %get3A_1169 = arith.constant 0 : index
          %get3A_1170 = tpu.vector_load %arg9[%get3A_1168, %get3A_1169] {strides = array<i32>} : memref<80x128xf32, #tpu.memory_space<vmem>>, vector<16xf32>,
          %get3A_1171 = arith.index_cast %add3A_1162 : i32 to index
          %get3A_1172 = arith.constant 0 : index
          %get3A_1173 = tpu.vector_load %arg11[%get3A_1171, %get3A_1172] {strides = array<i32>} : memref<80x128xf32, #tpu.memory_space<vmem>>, vector<16xf32>,
          %sub3A_1174 = arith.subf %get3A_1170, %get3A_1173 : vector<16xf32>
          %mul3A_1175 = arith.mulf %sub3A_1174, %gather3A_1167 : vector<16xf32>
          %swap3A_1176 = arith.index_cast %add3A_1162 : i32 to index
          %swap3A_1177 = arith.constant 0 : index
          %swap3A_1178 = tpu.vector_load %arg9[%swap3A_1176, %swap3A_1177] {strides = array<i32>} : memref<80x128xf32, #tpu.memory_space<vmem>>, vector<16xf32>,
          tpu.vector_store %arg9[%swap3A_1176, %swap3A_1177], %mul3A_1175 {strides = array<i32>} : memref<80x128xf32, #tpu.memory_space<vmem>>, vector<16xf32>,
          %get3A_1179 = arith.index_cast %add3A_1162 : i32 to index
          %get3A_1180 = arith.constant 16 : index
          %get3A_1181 = tpu.vector_load %arg9[%get3A_1179, %get3A_1180] {strides = array<i32>} : memref<80x128xf32, #tpu.memory_space<vmem>>, vector<16xf32>,
          %get3A_1182 = arith.index_cast %add3A_1162 : i32 to index
          %get3A_1183 = arith.constant 16 : index
          %get3A_1184 = tpu.vector_load %arg11[%get3A_1182, %get3A_1183] {strides = array<i32>} : memref<80x128xf32, #tpu.memory_space<vmem>>, vector<16xf32>,
          %sub3A_1185 = arith.subf %get3A_1181, %get3A_1184 : vector<16xf32>
          %mul3A_1186 = arith.mulf %sub3A_1185, %gather3A_1167 : vector<16xf32>
          %swap3A_1187 = arith.index_cast %add3A_1162 : i32 to index
          %swap3A_1188 = arith.constant 16 : index
          %swap3A_1189 = tpu.vector_load %arg9[%swap3A_1187, %swap3A_1188] {strides = array<i32>} : memref<80x128xf32, #tpu.memory_space<vmem>>, vector<16xf32>,
          tpu.vector_store %arg9[%swap3A_1187, %swap3A_1188], %mul3A_1186 {strides = array<i32>} : memref<80x128xf32, #tpu.memory_space<vmem>>, vector<16xf32>,
          %get3A_1190 = arith.index_cast %add3A_1162 : i32 to index
          %get3A_1191 = arith.constant 32 : index
          %get3A_1192 = tpu.vector_load %arg9[%get3A_1190, %get3A_1191] {strides = array<i32>} : memref<80x128xf32, #tpu.memory_space<vmem>>, vector<16xf32>,
          %get3A_1193 = arith.index_cast %add3A_1162 : i32 to index
          %get3A_1194 = arith.constant 32 : index
          %get3A_1195 = tpu.vector_load %arg11[%get3A_1193, %get3A_1194] {strides = array<i32>} : memref<80x128xf32, #tpu.memory_space<vmem>>, vector<16xf32>,
          %sub3A_1196 = arith.subf %get3A_1192, %get3A_1195 : vector<16xf32>
          %mul3A_1197 = arith.mulf %sub3A_1196, %gather3A_1167 : vector<16xf32>
          %swap3A_1198 = arith.index_cast %add3A_1162 : i32 to index
          %swap3A_1199 = arith.constant 32 : index
          %swap3A_1200 = tpu.vector_load %arg9[%swap3A_1198, %swap3A_1199] {strides = array<i32>} : memref<80x128xf32, #tpu.memory_space<vmem>>, vector<16xf32>,
          tpu.vector_store %arg9[%swap3A_1198, %swap3A_1199], %mul3A_1197 {strides = array<i32>} : memref<80x128xf32, #tpu.memory_space<vmem>>, vector<16xf32>,
          %get3A_1201 = arith.index_cast %add3A_1162 : i32 to index
          %get3A_1202 = arith.constant 48 : index
          %get3A_1203 = tpu.vector_load %arg9[%get3A_1201, %get3A_1202] {strides = array<i32>} : memref<80x128xf32, #tpu.memory_space<vmem>>, vector<16xf32>,
          %get3A_1204 = arith.index_cast %add3A_1162 : i32 to index
          %get3A_1205 = arith.constant 48 : index
          %get3A_1206 = tpu.vector_load %arg11[%get3A_1204, %get3A_1205] {strides = array<i32>} : memref<80x128xf32, #tpu.memory_space<vmem>>, vector<16xf32>,
          %sub3A_1207 = arith.subf %get3A_1203, %get3A_1206 : vector<16xf32>
          %mul3A_1208 = arith.mulf %sub3A_1207, %gather3A_1167 : vector<16xf32>
          %swap3A_1209 = arith.index_cast %add3A_1162 : i32 to index
          %swap3A_1210 = arith.constant 48 : index
          %swap3A_1211 = tpu.vector_load %arg9[%swap3A_1209, %swap3A_1210] {strides = array<i32>} : memref<80x128xf32, #tpu.memory_space<vmem>>, vector<16xf32>,
          tpu.vector_store %arg9[%swap3A_1209, %swap3A_1210], %mul3A_1208 {strides = array<i32>} : memref<80x128xf32, #tpu.memory_space<vmem>>, vector<16xf32>,
          %get3A_1212 = arith.index_cast %add3A_1162 : i32 to index
          %get3A_1213 = arith.constant 64 : index
          %get3A_1214 = tpu.vector_load %arg9[%get3A_1212, %get3A_1213] {strides = array<i32>} : memref<80x128xf32, #tpu.memory_space<vmem>>, vector<16xf32>,
          %get3A_1215 = arith.index_cast %add3A_1162 : i32 to index
          %get3A_1216 = arith.constant 64 : index
          %get3A_1217 = tpu.vector_load %arg11[%get3A_1215, %get3A_1216] {strides = array<i32>} : memref<80x128xf32, #tpu.memory_space<vmem>>, vector<16xf32>,
          %sub3A_1218 = arith.subf %get3A_1214, %get3A_1217 : vector<16xf32>
          %mul3A_1219 = arith.mulf %sub3A_1218, %gather3A_1167 : vector<16xf32>
          %swap3A_1220 = arith.index_cast %add3A_1162 : i32 to index
          %swap3A_1221 = arith.constant 64 : index
          %swap3A_1222 = tpu.vector_load %arg9[%swap3A_1220, %swap3A_1221] {strides = array<i32>} : memref<80x128xf32, #tpu.memory_space<vmem>>, vector<16xf32>,
          tpu.vector_store %arg9[%swap3A_1220, %swap3A_1221], %mul3A_1219 {strides = array<i32>} : memref<80x128xf32, #tpu.memory_space<vmem>>, vector<16xf32>,
          %get3A_1223 = arith.index_cast %add3A_1162 : i32 to index
          %get3A_1224 = arith.constant 80 : index
          %get3A_1225 = tpu.vector_load %arg9[%get3A_1223, %get3A_1224] {strides = array<i32>} : memref<80x128xf32, #tpu.memory_space<vmem>>, vector<16xf32>,
          %get3A_1226 = arith.index_cast %add3A_1162 : i32 to index
          %get3A_1227 = arith.constant 80 : index
          %get3A_1228 = tpu.vector_load %arg11[%get3A_1226, %get3A_1227] {strides = array<i32>} : memref<80x128xf32, #tpu.memory_space<vmem>>, vector<16xf32>,
          %sub3A_1229 = arith.subf %get3A_1225, %get3A_1228 : vector<16xf32>
          %mul3A_1230 = arith.mulf %sub3A_1229, %gather3A_1167 : vector<16xf32>
          %swap3A_1231 = arith.index_cast %add3A_1162 : i32 to index
          %swap3A_1232 = arith.constant 80 : index
          %swap3A_1233 = tpu.vector_load %arg9[%swap3A_1231, %swap3A_1232] {strides = array<i32>} : memref<80x128xf32, #tpu.memory_space<vmem>>, vector<16xf32>,
          tpu.vector_store %arg9[%swap3A_1231, %swap3A_1232], %mul3A_1230 {strides = array<i32>} : memref<80x128xf32, #tpu.memory_space<vmem>>, vector<16xf32>,
          %get3A_1234 = arith.index_cast %add3A_1162 : i32 to index
          %get3A_1235 = arith.constant 96 : index
          %get3A_1236 = tpu.vector_load %arg9[%get3A_1234, %get3A_1235] {strides = array<i32>} : memref<80x128xf32, #tpu.memory_space<vmem>>, vector<16xf32>,
          %get3A_1237 = arith.index_cast %add3A_1162 : i32 to index
          %get3A_1238 = arith.constant 96 : index
          %get3A_1239 = tpu.vector_load %arg11[%get3A_1237, %get3A_1238] {strides = array<i32>} : memref<80x128xf32, #tpu.memory_space<vmem>>, vector<16xf32>,
          %sub3A_1240 = arith.subf %get3A_1236, %get3A_1239 : vector<16xf32>
          %mul3A_1241 = arith.mulf %sub3A_1240, %gather3A_1167 : vector<16xf32>
          %swap3A_1242 = arith.index_cast %add3A_1162 : i32 to index
          %swap3A_1243 = arith.constant 96 : index
          %swap3A_1244 = tpu.vector_load %arg9[%swap3A_1242, %swap3A_1243] {strides = array<i32>} : memref<80x128xf32, #tpu.memory_space<vmem>>, vector<16xf32>,
          tpu.vector_store %arg9[%swap3A_1242, %swap3A_1243], %mul3A_1241 {strides = array<i32>} : memref<80x128xf32, #tpu.memory_space<vmem>>, vector<16xf32>,
          %get3A_1245 = arith.index_cast %add3A_1162 : i32 to index
          %get3A_1246 = arith.constant 112 : index
          %get3A_1247 = tpu.vector_load %arg9[%get3A_1245, %get3A_1246] {strides = array<i32>} : memref<80x128xf32, #tpu.memory_space<vmem>>, vector<16xf32>,
          %get3A_1248 = arith.index_cast %add3A_1162 : i32 to index
          %get3A_1249 = arith.constant 112 : index
          %get3A_1250 = tpu.vector_load %arg11[%get3A_1248, %get3A_1249] {strides = array<i32>} : memref<80x128xf32, #tpu.memory_space<vmem>>, vector<16xf32>,
          %sub3A_1251 = arith.subf %get3A_1247, %get3A_1250 : vector<16xf32>
          %mul3A_1252 = arith.mulf %sub3A_1251, %gather3A_1167 : vector<16xf32>
          %swap3A_1253 = arith.index_cast %add3A_1162 : i32 to index
          %swap3A_1254 = arith.constant 112 : index
          %swap3A_1255 = tpu.vector_load %arg9[%swap3A_1253, %swap3A_1254] {strides = array<i32>} : memref<80x128xf32, #tpu.memory_space<vmem>>, vector<16xf32>,
          tpu.vector_store %arg9[%swap3A_1253, %swap3A_1254], %mul3A_1252 {strides = array<i32>} : memref<80x128xf32, #tpu.memory_space<vmem>>, vector<16xf32>,
          %add3A_1256 = arith.constant 10 : i32
          %add3A_1257 = arith.addi %mul3A_308, %add3A_1256 : i32
          %broadcast_in_dim3A_1258 = arith.constant 16 : i32
          %broadcast_in_dim3A_1259 = vector.broadcast %broadcast_in_dim3A_1258 : i32 to vector<16xi32>
          %add3A_1260 = vector.broadcast %add3A_1257 : i32 to vector<16xi32>
          %add3A_1261 = arith.addi %broadcast_in_dim3A_1259, %add3A_1260 : vector<16xi32>
          %gather3A_1262 = tpu.vector_load_idx %arg15[%add3A_1261] : memref<96xf32, #tpu.memory_space<vmem>>[vector<16xi32>], vector<16xf32>,
          %get3A_1263 = arith.index_cast %add3A_1257 : i32 to index
          %get3A_1264 = arith.constant 0 : index
          %get3A_1265 = tpu.vector_load %arg9[%get3A_1263, %get3A_1264] {strides = array<i32>} : memref<80x128xf32, #tpu.memory_space<vmem>>, vector<16xf32>,
          %get3A_1266 = arith.index_cast %add3A_1257 : i32 to index
          %get3A_1267 = arith.constant 0 : index
          %get3A_1268 = tpu.vector_load %arg11[%get3A_1266, %get3A_1267] {strides = array<i32>} : memref<80x128xf32, #tpu.memory_space<vmem>>, vector<16xf32>,
          %sub3A_1269 = arith.subf %get3A_1265, %get3A_1268 : vector<16xf32>
          %mul3A_1270 = arith.mulf %sub3A_1269, %gather3A_1262 : vector<16xf32>
          %swap3A_1271 = arith.index_cast %add3A_1257 : i32 to index
          %swap3A_1272 = arith.constant 0 : index
          %swap3A_1273 = tpu.vector_load %arg9[%swap3A_1271, %swap3A_1272] {strides = array<i32>} : memref<80x128xf32, #tpu.memory_space<vmem>>, vector<16xf32>,
          tpu.vector_store %arg9[%swap3A_1271, %swap3A_1272], %mul3A_1270 {strides = array<i32>} : memref<80x128xf32, #tpu.memory_space<vmem>>, vector<16xf32>,
          %get3A_1274 = arith.index_cast %add3A_1257 : i32 to index
          %get3A_1275 = arith.constant 16 : index
          %get3A_1276 = tpu.vector_load %arg9[%get3A_1274, %get3A_1275] {strides = array<i32>} : memref<80x128xf32, #tpu.memory_space<vmem>>, vector<16xf32>,
          %get3A_1277 = arith.index_cast %add3A_1257 : i32 to index
          %get3A_1278 = arith.constant 16 : index
          %get3A_1279 = tpu.vector_load %arg11[%get3A_1277, %get3A_1278] {strides = array<i32>} : memref<80x128xf32, #tpu.memory_space<vmem>>, vector<16xf32>,
          %sub3A_1280 = arith.subf %get3A_1276, %get3A_1279 : vector<16xf32>
          %mul3A_1281 = arith.mulf %sub3A_1280, %gather3A_1262 : vector<16xf32>
          %swap3A_1282 = arith.index_cast %add3A_1257 : i32 to index
          %swap3A_1283 = arith.constant 16 : index
          %swap3A_1284 = tpu.vector_load %arg9[%swap3A_1282, %swap3A_1283] {strides = array<i32>} : memref<80x128xf32, #tpu.memory_space<vmem>>, vector<16xf32>,
          tpu.vector_store %arg9[%swap3A_1282, %swap3A_1283], %mul3A_1281 {strides = array<i32>} : memref<80x128xf32, #tpu.memory_space<vmem>>, vector<16xf32>,
          %get3A_1285 = arith.index_cast %add3A_1257 : i32 to index
          %get3A_1286 = arith.constant 32 : index
          %get3A_1287 = tpu.vector_load %arg9[%get3A_1285, %get3A_1286] {strides = array<i32>} : memref<80x128xf32, #tpu.memory_space<vmem>>, vector<16xf32>,
          %get3A_1288 = arith.index_cast %add3A_1257 : i32 to index
          %get3A_1289 = arith.constant 32 : index
          %get3A_1290 = tpu.vector_load %arg11[%get3A_1288, %get3A_1289] {strides = array<i32>} : memref<80x128xf32, #tpu.memory_space<vmem>>, vector<16xf32>,
          %sub3A_1291 = arith.subf %get3A_1287, %get3A_1290 : vector<16xf32>
          %mul3A_1292 = arith.mulf %sub3A_1291, %gather3A_1262 : vector<16xf32>
          %swap3A_1293 = arith.index_cast %add3A_1257 : i32 to index
          %swap3A_1294 = arith.constant 32 : index
          %swap3A_1295 = tpu.vector_load %arg9[%swap3A_1293, %swap3A_1294] {strides = array<i32>} : memref<80x128xf32, #tpu.memory_space<vmem>>, vector<16xf32>,
          tpu.vector_store %arg9[%swap3A_1293, %swap3A_1294], %mul3A_1292 {strides = array<i32>} : memref<80x128xf32, #tpu.memory_space<vmem>>, vector<16xf32>,
          %get3A_1296 = arith.index_cast %add3A_1257 : i32 to index
          %get3A_1297 = arith.constant 48 : index
          %get3A_1298 = tpu.vector_load %arg9[%get3A_1296, %get3A_1297] {strides = array<i32>} : memref<80x128xf32, #tpu.memory_space<vmem>>, vector<16xf32>,
          %get3A_1299 = arith.index_cast %add3A_1257 : i32 to index
          %get3A_1300 = arith.constant 48 : index
          %get3A_1301 = tpu.vector_load %arg11[%get3A_1299, %get3A_1300] {strides = array<i32>} : memref<80x128xf32, #tpu.memory_space<vmem>>, vector<16xf32>,
          %sub3A_1302 = arith.subf %get3A_1298, %get3A_1301 : vector<16xf32>
          %mul3A_1303 = arith.mulf %sub3A_1302, %gather3A_1262 : vector<16xf32>
          %swap3A_1304 = arith.index_cast %add3A_1257 : i32 to index
          %swap3A_1305 = arith.constant 48 : index
          %swap3A_1306 = tpu.vector_load %arg9[%swap3A_1304, %swap3A_1305] {strides = array<i32>} : memref<80x128xf32, #tpu.memory_space<vmem>>, vector<16xf32>,
          tpu.vector_store %arg9[%swap3A_1304, %swap3A_1305], %mul3A_1303 {strides = array<i32>} : memref<80x128xf32, #tpu.memory_space<vmem>>, vector<16xf32>,
          %get3A_1307 = arith.index_cast %add3A_1257 : i32 to index
          %get3A_1308 = arith.constant 64 : index
          %get3A_1309 = tpu.vector_load %arg9[%get3A_1307, %get3A_1308] {strides = array<i32>} : memref<80x128xf32, #tpu.memory_space<vmem>>, vector<16xf32>,
          %get3A_1310 = arith.index_cast %add3A_1257 : i32 to index
          %get3A_1311 = arith.constant 64 : index
          %get3A_1312 = tpu.vector_load %arg11[%get3A_1310, %get3A_1311] {strides = array<i32>} : memref<80x128xf32, #tpu.memory_space<vmem>>, vector<16xf32>,
          %sub3A_1313 = arith.subf %get3A_1309, %get3A_1312 : vector<16xf32>
          %mul3A_1314 = arith.mulf %sub3A_1313, %gather3A_1262 : vector<16xf32>
          %swap3A_1315 = arith.index_cast %add3A_1257 : i32 to index
          %swap3A_1316 = arith.constant 64 : index
          %swap3A_1317 = tpu.vector_load %arg9[%swap3A_1315, %swap3A_1316] {strides = array<i32>} : memref<80x128xf32, #tpu.memory_space<vmem>>, vector<16xf32>,
          tpu.vector_store %arg9[%swap3A_1315, %swap3A_1316], %mul3A_1314 {strides = array<i32>} : memref<80x128xf32, #tpu.memory_space<vmem>>, vector<16xf32>,
          %get3A_1318 = arith.index_cast %add3A_1257 : i32 to index
          %get3A_1319 = arith.constant 80 : index
          %get3A_1320 = tpu.vector_load %arg9[%get3A_1318, %get3A_1319] {strides = array<i32>} : memref<80x128xf32, #tpu.memory_space<vmem>>, vector<16xf32>,
          %get3A_1321 = arith.index_cast %add3A_1257 : i32 to index
          %get3A_1322 = arith.constant 80 : index
          %get3A_1323 = tpu.vector_load %arg11[%get3A_1321, %get3A_1322] {strides = array<i32>} : memref<80x128xf32, #tpu.memory_space<vmem>>, vector<16xf32>,
          %sub3A_1324 = arith.subf %get3A_1320, %get3A_1323 : vector<16xf32>
          %mul3A_1325 = arith.mulf %sub3A_1324, %gather3A_1262 : vector<16xf32>
          %swap3A_1326 = arith.index_cast %add3A_1257 : i32 to index
          %swap3A_1327 = arith.constant 80 : index
          %swap3A_1328 = tpu.vector_load %arg9[%swap3A_1326, %swap3A_1327] {strides = array<i32>} : memref<80x128xf32, #tpu.memory_space<vmem>>, vector<16xf32>,
          tpu.vector_store %arg9[%swap3A_1326, %swap3A_1327], %mul3A_1325 {strides = array<i32>} : memref<80x128xf32, #tpu.memory_space<vmem>>, vector<16xf32>,
          %get3A_1329 = arith.index_cast %add3A_1257 : i32 to index
          %get3A_1330 = arith.constant 96 : index
          %get3A_1331 = tpu.vector_load %arg9[%get3A_1329, %get3A_1330] {strides = array<i32>} : memref<80x128xf32, #tpu.memory_space<vmem>>, vector<16xf32>,
          %get3A_1332 = arith.index_cast %add3A_1257 : i32 to index
          %get3A_1333 = arith.constant 96 : index
          %get3A_1334 = tpu.vector_load %arg11[%get3A_1332, %get3A_1333] {strides = array<i32>} : memref<80x128xf32, #tpu.memory_space<vmem>>, vector<16xf32>,
          %sub3A_1335 = arith.subf %get3A_1331, %get3A_1334 : vector<16xf32>
          %mul3A_1336 = arith.mulf %sub3A_1335, %gather3A_1262 : vector<16xf32>
          %swap3A_1337 = arith.index_cast %add3A_1257 : i32 to index
          %swap3A_1338 = arith.constant 96 : index
          %swap3A_1339 = tpu.vector_load %arg9[%swap3A_1337, %swap3A_1338] {strides = array<i32>} : memref<80x128xf32, #tpu.memory_space<vmem>>, vector<16xf32>,
          tpu.vector_store %arg9[%swap3A_1337, %swap3A_1338], %mul3A_1336 {strides = array<i32>} : memref<80x128xf32, #tpu.memory_space<vmem>>, vector<16xf32>,
          %get3A_1340 = arith.index_cast %add3A_1257 : i32 to index
          %get3A_1341 = arith.constant 112 : index
          %get3A_1342 = tpu.vector_load %arg9[%get3A_1340, %get3A_1341] {strides = array<i32>} : memref<80x128xf32, #tpu.memory_space<vmem>>, vector<16xf32>,
          %get3A_1343 = arith.index_cast %add3A_1257 : i32 to index
          %get3A_1344 = arith.constant 112 : index
          %get3A_1345 = tpu.vector_load %arg11[%get3A_1343, %get3A_1344] {strides = array<i32>} : memref<80x128xf32, #tpu.memory_space<vmem>>, vector<16xf32>,
          %sub3A_1346 = arith.subf %get3A_1342, %get3A_1345 : vector<16xf32>
          %mul3A_1347 = arith.mulf %sub3A_1346, %gather3A_1262 : vector<16xf32>
          %swap3A_1348 = arith.index_cast %add3A_1257 : i32 to index
          %swap3A_1349 = arith.constant 112 : index
          %swap3A_1350 = tpu.vector_load %arg9[%swap3A_1348, %swap3A_1349] {strides = array<i32>} : memref<80x128xf32, #tpu.memory_space<vmem>>, vector<16xf32>,
          tpu.vector_store %arg9[%swap3A_1348, %swap3A_1349], %mul3A_1347 {strides = array<i32>} : memref<80x128xf32, #tpu.memory_space<vmem>>, vector<16xf32>,
          %add3A_1351 = arith.constant 11 : i32
          %add3A_1352 = arith.addi %mul3A_308, %add3A_1351 : i32
          %broadcast_in_dim3A_1353 = arith.constant 16 : i32
          %broadcast_in_dim3A_1354 = vector.broadcast %broadcast_in_dim3A_1353 : i32 to vector<16xi32>
          %add3A_1355 = vector.broadcast %add3A_1352 : i32 to vector<16xi32>
          %add3A_1356 = arith.addi %broadcast_in_dim3A_1354, %add3A_1355 : vector<16xi32>
          %gather3A_1357 = tpu.vector_load_idx %arg15[%add3A_1356] : memref<96xf32, #tpu.memory_space<vmem>>[vector<16xi32>], vector<16xf32>,
          %get3A_1358 = arith.index_cast %add3A_1352 : i32 to index
          %get3A_1359 = arith.constant 0 : index
          %get3A_1360 = tpu.vector_load %arg9[%get3A_1358, %get3A_1359] {strides = array<i32>} : memref<80x128xf32, #tpu.memory_space<vmem>>, vector<16xf32>,
          %get3A_1361 = arith.index_cast %add3A_1352 : i32 to index
          %get3A_1362 = arith.constant 0 : index
          %get3A_1363 = tpu.vector_load %arg11[%get3A_1361, %get3A_1362] {strides = array<i32>} : memref<80x128xf32, #tpu.memory_space<vmem>>, vector<16xf32>,
          %sub3A_1364 = arith.subf %get3A_1360, %get3A_1363 : vector<16xf32>
          %mul3A_1365 = arith.mulf %sub3A_1364, %gather3A_1357 : vector<16xf32>
          %swap3A_1366 = arith.index_cast %add3A_1352 : i32 to index
          %swap3A_1367 = arith.constant 0 : index
          %swap3A_1368 = tpu.vector_load %arg9[%swap3A_1366, %swap3A_1367] {strides = array<i32>} : memref<80x128xf32, #tpu.memory_space<vmem>>, vector<16xf32>,
          tpu.vector_store %arg9[%swap3A_1366, %swap3A_1367], %mul3A_1365 {strides = array<i32>} : memref<80x128xf32, #tpu.memory_space<vmem>>, vector<16xf32>,
          %get3A_1369 = arith.index_cast %add3A_1352 : i32 to index
          %get3A_1370 = arith.constant 16 : index
          %get3A_1371 = tpu.vector_load %arg9[%get3A_1369, %get3A_1370] {strides = array<i32>} : memref<80x128xf32, #tpu.memory_space<vmem>>, vector<16xf32>,
          %get3A_1372 = arith.index_cast %add3A_1352 : i32 to index
          %get3A_1373 = arith.constant 16 : index
          %get3A_1374 = tpu.vector_load %arg11[%get3A_1372, %get3A_1373] {strides = array<i32>} : memref<80x128xf32, #tpu.memory_space<vmem>>, vector<16xf32>,
          %sub3A_1375 = arith.subf %get3A_1371, %get3A_1374 : vector<16xf32>
          %mul3A_1376 = arith.mulf %sub3A_1375, %gather3A_1357 : vector<16xf32>
          %swap3A_1377 = arith.index_cast %add3A_1352 : i32 to index
          %swap3A_1378 = arith.constant 16 : index
          %swap3A_1379 = tpu.vector_load %arg9[%swap3A_1377, %swap3A_1378] {strides = array<i32>} : memref<80x128xf32, #tpu.memory_space<vmem>>, vector<16xf32>,
          tpu.vector_store %arg9[%swap3A_1377, %swap3A_1378], %mul3A_1376 {strides = array<i32>} : memref<80x128xf32, #tpu.memory_space<vmem>>, vector<16xf32>,
          %get3A_1380 = arith.index_cast %add3A_1352 : i32 to index
          %get3A_1381 = arith.constant 32 : index
          %get3A_1382 = tpu.vector_load %arg9[%get3A_1380, %get3A_1381] {strides = array<i32>} : memref<80x128xf32, #tpu.memory_space<vmem>>, vector<16xf32>,
          %get3A_1383 = arith.index_cast %add3A_1352 : i32 to index
          %get3A_1384 = arith.constant 32 : index
          %get3A_1385 = tpu.vector_load %arg11[%get3A_1383, %get3A_1384] {strides = array<i32>} : memref<80x128xf32, #tpu.memory_space<vmem>>, vector<16xf32>,
          %sub3A_1386 = arith.subf %get3A_1382, %get3A_1385 : vector<16xf32>
          %mul3A_1387 = arith.mulf %sub3A_1386, %gather3A_1357 : vector<16xf32>
          %swap3A_1388 = arith.index_cast %add3A_1352 : i32 to index
          %swap3A_1389 = arith.constant 32 : index
          %swap3A_1390 = tpu.vector_load %arg9[%swap3A_1388, %swap3A_1389] {strides = array<i32>} : memref<80x128xf32, #tpu.memory_space<vmem>>, vector<16xf32>,
          tpu.vector_store %arg9[%swap3A_1388, %swap3A_1389], %mul3A_1387 {strides = array<i32>} : memref<80x128xf32, #tpu.memory_space<vmem>>, vector<16xf32>,
          %get3A_1391 = arith.index_cast %add3A_1352 : i32 to index
          %get3A_1392 = arith.constant 48 : index
          %get3A_1393 = tpu.vector_load %arg9[%get3A_1391, %get3A_1392] {strides = array<i32>} : memref<80x128xf32, #tpu.memory_space<vmem>>, vector<16xf32>,
          %get3A_1394 = arith.index_cast %add3A_1352 : i32 to index
          %get3A_1395 = arith.constant 48 : index
          %get3A_1396 = tpu.vector_load %arg11[%get3A_1394, %get3A_1395] {strides = array<i32>} : memref<80x128xf32, #tpu.memory_space<vmem>>, vector<16xf32>,
          %sub3A_1397 = arith.subf %get3A_1393, %get3A_1396 : vector<16xf32>
          %mul3A_1398 = arith.mulf %sub3A_1397, %gather3A_1357 : vector<16xf32>
          %swap3A_1399 = arith.index_cast %add3A_1352 : i32 to index
          %swap3A_1400 = arith.constant 48 : index
          %swap3A_1401 = tpu.vector_load %arg9[%swap3A_1399, %swap3A_1400] {strides = array<i32>} : memref<80x128xf32, #tpu.memory_space<vmem>>, vector<16xf32>,
          tpu.vector_store %arg9[%swap3A_1399, %swap3A_1400], %mul3A_1398 {strides = array<i32>} : memref<80x128xf32, #tpu.memory_space<vmem>>, vector<16xf32>,
          %get3A_1402 = arith.index_cast %add3A_1352 : i32 to index
          %get3A_1403 = arith.constant 64 : index
          %get3A_1404 = tpu.vector_load %arg9[%get3A_1402, %get3A_1403] {strides = array<i32>} : memref<80x128xf32, #tpu.memory_space<vmem>>, vector<16xf32>,
          %get3A_1405 = arith.index_cast %add3A_1352 : i32 to index
          %get3A_1406 = arith.constant 64 : index
          %get3A_1407 = tpu.vector_load %arg11[%get3A_1405, %get3A_1406] {strides = array<i32>} : memref<80x128xf32, #tpu.memory_space<vmem>>, vector<16xf32>,
          %sub3A_1408 = arith.subf %get3A_1404, %get3A_1407 : vector<16xf32>
          %mul3A_1409 = arith.mulf %sub3A_1408, %gather3A_1357 : vector<16xf32>
          %swap3A_1410 = arith.index_cast %add3A_1352 : i32 to index
          %swap3A_1411 = arith.constant 64 : index
          %swap3A_1412 = tpu.vector_load %arg9[%swap3A_1410, %swap3A_1411] {strides = array<i32>} : memref<80x128xf32, #tpu.memory_space<vmem>>, vector<16xf32>,
          tpu.vector_store %arg9[%swap3A_1410, %swap3A_1411], %mul3A_1409 {strides = array<i32>} : memref<80x128xf32, #tpu.memory_space<vmem>>, vector<16xf32>,
          %get3A_1413 = arith.index_cast %add3A_1352 : i32 to index
          %get3A_1414 = arith.constant 80 : index
          %get3A_1415 = tpu.vector_load %arg9[%get3A_1413, %get3A_1414] {strides = array<i32>} : memref<80x128xf32, #tpu.memory_space<vmem>>, vector<16xf32>,
          %get3A_1416 = arith.index_cast %add3A_1352 : i32 to index
          %get3A_1417 = arith.constant 80 : index
          %get3A_1418 = tpu.vector_load %arg11[%get3A_1416, %get3A_1417] {strides = array<i32>} : memref<80x128xf32, #tpu.memory_space<vmem>>, vector<16xf32>,
          %sub3A_1419 = arith.subf %get3A_1415, %get3A_1418 : vector<16xf32>
          %mul3A_1420 = arith.mulf %sub3A_1419, %gather3A_1357 : vector<16xf32>
          %swap3A_1421 = arith.index_cast %add3A_1352 : i32 to index
          %swap3A_1422 = arith.constant 80 : index
          %swap3A_1423 = tpu.vector_load %arg9[%swap3A_1421, %swap3A_1422] {strides = array<i32>} : memref<80x128xf32, #tpu.memory_space<vmem>>, vector<16xf32>,
          tpu.vector_store %arg9[%swap3A_1421, %swap3A_1422], %mul3A_1420 {strides = array<i32>} : memref<80x128xf32, #tpu.memory_space<vmem>>, vector<16xf32>,
          %get3A_1424 = arith.index_cast %add3A_1352 : i32 to index
          %get3A_1425 = arith.constant 96 : index
          %get3A_1426 = tpu.vector_load %arg9[%get3A_1424, %get3A_1425] {strides = array<i32>} : memref<80x128xf32, #tpu.memory_space<vmem>>, vector<16xf32>,
          %get3A_1427 = arith.index_cast %add3A_1352 : i32 to index
          %get3A_1428 = arith.constant 96 : index
          %get3A_1429 = tpu.vector_load %arg11[%get3A_1427, %get3A_1428] {strides = array<i32>} : memref<80x128xf32, #tpu.memory_space<vmem>>, vector<16xf32>,
          %sub3A_1430 = arith.subf %get3A_1426, %get3A_1429 : vector<16xf32>
          %mul3A_1431 = arith.mulf %sub3A_1430, %gather3A_1357 : vector<16xf32>
          %swap3A_1432 = arith.index_cast %add3A_1352 : i32 to index
          %swap3A_1433 = arith.constant 96 : index
          %swap3A_1434 = tpu.vector_load %arg9[%swap3A_1432, %swap3A_1433] {strides = array<i32>} : memref<80x128xf32, #tpu.memory_space<vmem>>, vector<16xf32>,
          tpu.vector_store %arg9[%swap3A_1432, %swap3A_1433], %mul3A_1431 {strides = array<i32>} : memref<80x128xf32, #tpu.memory_space<vmem>>, vector<16xf32>,
          %get3A_1435 = arith.index_cast %add3A_1352 : i32 to index
          %get3A_1436 = arith.constant 112 : index
          %get3A_1437 = tpu.vector_load %arg9[%get3A_1435, %get3A_1436] {strides = array<i32>} : memref<80x128xf32, #tpu.memory_space<vmem>>, vector<16xf32>,
          %get3A_1438 = arith.index_cast %add3A_1352 : i32 to index
          %get3A_1439 = arith.constant 112 : index
          %get3A_1440 = tpu.vector_load %arg11[%get3A_1438, %get3A_1439] {strides = array<i32>} : memref<80x128xf32, #tpu.memory_space<vmem>>, vector<16xf32>,
          %sub3A_1441 = arith.subf %get3A_1437, %get3A_1440 : vector<16xf32>
          %mul3A_1442 = arith.mulf %sub3A_1441, %gather3A_1357 : vector<16xf32>
          %swap3A_1443 = arith.index_cast %add3A_1352 : i32 to index
          %swap3A_1444 = arith.constant 112 : index
          %swap3A_1445 = tpu.vector_load %arg9[%swap3A_1443, %swap3A_1444] {strides = array<i32>} : memref<80x128xf32, #tpu.memory_space<vmem>>, vector<16xf32>,
          tpu.vector_store %arg9[%swap3A_1443, %swap3A_1444], %mul3A_1442 {strides = array<i32>} : memref<80x128xf32, #tpu.memory_space<vmem>>, vector<16xf32>,
          %add3A_1446 = arith.constant 12 : i32
          %add3A_1447 = arith.addi %mul3A_308, %add3A_1446 : i32
          %broadcast_in_dim3A_1448 = arith.constant 16 : i32
          %broadcast_in_dim3A_1449 = vector.broadcast %broadcast_in_dim3A_1448 : i32 to vector<16xi32>
          %add3A_1450 = vector.broadcast %add3A_1447 : i32 to vector<16xi32>
          %add3A_1451 = arith.addi %broadcast_in_dim3A_1449, %add3A_1450 : vector<16xi32>
          %gather3A_1452 = tpu.vector_load_idx %arg15[%add3A_1451] : memref<96xf32, #tpu.memory_space<vmem>>[vector<16xi32>], vector<16xf32>,
          %get3A_1453 = arith.index_cast %add3A_1447 : i32 to index
          %get3A_1454 = arith.constant 0 : index
          %get3A_1455 = tpu.vector_load %arg9[%get3A_1453, %get3A_1454] {strides = array<i32>} : memref<80x128xf32, #tpu.memory_space<vmem>>, vector<16xf32>,
          %get3A_1456 = arith.index_cast %add3A_1447 : i32 to index
          %get3A_1457 = arith.constant 0 : index
          %get3A_1458 = tpu.vector_load %arg11[%get3A_1456, %get3A_1457] {strides = array<i32>} : memref<80x128xf32, #tpu.memory_space<vmem>>, vector<16xf32>,
          %sub3A_1459 = arith.subf %get3A_1455, %get3A_1458 : vector<16xf32>
          %mul3A_1460 = arith.mulf %sub3A_1459, %gather3A_1452 : vector<16xf32>
          %swap3A_1461 = arith.index_cast %add3A_1447 : i32 to index
          %swap3A_1462 = arith.constant 0 : index
          %swap3A_1463 = tpu.vector_load %arg9[%swap3A_1461, %swap3A_1462] {strides = array<i32>} : memref<80x128xf32, #tpu.memory_space<vmem>>, vector<16xf32>,
          tpu.vector_store %arg9[%swap3A_1461, %swap3A_1462], %mul3A_1460 {strides = array<i32>} : memref<80x128xf32, #tpu.memory_space<vmem>>, vector<16xf32>,
          %get3A_1464 = arith.index_cast %add3A_1447 : i32 to index
          %get3A_1465 = arith.constant 16 : index
          %get3A_1466 = tpu.vector_load %arg9[%get3A_1464, %get3A_1465] {strides = array<i32>} : memref<80x128xf32, #tpu.memory_space<vmem>>, vector<16xf32>,
          %get3A_1467 = arith.index_cast %add3A_1447 : i32 to index
          %get3A_1468 = arith.constant 16 : index
          %get3A_1469 = tpu.vector_load %arg11[%get3A_1467, %get3A_1468] {strides = array<i32>} : memref<80x128xf32, #tpu.memory_space<vmem>>, vector<16xf32>,
          %sub3A_1470 = arith.subf %get3A_1466, %get3A_1469 : vector<16xf32>
          %mul3A_1471 = arith.mulf %sub3A_1470, %gather3A_1452 : vector<16xf32>
          %swap3A_1472 = arith.index_cast %add3A_1447 : i32 to index
          %swap3A_1473 = arith.constant 16 : index
          %swap3A_1474 = tpu.vector_load %arg9[%swap3A_1472, %swap3A_1473] {strides = array<i32>} : memref<80x128xf32, #tpu.memory_space<vmem>>, vector<16xf32>,
          tpu.vector_store %arg9[%swap3A_1472, %swap3A_1473], %mul3A_1471 {strides = array<i32>} : memref<80x128xf32, #tpu.memory_space<vmem>>, vector<16xf32>,
          %get3A_1475 = arith.index_cast %add3A_1447 : i32 to index
          %get3A_1476 = arith.constant 32 : index
          %get3A_1477 = tpu.vector_load %arg9[%get3A_1475, %get3A_1476] {strides = array<i32>} : memref<80x128xf32, #tpu.memory_space<vmem>>, vector<16xf32>,
          %get3A_1478 = arith.index_cast %add3A_1447 : i32 to index
          %get3A_1479 = arith.constant 32 : index
          %get3A_1480 = tpu.vector_load %arg11[%get3A_1478, %get3A_1479] {strides = array<i32>} : memref<80x128xf32, #tpu.memory_space<vmem>>, vector<16xf32>,
          %sub3A_1481 = arith.subf %get3A_1477, %get3A_1480 : vector<16xf32>
          %mul3A_1482 = arith.mulf %sub3A_1481, %gather3A_1452 : vector<16xf32>
          %swap3A_1483 = arith.index_cast %add3A_1447 : i32 to index
          %swap3A_1484 = arith.constant 32 : index
          %swap3A_1485 = tpu.vector_load %arg9[%swap3A_1483, %swap3A_1484] {strides = array<i32>} : memref<80x128xf32, #tpu.memory_space<vmem>>, vector<16xf32>,
          tpu.vector_store %arg9[%swap3A_1483, %swap3A_1484], %mul3A_1482 {strides = array<i32>} : memref<80x128xf32, #tpu.memory_space<vmem>>, vector<16xf32>,
          %get3A_1486 = arith.index_cast %add3A_1447 : i32 to index
          %get3A_1487 = arith.constant 48 : index
          %get3A_1488 = tpu.vector_load %arg9[%get3A_1486, %get3A_1487] {strides = array<i32>} : memref<80x128xf32, #tpu.memory_space<vmem>>, vector<16xf32>,
          %get3A_1489 = arith.index_cast %add3A_1447 : i32 to index
          %get3A_1490 = arith.constant 48 : index
          %get3A_1491 = tpu.vector_load %arg11[%get3A_1489, %get3A_1490] {strides = array<i32>} : memref<80x128xf32, #tpu.memory_space<vmem>>, vector<16xf32>,
          %sub3A_1492 = arith.subf %get3A_1488, %get3A_1491 : vector<16xf32>
          %mul3A_1493 = arith.mulf %sub3A_1492, %gather3A_1452 : vector<16xf32>
          %swap3A_1494 = arith.index_cast %add3A_1447 : i32 to index
          %swap3A_1495 = arith.constant 48 : index
          %swap3A_1496 = tpu.vector_load %arg9[%swap3A_1494, %swap3A_1495] {strides = array<i32>} : memref<80x128xf32, #tpu.memory_space<vmem>>, vector<16xf32>,
          tpu.vector_store %arg9[%swap3A_1494, %swap3A_1495], %mul3A_1493 {strides = array<i32>} : memref<80x128xf32, #tpu.memory_space<vmem>>, vector<16xf32>,
          %get3A_1497 = arith.index_cast %add3A_1447 : i32 to index
          %get3A_1498 = arith.constant 64 : index
          %get3A_1499 = tpu.vector_load %arg9[%get3A_1497, %get3A_1498] {strides = array<i32>} : memref<80x128xf32, #tpu.memory_space<vmem>>, vector<16xf32>,
          %get3A_1500 = arith.index_cast %add3A_1447 : i32 to index
          %get3A_1501 = arith.constant 64 : index
          %get3A_1502 = tpu.vector_load %arg11[%get3A_1500, %get3A_1501] {strides = array<i32>} : memref<80x128xf32, #tpu.memory_space<vmem>>, vector<16xf32>,
          %sub3A_1503 = arith.subf %get3A_1499, %get3A_1502 : vector<16xf32>
          %mul3A_1504 = arith.mulf %sub3A_1503, %gather3A_1452 : vector<16xf32>
          %swap3A_1505 = arith.index_cast %add3A_1447 : i32 to index
          %swap3A_1506 = arith.constant 64 : index
          %swap3A_1507 = tpu.vector_load %arg9[%swap3A_1505, %swap3A_1506] {strides = array<i32>} : memref<80x128xf32, #tpu.memory_space<vmem>>, vector<16xf32>,
          tpu.vector_store %arg9[%swap3A_1505, %swap3A_1506], %mul3A_1504 {strides = array<i32>} : memref<80x128xf32, #tpu.memory_space<vmem>>, vector<16xf32>,
          %get3A_1508 = arith.index_cast %add3A_1447 : i32 to index
          %get3A_1509 = arith.constant 80 : index
          %get3A_1510 = tpu.vector_load %arg9[%get3A_1508, %get3A_1509] {strides = array<i32>} : memref<80x128xf32, #tpu.memory_space<vmem>>, vector<16xf32>,
          %get3A_1511 = arith.index_cast %add3A_1447 : i32 to index
          %get3A_1512 = arith.constant 80 : index
          %get3A_1513 = tpu.vector_load %arg11[%get3A_1511, %get3A_1512] {strides = array<i32>} : memref<80x128xf32, #tpu.memory_space<vmem>>, vector<16xf32>,
          %sub3A_1514 = arith.subf %get3A_1510, %get3A_1513 : vector<16xf32>
          %mul3A_1515 = arith.mulf %sub3A_1514, %gather3A_1452 : vector<16xf32>
          %swap3A_1516 = arith.index_cast %add3A_1447 : i32 to index
          %swap3A_1517 = arith.constant 80 : index
          %swap3A_1518 = tpu.vector_load %arg9[%swap3A_1516, %swap3A_1517] {strides = array<i32>} : memref<80x128xf32, #tpu.memory_space<vmem>>, vector<16xf32>,
          tpu.vector_store %arg9[%swap3A_1516, %swap3A_1517], %mul3A_1515 {strides = array<i32>} : memref<80x128xf32, #tpu.memory_space<vmem>>, vector<16xf32>,
          %get3A_1519 = arith.index_cast %add3A_1447 : i32 to index
          %get3A_1520 = arith.constant 96 : index
          %get3A_1521 = tpu.vector_load %arg9[%get3A_1519, %get3A_1520] {strides = array<i32>} : memref<80x128xf32, #tpu.memory_space<vmem>>, vector<16xf32>,
          %get3A_1522 = arith.index_cast %add3A_1447 : i32 to index
          %get3A_1523 = arith.constant 96 : index
          %get3A_1524 = tpu.vector_load %arg11[%get3A_1522, %get3A_1523] {strides = array<i32>} : memref<80x128xf32, #tpu.memory_space<vmem>>, vector<16xf32>,
          %sub3A_1525 = arith.subf %get3A_1521, %get3A_1524 : vector<16xf32>
          %mul3A_1526 = arith.mulf %sub3A_1525, %gather3A_1452 : vector<16xf32>
          %swap3A_1527 = arith.index_cast %add3A_1447 : i32 to index
          %swap3A_1528 = arith.constant 96 : index
          %swap3A_1529 = tpu.vector_load %arg9[%swap3A_1527, %swap3A_1528] {strides = array<i32>} : memref<80x128xf32, #tpu.memory_space<vmem>>, vector<16xf32>,
          tpu.vector_store %arg9[%swap3A_1527, %swap3A_1528], %mul3A_1526 {strides = array<i32>} : memref<80x128xf32, #tpu.memory_space<vmem>>, vector<16xf32>,
          %get3A_1530 = arith.index_cast %add3A_1447 : i32 to index
          %get3A_1531 = arith.constant 112 : index
          %get3A_1532 = tpu.vector_load %arg9[%get3A_1530, %get3A_1531] {strides = array<i32>} : memref<80x128xf32, #tpu.memory_space<vmem>>, vector<16xf32>,
          %get3A_1533 = arith.index_cast %add3A_1447 : i32 to index
          %get3A_1534 = arith.constant 112 : index
          %get3A_1535 = tpu.vector_load %arg11[%get3A_1533, %get3A_1534] {strides = array<i32>} : memref<80x128xf32, #tpu.memory_space<vmem>>, vector<16xf32>,
          %sub3A_1536 = arith.subf %get3A_1532, %get3A_1535 : vector<16xf32>
          %mul3A_1537 = arith.mulf %sub3A_1536, %gather3A_1452 : vector<16xf32>
          %swap3A_1538 = arith.index_cast %add3A_1447 : i32 to index
          %swap3A_1539 = arith.constant 112 : index
          %swap3A_1540 = tpu.vector_load %arg9[%swap3A_1538, %swap3A_1539] {strides = array<i32>} : memref<80x128xf32, #tpu.memory_space<vmem>>, vector<16xf32>,
          tpu.vector_store %arg9[%swap3A_1538, %swap3A_1539], %mul3A_1537 {strides = array<i32>} : memref<80x128xf32, #tpu.memory_space<vmem>>, vector<16xf32>,
          %add3A_1541 = arith.constant 13 : i32
          %add3A_1542 = arith.addi %mul3A_308, %add3A_1541 : i32
          %broadcast_in_dim3A_1543 = arith.constant 16 : i32
          %broadcast_in_dim3A_1544 = vector.broadcast %broadcast_in_dim3A_1543 : i32 to vector<16xi32>
          %add3A_1545 = vector.broadcast %add3A_1542 : i32 to vector<16xi32>
          %add3A_1546 = arith.addi %broadcast_in_dim3A_1544, %add3A_1545 : vector<16xi32>
          %gather3A_1547 = tpu.vector_load_idx %arg15[%add3A_1546] : memref<96xf32, #tpu.memory_space<vmem>>[vector<16xi32>], vector<16xf32>,
          %get3A_1548 = arith.index_cast %add3A_1542 : i32 to index
          %get3A_1549 = arith.constant 0 : index
          %get3A_1550 = tpu.vector_load %arg9[%get3A_1548, %get3A_1549] {strides = array<i32>} : memref<80x128xf32, #tpu.memory_space<vmem>>, vector<16xf32>,
          %get3A_1551 = arith.index_cast %add3A_1542 : i32 to index
          %get3A_1552 = arith.constant 0 : index
          %get3A_1553 = tpu.vector_load %arg11[%get3A_1551, %get3A_1552] {strides = array<i32>} : memref<80x128xf32, #tpu.memory_space<vmem>>, vector<16xf32>,
          %sub3A_1554 = arith.subf %get3A_1550, %get3A_1553 : vector<16xf32>
          %mul3A_1555 = arith.mulf %sub3A_1554, %gather3A_1547 : vector<16xf32>
          %swap3A_1556 = arith.index_cast %add3A_1542 : i32 to index
          %swap3A_1557 = arith.constant 0 : index
          %swap3A_1558 = tpu.vector_load %arg9[%swap3A_1556, %swap3A_1557] {strides = array<i32>} : memref<80x128xf32, #tpu.memory_space<vmem>>, vector<16xf32>,
          tpu.vector_store %arg9[%swap3A_1556, %swap3A_1557], %mul3A_1555 {strides = array<i32>} : memref<80x128xf32, #tpu.memory_space<vmem>>, vector<16xf32>,
          %get3A_1559 = arith.index_cast %add3A_1542 : i32 to index
          %get3A_1560 = arith.constant 16 : index
          %get3A_1561 = tpu.vector_load %arg9[%get3A_1559, %get3A_1560] {strides = array<i32>} : memref<80x128xf32, #tpu.memory_space<vmem>>, vector<16xf32>,
          %get3A_1562 = arith.index_cast %add3A_1542 : i32 to index
          %get3A_1563 = arith.constant 16 : index
          %get3A_1564 = tpu.vector_load %arg11[%get3A_1562, %get3A_1563] {strides = array<i32>} : memref<80x128xf32, #tpu.memory_space<vmem>>, vector<16xf32>,
          %sub3A_1565 = arith.subf %get3A_1561, %get3A_1564 : vector<16xf32>
          %mul3A_1566 = arith.mulf %sub3A_1565, %gather3A_1547 : vector<16xf32>
          %swap3A_1567 = arith.index_cast %add3A_1542 : i32 to index
          %swap3A_1568 = arith.constant 16 : index
          %swap3A_1569 = tpu.vector_load %arg9[%swap3A_1567, %swap3A_1568] {strides = array<i32>} : memref<80x128xf32, #tpu.memory_space<vmem>>, vector<16xf32>,
          tpu.vector_store %arg9[%swap3A_1567, %swap3A_1568], %mul3A_1566 {strides = array<i32>} : memref<80x128xf32, #tpu.memory_space<vmem>>, vector<16xf32>,
          %get3A_1570 = arith.index_cast %add3A_1542 : i32 to index
          %get3A_1571 = arith.constant 32 : index
          %get3A_1572 = tpu.vector_load %arg9[%get3A_1570, %get3A_1571] {strides = array<i32>} : memref<80x128xf32, #tpu.memory_space<vmem>>, vector<16xf32>,
          %get3A_1573 = arith.index_cast %add3A_1542 : i32 to index
          %get3A_1574 = arith.constant 32 : index
          %get3A_1575 = tpu.vector_load %arg11[%get3A_1573, %get3A_1574] {strides = array<i32>} : memref<80x128xf32, #tpu.memory_space<vmem>>, vector<16xf32>,
          %sub3A_1576 = arith.subf %get3A_1572, %get3A_1575 : vector<16xf32>
          %mul3A_1577 = arith.mulf %sub3A_1576, %gather3A_1547 : vector<16xf32>
          %swap3A_1578 = arith.index_cast %add3A_1542 : i32 to index
          %swap3A_1579 = arith.constant 32 : index
          %swap3A_1580 = tpu.vector_load %arg9[%swap3A_1578, %swap3A_1579] {strides = array<i32>} : memref<80x128xf32, #tpu.memory_space<vmem>>, vector<16xf32>,
          tpu.vector_store %arg9[%swap3A_1578, %swap3A_1579], %mul3A_1577 {strides = array<i32>} : memref<80x128xf32, #tpu.memory_space<vmem>>, vector<16xf32>,
          %get3A_1581 = arith.index_cast %add3A_1542 : i32 to index
          %get3A_1582 = arith.constant 48 : index
          %get3A_1583 = tpu.vector_load %arg9[%get3A_1581, %get3A_1582] {strides = array<i32>} : memref<80x128xf32, #tpu.memory_space<vmem>>, vector<16xf32>,
          %get3A_1584 = arith.index_cast %add3A_1542 : i32 to index
          %get3A_1585 = arith.constant 48 : index
          %get3A_1586 = tpu.vector_load %arg11[%get3A_1584, %get3A_1585] {strides = array<i32>} : memref<80x128xf32, #tpu.memory_space<vmem>>, vector<16xf32>,
          %sub3A_1587 = arith.subf %get3A_1583, %get3A_1586 : vector<16xf32>
          %mul3A_1588 = arith.mulf %sub3A_1587, %gather3A_1547 : vector<16xf32>
          %swap3A_1589 = arith.index_cast %add3A_1542 : i32 to index
          %swap3A_1590 = arith.constant 48 : index
          %swap3A_1591 = tpu.vector_load %arg9[%swap3A_1589, %swap3A_1590] {strides = array<i32>} : memref<80x128xf32, #tpu.memory_space<vmem>>, vector<16xf32>,
          tpu.vector_store %arg9[%swap3A_1589, %swap3A_1590], %mul3A_1588 {strides = array<i32>} : memref<80x128xf32, #tpu.memory_space<vmem>>, vector<16xf32>,
          %get3A_1592 = arith.index_cast %add3A_1542 : i32 to index
          %get3A_1593 = arith.constant 64 : index
          %get3A_1594 = tpu.vector_load %arg9[%get3A_1592, %get3A_1593] {strides = array<i32>} : memref<80x128xf32, #tpu.memory_space<vmem>>, vector<16xf32>,
          %get3A_1595 = arith.index_cast %add3A_1542 : i32 to index
          %get3A_1596 = arith.constant 64 : index
          %get3A_1597 = tpu.vector_load %arg11[%get3A_1595, %get3A_1596] {strides = array<i32>} : memref<80x128xf32, #tpu.memory_space<vmem>>, vector<16xf32>,
          %sub3A_1598 = arith.subf %get3A_1594, %get3A_1597 : vector<16xf32>
          %mul3A_1599 = arith.mulf %sub3A_1598, %gather3A_1547 : vector<16xf32>
          %swap3A_1600 = arith.index_cast %add3A_1542 : i32 to index
          %swap3A_1601 = arith.constant 64 : index
          %swap3A_1602 = tpu.vector_load %arg9[%swap3A_1600, %swap3A_1601] {strides = array<i32>} : memref<80x128xf32, #tpu.memory_space<vmem>>, vector<16xf32>,
          tpu.vector_store %arg9[%swap3A_1600, %swap3A_1601], %mul3A_1599 {strides = array<i32>} : memref<80x128xf32, #tpu.memory_space<vmem>>, vector<16xf32>,
          %get3A_1603 = arith.index_cast %add3A_1542 : i32 to index
          %get3A_1604 = arith.constant 80 : index
          %get3A_1605 = tpu.vector_load %arg9[%get3A_1603, %get3A_1604] {strides = array<i32>} : memref<80x128xf32, #tpu.memory_space<vmem>>, vector<16xf32>,
          %get3A_1606 = arith.index_cast %add3A_1542 : i32 to index
          %get3A_1607 = arith.constant 80 : index
          %get3A_1608 = tpu.vector_load %arg11[%get3A_1606, %get3A_1607] {strides = array<i32>} : memref<80x128xf32, #tpu.memory_space<vmem>>, vector<16xf32>,
          %sub3A_1609 = arith.subf %get3A_1605, %get3A_1608 : vector<16xf32>
          %mul3A_1610 = arith.mulf %sub3A_1609, %gather3A_1547 : vector<16xf32>
          %swap3A_1611 = arith.index_cast %add3A_1542 : i32 to index
          %swap3A_1612 = arith.constant 80 : index
          %swap3A_1613 = tpu.vector_load %arg9[%swap3A_1611, %swap3A_1612] {strides = array<i32>} : memref<80x128xf32, #tpu.memory_space<vmem>>, vector<16xf32>,
          tpu.vector_store %arg9[%swap3A_1611, %swap3A_1612], %mul3A_1610 {strides = array<i32>} : memref<80x128xf32, #tpu.memory_space<vmem>>, vector<16xf32>,
          %get3A_1614 = arith.index_cast %add3A_1542 : i32 to index
          %get3A_1615 = arith.constant 96 : index
          %get3A_1616 = tpu.vector_load %arg9[%get3A_1614, %get3A_1615] {strides = array<i32>} : memref<80x128xf32, #tpu.memory_space<vmem>>, vector<16xf32>,
          %get3A_1617 = arith.index_cast %add3A_1542 : i32 to index
          %get3A_1618 = arith.constant 96 : index
          %get3A_1619 = tpu.vector_load %arg11[%get3A_1617, %get3A_1618] {strides = array<i32>} : memref<80x128xf32, #tpu.memory_space<vmem>>, vector<16xf32>,
          %sub3A_1620 = arith.subf %get3A_1616, %get3A_1619 : vector<16xf32>
          %mul3A_1621 = arith.mulf %sub3A_1620, %gather3A_1547 : vector<16xf32>
          %swap3A_1622 = arith.index_cast %add3A_1542 : i32 to index
          %swap3A_1623 = arith.constant 96 : index
          %swap3A_1624 = tpu.vector_load %arg9[%swap3A_1622, %swap3A_1623] {strides = array<i32>} : memref<80x128xf32, #tpu.memory_space<vmem>>, vector<16xf32>,
          tpu.vector_store %arg9[%swap3A_1622, %swap3A_1623], %mul3A_1621 {strides = array<i32>} : memref<80x128xf32, #tpu.memory_space<vmem>>, vector<16xf32>,
          %get3A_1625 = arith.index_cast %add3A_1542 : i32 to index
          %get3A_1626 = arith.constant 112 : index
          %get3A_1627 = tpu.vector_load %arg9[%get3A_1625, %get3A_1626] {strides = array<i32>} : memref<80x128xf32, #tpu.memory_space<vmem>>, vector<16xf32>,
          %get3A_1628 = arith.index_cast %add3A_1542 : i32 to index
          %get3A_1629 = arith.constant 112 : index
          %get3A_1630 = tpu.vector_load %arg11[%get3A_1628, %get3A_1629] {strides = array<i32>} : memref<80x128xf32, #tpu.memory_space<vmem>>, vector<16xf32>,
          %sub3A_1631 = arith.subf %get3A_1627, %get3A_1630 : vector<16xf32>
          %mul3A_1632 = arith.mulf %sub3A_1631, %gather3A_1547 : vector<16xf32>
          %swap3A_1633 = arith.index_cast %add3A_1542 : i32 to index
          %swap3A_1634 = arith.constant 112 : index
          %swap3A_1635 = tpu.vector_load %arg9[%swap3A_1633, %swap3A_1634] {strides = array<i32>} : memref<80x128xf32, #tpu.memory_space<vmem>>, vector<16xf32>,
          tpu.vector_store %arg9[%swap3A_1633, %swap3A_1634], %mul3A_1632 {strides = array<i32>} : memref<80x128xf32, #tpu.memory_space<vmem>>, vector<16xf32>,
          %add3A_1636 = arith.constant 14 : i32
          %add3A_1637 = arith.addi %mul3A_308, %add3A_1636 : i32
          %broadcast_in_dim3A_1638 = arith.constant 16 : i32
          %broadcast_in_dim3A_1639 = vector.broadcast %broadcast_in_dim3A_1638 : i32 to vector<16xi32>
          %add3A_1640 = vector.broadcast %add3A_1637 : i32 to vector<16xi32>
          %add3A_1641 = arith.addi %broadcast_in_dim3A_1639, %add3A_1640 : vector<16xi32>
          %gather3A_1642 = tpu.vector_load_idx %arg15[%add3A_1641] : memref<96xf32, #tpu.memory_space<vmem>>[vector<16xi32>], vector<16xf32>,
          %get3A_1643 = arith.index_cast %add3A_1637 : i32 to index
          %get3A_1644 = arith.constant 0 : index
          %get3A_1645 = tpu.vector_load %arg9[%get3A_1643, %get3A_1644] {strides = array<i32>} : memref<80x128xf32, #tpu.memory_space<vmem>>, vector<16xf32>,
          %get3A_1646 = arith.index_cast %add3A_1637 : i32 to index
          %get3A_1647 = arith.constant 0 : index
          %get3A_1648 = tpu.vector_load %arg11[%get3A_1646, %get3A_1647] {strides = array<i32>} : memref<80x128xf32, #tpu.memory_space<vmem>>, vector<16xf32>,
          %sub3A_1649 = arith.subf %get3A_1645, %get3A_1648 : vector<16xf32>
          %mul3A_1650 = arith.mulf %sub3A_1649, %gather3A_1642 : vector<16xf32>
          %swap3A_1651 = arith.index_cast %add3A_1637 : i32 to index
          %swap3A_1652 = arith.constant 0 : index
          %swap3A_1653 = tpu.vector_load %arg9[%swap3A_1651, %swap3A_1652] {strides = array<i32>} : memref<80x128xf32, #tpu.memory_space<vmem>>, vector<16xf32>,
          tpu.vector_store %arg9[%swap3A_1651, %swap3A_1652], %mul3A_1650 {strides = array<i32>} : memref<80x128xf32, #tpu.memory_space<vmem>>, vector<16xf32>,
          %get3A_1654 = arith.index_cast %add3A_1637 : i32 to index
          %get3A_1655 = arith.constant 16 : index
          %get3A_1656 = tpu.vector_load %arg9[%get3A_1654, %get3A_1655] {strides = array<i32>} : memref<80x128xf32, #tpu.memory_space<vmem>>, vector<16xf32>,
          %get3A_1657 = arith.index_cast %add3A_1637 : i32 to index
          %get3A_1658 = arith.constant 16 : index
          %get3A_1659 = tpu.vector_load %arg11[%get3A_1657, %get3A_1658] {strides = array<i32>} : memref<80x128xf32, #tpu.memory_space<vmem>>, vector<16xf32>,
          %sub3A_1660 = arith.subf %get3A_1656, %get3A_1659 : vector<16xf32>
          %mul3A_1661 = arith.mulf %sub3A_1660, %gather3A_1642 : vector<16xf32>
          %swap3A_1662 = arith.index_cast %add3A_1637 : i32 to index
          %swap3A_1663 = arith.constant 16 : index
          %swap3A_1664 = tpu.vector_load %arg9[%swap3A_1662, %swap3A_1663] {strides = array<i32>} : memref<80x128xf32, #tpu.memory_space<vmem>>, vector<16xf32>,
          tpu.vector_store %arg9[%swap3A_1662, %swap3A_1663], %mul3A_1661 {strides = array<i32>} : memref<80x128xf32, #tpu.memory_space<vmem>>, vector<16xf32>,
          %get3A_1665 = arith.index_cast %add3A_1637 : i32 to index
          %get3A_1666 = arith.constant 32 : index
          %get3A_1667 = tpu.vector_load %arg9[%get3A_1665, %get3A_1666] {strides = array<i32>} : memref<80x128xf32, #tpu.memory_space<vmem>>, vector<16xf32>,
          %get3A_1668 = arith.index_cast %add3A_1637 : i32 to index
          %get3A_1669 = arith.constant 32 : index
          %get3A_1670 = tpu.vector_load %arg11[%get3A_1668, %get3A_1669] {strides = array<i32>} : memref<80x128xf32, #tpu.memory_space<vmem>>, vector<16xf32>,
          %sub3A_1671 = arith.subf %get3A_1667, %get3A_1670 : vector<16xf32>
          %mul3A_1672 = arith.mulf %sub3A_1671, %gather3A_1642 : vector<16xf32>
          %swap3A_1673 = arith.index_cast %add3A_1637 : i32 to index
          %swap3A_1674 = arith.constant 32 : index
          %swap3A_1675 = tpu.vector_load %arg9[%swap3A_1673, %swap3A_1674] {strides = array<i32>} : memref<80x128xf32, #tpu.memory_space<vmem>>, vector<16xf32>,
          tpu.vector_store %arg9[%swap3A_1673, %swap3A_1674], %mul3A_1672 {strides = array<i32>} : memref<80x128xf32, #tpu.memory_space<vmem>>, vector<16xf32>,
          %get3A_1676 = arith.index_cast %add3A_1637 : i32 to index
          %get3A_1677 = arith.constant 48 : index
          %get3A_1678 = tpu.vector_load %arg9[%get3A_1676, %get3A_1677] {strides = array<i32>} : memref<80x128xf32, #tpu.memory_space<vmem>>, vector<16xf32>,
          %get3A_1679 = arith.index_cast %add3A_1637 : i32 to index
          %get3A_1680 = arith.constant 48 : index
          %get3A_1681 = tpu.vector_load %arg11[%get3A_1679, %get3A_1680] {strides = array<i32>} : memref<80x128xf32, #tpu.memory_space<vmem>>, vector<16xf32>,
          %sub3A_1682 = arith.subf %get3A_1678, %get3A_1681 : vector<16xf32>
          %mul3A_1683 = arith.mulf %sub3A_1682, %gather3A_1642 : vector<16xf32>
          %swap3A_1684 = arith.index_cast %add3A_1637 : i32 to index
          %swap3A_1685 = arith.constant 48 : index
          %swap3A_1686 = tpu.vector_load %arg9[%swap3A_1684, %swap3A_1685] {strides = array<i32>} : memref<80x128xf32, #tpu.memory_space<vmem>>, vector<16xf32>,
          tpu.vector_store %arg9[%swap3A_1684, %swap3A_1685], %mul3A_1683 {strides = array<i32>} : memref<80x128xf32, #tpu.memory_space<vmem>>, vector<16xf32>,
          %get3A_1687 = arith.index_cast %add3A_1637 : i32 to index
          %get3A_1688 = arith.constant 64 : index
          %get3A_1689 = tpu.vector_load %arg9[%get3A_1687, %get3A_1688] {strides = array<i32>} : memref<80x128xf32, #tpu.memory_space<vmem>>, vector<16xf32>,
          %get3A_1690 = arith.index_cast %add3A_1637 : i32 to index
          %get3A_1691 = arith.constant 64 : index
          %get3A_1692 = tpu.vector_load %arg11[%get3A_1690, %get3A_1691] {strides = array<i32>} : memref<80x128xf32, #tpu.memory_space<vmem>>, vector<16xf32>,
          %sub3A_1693 = arith.subf %get3A_1689, %get3A_1692 : vector<16xf32>
          %mul3A_1694 = arith.mulf %sub3A_1693, %gather3A_1642 : vector<16xf32>
          %swap3A_1695 = arith.index_cast %add3A_1637 : i32 to index
          %swap3A_1696 = arith.constant 64 : index
          %swap3A_1697 = tpu.vector_load %arg9[%swap3A_1695, %swap3A_1696] {strides = array<i32>} : memref<80x128xf32, #tpu.memory_space<vmem>>, vector<16xf32>,
          tpu.vector_store %arg9[%swap3A_1695, %swap3A_1696], %mul3A_1694 {strides = array<i32>} : memref<80x128xf32, #tpu.memory_space<vmem>>, vector<16xf32>,
          %get3A_1698 = arith.index_cast %add3A_1637 : i32 to index
          %get3A_1699 = arith.constant 80 : index
          %get3A_1700 = tpu.vector_load %arg9[%get3A_1698, %get3A_1699] {strides = array<i32>} : memref<80x128xf32, #tpu.memory_space<vmem>>, vector<16xf32>,
          %get3A_1701 = arith.index_cast %add3A_1637 : i32 to index
          %get3A_1702 = arith.constant 80 : index
          %get3A_1703 = tpu.vector_load %arg11[%get3A_1701, %get3A_1702] {strides = array<i32>} : memref<80x128xf32, #tpu.memory_space<vmem>>, vector<16xf32>,
          %sub3A_1704 = arith.subf %get3A_1700, %get3A_1703 : vector<16xf32>
          %mul3A_1705 = arith.mulf %sub3A_1704, %gather3A_1642 : vector<16xf32>
          %swap3A_1706 = arith.index_cast %add3A_1637 : i32 to index
          %swap3A_1707 = arith.constant 80 : index
          %swap3A_1708 = tpu.vector_load %arg9[%swap3A_1706, %swap3A_1707] {strides = array<i32>} : memref<80x128xf32, #tpu.memory_space<vmem>>, vector<16xf32>,
          tpu.vector_store %arg9[%swap3A_1706, %swap3A_1707], %mul3A_1705 {strides = array<i32>} : memref<80x128xf32, #tpu.memory_space<vmem>>, vector<16xf32>,
          %get3A_1709 = arith.index_cast %add3A_1637 : i32 to index
          %get3A_1710 = arith.constant 96 : index
          %get3A_1711 = tpu.vector_load %arg9[%get3A_1709, %get3A_1710] {strides = array<i32>} : memref<80x128xf32, #tpu.memory_space<vmem>>, vector<16xf32>,
          %get3A_1712 = arith.index_cast %add3A_1637 : i32 to index
          %get3A_1713 = arith.constant 96 : index
          %get3A_1714 = tpu.vector_load %arg11[%get3A_1712, %get3A_1713] {strides = array<i32>} : memref<80x128xf32, #tpu.memory_space<vmem>>, vector<16xf32>,
          %sub3A_1715 = arith.subf %get3A_1711, %get3A_1714 : vector<16xf32>
          %mul3A_1716 = arith.mulf %sub3A_1715, %gather3A_1642 : vector<16xf32>
          %swap3A_1717 = arith.index_cast %add3A_1637 : i32 to index
          %swap3A_1718 = arith.constant 96 : index
          %swap3A_1719 = tpu.vector_load %arg9[%swap3A_1717, %swap3A_1718] {strides = array<i32>} : memref<80x128xf32, #tpu.memory_space<vmem>>, vector<16xf32>,
          tpu.vector_store %arg9[%swap3A_1717, %swap3A_1718], %mul3A_1716 {strides = array<i32>} : memref<80x128xf32, #tpu.memory_space<vmem>>, vector<16xf32>,
          %get3A_1720 = arith.index_cast %add3A_1637 : i32 to index
          %get3A_1721 = arith.constant 112 : index
          %get3A_1722 = tpu.vector_load %arg9[%get3A_1720, %get3A_1721] {strides = array<i32>} : memref<80x128xf32, #tpu.memory_space<vmem>>, vector<16xf32>,
          %get3A_1723 = arith.index_cast %add3A_1637 : i32 to index
          %get3A_1724 = arith.constant 112 : index
          %get3A_1725 = tpu.vector_load %arg11[%get3A_1723, %get3A_1724] {strides = array<i32>} : memref<80x128xf32, #tpu.memory_space<vmem>>, vector<16xf32>,
          %sub3A_1726 = arith.subf %get3A_1722, %get3A_1725 : vector<16xf32>
          %mul3A_1727 = arith.mulf %sub3A_1726, %gather3A_1642 : vector<16xf32>
          %swap3A_1728 = arith.index_cast %add3A_1637 : i32 to index
          %swap3A_1729 = arith.constant 112 : index
          %swap3A_1730 = tpu.vector_load %arg9[%swap3A_1728, %swap3A_1729] {strides = array<i32>} : memref<80x128xf32, #tpu.memory_space<vmem>>, vector<16xf32>,
          tpu.vector_store %arg9[%swap3A_1728, %swap3A_1729], %mul3A_1727 {strides = array<i32>} : memref<80x128xf32, #tpu.memory_space<vmem>>, vector<16xf32>,
          %add3A_1731 = arith.constant 15 : i32
          %add3A_1732 = arith.addi %mul3A_308, %add3A_1731 : i32
          %broadcast_in_dim3A_1733 = arith.constant 16 : i32
          %broadcast_in_dim3A_1734 = vector.broadcast %broadcast_in_dim3A_1733 : i32 to vector<16xi32>
          %add3A_1735 = vector.broadcast %add3A_1732 : i32 to vector<16xi32>
          %add3A_1736 = arith.addi %broadcast_in_dim3A_1734, %add3A_1735 : vector<16xi32>
          %gather3A_1737 = tpu.vector_load_idx %arg15[%add3A_1736] : memref<96xf32, #tpu.memory_space<vmem>>[vector<16xi32>], vector<16xf32>,
          %get3A_1738 = arith.index_cast %add3A_1732 : i32 to index
          %get3A_1739 = arith.constant 0 : index
          %get3A_1740 = tpu.vector_load %arg9[%get3A_1738, %get3A_1739] {strides = array<i32>} : memref<80x128xf32, #tpu.memory_space<vmem>>, vector<16xf32>,
          %get3A_1741 = arith.index_cast %add3A_1732 : i32 to index
          %get3A_1742 = arith.constant 0 : index
          %get3A_1743 = tpu.vector_load %arg11[%get3A_1741, %get3A_1742] {strides = array<i32>} : memref<80x128xf32, #tpu.memory_space<vmem>>, vector<16xf32>,
          %sub3A_1744 = arith.subf %get3A_1740, %get3A_1743 : vector<16xf32>
          %mul3A_1745 = arith.mulf %sub3A_1744, %gather3A_1737 : vector<16xf32>
          %swap3A_1746 = arith.index_cast %add3A_1732 : i32 to index
          %swap3A_1747 = arith.constant 0 : index
          %swap3A_1748 = tpu.vector_load %arg9[%swap3A_1746, %swap3A_1747] {strides = array<i32>} : memref<80x128xf32, #tpu.memory_space<vmem>>, vector<16xf32>,
          tpu.vector_store %arg9[%swap3A_1746, %swap3A_1747], %mul3A_1745 {strides = array<i32>} : memref<80x128xf32, #tpu.memory_space<vmem>>, vector<16xf32>,
          %get3A_1749 = arith.index_cast %add3A_1732 : i32 to index
          %get3A_1750 = arith.constant 16 : index
          %get3A_1751 = tpu.vector_load %arg9[%get3A_1749, %get3A_1750] {strides = array<i32>} : memref<80x128xf32, #tpu.memory_space<vmem>>, vector<16xf32>,
          %get3A_1752 = arith.index_cast %add3A_1732 : i32 to index
          %get3A_1753 = arith.constant 16 : index
          %get3A_1754 = tpu.vector_load %arg11[%get3A_1752, %get3A_1753] {strides = array<i32>} : memref<80x128xf32, #tpu.memory_space<vmem>>, vector<16xf32>,
          %sub3A_1755 = arith.subf %get3A_1751, %get3A_1754 : vector<16xf32>
          %mul3A_1756 = arith.mulf %sub3A_1755, %gather3A_1737 : vector<16xf32>
          %swap3A_1757 = arith.index_cast %add3A_1732 : i32 to index
          %swap3A_1758 = arith.constant 16 : index
          %swap3A_1759 = tpu.vector_load %arg9[%swap3A_1757, %swap3A_1758] {strides = array<i32>} : memref<80x128xf32, #tpu.memory_space<vmem>>, vector<16xf32>,
          tpu.vector_store %arg9[%swap3A_1757, %swap3A_1758], %mul3A_1756 {strides = array<i32>} : memref<80x128xf32, #tpu.memory_space<vmem>>, vector<16xf32>,
          %get3A_1760 = arith.index_cast %add3A_1732 : i32 to index
          %get3A_1761 = arith.constant 32 : index
          %get3A_1762 = tpu.vector_load %arg9[%get3A_1760, %get3A_1761] {strides = array<i32>} : memref<80x128xf32, #tpu.memory_space<vmem>>, vector<16xf32>,
          %get3A_1763 = arith.index_cast %add3A_1732 : i32 to index
          %get3A_1764 = arith.constant 32 : index
          %get3A_1765 = tpu.vector_load %arg11[%get3A_1763, %get3A_1764] {strides = array<i32>} : memref<80x128xf32, #tpu.memory_space<vmem>>, vector<16xf32>,
          %sub3A_1766 = arith.subf %get3A_1762, %get3A_1765 : vector<16xf32>
          %mul3A_1767 = arith.mulf %sub3A_1766, %gather3A_1737 : vector<16xf32>
          %swap3A_1768 = arith.index_cast %add3A_1732 : i32 to index
          %swap3A_1769 = arith.constant 32 : index
          %swap3A_1770 = tpu.vector_load %arg9[%swap3A_1768, %swap3A_1769] {strides = array<i32>} : memref<80x128xf32, #tpu.memory_space<vmem>>, vector<16xf32>,
          tpu.vector_store %arg9[%swap3A_1768, %swap3A_1769], %mul3A_1767 {strides = array<i32>} : memref<80x128xf32, #tpu.memory_space<vmem>>, vector<16xf32>,
          %get3A_1771 = arith.index_cast %add3A_1732 : i32 to index
          %get3A_1772 = arith.constant 48 : index
          %get3A_1773 = tpu.vector_load %arg9[%get3A_1771, %get3A_1772] {strides = array<i32>} : memref<80x128xf32, #tpu.memory_space<vmem>>, vector<16xf32>,
          %get3A_1774 = arith.index_cast %add3A_1732 : i32 to index
          %get3A_1775 = arith.constant 48 : index
          %get3A_1776 = tpu.vector_load %arg11[%get3A_1774, %get3A_1775] {strides = array<i32>} : memref<80x128xf32, #tpu.memory_space<vmem>>, vector<16xf32>,
          %sub3A_1777 = arith.subf %get3A_1773, %get3A_1776 : vector<16xf32>
          %mul3A_1778 = arith.mulf %sub3A_1777, %gather3A_1737 : vector<16xf32>
          %swap3A_1779 = arith.index_cast %add3A_1732 : i32 to index
          %swap3A_1780 = arith.constant 48 : index
          %swap3A_1781 = tpu.vector_load %arg9[%swap3A_1779, %swap3A_1780] {strides = array<i32>} : memref<80x128xf32, #tpu.memory_space<vmem>>, vector<16xf32>,
          tpu.vector_store %arg9[%swap3A_1779, %swap3A_1780], %mul3A_1778 {strides = array<i32>} : memref<80x128xf32, #tpu.memory_space<vmem>>, vector<16xf32>,
          %get3A_1782 = arith.index_cast %add3A_1732 : i32 to index
          %get3A_1783 = arith.constant 64 : index
          %get3A_1784 = tpu.vector_load %arg9[%get3A_1782, %get3A_1783] {strides = array<i32>} : memref<80x128xf32, #tpu.memory_space<vmem>>, vector<16xf32>,
          %get3A_1785 = arith.index_cast %add3A_1732 : i32 to index
          %get3A_1786 = arith.constant 64 : index
          %get3A_1787 = tpu.vector_load %arg11[%get3A_1785, %get3A_1786] {strides = array<i32>} : memref<80x128xf32, #tpu.memory_space<vmem>>, vector<16xf32>,
          %sub3A_1788 = arith.subf %get3A_1784, %get3A_1787 : vector<16xf32>
          %mul3A_1789 = arith.mulf %sub3A_1788, %gather3A_1737 : vector<16xf32>
          %swap3A_1790 = arith.index_cast %add3A_1732 : i32 to index
          %swap3A_1791 = arith.constant 64 : index
          %swap3A_1792 = tpu.vector_load %arg9[%swap3A_1790, %swap3A_1791] {strides = array<i32>} : memref<80x128xf32, #tpu.memory_space<vmem>>, vector<16xf32>,
          tpu.vector_store %arg9[%swap3A_1790, %swap3A_1791], %mul3A_1789 {strides = array<i32>} : memref<80x128xf32, #tpu.memory_space<vmem>>, vector<16xf32>,
          %get3A_1793 = arith.index_cast %add3A_1732 : i32 to index
          %get3A_1794 = arith.constant 80 : index
          %get3A_1795 = tpu.vector_load %arg9[%get3A_1793, %get3A_1794] {strides = array<i32>} : memref<80x128xf32, #tpu.memory_space<vmem>>, vector<16xf32>,
          %get3A_1796 = arith.index_cast %add3A_1732 : i32 to index
          %get3A_1797 = arith.constant 80 : index
          %get3A_1798 = tpu.vector_load %arg11[%get3A_1796, %get3A_1797] {strides = array<i32>} : memref<80x128xf32, #tpu.memory_space<vmem>>, vector<16xf32>,
          %sub3A_1799 = arith.subf %get3A_1795, %get3A_1798 : vector<16xf32>
          %mul3A_1800 = arith.mulf %sub3A_1799, %gather3A_1737 : vector<16xf32>
          %swap3A_1801 = arith.index_cast %add3A_1732 : i32 to index
          %swap3A_1802 = arith.constant 80 : index
          %swap3A_1803 = tpu.vector_load %arg9[%swap3A_1801, %swap3A_1802] {strides = array<i32>} : memref<80x128xf32, #tpu.memory_space<vmem>>, vector<16xf32>,
          tpu.vector_store %arg9[%swap3A_1801, %swap3A_1802], %mul3A_1800 {strides = array<i32>} : memref<80x128xf32, #tpu.memory_space<vmem>>, vector<16xf32>,
          %get3A_1804 = arith.index_cast %add3A_1732 : i32 to index
          %get3A_1805 = arith.constant 96 : index
          %get3A_1806 = tpu.vector_load %arg9[%get3A_1804, %get3A_1805] {strides = array<i32>} : memref<80x128xf32, #tpu.memory_space<vmem>>, vector<16xf32>,
          %get3A_1807 = arith.index_cast %add3A_1732 : i32 to index
          %get3A_1808 = arith.constant 96 : index
          %get3A_1809 = tpu.vector_load %arg11[%get3A_1807, %get3A_1808] {strides = array<i32>} : memref<80x128xf32, #tpu.memory_space<vmem>>, vector<16xf32>,
          %sub3A_1810 = arith.subf %get3A_1806, %get3A_1809 : vector<16xf32>
          %mul3A_1811 = arith.mulf %sub3A_1810, %gather3A_1737 : vector<16xf32>
          %swap3A_1812 = arith.index_cast %add3A_1732 : i32 to index
          %swap3A_1813 = arith.constant 96 : index
          %swap3A_1814 = tpu.vector_load %arg9[%swap3A_1812, %swap3A_1813] {strides = array<i32>} : memref<80x128xf32, #tpu.memory_space<vmem>>, vector<16xf32>,
          tpu.vector_store %arg9[%swap3A_1812, %swap3A_1813], %mul3A_1811 {strides = array<i32>} : memref<80x128xf32, #tpu.memory_space<vmem>>, vector<16xf32>,
          %get3A_1815 = arith.index_cast %add3A_1732 : i32 to index
          %get3A_1816 = arith.constant 112 : index
          %get3A_1817 = tpu.vector_load %arg9[%get3A_1815, %get3A_1816] {strides = array<i32>} : memref<80x128xf32, #tpu.memory_space<vmem>>, vector<16xf32>,
          %get3A_1818 = arith.index_cast %add3A_1732 : i32 to index
          %get3A_1819 = arith.constant 112 : index
          %get3A_1820 = tpu.vector_load %arg11[%get3A_1818, %get3A_1819] {strides = array<i32>} : memref<80x128xf32, #tpu.memory_space<vmem>>, vector<16xf32>,
          %sub3A_1821 = arith.subf %get3A_1817, %get3A_1820 : vector<16xf32>
          %mul3A_1822 = arith.mulf %sub3A_1821, %gather3A_1737 : vector<16xf32>
          %swap3A_1823 = arith.index_cast %add3A_1732 : i32 to index
          %swap3A_1824 = arith.constant 112 : index
          %swap3A_1825 = tpu.vector_load %arg9[%swap3A_1823, %swap3A_1824] {strides = array<i32>} : memref<80x128xf32, #tpu.memory_space<vmem>>, vector<16xf32>,
          tpu.vector_store %arg9[%swap3A_1823, %swap3A_1824], %mul3A_1822 {strides = array<i32>} : memref<80x128xf32, #tpu.memory_space<vmem>>, vector<16xf32>,
          %scan3A_1826 = arith.constant 0 : i32
          scf.yield %scan3A_1826 : i32
        }
        %scan3A_301 = arith.constant 5 : i32
        %dma_start3A_302 = arith.constant 0 : i32
        %dma_start3A_303 = arith.constant 0 : i32
        %dma_start3A_304 = tpu.memref_slice %arg23[%dma_start3A_302, %dma_start3A_303] : memref<10000x128xf32, #tpu.memory_space<vmem_shared>> -> memref<10000x128xf32, #tpu.memory_space<vmem_shared>>
        tpu.enqueue_indirect_dma source(%arg9 : memref<80x128xf32, #tpu.memory_space<vmem>>) target(%dma_start3A_304 : memref<10000x128xf32, #tpu.memory_space<vmem_shared>>) offsets(%arg21 : memref<80xi32, #tpu.memory_space<vmem>>) semaphore(%arg33 : memref<!tpu.dma_semaphore, #tpu.memory_space<semaphore_mem>>) {add = true}
      } else {
      }
      %lt3A_289 = arith.constant 125 : i32
      %lt3A_290 = arith.cmpi slt, %add3A_266, %lt3A_289 : i32
      %convert_element_type3A_291 = arith.extui %lt3A_290 : i1 to i32
      %cond3A_292 = arith.constant 0 : i32
      %cond3A_293 = arith.cmpi ne, %convert_element_type3A_291, %cond3A_292 : i32
      scf.if %cond3A_293 {
        %dma_wait3A_295 = arith.constant 2 : i32
        %dma_wait3A_296 = arith.constant 0 : i32
        %dma_wait3A_297 = tpu.memref_slice %arg14[%dma_wait3A_295, %dma_wait3A_296] : memref<3x80xi32, #tpu.memory_space<vmem>> -> memref<1x80xi32, #tpu.memory_space<vmem>>
        %dma_wait3A_298 = tpu.memref_squeeze %dma_wait3A_297 : memref<1x80xi32, #tpu.memory_space<vmem>> -> memref<80xi32, #tpu.memory_space<vmem>>
        %dma_wait3A_299 = arith.constant 0 : i32
        %dma_wait3A_300 = tpu.memref_slice %arg4[%dma_wait3A_299] : memref<10000xf32, #tpu.memory_space<hbm>> -> memref<10000xf32, #tpu.memory_space<hbm>>
        tpu.wait_indirect_dma semaphore(%arg36 : memref<!tpu.dma_semaphore, #tpu.memory_space<semaphore_mem>>) src(%dma_wait3A_300 : memref<10000xf32, #tpu.memory_space<hbm>>) dst(%arg18 : memref<80xf32, #tpu.memory_space<vmem>>)
        %dma_wait3A_301 = arith.constant 1 : i32
        %dma_wait3A_302 = arith.constant 0 : i32
        %dma_wait3A_303 = tpu.memref_slice %arg14[%dma_wait3A_301, %dma_wait3A_302] : memref<3x80xi32, #tpu.memory_space<vmem>> -> memref<1x80xi32, #tpu.memory_space<vmem>>
        %dma_wait3A_304 = tpu.memref_squeeze %dma_wait3A_303 : memref<1x80xi32, #tpu.memory_space<vmem>> -> memref<80xi32, #tpu.memory_space<vmem>>
        %dma_wait3A_305 = arith.constant 0 : i32
        %dma_wait3A_306 = tpu.memref_slice %arg5[%dma_wait3A_305] : memref<10000xf32, #tpu.memory_space<hbm>> -> memref<10000xf32, #tpu.memory_space<hbm>>
        tpu.wait_indirect_dma semaphore(%arg38 : memref<!tpu.dma_semaphore, #tpu.memory_space<semaphore_mem>>) src(%dma_wait3A_306 : memref<10000xf32, #tpu.memory_space<hbm>>) dst(%arg20 : memref<80xf32, #tpu.memory_space<vmem>>)
        %get3A = arith.constant 0 : index
        %get3A_307 = tpu.vector_load %arg18[%get3A] {strides = array<i32>} : memref<80xf32, #tpu.memory_space<vmem>>, vector<16xf32>,
        %get3A_308 = arith.constant 0 : index
        %get3A_309 = tpu.vector_load %arg20[%get3A_308] {strides = array<i32>} : memref<80xf32, #tpu.memory_space<vmem>>, vector<16xf32>,
        %add3A_310 = arith.addf %get3A_307, %get3A_309 : vector<16xf32>
        %ge3A_311 = arith.constant 0.000000e+00 : f32
        %ge3A_312 = vector.broadcast %ge3A_311 : f32 to vector<16xf32>
        %ge3A_313 = arith.cmpf oge, %add3A_310, %ge3A_312 : vector<16xf32>
        %mul3A_314 = arith.constant 2.000000e-01 : f32
        %mul3A_315 = vector.broadcast %mul3A_314 : f32 to vector<16xf32>
        %mul3A_316 = arith.mulf %mul3A_315, %add3A_310 : vector<16xf32>
        %select_n3A = arith.select %ge3A_313, %add3A_310, %mul3A_316 : vector<16xi1>, vector<16xf32>
        %neg3A = arith.constant 0.000000e+00 : f32
        %neg3A_317 = vector.broadcast %neg3A : f32 to vector<16xf32>
        %neg3A_318 = arith.subf %neg3A_317, %select_n3A : vector<16xf32>
        %exp3A = math.exp %neg3A_318 : vector<16xf32>
        %swap3A_319 = arith.constant 16 : index
        %swap3A_320 = tpu.vector_load %arg16[%swap3A_319] {strides = array<i32>} : memref<96xf32, #tpu.memory_space<vmem>>, vector<16xf32>,
        tpu.vector_store %arg16[%swap3A_319], %exp3A {strides = array<i32>} : memref<96xf32, #tpu.memory_space<vmem>>, vector<16xf32>,
        %get3A_321 = arith.constant 16 : index
        %get3A_322 = tpu.vector_load %arg18[%get3A_321] {strides = array<i32>} : memref<80xf32, #tpu.memory_space<vmem>>, vector<16xf32>,
        %get3A_323 = arith.constant 16 : index
        %get3A_324 = tpu.vector_load %arg20[%get3A_323] {strides = array<i32>} : memref<80xf32, #tpu.memory_space<vmem>>, vector<16xf32>,
        %add3A_325 = arith.addf %get3A_322, %get3A_324 : vector<16xf32>
        %ge3A_326 = arith.constant 0.000000e+00 : f32
        %ge3A_327 = vector.broadcast %ge3A_326 : f32 to vector<16xf32>
        %ge3A_328 = arith.cmpf oge, %add3A_325, %ge3A_327 : vector<16xf32>
        %mul3A_329 = arith.constant 2.000000e-01 : f32
        %mul3A_330 = vector.broadcast %mul3A_329 : f32 to vector<16xf32>
        %mul3A_331 = arith.mulf %mul3A_330, %add3A_325 : vector<16xf32>
        %select_n3A_332 = arith.select %ge3A_328, %add3A_325, %mul3A_331 : vector<16xi1>, vector<16xf32>
        %neg3A_333 = arith.constant 0.000000e+00 : f32
        %neg3A_334 = vector.broadcast %neg3A_333 : f32 to vector<16xf32>
        %neg3A_335 = arith.subf %neg3A_334, %select_n3A_332 : vector<16xf32>
        %exp3A_336 = math.exp %neg3A_335 : vector<16xf32>
        %swap3A_337 = arith.constant 32 : index
        %swap3A_338 = tpu.vector_load %arg16[%swap3A_337] {strides = array<i32>} : memref<96xf32, #tpu.memory_space<vmem>>, vector<16xf32>,
        tpu.vector_store %arg16[%swap3A_337], %exp3A_336 {strides = array<i32>} : memref<96xf32, #tpu.memory_space<vmem>>, vector<16xf32>,
        %get3A_339 = arith.constant 32 : index
        %get3A_340 = tpu.vector_load %arg18[%get3A_339] {strides = array<i32>} : memref<80xf32, #tpu.memory_space<vmem>>, vector<16xf32>,
        %get3A_341 = arith.constant 32 : index
        %get3A_342 = tpu.vector_load %arg20[%get3A_341] {strides = array<i32>} : memref<80xf32, #tpu.memory_space<vmem>>, vector<16xf32>,
        %add3A_343 = arith.addf %get3A_340, %get3A_342 : vector<16xf32>
        %ge3A_344 = arith.constant 0.000000e+00 : f32
        %ge3A_345 = vector.broadcast %ge3A_344 : f32 to vector<16xf32>
        %ge3A_346 = arith.cmpf oge, %add3A_343, %ge3A_345 : vector<16xf32>
        %mul3A_347 = arith.constant 2.000000e-01 : f32
        %mul3A_348 = vector.broadcast %mul3A_347 : f32 to vector<16xf32>
        %mul3A_349 = arith.mulf %mul3A_348, %add3A_343 : vector<16xf32>
        %select_n3A_350 = arith.select %ge3A_346, %add3A_343, %mul3A_349 : vector<16xi1>, vector<16xf32>
        %neg3A_351 = arith.constant 0.000000e+00 : f32
        %neg3A_352 = vector.broadcast %neg3A_351 : f32 to vector<16xf32>
        %neg3A_353 = arith.subf %neg3A_352, %select_n3A_350 : vector<16xf32>
        %exp3A_354 = math.exp %neg3A_353 : vector<16xf32>
        %swap3A_355 = arith.constant 48 : index
        %swap3A_356 = tpu.vector_load %arg16[%swap3A_355] {strides = array<i32>} : memref<96xf32, #tpu.memory_space<vmem>>, vector<16xf32>,
        tpu.vector_store %arg16[%swap3A_355], %exp3A_354 {strides = array<i32>} : memref<96xf32, #tpu.memory_space<vmem>>, vector<16xf32>,
        %get3A_357 = arith.constant 48 : index
        %get3A_358 = tpu.vector_load %arg18[%get3A_357] {strides = array<i32>} : memref<80xf32, #tpu.memory_space<vmem>>, vector<16xf32>,
        %get3A_359 = arith.constant 48 : index
        %get3A_360 = tpu.vector_load %arg20[%get3A_359] {strides = array<i32>} : memref<80xf32, #tpu.memory_space<vmem>>, vector<16xf32>,
        %add3A_361 = arith.addf %get3A_358, %get3A_360 : vector<16xf32>
        %ge3A_362 = arith.constant 0.000000e+00 : f32
        %ge3A_363 = vector.broadcast %ge3A_362 : f32 to vector<16xf32>
        %ge3A_364 = arith.cmpf oge, %add3A_361, %ge3A_363 : vector<16xf32>
        %mul3A_365 = arith.constant 2.000000e-01 : f32
        %mul3A_366 = vector.broadcast %mul3A_365 : f32 to vector<16xf32>
        %mul3A_367 = arith.mulf %mul3A_366, %add3A_361 : vector<16xf32>
        %select_n3A_368 = arith.select %ge3A_364, %add3A_361, %mul3A_367 : vector<16xi1>, vector<16xf32>
        %neg3A_369 = arith.constant 0.000000e+00 : f32
        %neg3A_370 = vector.broadcast %neg3A_369 : f32 to vector<16xf32>
        %neg3A_371 = arith.subf %neg3A_370, %select_n3A_368 : vector<16xf32>
        %exp3A_372 = math.exp %neg3A_371 : vector<16xf32>
        %swap3A_373 = arith.constant 64 : index
        %swap3A_374 = tpu.vector_load %arg16[%swap3A_373] {strides = array<i32>} : memref<96xf32, #tpu.memory_space<vmem>>, vector<16xf32>,
        tpu.vector_store %arg16[%swap3A_373], %exp3A_372 {strides = array<i32>} : memref<96xf32, #tpu.memory_space<vmem>>, vector<16xf32>,
        %get3A_375 = arith.constant 64 : index
        %get3A_376 = tpu.vector_load %arg18[%get3A_375] {strides = array<i32>} : memref<80xf32, #tpu.memory_space<vmem>>, vector<16xf32>,
        %get3A_377 = arith.constant 64 : index
        %get3A_378 = tpu.vector_load %arg20[%get3A_377] {strides = array<i32>} : memref<80xf32, #tpu.memory_space<vmem>>, vector<16xf32>,
        %add3A_379 = arith.addf %get3A_376, %get3A_378 : vector<16xf32>
        %ge3A_380 = arith.constant 0.000000e+00 : f32
        %ge3A_381 = vector.broadcast %ge3A_380 : f32 to vector<16xf32>
        %ge3A_382 = arith.cmpf oge, %add3A_379, %ge3A_381 : vector<16xf32>
        %mul3A_383 = arith.constant 2.000000e-01 : f32
        %mul3A_384 = vector.broadcast %mul3A_383 : f32 to vector<16xf32>
        %mul3A_385 = arith.mulf %mul3A_384, %add3A_379 : vector<16xf32>
        %select_n3A_386 = arith.select %ge3A_382, %add3A_379, %mul3A_385 : vector<16xi1>, vector<16xf32>
        %neg3A_387 = arith.constant 0.000000e+00 : f32
        %neg3A_388 = vector.broadcast %neg3A_387 : f32 to vector<16xf32>
        %neg3A_389 = arith.subf %neg3A_388, %select_n3A_386 : vector<16xf32>
        %exp3A_390 = math.exp %neg3A_389 : vector<16xf32>
        %swap3A_391 = arith.constant 80 : index
        %swap3A_392 = tpu.vector_load %arg16[%swap3A_391] {strides = array<i32>} : memref<96xf32, #tpu.memory_space<vmem>>, vector<16xf32>,
        tpu.vector_store %arg16[%swap3A_391], %exp3A_390 {strides = array<i32>} : memref<96xf32, #tpu.memory_space<vmem>>, vector<16xf32>,
        %dma_start3A_393 = arith.constant 16 : i32
        %dma_start3A_394 = tpu.memref_slice %arg16[%dma_start3A_393] : memref<96xf32, #tpu.memory_space<vmem>> -> memref<80xf32, #tpu.memory_space<vmem>>
        %dma_start3A_395 = arith.constant 0 : i32
        %dma_start3A_396 = tpu.memref_slice %arg24[%dma_start3A_395] : memref<10000xf32, #tpu.memory_space<vmem_shared>> -> memref<10000xf32, #tpu.memory_space<vmem_shared>>
        tpu.enqueue_indirect_dma source(%dma_start3A_394 : memref<80xf32, #tpu.memory_space<vmem>>) target(%dma_start3A_396 : memref<10000xf32, #tpu.memory_space<vmem_shared>>) offsets(%arg22 : memref<80xi32, #tpu.memory_space<vmem>>) semaphore(%arg32 : memref<!tpu.dma_semaphore, #tpu.memory_space<semaphore_mem>>) {add = true}
        %dma_wait3A_397 = arith.constant 2 : i32
        %dma_wait3A_398 = arith.constant 0 : i32
        %dma_wait3A_399 = tpu.memref_slice %arg14[%dma_wait3A_397, %dma_wait3A_398] : memref<3x80xi32, #tpu.memory_space<vmem>> -> memref<1x80xi32, #tpu.memory_space<vmem>>
        %dma_wait3A_400 = tpu.memref_squeeze %dma_wait3A_399 : memref<1x80xi32, #tpu.memory_space<vmem>> -> memref<80xi32, #tpu.memory_space<vmem>>
        %dma_wait3A_401 = arith.constant 0 : i32
        %dma_wait3A_402 = arith.constant 0 : i32
        %dma_wait3A_403 = tpu.memref_slice %arg2[%dma_wait3A_401, %dma_wait3A_402] : memref<10000x128xf32, #tpu.memory_space<hbm>> -> memref<10000x128xf32, #tpu.memory_space<hbm>>
        tpu.wait_indirect_dma semaphore(%arg28 : memref<!tpu.dma_semaphore, #tpu.memory_space<semaphore_mem>>) src(%dma_wait3A_403 : memref<10000x128xf32, #tpu.memory_space<hbm>>) dst(%arg10 : memref<80x128xf32, #tpu.memory_space<vmem>>)
        %dma_wait3A_404 = arith.constant 1 : i32
        %dma_wait3A_405 = arith.constant 0 : i32
        %dma_wait3A_406 = tpu.memref_slice %arg14[%dma_wait3A_404, %dma_wait3A_405] : memref<3x80xi32, #tpu.memory_space<vmem>> -> memref<1x80xi32, #tpu.memory_space<vmem>>
        %dma_wait3A_407 = tpu.memref_squeeze %dma_wait3A_406 : memref<1x80xi32, #tpu.memory_space<vmem>> -> memref<80xi32, #tpu.memory_space<vmem>>
        %dma_wait3A_408 = arith.constant 0 : i32
        %dma_wait3A_409 = arith.constant 0 : i32
        %dma_wait3A_410 = tpu.memref_slice %arg3[%dma_wait3A_408, %dma_wait3A_409] : memref<10000x128xf32, #tpu.memory_space<hbm>> -> memref<10000x128xf32, #tpu.memory_space<hbm>>
        tpu.wait_indirect_dma semaphore(%arg30 : memref<!tpu.dma_semaphore, #tpu.memory_space<semaphore_mem>>) src(%dma_wait3A_410 : memref<10000x128xf32, #tpu.memory_space<hbm>>) dst(%arg12 : memref<80x128xf32, #tpu.memory_space<vmem>>)
      } else {
      }
      %scan3A_294 = arith.constant 0 : i32
      scf.yield %scan3A_294 : i32
    }
    %scan3A_214 = arith.constant 63 : i32
    %dma_wait3A = arith.constant 0 : i32
    %dma_wait3A_215 = arith.constant 0 : i32
    %dma_wait3A_216 = tpu.memref_slice %arg23[%dma_wait3A, %dma_wait3A_215] : memref<10000x128xf32, #tpu.memory_space<vmem_shared>> -> memref<10000x128xf32, #tpu.memory_space<vmem_shared>>
    tpu.wait_indirect_dma semaphore(%arg33 : memref<!tpu.dma_semaphore, #tpu.memory_space<semaphore_mem>>) src(%arg9 : memref<80x128xf32, #tpu.memory_space<vmem>>) dst(%dma_wait3A_216 : memref<10000x128xf32, #tpu.memory_space<vmem_shared>>)
    %dma_wait3A_217 = arith.constant 16 : i32
    %dma_wait3A_218 = tpu.memref_slice %arg15[%dma_wait3A_217] : memref<96xf32, #tpu.memory_space<vmem>> -> memref<80xf32, #tpu.memory_space<vmem>>
    %dma_wait3A_219 = arith.constant 0 : i32
    %dma_wait3A_220 = tpu.memref_slice %arg24[%dma_wait3A_219] : memref<10000xf32, #tpu.memory_space<vmem_shared>> -> memref<10000xf32, #tpu.memory_space<vmem_shared>>
    tpu.wait_indirect_dma semaphore(%arg31 : memref<!tpu.dma_semaphore, #tpu.memory_space<semaphore_mem>>) src(%dma_wait3A_218 : memref<80xf32, #tpu.memory_space<vmem>>) dst(%dma_wait3A_220 : memref<10000xf32, #tpu.memory_space<vmem_shared>>)
    %barrier3A_221 = arith.constant 0 : index
    tpu.barrier barrier_id(%barrier3A_221)
    %mul3A_222 = arith.constant 624 : i32
    %mul3A_223 = arith.muli %arg1, %mul3A_222 : i32
    %multiple_of3A = tpu.assume_multiple %mul3A_223, 8 : i32
    "tpu.region"() ({
      %run_scoped3A = tpu.sem_alloc : memref<!tpu.dma_semaphore, #tpu.memory_space<semaphore_mem>>
      %dma_start3A_233 = arith.constant 0 : i32
      %dma_start3A_234 = tpu.memref_slice %arg7[%arg0, %multiple_of3A, %dma_start3A_233] : memref<2x10000x128xf32, #tpu.memory_space<hbm>> -> memref<1x624x128xf32, #tpu.memory_space<hbm>>
      %dma_start3A_235 = tpu.memref_squeeze %dma_start3A_234 : memref<1x624x128xf32, #tpu.memory_space<hbm>> -> memref<624x128xf32, #tpu.memory_space<hbm>>
      %dma_start3A_236 = arith.constant 0 : i32
      %dma_start3A_237 = tpu.memref_slice %arg23[%multiple_of3A, %dma_start3A_236] : memref<10000x128xf32, #tpu.memory_space<vmem_shared>> -> memref<624x128xf32, #tpu.memory_space<vmem_shared>>
      tpu.enqueue_dma source(%dma_start3A_237 : memref<624x128xf32, #tpu.memory_space<vmem_shared>>) target(%dma_start3A_235 : memref<624x128xf32, #tpu.memory_space<hbm>>) target_semaphore(%run_scoped3A : memref<!tpu.dma_semaphore, #tpu.memory_space<semaphore_mem>>)
      %dma_wait3A_238 = arith.constant 0 : i32
      %dma_wait3A_239 = tpu.memref_slice %arg7[%arg0, %multiple_of3A, %dma_wait3A_238] : memref<2x10000x128xf32, #tpu.memory_space<hbm>> -> memref<1x624x128xf32, #tpu.memory_space<hbm>>
      %dma_wait3A_240 = tpu.memref_squeeze %dma_wait3A_239 : memref<1x624x128xf32, #tpu.memory_space<hbm>> -> memref<624x128xf32, #tpu.memory_space<hbm>>
      %dma_wait3A_241 = arith.constant 0 : i32
      %dma_wait3A_242 = tpu.memref_slice %arg23[%multiple_of3A, %dma_wait3A_241] : memref<10000x128xf32, #tpu.memory_space<vmem_shared>> -> memref<624x128xf32, #tpu.memory_space<vmem_shared>>
      tpu.wait_dma2 semaphore(%run_scoped3A : memref<!tpu.dma_semaphore, #tpu.memory_space<semaphore_mem>>) src(%dma_wait3A_242 : memref<624x128xf32, #tpu.memory_space<vmem_shared>>) dst(%dma_wait3A_240 : memref<624x128xf32, #tpu.memory_space<hbm>>)
      tpu.yield
    }) : () -> ()
    %eq3A = arith.constant 15 : i32
    %eq3A_224 = arith.cmpi eq, %arg1, %eq3A : i32
    %convert_element_type3A_225 = arith.extui %eq3A_224 : i1 to i32
    %cond3A_226 = arith.constant 0 : i32
    %cond3A_227 = arith.cmpi ne, %convert_element_type3A_225, %cond3A_226 : i32
    scf.if %cond3A_227 {
      "tpu.region"() ({
        %run_scoped3A = tpu.sem_alloc : memref<!tpu.dma_semaphore, #tpu.memory_space<semaphore_mem>>
        %dma_start3A_233 = arith.constant 9984 : i32
        %dma_start3A_234 = arith.constant 0 : i32
        %dma_start3A_235 = tpu.memref_slice %arg7[%arg0, %dma_start3A_233, %dma_start3A_234] : memref<2x10000x128xf32, #tpu.memory_space<hbm>> -> memref<1x16x128xf32, #tpu.memory_space<hbm>>
        %dma_start3A_236 = tpu.memref_squeeze %dma_start3A_235 : memref<1x16x128xf32, #tpu.memory_space<hbm>> -> memref<16x128xf32, #tpu.memory_space<hbm>>
        %dma_start3A_237 = arith.constant 9984 : i32
        %dma_start3A_238 = arith.constant 0 : i32
        %dma_start3A_239 = tpu.memref_slice %arg23[%dma_start3A_237, %dma_start3A_238] : memref<10000x128xf32, #tpu.memory_space<vmem_shared>> -> memref<16x128xf32, #tpu.memory_space<vmem_shared>>
        tpu.enqueue_dma source(%dma_start3A_239 : memref<16x128xf32, #tpu.memory_space<vmem_shared>>) target(%dma_start3A_236 : memref<16x128xf32, #tpu.memory_space<hbm>>) target_semaphore(%run_scoped3A : memref<!tpu.dma_semaphore, #tpu.memory_space<semaphore_mem>>)
        %dma_wait3A_240 = arith.constant 9984 : i32
        %dma_wait3A_241 = arith.constant 0 : i32
        %dma_wait3A_242 = tpu.memref_slice %arg7[%arg0, %dma_wait3A_240, %dma_wait3A_241] : memref<2x10000x128xf32, #tpu.memory_space<hbm>> -> memref<1x16x128xf32, #tpu.memory_space<hbm>>
        %dma_wait3A_243 = tpu.memref_squeeze %dma_wait3A_242 : memref<1x16x128xf32, #tpu.memory_space<hbm>> -> memref<16x128xf32, #tpu.memory_space<hbm>>
        %dma_wait3A_244 = arith.constant 9984 : i32
        %dma_wait3A_245 = arith.constant 0 : i32
        %dma_wait3A_246 = tpu.memref_slice %arg23[%dma_wait3A_244, %dma_wait3A_245] : memref<10000x128xf32, #tpu.memory_space<vmem_shared>> -> memref<16x128xf32, #tpu.memory_space<vmem_shared>>
        tpu.wait_dma2 semaphore(%run_scoped3A : memref<!tpu.dma_semaphore, #tpu.memory_space<semaphore_mem>>) src(%dma_wait3A_246 : memref<16x128xf32, #tpu.memory_space<vmem_shared>>) dst(%dma_wait3A_243 : memref<16x128xf32, #tpu.memory_space<hbm>>)
        tpu.yield
      }) : () -> ()
    } else {
    }
    %eq3A_228 = arith.constant 0 : i32
    %eq3A_229 = arith.cmpi eq, %arg1, %eq3A_228 : i32
    %convert_element_type3A_230 = arith.extui %eq3A_229 : i1 to i32
    %cond3A_231 = arith.constant 0 : i32
    %cond3A_232 = arith.cmpi ne, %convert_element_type3A_230, %cond3A_231 : i32
    scf.if %cond3A_232 {
      "tpu.region"() ({
        %run_scoped3A = tpu.sem_alloc : memref<!tpu.dma_semaphore, #tpu.memory_space<semaphore_mem>>
        %dma_start3A_233 = arith.constant 0 : i32
        %dma_start3A_234 = tpu.memref_slice %arg8[%arg0, %dma_start3A_233] : memref<2x10000xf32, #tpu.memory_space<hbm>> -> memref<1x10000xf32, #tpu.memory_space<hbm>>
        %dma_start3A_235 = tpu.memref_squeeze %dma_start3A_234 : memref<1x10000xf32, #tpu.memory_space<hbm>> -> memref<10000xf32, #tpu.memory_space<hbm>>
        tpu.enqueue_dma source(%arg24 : memref<10000xf32, #tpu.memory_space<vmem_shared>>) target(%dma_start3A_235 : memref<10000xf32, #tpu.memory_space<hbm>>) target_semaphore(%run_scoped3A : memref<!tpu.dma_semaphore, #tpu.memory_space<semaphore_mem>>)
        %dma_wait3A_236 = arith.constant 0 : i32
        %dma_wait3A_237 = tpu.memref_slice %arg8[%arg0, %dma_wait3A_236] : memref<2x10000xf32, #tpu.memory_space<hbm>> -> memref<1x10000xf32, #tpu.memory_space<hbm>>
        %dma_wait3A_238 = tpu.memref_squeeze %dma_wait3A_237 : memref<1x10000xf32, #tpu.memory_space<hbm>> -> memref<10000xf32, #tpu.memory_space<hbm>>
        tpu.wait_dma2 semaphore(%run_scoped3A : memref<!tpu.dma_semaphore, #tpu.memory_space<semaphore_mem>>) src(%arg24 : memref<10000xf32, #tpu.memory_space<vmem_shared>>) dst(%dma_wait3A_238 : memref<10000xf32, #tpu.memory_space<hbm>>)
        tpu.yield
      }) : () -> ()
    } else {
    }
    return
  }
}

module attributes {stable_mosaic.version = 14 : i64} {
  func.func @_pq_body(%arg0: memref<10000x128xf32, #tpu.memory_space<vmem>>, %arg1: memref<10000x128xf32, #tpu.memory_space<vmem>>, %arg2: memref<128x1xf32, #tpu.memory_space<vmem>>, %arg3: memref<128x1xf32, #tpu.memory_space<vmem>>, %arg4: memref<10000x1xf32, #tpu.memory_space<vmem>>, %arg5: memref<10000x1xf32, #tpu.memory_space<vmem>>) attributes {dimension_semantics = [], scalar_prefetch = 0 : i64, scratch_operands = 0 : i64, tpu.core_type = #tpu.core_type<tc>} {
    %get3A = arith.constant 0 : index
    %get3A_0 = arith.constant 0 : index
    %get3A_1 = vector.load %arg0[%get3A, %get3A_0] : memref<10000x128xf32, #tpu.memory_space<vmem>>, vector<10000x128xf32>
    %get3A_2 = arith.constant 0 : index
    %get3A_3 = arith.constant 0 : index
    %get3A_4 = vector.load %arg2[%get3A_2, %get3A_3] : memref<128x1xf32, #tpu.memory_space<vmem>>, vector<128x1xf32>
    %dot_general3A = arith.constant dense<0.000000e+00> : vector<10000x1xf32>
    %dot_general3A_5 = tpu.matmul %get3A_1, %get3A_4, %dot_general3A {dimension_numbers = #tpu.dot_dimension_numbers<[1], [0], [0], [1], [0, 0, 1, 1], [], []>, transpose_lhs_hint = false} : vector<10000x128xf32>, vector<128x1xf32>, vector<10000x1xf32> -> vector<10000x1xf32>
    %swap3A = arith.constant 0 : index
    %swap3A_6 = arith.constant 0 : index
    %swap3A_7 = vector.load %arg4[%swap3A, %swap3A_6] : memref<10000x1xf32, #tpu.memory_space<vmem>>, vector<10000x1xf32>
    tpu.vector_store %arg4[%swap3A, %swap3A_6], %dot_general3A_5 {strides = array<i32>} : memref<10000x1xf32, #tpu.memory_space<vmem>>, vector<10000x1xf32>,
    %get3A_8 = arith.constant 0 : index
    %get3A_9 = arith.constant 0 : index
    %get3A_10 = vector.load %arg1[%get3A_8, %get3A_9] : memref<10000x128xf32, #tpu.memory_space<vmem>>, vector<10000x128xf32>
    %get3A_11 = arith.constant 0 : index
    %get3A_12 = arith.constant 0 : index
    %get3A_13 = vector.load %arg3[%get3A_11, %get3A_12] : memref<128x1xf32, #tpu.memory_space<vmem>>, vector<128x1xf32>
    %dot_general3A_14 = arith.constant dense<0.000000e+00> : vector<10000x1xf32>
    %dot_general3A_15 = tpu.matmul %get3A_10, %get3A_13, %dot_general3A_14 {dimension_numbers = #tpu.dot_dimension_numbers<[1], [0], [0], [1], [0, 0, 1, 1], [], []>, transpose_lhs_hint = false} : vector<10000x128xf32>, vector<128x1xf32>, vector<10000x1xf32> -> vector<10000x1xf32>
    %swap3A_16 = arith.constant 0 : index
    %swap3A_17 = arith.constant 0 : index
    %swap3A_18 = vector.load %arg5[%swap3A_16, %swap3A_17] : memref<10000x1xf32, #tpu.memory_space<vmem>>, vector<10000x1xf32>
    tpu.vector_store %arg5[%swap3A_16, %swap3A_17], %dot_general3A_15 {strides = array<i32>} : memref<10000x1xf32, #tpu.memory_space<vmem>>, vector<10000x1xf32>,
    return
  }
}

module attributes {stable_mosaic.version = 14 : i64} {
  func.func @_combine_body(%arg0: memref<2x10000x128xf32, #tpu.memory_space<vmem>>, %arg1: memref<2x10000xf32, #tpu.memory_space<vmem>>, %arg2: memref<1x10000x128xf32, #tpu.memory_space<vmem>>) attributes {dimension_semantics = [], scalar_prefetch = 0 : i64, scratch_operands = 0 : i64, tpu.core_type = #tpu.core_type<tc>} {
    %get3A = arith.constant 0 : index
    %get3A_0 = arith.constant 0 : index
    %get3A_1 = vector.load %arg1[%get3A, %get3A_0] : memref<2x10000xf32, #tpu.memory_space<vmem>>, vector<1x10000xf32>
    %get3A_2 = vector.shape_cast %get3A_1 : vector<1x10000xf32> to vector<10000xf32>
    %get3A_3 = arith.constant 1 : index
    %get3A_4 = arith.constant 0 : index
    %get3A_5 = vector.load %arg1[%get3A_3, %get3A_4] : memref<2x10000xf32, #tpu.memory_space<vmem>>, vector<1x10000xf32>
    %get3A_6 = vector.shape_cast %get3A_5 : vector<1x10000xf32> to vector<10000xf32>
    %add3A = arith.addf %get3A_2, %get3A_6 : vector<10000xf32>
    %get3A_7 = arith.constant 0 : index
    %get3A_8 = arith.constant 0 : index
    %get3A_9 = arith.constant 0 : index
    %get3A_10 = vector.load %arg0[%get3A_7, %get3A_8, %get3A_9] : memref<2x10000x128xf32, #tpu.memory_space<vmem>>, vector<1x10000x128xf32>
    %get3A_11 = vector.shape_cast %get3A_10 : vector<1x10000x128xf32> to vector<10000x128xf32>
    %get3A_12 = arith.constant 1 : index
    %get3A_13 = arith.constant 0 : index
    %get3A_14 = arith.constant 0 : index
    %get3A_15 = vector.load %arg0[%get3A_12, %get3A_13, %get3A_14] : memref<2x10000x128xf32, #tpu.memory_space<vmem>>, vector<1x10000x128xf32>
    %get3A_16 = vector.shape_cast %get3A_15 : vector<1x10000x128xf32> to vector<10000x128xf32>
    %add3A_17 = arith.addf %get3A_11, %get3A_16 : vector<10000x128xf32>
    %broadcast_in_dim3A = vector.shape_cast %add3A : vector<10000xf32> to vector<10000x1xf32>
    %div3A = vector.broadcast %broadcast_in_dim3A : vector<10000x1xf32> to vector<10000x128xf32>
    %div3A_18 = arith.divf %add3A_17, %div3A : vector<10000x128xf32>
    %swap3A = arith.constant 0 : index
    %swap3A_19 = arith.constant 0 : index
    %swap3A_20 = arith.constant 0 : index
    %swap3A_21 = vector.load %arg2[%swap3A, %swap3A_19, %swap3A_20] : memref<1x10000x128xf32, #tpu.memory_space<vmem>>, vector<1x10000x128xf32>
    %swap3A_22 = vector.shape_cast %swap3A_21 : vector<1x10000x128xf32> to vector<10000x128xf32>
    %swap3A_23 = vector.shape_cast %div3A_18 : vector<10000x128xf32> to vector<1x10000x128xf32>
    tpu.vector_store %arg2[%swap3A, %swap3A_19, %swap3A_20], %swap3A_23 {strides = array<i32>} : memref<1x10000x128xf32, #tpu.memory_space<vmem>>, vector<1x10000x128xf32>,
    return
  }
}

</mosaic_0001>

<sc_bundles>
// kernel: kernel.5.cloned.1.call-start
scs
__scs_entry_jumppad:
0x0: {  	(pc) =	sbr.rel $0x88, $3  }
0x1: {  	(tag) =	ssettag $0x0;
	lr =	simm.s32 $0x1  }
0x2: {  	[smem:$0x3F9D] =	sst lr;
	_ =	strace $0xD0000000  }
0x3: {  	_ = 	snop  }
0x4: {  	_ = 	snop  }
0x5: {  	_ = 	snop  }
0x6: {  	_ = 	snop  }
0x7: {  	_ = 	snop  }
__scs_overlays_trampoline_lowered:
0x8: {  	[smem:$0x3FAC] =	sst s0  }
0x9: {  	[smem:$0x3FAD] =	sst s1  }
0xa: {  	[smem:$0x3FAE] =	sst s2  }
0xb: {  	[smem:$0x3FAF] =	sst s3  }
0xc: {  	[smem:$0x3FB0] =	sst s4  }
0xd: {  	[smem:$0x3FB1] =	sst s5  }
0xe: {  	[smem:$0x3FB2] =	sst s6  }
0xf: {  	[smem:$0x3FB3] =	sst s7  }
0x10: {  	[smem:$0x3FB4] =	sst s8  }
0x11: {  	[smem:$0x3FB5] =	sst s9;
	s0 =	simm.s32 @!p0 $0x0  }
0x12: {  	s1 =	sld [smem:$0x3F9B];
	s0 =	simm.s32 @p0 $0x1  }
0x13: {  	[smem:$0x3FB6] =	sst s0;
	s0 =	simm.s32 @!p1 $0x0  }
0x14: {  	s2 =	sld [smem:$0x3F9A];
	s0 =	simm.s32 @p1 $0x1  }
0x15: {  	[smem:$0x3FB7] =	sst s0;
	s0 =	simm.s32 @!p2 $0x0  }
0x16: {  	s3 =	sld [smem:$0x3FDB];
	s0 =	simm.s32 @p2 $0x1  }
0x17: {  	s4 =	simm.s32 $0x1BF5;
	[smem:$0x3FB9] =	sst s0  }
0x18: {  	s0 =	sld [smem:$0x3F9C];
	_ =	swait.ge [sflag:s4], $0x0  }
0x19: {  	s7 =	sld [smem:$0x3F9D]  }
0x1a: {  	s8 =	sadd.s32 $0xFFFFE003, lr  }
0x1b: {  	s9 =	sadd.s32 $0xFFFFFEF7, lr;
	s5 =	simm.s32 $0xFFFFFFFF;
	p2 =	slt.u32 s8, $0xFFFFF086  }
0x1c: {  	p1 =	slt.u32 s9, $0xF7A;
	s5 =	simm.s32 @!p2 $0x0  }
0x1d: {  	s5 =	simm.s32 @p1 $0x1;
	p0 =	seq.s32 s7, s2  }
0x1e: {  	s7 =	smul.u32 @!p0 $0xF7A, s2;
	p2 =	seq.s32 @!p0 s5, $0x0  }
0x1f: {  	s9 =	smul.u32 $0xF7A, s1;
	s8 =	simm.s32 @!p0 $0x1BF5;
	p2 =	por !p2, p0  }
0x20: {  	[sflag:s8] =	ssyncset.s32 @!p0 $0xFFFFF086;
	s6 =	sadd.s32 @!p0 s3, s7;
	s7 =	simm.s32 @!p0 $0x108  }
0x21: {  	s3 =	sadd.s32 s3, s9;
	s6 =	sadd.s32 @!p0 $0x88, s6;
	s7 =	simm.s32 @p2 $0x1082  }
0x22: {  	[simem:s7], [sflag:s8] =	dma.local @!p0 [hbm:s6], $0xF7A  }
0x23: {  	s9 =	sor.u32 $0xD0000000, s2;
	s6 =	simm.s32 $0x108;
	_ =	swait.ge @!p0 [sflag:s8], $0x0  }
0x24: {  	s3 =	sadd.s32 $0x88, s3;
	s6 =	simm.s32 @!p1 $0x1082;
	[sflag:s4] =	ssyncset.s32 $0xFFFFF086  }
0x25: {  	[simem:s6], [sflag:s4] =	dma.local [hbm:s3], $0xF7A  }
0x26: {  	[smem:$0x3F9D] =	sst s1;
	(tag) =	ssettag s2;
	_ =	strace s9  }
0x27: {  	s1 =	sld [smem:$0x3FAD]  }
0x28: {  	s2 =	sld [smem:$0x3FAE]  }
0x29: {  	s4 =	sld [smem:$0x3FB0]  }
0x2a: {  	p0 =	seq.s32 s5, $0x0;
	s5 =	sld [smem:$0x3FB1]  }
0x2b: {  	s6 =	sld [smem:$0x3FB2]  }
0x2c: {  	s7 =	sld [smem:$0x3FB3]  }
0x2d: {  	s3 =	simm.s32 $0x108;
	s8 =	sld [smem:$0x3FB4]  }
0x2e: {  	s3 =	simm.s32 @!p0 $0x1082;
	s9 =	sld [smem:$0x3FB5]  }
0x2f: {  	lr =	sadd.s32 s0, s3;
	s0 =	sld [smem:$0x3FAC]  }
0x30: {  	s3 =	sld [smem:$0x3FAF]  }
0x31: {  	[smem:$0x3FB8] =	sst s10  }
0x32: {  	s10 =	sld [smem:$0x3FB6];
	_ =	sdelay $0x3  }
0x33: {  	p0 =	seq.s32 s10, $0x1;
	s10 =	sld [smem:$0x3FB8];
	_ =	sdelay $0x3  }
0x34: {  	[smem:$0x3FB8] =	sst s10  }
0x35: {  	s10 =	sld [smem:$0x3FB7];
	_ =	sdelay $0x3  }
0x36: {  	p1 =	seq.s32 s10, $0x1;
	s10 =	sld [smem:$0x3FB8];
	_ =	sdelay $0x3  }
0x37: {  	[smem:$0x3FB8] =	sst s10  }
0x38: {  	s10 =	sld [smem:$0x3FB9]  }
0x39: {  	_ = 	snop;
	(pc) =	sbr.ind lr, $3  }
0x3a: {  	_ = 	snop  }
0x3b: {  	_ = 	snop  }
0x3c: {  	p2 =	seq.s32 s10, $0x1;
	s10 =	sld [smem:$0x3FB8]  }
0x3d: {  	_ =	shalt  }
0x3e: {  	_ =	shalt  }
0x3f: {  	_ =	shalt  }
0x40: {  	_ =	shalt  }
0x41: {  	_ =	shalt  }
0x42: {  	_ =	shalt  }
0x43: {  	_ =	shalt  }
0x44: {  	_ =	shalt  }
0x45: {  	_ =	shalt  }
0x46: {  	_ =	shalt  }
0x47: {  	_ =	shalt  }
0x48: {  	_ =	shalt  }
0x49: {  	_ =	shalt  }
0x4a: {  	_ =	shalt  }
0x4b: {  	_ =	shalt  }
0x4c: {  	_ =	shalt  }
0x4d: {  	_ =	shalt  }
0x4e: {  	_ =	shalt  }
0x4f: {  	_ =	shalt  }
0x50: {  	_ =	shalt  }
0x51: {  	_ =	shalt  }
0x52: {  	_ =	shalt  }
0x53: {  	_ =	shalt  }
0x54: {  	_ =	shalt  }
0x55: {  	_ =	shalt  }
0x56: {  	_ =	shalt  }
0x57: {  	_ =	shalt  }
0x58: {  	_ =	shalt  }
0x59: {  	_ =	shalt  }
0x5a: {  	_ =	shalt  }
0x5b: {  	_ =	shalt  }
0x5c: {  	_ =	shalt  }
0x5d: {  	_ =	shalt  }
0x5e: {  	_ =	shalt  }
0x5f: {  	_ =	shalt  }
0x60: {  	_ =	shalt  }
0x61: {  	_ =	shalt  }
0x62: {  	_ =	shalt  }
0x63: {  	_ =	shalt  }
0x64: {  	_ =	shalt  }
0x65: {  	_ =	shalt  }
0x66: {  	_ =	shalt  }
0x67: {  	_ =	shalt  }
0x68: {  	_ =	shalt  }
0x69: {  	_ =	shalt  }
0x6a: {  	_ =	shalt  }
0x6b: {  	_ =	shalt  }
0x6c: {  	_ =	shalt  }
0x6d: {  	_ =	shalt  }
0x6e: {  	_ =	shalt  }
0x6f: {  	_ =	shalt  }
0x70: {  	_ =	shalt  }
0x71: {  	_ =	shalt  }
0x72: {  	_ =	shalt  }
0x73: {  	_ =	shalt  }
0x74: {  	_ =	shalt  }
0x75: {  	_ =	shalt  }
0x76: {  	_ =	shalt  }
0x77: {  	_ =	shalt  }
0x78: {  	_ =	shalt  }
0x79: {  	_ =	shalt  }
0x7a: {  	_ =	shalt  }
0x7b: {  	_ =	shalt  }
0x7c: {  	_ =	shalt  }
0x7d: {  	_ =	shalt  }
0x7e: {  	_ =	shalt  }
0x7f: {  	_ =	shalt  }
0x80: {  	_ =	shalt  }
0x81: {  	_ =	shalt  }
0x82: {  	_ =	shalt  }
0x83: {  	_ =	shalt  }
0x84: {  	_ =	shalt  }
0x85: {  	_ =	shalt  }
0x86: {  	_ =	shalt  }
0x87: {  	_ =	shalt  }
.Lfunc_end0:
.L_simem_size_0:
called_computation_lowered:
.L_overlay_start_0:
0x88: {  	s2 =	sld [smem:$0x3FD9]  }
0x89: {  	s3 =	sld [smem:$0x3FFE];
	_ =	sdelay $0x1  }
0x8a: {  	s1 =	srdreg.scid  }
0x8b: {  	s0 =	sand.u32 $0x1, s1  }
0x8c: {  	s17 =	sshll.u32 s0, $0xA;
	s2 =	sadd.s32 s3, s2  }
0x8d: {  	s2 =	sadd.s32 s2, s17  }
0x8e: {  	[smem:$0x3FC4] =	sst s2  }
0x8f: {  	_ = 	snop  }
0x90: {  	s2 =	sld [smem:$0x3FC9]  }
0x91: {  	s18 =	sld [smem:$0x3FC8]  }
0x92: {  	s4 =	sld [smem:$0x3FD0];
	(tm) =	ssettm $0x1  }
0x93: {  	s5 =	sld [smem:$0x3FFB];
	_ =	sdelay $0x3  }
0x94: {  	_ =	strace s5  }
0x95: {  	s5 =	sld [smem:$0x3FFC];
	_ =	sdelay $0x3  }
0x96: {  	_ =	strace s5  }
0x97: {  	s5 =	sld [smem:$0x3FFD];
	_ =	sdelay $0x3  }
0x98: {  	_ =	strace s5  }
0x99: {  	_ =	strace $0x8FFFFFFF  }
0x9a: {  	s19 =	sld [smem:$0x3FDB];
	_ =	sdelay $0x1  }
0x9b: {  	s6 =	simm.s32 $_scs_section_size  }
0x9c: {  	s7 =	simm.s32 $_size__tile_overlayer_lowered;
	s8 =	simm.s32 $_tile_overlayer_lowered  }
0x9d: {  	s22 =	simm.s32 $0x1BFF;
	s21 =	sshll.u32 s8, $0x1;
	s5 =	sadd.s32 s6, s19  }
0x9e: {  	s9 =	simm.s32 $0x0;
	s20 =	sshll.u32 s7, $0x1;
	s7 =	sadd.s32 s21, s5  }
0x9f: {  	[timem:s9], [sflag:s22] =	dma.local [hbm:s7], s20  }
0xa0: {  	_ =	swait.ge [sflag:s22], s20  }
0xa1: {  	s6 =	ssub.s32 $0x0, s20;
	[sflag:s22] =	ssyncset.done $0x0  }
0xa2: {  	[sflag:s22] =	ssyncadd.s32 s6;
	_ =	sdelay $0x1  }
0xa3: {  	s23 =	simm.s32 $0x1B8B  }
0xa4: {  	_ =	swait.ge [sflag:s23], $0x1  }
0xa5: {  	[sflag:s23] =	ssyncset.done $0x0  }
0xa6: {  	s25 =	simm.s32 $0x1B8E;
	s24 =	sld [smem:$0x3FFE];
	[sflag:s23] =	ssyncadd.s32 $0xFFFFFFFF  }
0xa7: {  	s26 =	simm.s32 $execute0_lowered;
	[smem:$0x3FD2] =	sst s25  }
0xa8: {  	s7 =	sshll.u32 s26, $0x1;
	_ =	strace $0x80000046;
	[dreg:$0x1] =	wrdreg $0xFFFFFFFF  }
0xa9: {  	s28 =	simm.s32 $_size_execute0_lowered;
	s5 =	sadd.s32 s5, s7;
	[dreg:$0x0] =	wrdreg $0x0  }
0xaa: {  	s7 =	sshll.u32 s28, $0x1;
	[dreg:$0x2] =	wrdreg s5  }
0xab: {  	[dreg:$0x3] =	wrdreg s7  }
0xac: {  	[dreg:$0x4] =	wrdreg $0xC0  }
0xad: {  	_ =	task [dreg:s9], $0x5FFFF  }
0xae: {  	[dreg:$0x1] =	wrdreg $0xFFFFFFFF  }
0xaf: {  	[dreg:$0x0] =	wrdreg $0x60  }
0xb0: {  	[dreg:$0x2] =	wrdreg s2  }
0xb1: {  	[dreg:$0x3] =	wrdreg s18  }
0xb2: {  	[dreg:$0x4] =	wrdreg s24  }
0xb3: {  	[dreg:$0x5] =	wrdreg s4  }
0xb4: {  	[dreg:$0x6] =	wrdreg $0xA8000  }
0xb5: {  	[dreg:$0x7] =	wrdreg $0x1E0800  }
0xb6: {  	[dreg:$0x8] =	wrdreg $0x9  }
0xb7: {  	_ =	task.clear_ibuf [dreg:s9], $0x9FFFF;
	_ =	strace $0x90000046  }
0xb8: {  	s29 =	simm.s32 $0x9;
	_ =	strace $0x80000048  }
0xb9: {  	_ =	swait.ge [sflag:s29], $0x1  }
0xba: {  	[sflag:s29] =	ssyncadd.s32 $0xFFFFFFFF  }
0xbb: {  	_ =	strace $0x90000048  }
0xbc: {  	_ =	sfence  }
0xbd: {  	s30 =	sld [smem:$0x0];
	_ =	sdelay $0x2  }
0xbe: {  	s31 =	sshll.u32 s1, $0xD;
	s1 =	sshrl.u32 s1, $0x2  }
0xbf: {  	s3 =	sand.u32 $0x4000, s31;
	s1 =	sadd.s32 s1, s30  }
0xc0: {  	s0 =	sor.u32 s3, s0;
	s1 =	sshll.u32 s1, $0x11  }
0xc1: {  	s0 =	sor.u32 s1, s0  }
0xc2: {  	s0 =	sadd.s32 $0x8F2B, s0  }
0xc3: {  	[sflag:s0] =	ssyncadd.remote.s32 $0x1  }
0xc4: {  	_ =	sfence.sel $0xFFFF  }
0xc5: {  	[dreg:$0x0] =	wrdreg $0xFFFFFFFF;
	(pc) =	sbr.abs _section_cstart, $3  }
0xc6: {  	[dreg:$0x1] =	wrdreg $0xFFFFFFFF  }
0xc7: {  	_ =	task.clear_ibuf [dreg:s9], $0x2FFFF;
	_ =	strace $0x9FFFFFFF  }
0xc8: {  	(tm) =	ssettm $0x7FFFFFFF  }
0xc9: {  	_ =	shalt  }
tec
execute0_lowered:
.L_overlay_start_1:
0x0: {  	(tag) =	ssettag $0x1  }
0x1: {  	s1 =	rddreg [dreg:$0x0]  }
0x2: {  	s2 =	rddreg [dreg:$0x1]  }
0x3: {  	s5 =	rddreg [dreg:$0x2]  }
0x4: {  	s0 =	rddreg [dreg:$0x3]  }
0x5: {  	s3 =	rddreg [dreg:$0x4]  }
0x6: {  	s18 =	rddreg [dreg:$0x5]  }
0x7: {  	s6 =	simm.s32 $0x0;
	s4 =	srdreg.scid;
	s17 =	stileid.u32  }
0x8: {  	s28 =	simm.s32 $0xA700;
	s30 =	simm.s32 $0x5;
	s7 =	smul.u32 $0xA000, s17  }
0x9: {  	[smem:$0x7FF] =	sst s6;
	s4 =	sand.u32 $0x1, s4;
	s9 =	smul.u32 $0x140, s17  }
0xa: {  	s12 =	smul.u32 $0x50, s17;
	s13 =	sadd.s32 $0x30A00, s5;
	s31 =	sadd.s32 $0x2FE00, s5  }
0xb: {  	p0 =	seq.s32 s17, $0x0;
	p1 =	sgt.u32 s17, $0xC;
	_ =	strace $0x80000047  }
0xc: {  	s8 =	ssub.s32 $0x2, s4;
	s11 =	sshll.u32 s4, $0x4;
	s4 =	smul.u32 $0x138800, s4  }
0xd: {  	p2 =	sne.s32 @!p0 s17, $0xF;
	s10 =	sshrl.u32 s8, $0x1;
	s7 =	sshrl.u32 s7, $0x2  }
0xe: {  	s9 =	sshrl.u32 s9, $0x2;
	s14 =	sadd.s32 $0x500, s12;
	s23 =	sadd.s32 $0xA00, s12  }
0xf: {  	s25 =	sadd.s32 $0xF00, s12;
	s19 =	sadd.s32 $0x1400, s12;
	s0 =	sadd.s32 s0, s11  }
0x10: {  	p2 =	por p2, p0;
	s8 =	ssub.s32 s8, s10;
	s10 =	sor.u32 s17, s11  }
0x11: {  	s7 =	sadd.s32 s7, s3;
	s20 =	sadd.s32 s9, s18;
	[dreg:$0xf] =	wrdreg s0  }
0x12: {  	s21 =	sshll.u32 s14, $0x7;
	s22 =	sadd.s32 s14, s18;
	[dreg:$0x7] =	wrdreg s7  }
0x13: {  	s24 =	sshll.u32 s23, $0x7;
	s26 =	sshll.u32 s25, $0x7;
	[dreg:$0x8] =	wrdreg s20  }
0x14: {  	s14 =	sadd.s32 s25, s18;
	s7 =	sadd.s32 s21, s3;
	[dreg:$0xa] =	wrdreg s22  }
0x15: {  	s15 =	smul.u32 $0x3E80, s10;
	s9 =	sadd.s32 s24, s3;
	[dreg:$0xe] =	wrdreg s14  }
0x16: {  	s16 =	smul.u32 $0x280, s10;
	s29 =	sadd.s32 s26, s3;
	[dreg:$0x9] =	wrdreg s7  }
0x17: {  	s20 =	sshll.u32 s19, $0x7;
	s24 =	sadd.s32 s19, s18;
	[dreg:$0xb] =	wrdreg s9  }
0x18: {  	s26 =	sadd.s32 $0x1E00, s12;
	s8 =	smax.u32 s8, $0x1;
	[dreg:$0xd] =	wrdreg s29  }
0x19: {  	s7 =	sadd.s32 s23, s18;
	s0 =	sadd.s32 s20, s3;
	[dreg:$0x12] =	wrdreg s24  }
0x1a: {  	s23 =	sadd.s32 $0x1900, s12;
	s29 =	sadd.s32 $0x2300, s12;
	[dreg:$0x1d] =	wrdreg s8  }
0x1b: {  	s20 =	smul.u32 $0x4E000, s17;
	s8 =	sadd.s32 $0x138000, s3;
	[dreg:$0xc] =	wrdreg s7  }
0x1c: {  	s9 =	sand.u32 $0x7FC00, s15;
	s15 =	sand.u32 $0x380, s16;
	s16 =	smul.u32 $0x13800, s17  }
0x1d: {  	[dreg:$0x10] =	wrdreg s0;
	s25 =	sshll.u32 s23, $0x7;
	s17 =	simm.s32 $0xA100  }
0x1e: {  	s7 =	sor.u32 s15, s9;
	s15 =	sshll.u32 s29, $0x7;
	s9 =	sadd.s32 s26, s18  }
0x1f: {  	s21 =	sadd.s32 s16, s4;
	s4 =	sshrl.u32 s4, $0x3;
	[dreg:$0x16] =	wrdreg s9  }
0x20: {  	s16 =	sadd.s32 s29, s18;
	s19 =	sadd.s32 $0x7D000, s7;
	s9 =	sshrl.u32 s20, $0x2  }
0x21: {  	s20 =	simm.s32 $0xA480;
	s22 =	sshrl.u32 s21, $0x3;
	s11 =	sadd.s32 s13, s4  }
0x22: {  	s4 =	sadd.s32 s25, s3;
	[dreg:$0x18] =	wrdreg s16;
	s25 =	smul.u32 $0x7D, s10  }
0x23: {  	s21 =	sshrl.u32 s19, $0x3;
	s24 =	sadd.s32 s9, s3;
	s16 =	simm.s32 $0xA080  }
0x24: {  	s19 =	simm.s32 $0x50;
	s9 =	simm.s32 $0x0;
	s0 =	sadd.s32 s13, s22  }
0x25: {  	[dreg:$0x13] =	wrdreg s4;
	s13 =	sshll.u32 s26, $0x7;
	s26 =	sadd.s32 $0x1000, s5  }
0x26: {  	s4 =	sadd.s32 $0x10A00, s5;
	s29 =	sadd.s32 $0x27000, s11;
	[dreg:$0x11] =	wrdreg s0  }
0x27: {  	s0 =	sadd.s32 s23, s18;
	s14 =	sadd.s32 s13, s3;
	[dreg:$0x1c] =	wrdreg s29  }
0x28: {  	s12 =	sadd.s32 $0x2, s25;
	s13 =	simm.s32 $0xA400;
	[dreg:$0x14] =	wrdreg s0  }
0x29: {  	[dreg:$0x15] =	wrdreg s14;
	s0 =	sadd.s32 s15, s3;
	s15 =	smov.u32 s18  }
0x2a: {  	s18 =	sshrl.u32 s7, $0x3;
	s7 =	sadd.s32 $0xFA000, s7;
	s14 =	simm.s32 $0x3  }
0x2b: {  	[dreg:$0x17] =	wrdreg s0;
	s0 =	sadd.s32 s26, s18;
	s22 =	sshrl.u32 s7, $0x3  }
.Ltmp0:
0x2c: {  	[dreg:$0x19] =	wrdreg s0;
	s0 =	sadd.s32 s26, s21;
	(pc) =	sbr.rel .LBB2_1-.Ltmp0, $4  }
0x2d: {  	s7 =	sadd.s32 $0x20400, s5;
	s23 =	sadd.s32 s26, s22;
	[dreg:$0x1a] =	wrdreg s0  }
0x2e: {  	[dreg:$0x1b] =	wrdreg s23;
	s0 =	sadd.s32 $0x30400, s5;
	s5 =	sshrl.u32 s24, $0x3  }
0x2f: {  	s18 =	simm.s32 $0x1;
	[dreg:$0x1e] =	wrdreg s5;
	s5 =	sshrl.u32 @!p2 s8, $0x3  }
0x30: {  	v0 =	vimm.f32 $0.0e+00;
	s23 =	simm.s32 $0xB;
	s24 =	simm.s32 $0xD;
	[dreg:$0x1f] =	wrdreg s5  }
.LBB2_12:
0x31: {  	s5 =	simm.s32 $0x9  }
0x32: {  	_ =	swait.ge [sflag:s5], $0x2800  }
0x33: {  	[sflag:s5] =	ssyncset.done $0x0  }
0x34: {  	s10 =	simm.s32 $0x7;
	[sflag:s5] =	ssyncadd.s32 $0xFFFFD800  }
0x35: {  	_ =	swait.ge [sflag:s10], $0x50  }
0x36: {  	[sflag:s10] =	ssyncset.done $0x0  }
0x37: {  	[sflag:s10] =	ssyncadd.s32 $0xFFFFFFB0  }
0x38: {  	s11 =	stileid.u32;
	[bflag:$0x0] =	sbarrier.arrive $0xFFFF  }
0x39: {  	s5 =	sshll.u32 s11, $0x6;
	s8 =	rddreg [dreg:$0x11]  }
0x3a: {  	s21 =	simm.s32 $0xF;
	s5 =	sor.u32 $0x1C0F, s5;
	s9 =	rddreg [dreg:$0x1e]  }
0x3b: {  	[hbm:s8], [sflag:s5] =	dma.local [spmem:s9], $0x2700  }
0x3c: {  	s11 =	simm.s32 @p0 $0x10;
	_ =	swait.ge [sflag:s21], $0x2700  }
0x3d: {  	s10 =	simm.s32 @p0 $0x20;
	s8 =	sshrl.u32 @p0 s15, $0x3;
	[sflag:s21] =	ssyncset.done $0x0  }
0x3e: {  	s9 =	simm.s32 @p0 $0x1;
	[sflag:s21] =	ssyncadd.s32 $0xFFFFD900;
	s21 =	rddreg [dreg:$0xf]  }
0x3f: {  	[hbm:s21@s10], [sflag:s5] =	dma.strided @p0 [spmem:s8@s11], $0x4F0, s9, $0x10   }
0x40: {  	s8 =	simm.s32 @p0 $0xF  }
0x41: {  	_ =	swait.ge @p0 [sflag:s8], $0x4F0  }
0x42: {  	[sflag:s8] =	ssyncset.done @p0 $0x0;
	s9 =	rddreg [dreg:$0x1f]  }
0x43: {  	[sflag:s8] =	ssyncadd.s32 @p0 $0xFFFFFB10;
	s8 =	rddreg [dreg:$0x1c]  }
0x44: {  	[hbm:s8], [sflag:s5] =	dma.local @!p2 [spmem:s9], $0x100  }
0x45: {  	s5 =	simm.s32 @!p2 $0xF  }
0x46: {  	_ =	swait.ge @!p2 [sflag:s5], $0x100  }
0x47: {  	s22 =	sld [smem:$0x7FD];
	_ =	sdelay $0x2  }
0x48: {  	s29 =	rddreg [dreg:$0x1d];
	s9 =	sadd.s32 $0x1, s22  }
0x49: {  	p3 =	sne.s32 s9, s29  }
.Ltmp1:
0x4a: {  	_ = 	snop;
	(pc) =	sbr.rel @!p3 .LBB2_13-.Ltmp1, $3  }
0x4b: {  	_ =	sdelay $0x1  }
0x4c: {  	[sflag:s5] =	ssyncset.done @!p2 $0x0  }
0x4d: {  	[sflag:s5] =	ssyncadd.s32 @!p2 $0xFFFFFF00  }
.LBB2_1:
0x4e: {  	s5 =	simm.s32 $0x0;
	s8 =	simm.s32 $0x200  }
.LBB2_2:
0x4f: {  	p3 =	sne.s32 s8, $0x9E00;
	[tilespmem:s5+$0x70] =	vst v0  }
0x50: {  	[tilespmem:s5+$0x0] =	vst v0  }
0x51: {  	[tilespmem:s5+$0x10] =	vst v0  }
.Ltmp2:
0x52: {  	[tilespmem:s5+$0x20] =	vst v0;
	(pc) =	sbr.rel @p3 .LBB2_2-.Ltmp2, $4  }
0x53: {  	[tilespmem:s5+$0x30] =	vst v0  }
0x54: {  	[tilespmem:s5+$0x40] =	vst v0  }
0x55: {  	[tilespmem:s5+$0x50] =	vst v0  }
0x56: {  	[tilespmem:s5+$0x60] =	vst v0;
	s5 =	sshra.s32 s8, $0x2;
	s8 =	sadd.s32 $0x200, s8  }
0x57: {  	[tilespmem:s5+$0x70] =	vst v0  }
0x58: {  	[tilespmem:s5+$0x0] =	vst v0  }
0x59: {  	[tilespmem:s5+$0x10] =	vst v0  }
0x5a: {  	[tilespmem:s5+$0x20] =	vst v0  }
0x5b: {  	[tilespmem:s5+$0x30] =	vst v0  }
0x5c: {  	[tilespmem:s5+$0x40] =	vst v0  }
0x5d: {  	[tilespmem:s5+$0x50] =	vst v0  }
0x5e: {  	[tilespmem:s5+$0x60] =	vst v0  }
0x5f: {  	[tilespmem:$0xA400] =	vst v0  }
0x60: {  	[tilespmem:$0xA410] =	vst v0  }
0x61: {  	[tilespmem:$0xA420] =	vst v0  }
0x62: {  	[tilespmem:$0xA430] =	vst v0  }
0x63: {  	[smem:$0x7FD] =	sst s9;
	[tilespmem:$0xA440] =	vst v0  }
0x64: {  	s9 =	rddreg [dreg:$0x7];
	[tilespmem:$0xA450] =	vst v0  }
0x65: {  	[spmem:s9] =	stream.linear.scatter [tilespmem:s6], [sflag:$0x3], $0x2800, $0x38;
	[tilespmem:$0x1E2F8] =	vst v63  }
0x66: {  	s10 =	rddreg [dreg:$0x8]  }
0x67: {  	[spmem:s10] =	stream.linear.scatter [tilespmem:s13], [sflag:$0x7], $0x50, $0x38;
	[tilespmem:$0x1E2F8] =	vst v63  }
0x68: {  	s11 =	rddreg [dreg:$0x9]  }
0x69: {  	[spmem:s11] =	stream.linear.scatter [tilespmem:s6], [sflag:$0x3], $0x2800, $0x38;
	[tilespmem:$0x1E2F8] =	vst v63  }
0x6a: {  	s21 =	rddreg [dreg:$0xa]  }
0x6b: {  	[spmem:s21] =	stream.linear.scatter [tilespmem:s13], [sflag:$0x7], $0x50, $0x38;
	[tilespmem:$0x1E2F8] =	vst v63  }
0x6c: {  	s22 =	rddreg [dreg:$0xb]  }
0x6d: {  	[spmem:s22] =	stream.linear.scatter [tilespmem:s6], [sflag:$0x3], $0x2800, $0x38;
	[tilespmem:$0x1E2F8] =	vst v63  }
0x6e: {  	s29 =	rddreg [dreg:$0xc]  }
0x6f: {  	[spmem:s29] =	stream.linear.scatter [tilespmem:s13], [sflag:$0x7], $0x50, $0x38;
	[tilespmem:$0x1E2F8] =	vst v63  }
0x70: {  	s8 =	rddreg [dreg:$0xd]  }
0x71: {  	[spmem:s8] =	stream.linear.scatter [tilespmem:s6], [sflag:$0x3], $0x2800, $0x38;
	[tilespmem:$0x1E2F8] =	vst v63  }
0x72: {  	s9 =	rddreg [dreg:$0xe]  }
0x73: {  	[spmem:s9] =	stream.linear.scatter [tilespmem:s13], [sflag:$0x7], $0x50, $0x38;
	[tilespmem:$0x1E2F8] =	vst v63  }
0x74: {  	s10 =	rddreg [dreg:$0x10]  }
0x75: {  	[spmem:s10] =	stream.linear.scatter [tilespmem:s6], [sflag:$0x3], $0x2800, $0x38;
	[tilespmem:$0x1E2F8] =	vst v63  }
0x76: {  	s11 =	rddreg [dreg:$0x12]  }
0x77: {  	[spmem:s11] =	stream.linear.scatter [tilespmem:s13], [sflag:$0x7], $0x50, $0x38;
	[tilespmem:$0x1E2F8] =	vst v63  }
0x78: {  	s21 =	rddreg [dreg:$0x13]  }
0x79: {  	[spmem:s21] =	stream.linear.scatter [tilespmem:s6], [sflag:$0x3], $0x2800, $0x38;
	[tilespmem:$0x1E2F8] =	vst v63  }
0x7a: {  	s22 =	rddreg [dreg:$0x14]  }
0x7b: {  	[spmem:s22] =	stream.linear.scatter [tilespmem:s13], [sflag:$0x7], $0x50, $0x38;
	[tilespmem:$0x1E2F8] =	vst v63  }
0x7c: {  	s29 =	rddreg [dreg:$0x15]  }
0x7d: {  	[spmem:s29] =	stream.linear.scatter [tilespmem:s6], [sflag:$0x3], $0x2800, $0x38;
	[tilespmem:$0x1E2F8] =	vst v63  }
0x7e: {  	s8 =	rddreg [dreg:$0x16]  }
0x7f: {  	[spmem:s8] =	stream.linear.scatter [tilespmem:s13], [sflag:$0x7], $0x50, $0x38;
	[tilespmem:$0x1E2F8] =	vst v63  }
0x80: {  	s5 =	simm.s32 @!p1 $0x0;
	s8 =	rddreg [dreg:$0x17]  }
0x81: {  	[spmem:s8] =	stream.linear.scatter @!p1 [tilespmem:s5], [sflag:$0x3], $0x2800, $0x38;
	[tilespmem:$0x1E2F8] =	vst v63  }
0x82: {  	s5 =	simm.s32 @!p1 $0xA400;
	s8 =	rddreg [dreg:$0x18]  }
0x83: {  	[spmem:s8] =	stream.linear.scatter @!p1 [tilespmem:s5], [sflag:$0x7], $0x50, $0x38;
	[tilespmem:$0x1E2F8] =	vst v63  }
0x84: {  	_ =	swait.ge [sflag:s14], $0x2800  }
0x85: {  	[sflag:s14] =	ssyncset.done $0x0  }
0x86: {  	s9 =	simm.s32 $0x7;
	[sflag:s14] =	ssyncadd.s32 $0xFFFFD800  }
0x87: {  	_ =	swait.ge [sflag:s9], $0x50  }
0x88: {  	[sflag:s9] =	ssyncset.done $0x0  }
0x89: {  	[sflag:s9] =	ssyncadd.s32 $0xFFFFFFB0  }
0x8a: {  	_ =	swait.ge [sflag:s14], $0x2800  }
0x8b: {  	[sflag:s14] =	ssyncset.done $0x0  }
0x8c: {  	[sflag:s14] =	ssyncadd.s32 $0xFFFFD800  }
0x8d: {  	_ =	swait.ge [sflag:s9], $0x50  }
0x8e: {  	[sflag:s9] =	ssyncset.done $0x0  }
0x8f: {  	[sflag:s9] =	ssyncadd.s32 $0xFFFFFFB0  }
0x90: {  	_ =	swait.ge [sflag:s14], $0x2800  }
0x91: {  	[sflag:s14] =	ssyncset.done $0x0  }
0x92: {  	[sflag:s14] =	ssyncadd.s32 $0xFFFFD800  }
0x93: {  	_ =	swait.ge [sflag:s9], $0x50  }
0x94: {  	[sflag:s9] =	ssyncset.done $0x0  }
0x95: {  	[sflag:s9] =	ssyncadd.s32 $0xFFFFFFB0  }
0x96: {  	_ =	swait.ge [sflag:s14], $0x2800  }
0x97: {  	[sflag:s14] =	ssyncset.done $0x0  }
0x98: {  	[sflag:s14] =	ssyncadd.s32 $0xFFFFD800  }
0x99: {  	_ =	swait.ge [sflag:s9], $0x50  }
0x9a: {  	[sflag:s9] =	ssyncset.done $0x0  }
0x9b: {  	[sflag:s9] =	ssyncadd.s32 $0xFFFFFFB0  }
0x9c: {  	_ =	swait.ge [sflag:s14], $0x2800  }
0x9d: {  	[sflag:s14] =	ssyncset.done $0x0  }
0x9e: {  	[sflag:s14] =	ssyncadd.s32 $0xFFFFD800  }
0x9f: {  	_ =	swait.ge [sflag:s9], $0x50  }
0xa0: {  	[sflag:s9] =	ssyncset.done $0x0  }
0xa1: {  	[sflag:s9] =	ssyncadd.s32 $0xFFFFFFB0  }
0xa2: {  	_ =	swait.ge [sflag:s14], $0x2800  }
0xa3: {  	[sflag:s14] =	ssyncset.done $0x0  }
0xa4: {  	[sflag:s14] =	ssyncadd.s32 $0xFFFFD800  }
0xa5: {  	_ =	swait.ge [sflag:s9], $0x50  }
0xa6: {  	[sflag:s9] =	ssyncset.done $0x0  }
0xa7: {  	[sflag:s9] =	ssyncadd.s32 $0xFFFFFFB0  }
0xa8: {  	_ =	swait.ge [sflag:s14], $0x2800  }
0xa9: {  	[sflag:s14] =	ssyncset.done $0x0  }
0xaa: {  	[sflag:s14] =	ssyncadd.s32 $0xFFFFD800  }
0xab: {  	_ =	swait.ge [sflag:s9], $0x50  }
0xac: {  	[sflag:s9] =	ssyncset.done $0x0  }
0xad: {  	s5 =	simm.s32 @!p1 $0x3;
	[sflag:s9] =	ssyncadd.s32 $0xFFFFFFB0  }
0xae: {  	_ =	swait.ge @!p1 [sflag:s5], $0x2800  }
0xaf: {  	[sflag:s5] =	ssyncset.done @!p1 $0x0  }
0xb0: {  	[sflag:s5] =	ssyncadd.s32 @!p1 $0xFFFFD800;
	s5 =	simm.s32 @!p1 $0x7  }
0xb1: {  	_ =	swait.ge @!p1 [sflag:s5], $0x50  }
0xb2: {  	[sflag:s5] =	ssyncset.done @!p1 $0x0  }
0xb3: {  	[sflag:s5] =	ssyncadd.s32 @!p1 $0xFFFFFFB0  }
0xb4: {  	[bflag:$0x0] =	sbarrier.arrive $0xFFFF  }
0xb5: {  	s11 =	simm.s32 $0xA000;
	s21 =	simm.s32 $0x0;
	s10 =	rddreg [dreg:$0x19]  }
0xb6: {  	[tilespmem:s11], [sflag:$0x1] =	stream.linear.gather [hbm4b:s10+s21], $0x80, $0x38;
	[tilespmem:$0x1E2F8] =	vst v63  }
.Ltmp3:
0xb7: {  	_ = 	snop;
	(pc) =	sbr.rel .LBB2_4-.Ltmp3, $4  }
0xb8: {  	s22 =	rddreg [dreg:$0x1a]  }
0xb9: {  	[tilespmem:s16], [sflag:$0x1] =	stream.linear.gather [hbm4b:s22+s21], $0x80, $0x38;
	[tilespmem:$0x1E2F8] =	vst v63  }
0xba: {  	s29 =	rddreg [dreg:$0x1b]  }
0xbb: {  	[tilespmem:s17], [sflag:$0x1] =	stream.linear.gather [hbm4b:s29+s21], $0x80, $0x38;
	[tilespmem:$0x1E2F8] =	vst v63  }
.LBB2_11:
0xbc: {  	s21 =	sadd.s32 $0x1, s21  }
0xbd: {  	p3 =	sne.s32 s21, $0x3F  }
.Ltmp4:
0xbe: {  	_ = 	snop;
	(pc) =	sbr.rel @!p3 .LBB2_12-.Ltmp4, $1  }
0xbf: {  	_ =	sdelay $0x3  }
.LBB2_4:
0xc0: {  	p4 =	seq.s32 s21, $0x0  }
0xc1: {  	s5 =	simm.s32 @!p4 $0x9  }
0xc2: {  	_ =	swait.ge @!p4 [sflag:s5], $0x2800  }
0xc3: {  	[sflag:s5] =	ssyncset.done @!p4 $0x0  }
0xc4: {  	[sflag:s5] =	ssyncadd.s32 @!p4 $0xFFFFD800;
	s5 =	simm.s32 @!p4 $0x7  }
0xc5: {  	_ =	swait.ge @!p4 [sflag:s5], $0x50  }
0xc6: {  	[sflag:s5] =	ssyncset.done @!p4 $0x0  }
0xc7: {  	[sflag:s5] =	ssyncadd.s32 @!p4 $0xFFFFFFB0  }
0xc8: {  	_ =	swait.ge [sflag:s18], $0x80  }
0xc9: {  	[sflag:s18] =	ssyncset.done $0x0  }
0xca: {  	[sflag:s18] =	ssyncadd.s32 $0xFFFFFF80  }
0xcb: {  	_ =	swait.ge [sflag:s18], $0x80  }
0xcc: {  	[sflag:s18] =	ssyncset.done $0x0  }
0xcd: {  	[sflag:s18] =	ssyncadd.s32 $0xFFFFFF80  }
0xce: {  	_ =	swait.ge [sflag:s18], $0x80  }
0xcf: {  	[sflag:s18] =	ssyncset.done $0x0  }
0xd0: {  	[sflag:s18] =	ssyncadd.s32 $0xFFFFFF80  }
0xd1: {  	[tilespmem:s6], [sflag:$0x3] =	stream.indirect.gather [hbm4b:s1+s19], $0x80, s17, s19, $0xb8;
	[tilespmem:$0x1E2F8] =	vst v63  }
0xd2: {  	s10 =	simm.s32 $0x5000  }
0xd3: {  	[tilespmem:s10], [sflag:$0x5] =	stream.indirect.gather [hbm4b:s2+s19], $0x80, s16, s19, $0xb8;
	[tilespmem:$0x1E2F8] =	vst v63  }
0xd4: {  	s11 =	simm.s32 $0xA500  }
0xd5: {  	[tilespmem:s11], [sflag:$0xB] =	stream.indirect.gather [hbm4b:s31+s19], $0x1, s17, s19, $0xb8;
	[tilespmem:$0x1E2F8] =	vst v63  }
0xd6: {  	s22 =	simm.s32 $0xA600  }
0xd7: {  	[tilespmem:s22], [sflag:$0xD] =	stream.indirect.gather [hbm4b:s0+s19], $0x1, s16, s19, $0xb8;
	[tilespmem:$0x1E2F8] =	vst v63  }
0xd8: {  	v1 =	vld [tilespmem:$0xA000]  }
0xd9: {  	v2 =	vld [tilespmem:$0xA010]  }
0xda: {  	v3 =	vld [tilespmem:$0xA020]  }
0xdb: {  	s22 =	sshll.u32 s21, $0x1;
	v4 =	vld [tilespmem:$0xA030]  }
0xdc: {  	v5 =	vld [tilespmem:$0xA040];
	s5 =	sor.u32 $0x1, s22  }
0xdd: {  	p3 =	sgt.u32 s5, $0x7C;
	[tilespmem:$0xA700] =	vst v1  }
0xde: {  	s5 =	sadd.s32 @!p3 s25, s5;
	[tilespmem:$0xA710] =	vst v2  }
0xdf: {  	s5 =	sshll.u32 @!p3 s5, $0x4;
	[tilespmem:$0xA720] =	vst v3  }
0xe0: {  	s9 =	simm.s32 @!p3 $0x0;
	s10 =	sand.u32 @!p3 $0xFFFFFF0, s5;
	[tilespmem:$0xA730] =	vst v4  }
0xe1: {  	s29 =	simm.s32 @!p3 $0xA200;
	s8 =	sand.u32 @!p3 $0xFFFFF80, s5;
	[tilespmem:$0xA740] =	vst v5;
	s10 =	sadd.s32 @!p3 s26, s10  }
0xe2: {  	[tilespmem:s29], [sflag:$0x2] =	stream.linear.gather @!p3 [hbm4b:s10+s9], $0x80, $0x38;
	[tilespmem:$0x1E2F8] =	vst v63  }
0xe3: {  	s5 =	sand.u32 @!p3 $0x70, s5;
	s10 =	sadd.s32 @!p3 s8, s4;
	s29 =	simm.s32 @!p3 $0xA280  }
.Ltmp5:
0xe4: {  	s8 =	sadd.s32 @!p3 s8, s7;
	s10 =	sadd.s32 @!p3 s5, s10;
	(pc) =	sbr.rel @p4 .LBB2_7-.Ltmp5, $4  }
0xe5: {  	[tilespmem:s29], [sflag:$0x2] =	stream.linear.gather @!p3 [hbm4b:s10+s9], $0x80, $0x38;
	[tilespmem:$0x1E2F8] =	vst v63  }
0xe6: {  	s5 =	sadd.s32 @!p3 s5, s8;
	s10 =	simm.s32 @!p3 $0xA300  }
0xe7: {  	[tilespmem:s10], [sflag:$0x2] =	stream.linear.gather @!p3 [hbm4b:s5+s9], $0x80, $0x38;
	[tilespmem:$0x1E2F8] =	vst v63  }
0xe8: {  	s5 =	simm.s32 $0x0  }
.LBB2_5:
0xe9: {  	s9 =	sshll.u32 s5, $0xB  }
0xea: {  	v2 =	vld [tilespmem:s9+$0x2800]  }
0xeb: {  	v3 =	vld [tilespmem:s9+$0x7800]  }
0xec: {  	s8 =	sshll.u32 s5, $0x4;
	v4 =	vld [tilespmem:s9+$0x2810]  }
0xed: {  	v1 =	vmov s8;
	v5 =	vld [tilespmem:s9+$0x7810]  }
0xee: {  	v6 =	vld [tilespmem:s9+$0x2820];
	v1 =	vadd.s32 $0x10, v1  }
0xef: {  	v7 =	vld [tilespmem:s9+$0x7820];
	v1 =	vbroadcast v1, $0x0  }
0xf0: {  	v8 =	vld [tilespmem:s9+$0x2830]  }
0xf1: {  	v9 =	vld [tilespmem:s9+$0x7830]  }
0xf2: {  	v10 =	vld [tilespmem:s9+$0x2840]  }
0xf3: {  	v11 =	vld [tilespmem:s9+$0x7840]  }
0xf4: {  	v12 =	vld [tilespmem:s9+$0x2850]  }
0xf5: {  	v1 =	vld.idx.msk [tilespmem:v1+s20+$0x0], $0xffff  }
0xf6: {  	v13 =	vld [tilespmem:s9+$0x7850]  }
0xf7: {  	v14 =	vld [tilespmem:s9+$0x2860]  }
0xf8: {  	v17 =	vld [tilespmem:s9+$0x2870];
	v2 =	vsub.f32 v2, v3  }
0xf9: {  	v3 =	vld [tilespmem:s9+$0x7860];
	v4 =	vsub.f32 v4, v5  }
0xfa: {  	v18 =	vld [tilespmem:s9+$0x7870];
	v6 =	vsub.f32 v6, v7;
	v2 =	vmul.f32 v2, v1  }
0xfb: {  	s11 =	sor.u32 $0x1, s8;
	v8 =	vsub.f32 v8, v9;
	v4 =	vmul.f32 v4, v1  }
0xfc: {  	v20 =	vmov s11;
	v19 =	vsub.f32 v10, v11;
	[tilespmem:s9+$0x2800] =	vst v2;
	v2 =	vmul.f32 v6, v1  }
0xfd: {  	v22 =	vsub.f32 v12, v13;
	v9 =	vadd.s32 $0x10, v20;
	v21 =	vmul.f32 v8, v1;
	[tilespmem:s9+$0x2810] =	vst v4  }
0xfe: {  	v23 =	vbroadcast v9, $0x0;
	v3 =	vsub.f32 v14, v3;
	[tilespmem:s9+$0x2820] =	vst v2;
	v2 =	vmul.f32 v19, v1  }
0xff: {  	v5 =	vsub.f32 v17, v18;
	v24 =	vmul.f32 v22, v1;
	[tilespmem:s9+$0x2830] =	vst v21  }
0x100: {  	[tilespmem:s9+$0x2840] =	vst v2;
	v2 =	vmul.f32 v3, v1  }
0x101: {  	[tilespmem:s9+$0x2850] =	vst v24;
	v1 =	vmul.f32 v5, v1  }
0x102: {  	[tilespmem:s9+$0x2860] =	vst v2  }
0x103: {  	[tilespmem:s9+$0x2870] =	vst v1  }
0x104: {  	s9 =	sshll.u32 s11, $0x7;
	v1 =	vld.idx.msk [tilespmem:v23+s20+$0x0], $0xffff  }
0x105: {  	v2 =	vld [tilespmem:s9+$0x2800]  }
0x106: {  	v3 =	vld [tilespmem:s9+$0x7800]  }
0x107: {  	v25 =	vld [tilespmem:s9+$0x2810]  }
0x108: {  	v26 =	vld [tilespmem:s9+$0x7810]  }
0x109: {  	v27 =	vld [tilespmem:s9+$0x2820]  }
0x10a: {  	v28 =	vld [tilespmem:s9+$0x7820]  }
0x10b: {  	v29 =	vld [tilespmem:s9+$0x2830]  }
0x10c: {  	v30 =	vld [tilespmem:s9+$0x7830]  }
0x10d: {  	v31 =	vld [tilespmem:s9+$0x2840]  }
0x10e: {  	v32 =	vld [tilespmem:s9+$0x7840]  }
0x10f: {  	v33 =	vld [tilespmem:s9+$0x2850]  }
0x110: {  	v34 =	vld [tilespmem:s9+$0x7850]  }
0x111: {  	v35 =	vld [tilespmem:s9+$0x2860]  }
0x112: {  	v36 =	vld [tilespmem:s9+$0x2870];
	v2 =	vsub.f32 v2, v3  }
0x113: {  	v3 =	vld [tilespmem:s9+$0x7860];
	v4 =	vsub.f32 v25, v26  }
0x114: {  	v37 =	vld [tilespmem:s9+$0x7870];
	v6 =	vsub.f32 v27, v28;
	v2 =	vmul.f32 v2, v1  }
0x115: {  	s11 =	sor.u32 $0x2, s8;
	v8 =	vsub.f32 v29, v30;
	v4 =	vmul.f32 v4, v1  }
0x116: {  	v39 =	vmov s11;
	v38 =	vsub.f32 v31, v32;
	[tilespmem:s9+$0x2800] =	vst v2;
	v2 =	vmul.f32 v6, v1  }
0x117: {  	v9 =	vadd.s32 $0x10, v39;
	v41 =	vsub.f32 v33, v34;
	v40 =	vmul.f32 v8, v1;
	[tilespmem:s9+$0x2810] =	vst v4  }
0x118: {  	v42 =	vbroadcast v9, $0x0;
	v3 =	vsub.f32 v35, v3;
	[tilespmem:s9+$0x2820] =	vst v2;
	v2 =	vmul.f32 v38, v1  }
0x119: {  	v5 =	vsub.f32 v36, v37;
	v43 =	vmul.f32 v41, v1;
	[tilespmem:s9+$0x2830] =	vst v40  }
0x11a: {  	[tilespmem:s9+$0x2840] =	vst v2;
	v2 =	vmul.f32 v3, v1  }
0x11b: {  	[tilespmem:s9+$0x2850] =	vst v43;
	v1 =	vmul.f32 v5, v1  }
0x11c: {  	[tilespmem:s9+$0x2860] =	vst v2  }
0x11d: {  	[tilespmem:s9+$0x2870] =	vst v1  }
0x11e: {  	s9 =	sshll.u32 s11, $0x7;
	v1 =	vld.idx.msk [tilespmem:v42+s20+$0x0], $0xffff  }
0x11f: {  	v2 =	vld [tilespmem:s9+$0x2800]  }
0x120: {  	v3 =	vld [tilespmem:s9+$0x7800]  }
0x121: {  	v44 =	vld [tilespmem:s9+$0x2810]  }
0x122: {  	v45 =	vld [tilespmem:s9+$0x7810]  }
0x123: {  	v46 =	vld [tilespmem:s9+$0x2820]  }
0x124: {  	v47 =	vld [tilespmem:s9+$0x7820]  }
0x125: {  	v48 =	vld [tilespmem:s9+$0x2830]  }
0x126: {  	v49 =	vld [tilespmem:s9+$0x7830]  }
0x127: {  	v50 =	vld [tilespmem:s9+$0x2840]  }
0x128: {  	v51 =	vld [tilespmem:s9+$0x7840]  }
0x129: {  	v52 =	vld [tilespmem:s9+$0x2850]  }
0x12a: {  	v53 =	vld [tilespmem:s9+$0x7850]  }
0x12b: {  	v54 =	vld [tilespmem:s9+$0x2860]  }
0x12c: {  	v55 =	vld [tilespmem:s9+$0x2870];
	v2 =	vsub.f32 v2, v3  }
0x12d: {  	v3 =	vld [tilespmem:s9+$0x7860];
	v4 =	vsub.f32 v44, v45  }
0x12e: {  	v56 =	vld [tilespmem:s9+$0x7870];
	v6 =	vsub.f32 v46, v47;
	v2 =	vmul.f32 v2, v1  }
0x12f: {  	s11 =	sor.u32 $0x3, s8;
	v8 =	vsub.f32 v48, v49;
	v4 =	vmul.f32 v4, v1  }
0x130: {  	v58 =	vmov s11;
	v57 =	vsub.f32 v50, v51;
	[tilespmem:s9+$0x2800] =	vst v2;
	v2 =	vmul.f32 v6, v1  }
0x131: {  	v9 =	vadd.s32 $0x10, v58;
	v60 =	vsub.f32 v52, v53;
	v59 =	vmul.f32 v8, v1;
	[tilespmem:s9+$0x2810] =	vst v4  }
0x132: {  	v61 =	vbroadcast v9, $0x0;
	v3 =	vsub.f32 v54, v3;
	[tilespmem:s9+$0x2820] =	vst v2;
	v2 =	vmul.f32 v57, v1  }
0x133: {  	v5 =	vsub.f32 v55, v56;
	v62 =	vmul.f32 v60, v1;
	[tilespmem:s9+$0x2830] =	vst v59  }
0x134: {  	[tilespmem:s9+$0x2840] =	vst v2;
	v2 =	vmul.f32 v3, v1  }
0x135: {  	[tilespmem:s9+$0x2850] =	vst v62;
	v1 =	vmul.f32 v5, v1  }
0x136: {  	[tilespmem:s9+$0x2860] =	vst v2  }
0x137: {  	[tilespmem:s9+$0x2870] =	vst v1  }
0x138: {  	s9 =	sshll.u32 s11, $0x7;
	v1 =	vld.idx.msk [tilespmem:v61+s20+$0x0], $0xffff  }
0x139: {  	v2 =	vld [tilespmem:s9+$0x2800]  }
0x13a: {  	v3 =	vld [tilespmem:s9+$0x7800]  }
0x13b: {  	v63 =	vld [tilespmem:s9+$0x2810]  }
0x13c: {  	v16 =	vld [tilespmem:s9+$0x7810]  }
0x13d: {  	v17 =	vld [tilespmem:s9+$0x2820]  }
0x13e: {  	v18 =	vld [tilespmem:s9+$0x7820]  }
0x13f: {  	v19 =	vld [tilespmem:s9+$0x2830]  }
0x140: {  	v20 =	vld [tilespmem:s9+$0x7830]  }
0x141: {  	v21 =	vld [tilespmem:s9+$0x2840]  }
0x142: {  	v22 =	vld [tilespmem:s9+$0x7840]  }
0x143: {  	v23 =	vld [tilespmem:s9+$0x2850]  }
0x144: {  	v24 =	vld [tilespmem:s9+$0x7850]  }
0x145: {  	v25 =	vld [tilespmem:s9+$0x2860]  }
0x146: {  	v26 =	vld [tilespmem:s9+$0x2870];
	v2 =	vsub.f32 v2, v3  }
0x147: {  	v3 =	vld [tilespmem:s9+$0x7860];
	v4 =	vsub.f32 v63, v16  }
0x148: {  	v27 =	vld [tilespmem:s9+$0x7870];
	v6 =	vsub.f32 v17, v18;
	v2 =	vmul.f32 v2, v1  }
0x149: {  	s11 =	sor.u32 $0x4, s8;
	v8 =	vsub.f32 v19, v20;
	v4 =	vmul.f32 v4, v1  }
0x14a: {  	v29 =	vmov s11;
	v28 =	vsub.f32 v21, v22;
	[tilespmem:s9+$0x2800] =	vst v2;
	v2 =	vmul.f32 v6, v1  }
0x14b: {  	v9 =	vadd.s32 $0x10, v29;
	v31 =	vsub.f32 v23, v24;
	v30 =	vmul.f32 v8, v1;
	[tilespmem:s9+$0x2810] =	vst v4  }
0x14c: {  	v32 =	vbroadcast v9, $0x0;
	v3 =	vsub.f32 v25, v3;
	[tilespmem:s9+$0x2820] =	vst v2;
	v2 =	vmul.f32 v28, v1  }
0x14d: {  	v5 =	vsub.f32 v26, v27;
	v33 =	vmul.f32 v31, v1;
	[tilespmem:s9+$0x2830] =	vst v30  }
0x14e: {  	[tilespmem:s9+$0x2840] =	vst v2;
	v2 =	vmul.f32 v3, v1  }
0x14f: {  	[tilespmem:s9+$0x2850] =	vst v33;
	v1 =	vmul.f32 v5, v1  }
0x150: {  	[tilespmem:s9+$0x2860] =	vst v2  }
0x151: {  	[tilespmem:s9+$0x2870] =	vst v1  }
0x152: {  	s9 =	sshll.u32 s11, $0x7;
	v1 =	vld.idx.msk [tilespmem:v32+s20+$0x0], $0xffff  }
0x153: {  	v2 =	vld [tilespmem:s9+$0x2800]  }
0x154: {  	v3 =	vld [tilespmem:s9+$0x7800]  }
0x155: {  	v34 =	vld [tilespmem:s9+$0x2810]  }
0x156: {  	v35 =	vld [tilespmem:s9+$0x7810]  }
0x157: {  	v36 =	vld [tilespmem:s9+$0x2820]  }
0x158: {  	v37 =	vld [tilespmem:s9+$0x7820]  }
0x159: {  	v38 =	vld [tilespmem:s9+$0x2830]  }
0x15a: {  	v39 =	vld [tilespmem:s9+$0x7830]  }
0x15b: {  	v40 =	vld [tilespmem:s9+$0x2840]  }
0x15c: {  	v41 =	vld [tilespmem:s9+$0x7840]  }
0x15d: {  	v42 =	vld [tilespmem:s9+$0x2850]  }
0x15e: {  	v43 =	vld [tilespmem:s9+$0x7850]  }
0x15f: {  	v44 =	vld [tilespmem:s9+$0x2860]  }
0x160: {  	v45 =	vld [tilespmem:s9+$0x2870];
	v2 =	vsub.f32 v2, v3  }
0x161: {  	v3 =	vld [tilespmem:s9+$0x7860];
	v4 =	vsub.f32 v34, v35  }
0x162: {  	v46 =	vld [tilespmem:s9+$0x7870];
	v6 =	vsub.f32 v36, v37;
	v2 =	vmul.f32 v2, v1  }
0x163: {  	s11 =	sor.u32 $0x5, s8;
	v8 =	vsub.f32 v38, v39;
	v4 =	vmul.f32 v4, v1  }
0x164: {  	v48 =	vmov s11;
	v47 =	vsub.f32 v40, v41;
	[tilespmem:s9+$0x2800] =	vst v2;
	v2 =	vmul.f32 v6, v1  }
0x165: {  	v9 =	vadd.s32 $0x10, v48;
	v50 =	vsub.f32 v42, v43;
	v49 =	vmul.f32 v8, v1;
	[tilespmem:s9+$0x2810] =	vst v4  }
0x166: {  	v51 =	vbroadcast v9, $0x0;
	v3 =	vsub.f32 v44, v3;
	[tilespmem:s9+$0x2820] =	vst v2;
	v2 =	vmul.f32 v47, v1  }
0x167: {  	v5 =	vsub.f32 v45, v46;
	v52 =	vmul.f32 v50, v1;
	[tilespmem:s9+$0x2830] =	vst v49  }
0x168: {  	[tilespmem:s9+$0x2840] =	vst v2;
	v2 =	vmul.f32 v3, v1  }
0x169: {  	[tilespmem:s9+$0x2850] =	vst v52;
	v1 =	vmul.f32 v5, v1  }
0x16a: {  	[tilespmem:s9+$0x2860] =	vst v2  }
0x16b: {  	[tilespmem:s9+$0x2870] =	vst v1  }
0x16c: {  	s9 =	sshll.u32 s11, $0x7;
	v1 =	vld.idx.msk [tilespmem:v51+s20+$0x0], $0xffff  }
0x16d: {  	v2 =	vld [tilespmem:s9+$0x2800]  }
0x16e: {  	v3 =	vld [tilespmem:s9+$0x7800]  }
0x16f: {  	v53 =	vld [tilespmem:s9+$0x2810]  }
0x170: {  	v54 =	vld [tilespmem:s9+$0x7810]  }
0x171: {  	v55 =	vld [tilespmem:s9+$0x2820]  }
0x172: {  	v56 =	vld [tilespmem:s9+$0x7820]  }
0x173: {  	v57 =	vld [tilespmem:s9+$0x2830]  }
0x174: {  	v58 =	vld [tilespmem:s9+$0x7830]  }
0x175: {  	v59 =	vld [tilespmem:s9+$0x2840]  }
0x176: {  	v60 =	vld [tilespmem:s9+$0x7840]  }
0x177: {  	v61 =	vld [tilespmem:s9+$0x2850]  }
0x178: {  	v62 =	vld [tilespmem:s9+$0x7850]  }
0x179: {  	v63 =	vld [tilespmem:s9+$0x2860]  }
0x17a: {  	v16 =	vld [tilespmem:s9+$0x2870];
	v2 =	vsub.f32 v2, v3  }
0x17b: {  	v3 =	vld [tilespmem:s9+$0x7860];
	v4 =	vsub.f32 v53, v54  }
0x17c: {  	v17 =	vld [tilespmem:s9+$0x7870];
	v6 =	vsub.f32 v55, v56;
	v2 =	vmul.f32 v2, v1  }
0x17d: {  	s11 =	sor.u32 $0x6, s8;
	v8 =	vsub.f32 v57, v58;
	v4 =	vmul.f32 v4, v1  }
0x17e: {  	v19 =	vmov s11;
	v18 =	vsub.f32 v59, v60;
	[tilespmem:s9+$0x2800] =	vst v2;
	v2 =	vmul.f32 v6, v1  }
0x17f: {  	v9 =	vadd.s32 $0x10, v19;
	v21 =	vsub.f32 v61, v62;
	v20 =	vmul.f32 v8, v1;
	[tilespmem:s9+$0x2810] =	vst v4  }
0x180: {  	v22 =	vbroadcast v9, $0x0;
	v3 =	vsub.f32 v63, v3;
	[tilespmem:s9+$0x2820] =	vst v2;
	v2 =	vmul.f32 v18, v1  }
0x181: {  	v5 =	vsub.f32 v16, v17;
	v23 =	vmul.f32 v21, v1;
	[tilespmem:s9+$0x2830] =	vst v20  }
0x182: {  	[tilespmem:s9+$0x2840] =	vst v2;
	v2 =	vmul.f32 v3, v1  }
0x183: {  	[tilespmem:s9+$0x2850] =	vst v23;
	v1 =	vmul.f32 v5, v1  }
0x184: {  	[tilespmem:s9+$0x2860] =	vst v2  }
0x185: {  	[tilespmem:s9+$0x2870] =	vst v1  }
0x186: {  	s9 =	sshll.u32 s11, $0x7;
	v1 =	vld.idx.msk [tilespmem:v22+s20+$0x0], $0xffff  }
0x187: {  	v2 =	vld [tilespmem:s9+$0x2800]  }
0x188: {  	v3 =	vld [tilespmem:s9+$0x7800]  }
0x189: {  	v24 =	vld [tilespmem:s9+$0x2810]  }
0x18a: {  	v25 =	vld [tilespmem:s9+$0x7810]  }
0x18b: {  	v26 =	vld [tilespmem:s9+$0x2820]  }
0x18c: {  	v27 =	vld [tilespmem:s9+$0x7820]  }
0x18d: {  	v28 =	vld [tilespmem:s9+$0x2830]  }
0x18e: {  	v29 =	vld [tilespmem:s9+$0x7830]  }
0x18f: {  	v30 =	vld [tilespmem:s9+$0x2840]  }
0x190: {  	v31 =	vld [tilespmem:s9+$0x7840]  }
0x191: {  	v32 =	vld [tilespmem:s9+$0x2850]  }
0x192: {  	v33 =	vld [tilespmem:s9+$0x7850]  }
0x193: {  	v34 =	vld [tilespmem:s9+$0x2860]  }
0x194: {  	v35 =	vld [tilespmem:s9+$0x2870];
	v2 =	vsub.f32 v2, v3  }
0x195: {  	v3 =	vld [tilespmem:s9+$0x7860];
	v4 =	vsub.f32 v24, v25  }
0x196: {  	v36 =	vld [tilespmem:s9+$0x7870];
	v6 =	vsub.f32 v26, v27;
	v2 =	vmul.f32 v2, v1  }
0x197: {  	s11 =	sor.u32 $0x7, s8;
	v8 =	vsub.f32 v28, v29;
	v4 =	vmul.f32 v4, v1  }
0x198: {  	v38 =	vmov s11;
	v37 =	vsub.f32 v30, v31;
	[tilespmem:s9+$0x2800] =	vst v2;
	v2 =	vmul.f32 v6, v1  }
0x199: {  	v9 =	vadd.s32 $0x10, v38;
	v40 =	vsub.f32 v32, v33;
	v39 =	vmul.f32 v8, v1;
	[tilespmem:s9+$0x2810] =	vst v4  }
0x19a: {  	v41 =	vbroadcast v9, $0x0;
	v3 =	vsub.f32 v34, v3;
	[tilespmem:s9+$0x2820] =	vst v2;
	v2 =	vmul.f32 v37, v1  }
0x19b: {  	v5 =	vsub.f32 v35, v36;
	v42 =	vmul.f32 v40, v1;
	[tilespmem:s9+$0x2830] =	vst v39  }
0x19c: {  	[tilespmem:s9+$0x2840] =	vst v2;
	v2 =	vmul.f32 v3, v1  }
0x19d: {  	[tilespmem:s9+$0x2850] =	vst v42;
	v1 =	vmul.f32 v5, v1  }
0x19e: {  	[tilespmem:s9+$0x2860] =	vst v2  }
0x19f: {  	[tilespmem:s9+$0x2870] =	vst v1  }
0x1a0: {  	s9 =	sshll.u32 s11, $0x7;
	v1 =	vld.idx.msk [tilespmem:v41+s20+$0x0], $0xffff  }
0x1a1: {  	v2 =	vld [tilespmem:s9+$0x2800]  }
0x1a2: {  	v3 =	vld [tilespmem:s9+$0x7800]  }
0x1a3: {  	v43 =	vld [tilespmem:s9+$0x2810]  }
0x1a4: {  	v44 =	vld [tilespmem:s9+$0x7810]  }
0x1a5: {  	v45 =	vld [tilespmem:s9+$0x2820]  }
0x1a6: {  	v46 =	vld [tilespmem:s9+$0x7820]  }
0x1a7: {  	v47 =	vld [tilespmem:s9+$0x2830]  }
0x1a8: {  	v48 =	vld [tilespmem:s9+$0x7830]  }
0x1a9: {  	v49 =	vld [tilespmem:s9+$0x2840]  }
0x1aa: {  	v50 =	vld [tilespmem:s9+$0x7840]  }
0x1ab: {  	v51 =	vld [tilespmem:s9+$0x2850]  }
0x1ac: {  	v52 =	vld [tilespmem:s9+$0x7850]  }
0x1ad: {  	v53 =	vld [tilespmem:s9+$0x2860]  }
0x1ae: {  	v54 =	vld [tilespmem:s9+$0x2870];
	v2 =	vsub.f32 v2, v3  }
0x1af: {  	v3 =	vld [tilespmem:s9+$0x7860];
	v4 =	vsub.f32 v43, v44  }
0x1b0: {  	v55 =	vld [tilespmem:s9+$0x7870];
	v6 =	vsub.f32 v45, v46;
	v2 =	vmul.f32 v2, v1  }
0x1b1: {  	s11 =	sor.u32 $0x8, s8;
	v8 =	vsub.f32 v47, v48;
	v4 =	vmul.f32 v4, v1  }
0x1b2: {  	v57 =	vmov s11;
	v56 =	vsub.f32 v49, v50;
	[tilespmem:s9+$0x2800] =	vst v2;
	v2 =	vmul.f32 v6, v1  }
0x1b3: {  	v9 =	vadd.s32 $0x10, v57;
	v59 =	vsub.f32 v51, v52;
	v58 =	vmul.f32 v8, v1;
	[tilespmem:s9+$0x2810] =	vst v4  }
0x1b4: {  	v60 =	vbroadcast v9, $0x0;
	v3 =	vsub.f32 v53, v3;
	[tilespmem:s9+$0x2820] =	vst v2;
	v2 =	vmul.f32 v56, v1  }
0x1b5: {  	v5 =	vsub.f32 v54, v55;
	v61 =	vmul.f32 v59, v1;
	[tilespmem:s9+$0x2830] =	vst v58  }
0x1b6: {  	[tilespmem:s9+$0x2840] =	vst v2;
	v2 =	vmul.f32 v3, v1  }
0x1b7: {  	[tilespmem:s9+$0x2850] =	vst v61;
	v1 =	vmul.f32 v5, v1  }
0x1b8: {  	[tilespmem:s9+$0x2860] =	vst v2  }
0x1b9: {  	[tilespmem:s9+$0x2870] =	vst v1  }
0x1ba: {  	s9 =	sshll.u32 s11, $0x7;
	v1 =	vld.idx.msk [tilespmem:v60+s20+$0x0], $0xffff  }
0x1bb: {  	v2 =	vld [tilespmem:s9+$0x2800]  }
0x1bc: {  	v3 =	vld [tilespmem:s9+$0x7800]  }
0x1bd: {  	v62 =	vld [tilespmem:s9+$0x2810]  }
0x1be: {  	v63 =	vld [tilespmem:s9+$0x7810]  }
0x1bf: {  	v16 =	vld [tilespmem:s9+$0x2820]  }
0x1c0: {  	v17 =	vld [tilespmem:s9+$0x7820]  }
0x1c1: {  	v18 =	vld [tilespmem:s9+$0x2830]  }
0x1c2: {  	v19 =	vld [tilespmem:s9+$0x7830]  }
0x1c3: {  	v20 =	vld [tilespmem:s9+$0x2840]  }
0x1c4: {  	v21 =	vld [tilespmem:s9+$0x7840]  }
0x1c5: {  	v22 =	vld [tilespmem:s9+$0x2850]  }
0x1c6: {  	v23 =	vld [tilespmem:s9+$0x7850]  }
0x1c7: {  	v24 =	vld [tilespmem:s9+$0x2860]  }
0x1c8: {  	v25 =	vld [tilespmem:s9+$0x2870];
	v2 =	vsub.f32 v2, v3  }
0x1c9: {  	v3 =	vld [tilespmem:s9+$0x7860];
	v4 =	vsub.f32 v62, v63  }
0x1ca: {  	v26 =	vld [tilespmem:s9+$0x7870];
	v6 =	vsub.f32 v16, v17;
	v2 =	vmul.f32 v2, v1  }
0x1cb: {  	s11 =	sor.u32 $0x9, s8;
	v8 =	vsub.f32 v18, v19;
	v4 =	vmul.f32 v4, v1  }
0x1cc: {  	v28 =	vmov s11;
	v27 =	vsub.f32 v20, v21;
	[tilespmem:s9+$0x2800] =	vst v2;
	v2 =	vmul.f32 v6, v1  }
0x1cd: {  	v9 =	vadd.s32 $0x10, v28;
	v30 =	vsub.f32 v22, v23;
	v29 =	vmul.f32 v8, v1;
	[tilespmem:s9+$0x2810] =	vst v4  }
0x1ce: {  	v31 =	vbroadcast v9, $0x0;
	v3 =	vsub.f32 v24, v3;
	[tilespmem:s9+$0x2820] =	vst v2;
	v2 =	vmul.f32 v27, v1  }
0x1cf: {  	v5 =	vsub.f32 v25, v26;
	v32 =	vmul.f32 v30, v1;
	[tilespmem:s9+$0x2830] =	vst v29  }
0x1d0: {  	[tilespmem:s9+$0x2840] =	vst v2;
	v2 =	vmul.f32 v3, v1  }
0x1d1: {  	[tilespmem:s9+$0x2850] =	vst v32;
	v1 =	vmul.f32 v5, v1  }
0x1d2: {  	[tilespmem:s9+$0x2860] =	vst v2  }
0x1d3: {  	[tilespmem:s9+$0x2870] =	vst v1  }
0x1d4: {  	s9 =	sshll.u32 s11, $0x7;
	v1 =	vld.idx.msk [tilespmem:v31+s20+$0x0], $0xffff  }
0x1d5: {  	v2 =	vld [tilespmem:s9+$0x2800]  }
0x1d6: {  	v3 =	vld [tilespmem:s9+$0x7800]  }
0x1d7: {  	v33 =	vld [tilespmem:s9+$0x2810]  }
0x1d8: {  	v34 =	vld [tilespmem:s9+$0x7810]  }
0x1d9: {  	v35 =	vld [tilespmem:s9+$0x2820]  }
0x1da: {  	v36 =	vld [tilespmem:s9+$0x7820]  }
0x1db: {  	v37 =	vld [tilespmem:s9+$0x2830]  }
0x1dc: {  	v38 =	vld [tilespmem:s9+$0x7830]  }
0x1dd: {  	v39 =	vld [tilespmem:s9+$0x2840]  }
0x1de: {  	v40 =	vld [tilespmem:s9+$0x7840]  }
0x1df: {  	v41 =	vld [tilespmem:s9+$0x2850]  }
0x1e0: {  	v42 =	vld [tilespmem:s9+$0x7850]  }
0x1e1: {  	v43 =	vld [tilespmem:s9+$0x2860]  }
0x1e2: {  	v44 =	vld [tilespmem:s9+$0x2870];
	v2 =	vsub.f32 v2, v3  }
0x1e3: {  	v3 =	vld [tilespmem:s9+$0x7860];
	v4 =	vsub.f32 v33, v34  }
0x1e4: {  	v45 =	vld [tilespmem:s9+$0x7870];
	v6 =	vsub.f32 v35, v36;
	v2 =	vmul.f32 v2, v1  }
0x1e5: {  	s11 =	sor.u32 $0xA, s8;
	v8 =	vsub.f32 v37, v38;
	v4 =	vmul.f32 v4, v1  }
0x1e6: {  	v47 =	vmov s11;
	v46 =	vsub.f32 v39, v40;
	[tilespmem:s9+$0x2800] =	vst v2;
	v2 =	vmul.f32 v6, v1  }
0x1e7: {  	v9 =	vadd.s32 $0x10, v47;
	v49 =	vsub.f32 v41, v42;
	v48 =	vmul.f32 v8, v1;
	[tilespmem:s9+$0x2810] =	vst v4  }
0x1e8: {  	v50 =	vbroadcast v9, $0x0;
	v3 =	vsub.f32 v43, v3;
	[tilespmem:s9+$0x2820] =	vst v2;
	v2 =	vmul.f32 v46, v1  }
0x1e9: {  	v5 =	vsub.f32 v44, v45;
	v51 =	vmul.f32 v49, v1;
	[tilespmem:s9+$0x2830] =	vst v48  }
0x1ea: {  	[tilespmem:s9+$0x2840] =	vst v2;
	v2 =	vmul.f32 v3, v1  }
0x1eb: {  	[tilespmem:s9+$0x2850] =	vst v51;
	v1 =	vmul.f32 v5, v1  }
0x1ec: {  	[tilespmem:s9+$0x2860] =	vst v2  }
0x1ed: {  	[tilespmem:s9+$0x2870] =	vst v1  }
0x1ee: {  	s9 =	sshll.u32 s11, $0x7;
	v1 =	vld.idx.msk [tilespmem:v50+s20+$0x0], $0xffff  }
0x1ef: {  	v2 =	vld [tilespmem:s9+$0x2800]  }
0x1f0: {  	v3 =	vld [tilespmem:s9+$0x7800]  }
0x1f1: {  	v52 =	vld [tilespmem:s9+$0x2810]  }
0x1f2: {  	v53 =	vld [tilespmem:s9+$0x7810]  }
0x1f3: {  	v54 =	vld [tilespmem:s9+$0x2820]  }
0x1f4: {  	v55 =	vld [tilespmem:s9+$0x7820]  }
0x1f5: {  	v56 =	vld [tilespmem:s9+$0x2830]  }
0x1f6: {  	v57 =	vld [tilespmem:s9+$0x7830]  }
0x1f7: {  	v58 =	vld [tilespmem:s9+$0x2840]  }
0x1f8: {  	v59 =	vld [tilespmem:s9+$0x7840]  }
0x1f9: {  	v60 =	vld [tilespmem:s9+$0x2850]  }
0x1fa: {  	v61 =	vld [tilespmem:s9+$0x7850]  }
0x1fb: {  	v62 =	vld [tilespmem:s9+$0x2860]  }
0x1fc: {  	v63 =	vld [tilespmem:s9+$0x2870];
	v2 =	vsub.f32 v2, v3  }
0x1fd: {  	v3 =	vld [tilespmem:s9+$0x7860];
	v4 =	vsub.f32 v52, v53  }
0x1fe: {  	v15 =	vld [tilespmem:s9+$0x7870];
	v6 =	vsub.f32 v54, v55;
	v2 =	vmul.f32 v2, v1  }
0x1ff: {  	s11 =	sor.u32 $0xB, s8;
	v8 =	vsub.f32 v56, v57;
	v4 =	vmul.f32 v4, v1  }
0x200: {  	v17 =	vmov s11;
	v16 =	vsub.f32 v58, v59;
	[tilespmem:s9+$0x2800] =	vst v2;
	v2 =	vmul.f32 v6, v1  }
0x201: {  	v9 =	vadd.s32 $0x10, v17;
	v19 =	vsub.f32 v60, v61;
	v18 =	vmul.f32 v8, v1;
	[tilespmem:s9+$0x2810] =	vst v4  }
0x202: {  	v20 =	vbroadcast v9, $0x0;
	v3 =	vsub.f32 v62, v3;
	[tilespmem:s9+$0x2820] =	vst v2;
	v2 =	vmul.f32 v16, v1  }
0x203: {  	v5 =	vsub.f32 v63, v15;
	v21 =	vmul.f32 v19, v1;
	[tilespmem:s9+$0x2830] =	vst v18  }
0x204: {  	[tilespmem:s9+$0x2840] =	vst v2;
	v2 =	vmul.f32 v3, v1  }
0x205: {  	[tilespmem:s9+$0x2850] =	vst v21;
	v1 =	vmul.f32 v5, v1  }
0x206: {  	[tilespmem:s9+$0x2860] =	vst v2  }
0x207: {  	[tilespmem:s9+$0x2870] =	vst v1  }
0x208: {  	s9 =	sshll.u32 s11, $0x7;
	v1 =	vld.idx.msk [tilespmem:v20+s20+$0x0], $0xffff  }
0x209: {  	v2 =	vld [tilespmem:s9+$0x2800]  }
0x20a: {  	v3 =	vld [tilespmem:s9+$0x7800]  }
0x20b: {  	v22 =	vld [tilespmem:s9+$0x2810]  }
0x20c: {  	v23 =	vld [tilespmem:s9+$0x7810]  }
0x20d: {  	v24 =	vld [tilespmem:s9+$0x2820]  }
0x20e: {  	v25 =	vld [tilespmem:s9+$0x7820]  }
0x20f: {  	v26 =	vld [tilespmem:s9+$0x2830]  }
0x210: {  	v27 =	vld [tilespmem:s9+$0x7830]  }
0x211: {  	v28 =	vld [tilespmem:s9+$0x2840]  }
0x212: {  	v29 =	vld [tilespmem:s9+$0x7840]  }
0x213: {  	v30 =	vld [tilespmem:s9+$0x2850]  }
0x214: {  	v31 =	vld [tilespmem:s9+$0x7850]  }
0x215: {  	v32 =	vld [tilespmem:s9+$0x2860]  }
0x216: {  	v33 =	vld [tilespmem:s9+$0x2870];
	v2 =	vsub.f32 v2, v3  }
0x217: {  	v3 =	vld [tilespmem:s9+$0x7860];
	v4 =	vsub.f32 v22, v23  }
0x218: {  	v34 =	vld [tilespmem:s9+$0x7870];
	v6 =	vsub.f32 v24, v25;
	v2 =	vmul.f32 v2, v1  }
0x219: {  	s11 =	sor.u32 $0xC, s8;
	v8 =	vsub.f32 v26, v27;
	v4 =	vmul.f32 v4, v1  }
0x21a: {  	v36 =	vmov s11;
	v35 =	vsub.f32 v28, v29;
	[tilespmem:s9+$0x2800] =	vst v2;
	v2 =	vmul.f32 v6, v1  }
0x21b: {  	v9 =	vadd.s32 $0x10, v36;
	v38 =	vsub.f32 v30, v31;
	v37 =	vmul.f32 v8, v1;
	[tilespmem:s9+$0x2810] =	vst v4  }
0x21c: {  	v39 =	vbroadcast v9, $0x0;
	v3 =	vsub.f32 v32, v3;
	[tilespmem:s9+$0x2820] =	vst v2;
	v2 =	vmul.f32 v35, v1  }
0x21d: {  	v5 =	vsub.f32 v33, v34;
	v40 =	vmul.f32 v38, v1;
	[tilespmem:s9+$0x2830] =	vst v37  }
0x21e: {  	[tilespmem:s9+$0x2840] =	vst v2;
	v2 =	vmul.f32 v3, v1  }
0x21f: {  	[tilespmem:s9+$0x2850] =	vst v40;
	v1 =	vmul.f32 v5, v1  }
0x220: {  	[tilespmem:s9+$0x2860] =	vst v2  }
0x221: {  	[tilespmem:s9+$0x2870] =	vst v1  }
0x222: {  	s9 =	sshll.u32 s11, $0x7;
	v1 =	vld.idx.msk [tilespmem:v39+s20+$0x0], $0xffff  }
0x223: {  	v2 =	vld [tilespmem:s9+$0x2800]  }
0x224: {  	v3 =	vld [tilespmem:s9+$0x7800]  }
0x225: {  	v41 =	vld [tilespmem:s9+$0x2810]  }
0x226: {  	v42 =	vld [tilespmem:s9+$0x7810]  }
0x227: {  	v43 =	vld [tilespmem:s9+$0x2820]  }
0x228: {  	v44 =	vld [tilespmem:s9+$0x7820]  }
0x229: {  	v45 =	vld [tilespmem:s9+$0x2830]  }
0x22a: {  	v46 =	vld [tilespmem:s9+$0x7830]  }
0x22b: {  	v47 =	vld [tilespmem:s9+$0x2840]  }
0x22c: {  	v48 =	vld [tilespmem:s9+$0x7840]  }
0x22d: {  	v49 =	vld [tilespmem:s9+$0x2850]  }
0x22e: {  	v50 =	vld [tilespmem:s9+$0x7850]  }
0x22f: {  	v51 =	vld [tilespmem:s9+$0x2860]  }
0x230: {  	v52 =	vld [tilespmem:s9+$0x2870];
	v2 =	vsub.f32 v2, v3  }
0x231: {  	v3 =	vld [tilespmem:s9+$0x7860];
	v4 =	vsub.f32 v41, v42  }
0x232: {  	v53 =	vld [tilespmem:s9+$0x7870];
	v6 =	vsub.f32 v43, v44;
	v2 =	vmul.f32 v2, v1  }
0x233: {  	s11 =	sor.u32 $0xD, s8;
	v8 =	vsub.f32 v45, v46;
	v4 =	vmul.f32 v4, v1  }
0x234: {  	v55 =	vmov s11;
	v54 =	vsub.f32 v47, v48;
	[tilespmem:s9+$0x2800] =	vst v2;
	v2 =	vmul.f32 v6, v1  }
0x235: {  	v9 =	vadd.s32 $0x10, v55;
	v57 =	vsub.f32 v49, v50;
	v56 =	vmul.f32 v8, v1;
	[tilespmem:s9+$0x2810] =	vst v4  }
0x236: {  	s11 =	sshll.u32 s11, $0x7;
	v58 =	vbroadcast v9, $0x0;
	v3 =	vsub.f32 v51, v3;
	[tilespmem:s9+$0x2820] =	vst v2;
	v2 =	vmul.f32 v54, v1  }
0x237: {  	v16 =	vld [tilespmem:s11+$0x2830];
	v5 =	vsub.f32 v52, v53;
	v59 =	vmul.f32 v57, v1;
	[tilespmem:s9+$0x2830] =	vst v56  }
0x238: {  	v18 =	vld [tilespmem:s11+$0x2840];
	[tilespmem:s9+$0x2840] =	vst v2;
	v2 =	vmul.f32 v3, v1  }
0x239: {  	v20 =	vld [tilespmem:s11+$0x2850];
	[tilespmem:s9+$0x2850] =	vst v59;
	v1 =	vmul.f32 v5, v1  }
0x23a: {  	v22 =	vld [tilespmem:s11+$0x2860];
	[tilespmem:s9+$0x2860] =	vst v2  }
0x23b: {  	v23 =	vld [tilespmem:s11+$0x2870];
	[tilespmem:s9+$0x2870] =	vst v1  }
0x23c: {  	v1 =	vld.idx.msk [tilespmem:v58+s20+$0x0], $0xffff  }
0x23d: {  	v2 =	vld [tilespmem:s11+$0x2800]  }
0x23e: {  	v3 =	vld [tilespmem:s11+$0x7800]  }
0x23f: {  	v60 =	vld [tilespmem:s11+$0x2810]  }
0x240: {  	v61 =	vld [tilespmem:s11+$0x7810]  }
0x241: {  	v62 =	vld [tilespmem:s11+$0x2820]  }
0x242: {  	v63 =	vld [tilespmem:s11+$0x7820]  }
0x243: {  	v17 =	vld [tilespmem:s11+$0x7830]  }
0x244: {  	v19 =	vld [tilespmem:s11+$0x7840]  }
0x245: {  	v21 =	vld [tilespmem:s11+$0x7850];
	v2 =	vsub.f32 v2, v3  }
0x246: {  	v3 =	vld [tilespmem:s11+$0x7860];
	v4 =	vsub.f32 v60, v61  }
0x247: {  	v24 =	vld [tilespmem:s11+$0x7870];
	v6 =	vsub.f32 v62, v63;
	v2 =	vmul.f32 v2, v1  }
0x248: {  	s8 =	sor.u32 $0xE, s8;
	v8 =	vsub.f32 v16, v17;
	v4 =	vmul.f32 v4, v1  }
0x249: {  	v26 =	vmov s8;
	v25 =	vsub.f32 v18, v19;
	[tilespmem:s11+$0x2800] =	vst v2;
	v2 =	vmul.f32 v6, v1  }
0x24a: {  	v9 =	vadd.s32 $0x10, v26;
	v28 =	vsub.f32 v20, v21;
	v27 =	vmul.f32 v8, v1;
	[tilespmem:s11+$0x2810] =	vst v4  }
0x24b: {  	s8 =	sshll.u32 s8, $0x7;
	v29 =	vbroadcast v9, $0x0;
	v3 =	vsub.f32 v22, v3;
	[tilespmem:s11+$0x2820] =	vst v2;
	v2 =	vmul.f32 v25, v1  }
0x24c: {  	v35 =	vld [tilespmem:s8+$0x2830];
	v5 =	vsub.f32 v23, v24;
	v30 =	vmul.f32 v28, v1;
	[tilespmem:s11+$0x2830] =	vst v27  }
0x24d: {  	v37 =	vld [tilespmem:s8+$0x2840];
	[tilespmem:s11+$0x2840] =	vst v2;
	v2 =	vmul.f32 v3, v1  }
0x24e: {  	v39 =	vld [tilespmem:s8+$0x2850];
	[tilespmem:s11+$0x2850] =	vst v30;
	v1 =	vmul.f32 v5, v1  }
0x24f: {  	v41 =	vld [tilespmem:s8+$0x2860];
	[tilespmem:s11+$0x2860] =	vst v2  }
0x250: {  	v42 =	vld [tilespmem:s8+$0x2870];
	[tilespmem:s11+$0x2870] =	vst v1  }
0x251: {  	v1 =	vld.idx.msk [tilespmem:v29+s20+$0x0], $0xffff  }
0x252: {  	v2 =	vld [tilespmem:s8+$0x2800]  }
0x253: {  	v3 =	vld [tilespmem:s8+$0x7800]  }
0x254: {  	v31 =	vld [tilespmem:s8+$0x2810]  }
0x255: {  	v32 =	vld [tilespmem:s8+$0x7810]  }
0x256: {  	v33 =	vld [tilespmem:s8+$0x2820]  }
0x257: {  	v34 =	vld [tilespmem:s8+$0x7820]  }
0x258: {  	v36 =	vld [tilespmem:s8+$0x7830]  }
0x259: {  	v38 =	vld [tilespmem:s8+$0x7840]  }
0x25a: {  	v40 =	vld [tilespmem:s8+$0x7850];
	v2 =	vsub.f32 v2, v3  }
0x25b: {  	v3 =	vld [tilespmem:s8+$0x7860];
	v4 =	vsub.f32 v31, v32  }
0x25c: {  	v43 =	vld [tilespmem:s8+$0x7870];
	v6 =	vsub.f32 v33, v34;
	v2 =	vmul.f32 v2, v1  }
0x25d: {  	s11 =	sshllo.u32 s5, $0x4;
	v8 =	vsub.f32 v35, v36;
	v4 =	vmul.f32 v4, v1  }
0x25e: {  	v45 =	vmov s11;
	v44 =	vsub.f32 v37, v38;
	[tilespmem:s8+$0x2800] =	vst v2;
	v2 =	vmul.f32 v6, v1  }
0x25f: {  	v9 =	vadd.s32 $0x10, v45;
	v47 =	vsub.f32 v39, v40;
	v46 =	vmul.f32 v8, v1;
	[tilespmem:s8+$0x2810] =	vst v4  }
0x260: {  	s11 =	sshll.u32 s11, $0x7;
	v48 =	vbroadcast v9, $0x0;
	v3 =	vsub.f32 v41, v3;
	[tilespmem:s8+$0x2820] =	vst v2;
	v2 =	vmul.f32 v44, v1  }
0x261: {  	v54 =	vld [tilespmem:s11+$0x2830];
	v5 =	vsub.f32 v42, v43;
	v49 =	vmul.f32 v47, v1;
	[tilespmem:s8+$0x2830] =	vst v46  }
0x262: {  	v56 =	vld [tilespmem:s11+$0x2840];
	[tilespmem:s8+$0x2840] =	vst v2;
	v2 =	vmul.f32 v3, v1  }
0x263: {  	v58 =	vld [tilespmem:s11+$0x2850];
	[tilespmem:s8+$0x2850] =	vst v49;
	v1 =	vmul.f32 v5, v1  }
0x264: {  	v60 =	vld [tilespmem:s11+$0x2860];
	[tilespmem:s8+$0x2860] =	vst v2  }
0x265: {  	v61 =	vld [tilespmem:s11+$0x2870];
	[tilespmem:s8+$0x2870] =	vst v1  }
0x266: {  	v1 =	vld.idx.msk [tilespmem:v48+s20+$0x0], $0xffff  }
0x267: {  	v2 =	vld [tilespmem:s11+$0x2800]  }
0x268: {  	v3 =	vld [tilespmem:s11+$0x7800]  }
0x269: {  	v50 =	vld [tilespmem:s11+$0x2810]  }
0x26a: {  	v51 =	vld [tilespmem:s11+$0x7810]  }
0x26b: {  	v52 =	vld [tilespmem:s11+$0x2820]  }
0x26c: {  	v53 =	vld [tilespmem:s11+$0x7820]  }
0x26d: {  	v55 =	vld [tilespmem:s11+$0x7830]  }
0x26e: {  	v57 =	vld [tilespmem:s11+$0x7840]  }
0x26f: {  	v59 =	vld [tilespmem:s11+$0x7850];
	v2 =	vsub.f32 v2, v3  }
0x270: {  	v3 =	vld [tilespmem:s11+$0x7860];
	v4 =	vsub.f32 v50, v51  }
0x271: {  	v62 =	vld [tilespmem:s11+$0x7870];
	v6 =	vsub.f32 v52, v53;
	v2 =	vmul.f32 v2, v1  }
0x272: {  	v8 =	vsub.f32 v54, v55;
	v4 =	vmul.f32 v4, v1  }
0x273: {  	v6 =	vmul.f32 v6, v1;
	[tilespmem:s11+$0x2800] =	vst v2;
	v2 =	vsub.f32 v56, v57  }
0x274: {  	v63 =	vsub.f32 v58, v59;
	v8 =	vmul.f32 v8, v1;
	[tilespmem:s11+$0x2810] =	vst v4  }
0x275: {  	p5 =	sne.s32 s5, $0x4;
	[tilespmem:s11+$0x2820] =	vst v6;
	v3 =	vsub.f32 v60, v3;
	v2 =	vmul.f32 v2, v1  }
.Ltmp6:
0x276: {  	v5 =	vsub.f32 v61, v62;
	[tilespmem:s11+$0x2830] =	vst v8;
	v4 =	vmul.f32 v63, v1;
	(pc) =	sbr.rel @p5 .LBB2_5-.Ltmp6, $4  }
0x277: {  	[tilespmem:s11+$0x2840] =	vst v2;
	v2 =	vmul.f32 v3, v1  }
0x278: {  	[tilespmem:s11+$0x2850] =	vst v4;
	v1 =	vmul.f32 v5, v1  }
0x279: {  	[tilespmem:s11+$0x2860] =	vst v2  }
0x27a: {  	s5 =	sadd.s32 $0x1, s5;
	[tilespmem:s11+$0x2870] =	vst v1  }
0x27b: {  	s5 =	simm.s32 $0xA780;
	s8 =	simm.s32 $0x2800  }
0x27c: {  	[spmem:s3] =	stream.indirect.scatter.add.f32 [tilespmem:s8], [sflag:$0xA], $0x80, s5, s19, $0xb8;
	[tilespmem:$0x1E2F8] =	vst v63  }
.LBB2_7:
0x27d: {  	_ =	swait.ge [sflag:s23], $0x50  }
0x27e: {  	[sflag:s23] =	ssyncset.done $0x0  }
0x27f: {  	[sflag:s23] =	ssyncadd.s32 $0xFFFFFFB0  }
0x280: {  	_ =	swait.ge [sflag:s24], $0x50  }
0x281: {  	[sflag:s24] =	ssyncset.done $0x0  }
0x282: {  	[sflag:s24] =	ssyncadd.s32 $0xFFFFFFB0  }
0x283: {  	v1 =	vld [tilespmem:$0xA500]  }
0x284: {  	v2 =	vld [tilespmem:$0xA600]  }
0x285: {  	v3 =	vld [tilespmem:$0xA510]  }
0x286: {  	v4 =	vld [tilespmem:$0xA610]  }
0x287: {  	v5 =	vld [tilespmem:$0xA520]  }
0x288: {  	v6 =	vld [tilespmem:$0xA620]  }
0x289: {  	v7 =	vld [tilespmem:$0xA530]  }
0x28a: {  	v8 =	vld [tilespmem:$0xA630];
	_ =	sdelay $0x1  }
0x28b: {  	v9 =	vld [tilespmem:$0xA540]  }
0x28c: {  	v1 =	vadd.f32 v2, v1;
	v2 =	vadd.f32 v4, v3;
	v3 =	vld [tilespmem:$0xA640];
	_ =	sdelay $0x1  }
0x28d: {  	v5 =	vadd.f32 v6, v5;
	v7 =	vadd.f32 v8, v7;
	v58 =	vmul.f32 $2.000000030e-01, v1  }
0x28e: {  	v59 =	vmul.f32 $2.000000030e-01, v2;
	vm0 =	vge.f32 v1, $0.0e+00;
	vm1 =	vge.f32 v2, $0.0e+00  }
0x28f: {  	v60 =	vmul.f32 $2.000000030e-01, v5;
	vm13 =	vge.f32 v5, $0.0e+00;
	v61 =	vmul.f32 $2.000000030e-01, v7  }
0x290: {  	vm14 =	vge.f32 v7, $0.0e+00;
	v1 =	vsel vm0, v1, v58;
	v3 =	vadd.f32 v3, v9  }
0x291: {  	v2 =	vsel vm1, v2, v59;
	v4 =	vsel vm13, v5, v60;
	v1 =	vsub.f32 $0.0e+00, v1  }
0x292: {  	v62 =	vsel vm14, v7, v61;
	v2 =	vsub.f32 $0.0e+00, v2;
	v63 =	vmul.f32 $2.000000030e-01, v3  }
0x293: {  	v4 =	vsub.f32 $0.0e+00, v4;
	v1 =	vmul.f32 $1.442695020e+00, v1;
	vm15 =	vge.f32 v3, $0.0e+00  }
0x294: {  	v5 =	vsub.f32 $0.0e+00, v62;
	v2 =	vmul.f32 $1.442695020e+00, v2;
	v3 =	vsel vm15, v3, v63  }
0x295: {  	(erf) = vpow2.f32 v1;
	v1 =	vmul.f32 $1.442695020e+00, v4;
	v3 =	vsub.f32 $0.0e+00, v3  }
0x296: {  	(erf) = vpow2.f32 v2;
	v2 =	vmul.f32 $1.442695020e+00, v5  }
0x297: {  	(erf) = vpow2.f32 v1;
	v1 =	vmul.f32 $1.442695020e+00, v3  }
0x298: {  	(erf) = vpow2.f32 v2  }
0x299: {  	(erf) = vpow2.f32 v1;
	_ =	sdelay $0x4  }
0x29a: {  	v1 =	vpop (erf)  }
0x29b: {  	v2 =	vpop (erf);
	[tilespmem:$0xA410] =	vst v1  }
0x29c: {  	v1 =	vpop (erf);
	[tilespmem:$0xA420] =	vst v2  }
0x29d: {  	v2 =	vpop (erf);
	[tilespmem:$0xA430] =	vst v1  }
0x29e: {  	[tilespmem:$0xA440] =	vst v2;
	v1 =	vpop (erf)  }
0x29f: {  	s5 =	simm.s32 $0xA410;
	[tilespmem:$0xA450] =	vst v1  }
0x2a0: {  	[spmem:s15] =	stream.indirect.scatter.add.f32 [tilespmem:s5], [sflag:$0x7], $0x1, s28, s19, $0xb8;
	[tilespmem:$0x1E2F8] =	vst v63  }
0x2a1: {  	_ =	swait.ge [sflag:s14], $0x2800  }
0x2a2: {  	[sflag:s14] =	ssyncset.done $0x0  }
0x2a3: {  	[sflag:s14] =	ssyncadd.s32 $0xFFFFD800  }
0x2a4: {  	_ =	swait.ge [sflag:s30], $0x2800  }
0x2a5: {  	[sflag:s30] =	ssyncset.done $0x0  }
0x2a6: {  	s5 =	simm.s32 @!p4 $0xA;
	[sflag:s30] =	ssyncadd.s32 $0xFFFFD800  }
0x2a7: {  	_ =	swait.ge @!p4 [sflag:s5], $0x2800  }
0x2a8: {  	[sflag:s5] =	ssyncset.done @!p4 $0x0  }
0x2a9: {  	[sflag:s5] =	ssyncadd.s32 @!p4 $0xFFFFD800;
	s5 =	simm.s32 @!p4 $0x8  }
0x2aa: {  	_ =	swait.ge @!p4 [sflag:s5], $0x50  }
0x2ab: {  	[sflag:s5] =	ssyncset.done @!p4 $0x0  }
0x2ac: {  	[sflag:s5] =	ssyncadd.s32 @!p4 $0xFFFFFFB0;
	s5 =	simm.s32 @!p3 $0x2  }
0x2ad: {  	_ =	swait.ge @!p3 [sflag:s5], $0x80  }
0x2ae: {  	[sflag:s5] =	ssyncset.done @!p3 $0x0  }
0x2af: {  	[sflag:s5] =	ssyncadd.s32 @!p3 $0xFFFFFF80  }
0x2b0: {  	_ =	swait.ge @!p3 [sflag:s5], $0x80  }
0x2b1: {  	[sflag:s5] =	ssyncset.done @!p3 $0x0  }
0x2b2: {  	[sflag:s5] =	ssyncadd.s32 @!p3 $0xFFFFFF80  }
0x2b3: {  	_ =	swait.ge @!p3 [sflag:s5], $0x80  }
0x2b4: {  	[sflag:s5] =	ssyncset.done @!p3 $0x0  }
0x2b5: {  	s8 =	simm.s32 @!p3 $0x2800;
	[sflag:s5] =	ssyncadd.s32 @!p3 $0xFFFFFF80;
	s5 =	simm.s32 @!p3 $0x50  }
0x2b6: {  	[tilespmem:s8], [sflag:$0x4] =	stream.indirect.gather @!p3 [hbm4b:s1+s5], $0x80, s10, s5, $0xb8;
	[tilespmem:$0x1E2F8] =	vst v63  }
0x2b7: {  	s8 =	simm.s32 @!p3 $0x7800  }
0x2b8: {  	[tilespmem:s8], [sflag:$0x6] =	stream.indirect.gather @!p3 [hbm4b:s2+s5], $0x80, s29, s5, $0xb8;
	[tilespmem:$0x1E2F8] =	vst v63  }
0x2b9: {  	s8 =	simm.s32 @!p3 $0xA580  }
0x2ba: {  	[tilespmem:s8], [sflag:$0xC] =	stream.indirect.gather @!p3 [hbm4b:s31+s5], $0x1, s10, s5, $0xb8;
	[tilespmem:$0x1E2F8] =	vst v63  }
0x2bb: {  	s8 =	simm.s32 @!p3 $0xA680  }
0x2bc: {  	[tilespmem:s8], [sflag:$0xE] =	stream.indirect.gather @!p3 [hbm4b:s0+s5], $0x1, s29, s5, $0xb8;
	[tilespmem:$0x1E2F8] =	vst v63  }
0x2bd: {  	v1 =	vld @!p3 [tilespmem:$0xA200]  }
0x2be: {  	v2 =	vld @!p3 [tilespmem:$0xA210]  }
0x2bf: {  	v3 =	vld @!p3 [tilespmem:$0xA220]  }
0x2c0: {  	v4 =	vld @!p3 [tilespmem:$0xA230]  }
0x2c1: {  	v5 =	vld @!p3 [tilespmem:$0xA240]  }
0x2c2: {  	p4 =	seq.s32 s21, $0x3E;
	[tilespmem:$0xA780] =	vst @!p3 v1  }
0x2c3: {  	s5 =	sadd.s32 @!p4 s22, s12;
	[tilespmem:$0xA790] =	vst @!p3 v2  }
0x2c4: {  	s5 =	sshll.u32 @!p4 s5, $0x4;
	[tilespmem:$0xA7A0] =	vst @!p3 v3  }
0x2c5: {  	s11 =	simm.s32 @!p4 $0xA000;
	s9 =	sand.u32 @!p4 $0xFFFFFF0, s5;
	[tilespmem:$0xA7B0] =	vst @!p3 v4  }
0x2c6: {  	s10 =	simm.s32 @!p4 $0x0;
	s8 =	sand.u32 @!p4 $0xFFFFF80, s5;
	s9 =	sadd.s32 @!p4 s26, s9;
	[tilespmem:$0xA7C0] =	vst @!p3 v5  }
0x2c7: {  	[tilespmem:s11], [sflag:$0x1] =	stream.linear.gather @!p4 [hbm4b:s9+s10], $0x80, $0x38;
	[tilespmem:$0x1E2F8] =	vst v63  }
0x2c8: {  	s5 =	sand.u32 @!p4 $0x70, s5;
	s9 =	sadd.s32 @!p4 s8, s4  }
0x2c9: {  	s11 =	simm.s32 @!p4 $0xA080;
	s8 =	sadd.s32 @!p4 s8, s7;
	s9 =	sadd.s32 @!p4 s5, s9  }
0x2ca: {  	[tilespmem:s11], [sflag:$0x1] =	stream.linear.gather @!p4 [hbm4b:s9+s10], $0x80, $0x38;
	[tilespmem:$0x1E2F8] =	vst v63  }
0x2cb: {  	s5 =	sadd.s32 @!p4 s5, s8;
	s8 =	simm.s32 @!p4 $0xA100  }
0x2cc: {  	[tilespmem:s8], [sflag:$0x1] =	stream.linear.gather @!p4 [hbm4b:s5+s10], $0x80, $0x38;
	[tilespmem:$0x1E2F8] =	vst v63  }
0x2cd: {  	s5 =	simm.s32 $0x0  }
.LBB2_8:
0x2ce: {  	s9 =	sshll.u32 s5, $0xB  }
0x2cf: {  	v2 =	vld [tilespmem:s9+$0x0]  }
0x2d0: {  	v3 =	vld [tilespmem:s9+$0x5000]  }
0x2d1: {  	s8 =	sshll.u32 s5, $0x4;
	v4 =	vld [tilespmem:s9+$0x10]  }
0x2d2: {  	v1 =	vmov s8;
	v5 =	vld [tilespmem:s9+$0x5010]  }
0x2d3: {  	v6 =	vld [tilespmem:s9+$0x20];
	v1 =	vadd.s32 $0x10, v1  }
0x2d4: {  	v7 =	vld [tilespmem:s9+$0x5020];
	v1 =	vbroadcast v1, $0x0  }
0x2d5: {  	v8 =	vld [tilespmem:s9+$0x30]  }
0x2d6: {  	v9 =	vld [tilespmem:s9+$0x5030]  }
0x2d7: {  	v10 =	vld [tilespmem:s9+$0x40]  }
0x2d8: {  	v11 =	vld [tilespmem:s9+$0x5040]  }
0x2d9: {  	v12 =	vld [tilespmem:s9+$0x50]  }
0x2da: {  	v1 =	vld.idx.msk [tilespmem:v1+s13+$0x0], $0xffff  }
0x2db: {  	v13 =	vld [tilespmem:s9+$0x5050]  }
0x2dc: {  	v14 =	vld [tilespmem:s9+$0x60]  }
0x2dd: {  	v17 =	vld [tilespmem:s9+$0x70];
	v2 =	vsub.f32 v2, v3  }
0x2de: {  	v3 =	vld [tilespmem:s9+$0x5060];
	v4 =	vsub.f32 v4, v5  }
0x2df: {  	v18 =	vld [tilespmem:s9+$0x5070];
	v6 =	vsub.f32 v6, v7;
	v2 =	vmul.f32 v2, v1  }
0x2e0: {  	s10 =	sor.u32 $0x1, s8;
	v8 =	vsub.f32 v8, v9;
	v4 =	vmul.f32 v4, v1  }
0x2e1: {  	v20 =	vmov s10;
	v19 =	vsub.f32 v10, v11;
	[tilespmem:s9+$0x0] =	vst v2;
	v2 =	vmul.f32 v6, v1  }
0x2e2: {  	v22 =	vsub.f32 v12, v13;
	v9 =	vadd.s32 $0x10, v20;
	v21 =	vmul.f32 v8, v1;
	[tilespmem:s9+$0x10] =	vst v4  }
0x2e3: {  	s10 =	sshll.u32 s10, $0x7;
	v23 =	vbroadcast v9, $0x0;
	v3 =	vsub.f32 v14, v3;
	[tilespmem:s9+$0x20] =	vst v2;
	v2 =	vmul.f32 v19, v1  }
0x2e4: {  	v29 =	vld [tilespmem:s10+$0x30];
	v5 =	vsub.f32 v17, v18;
	v24 =	vmul.f32 v22, v1;
	[tilespmem:s9+$0x30] =	vst v21  }
0x2e5: {  	v31 =	vld [tilespmem:s10+$0x40];
	[tilespmem:s9+$0x40] =	vst v2;
	v2 =	vmul.f32 v3, v1  }
0x2e6: {  	v33 =	vld [tilespmem:s10+$0x50];
	[tilespmem:s9+$0x50] =	vst v24;
	v1 =	vmul.f32 v5, v1  }
0x2e7: {  	v35 =	vld [tilespmem:s10+$0x60];
	[tilespmem:s9+$0x60] =	vst v2  }
0x2e8: {  	v36 =	vld [tilespmem:s10+$0x70];
	[tilespmem:s9+$0x70] =	vst v1  }
0x2e9: {  	v1 =	vld.idx.msk [tilespmem:v23+s13+$0x0], $0xffff  }
0x2ea: {  	v2 =	vld [tilespmem:s10+$0x0]  }
0x2eb: {  	v3 =	vld [tilespmem:s10+$0x5000]  }
0x2ec: {  	v25 =	vld [tilespmem:s10+$0x10]  }
0x2ed: {  	v26 =	vld [tilespmem:s10+$0x5010]  }
0x2ee: {  	v27 =	vld [tilespmem:s10+$0x20]  }
0x2ef: {  	v28 =	vld [tilespmem:s10+$0x5020]  }
0x2f0: {  	v30 =	vld [tilespmem:s10+$0x5030]  }
0x2f1: {  	v32 =	vld [tilespmem:s10+$0x5040]  }
0x2f2: {  	v34 =	vld [tilespmem:s10+$0x5050];
	v2 =	vsub.f32 v2, v3  }
0x2f3: {  	v3 =	vld [tilespmem:s10+$0x5060];
	v4 =	vsub.f32 v25, v26  }
0x2f4: {  	v37 =	vld [tilespmem:s10+$0x5070];
	v6 =	vsub.f32 v27, v28;
	v2 =	vmul.f32 v2, v1  }
0x2f5: {  	s11 =	sor.u32 $0x2, s8;
	v8 =	vsub.f32 v29, v30;
	v4 =	vmul.f32 v4, v1  }
0x2f6: {  	v39 =	vmov s11;
	v38 =	vsub.f32 v31, v32;
	[tilespmem:s10+$0x0] =	vst v2;
	v2 =	vmul.f32 v6, v1  }
0x2f7: {  	v9 =	vadd.s32 $0x10, v39;
	v41 =	vsub.f32 v33, v34;
	v40 =	vmul.f32 v8, v1;
	[tilespmem:s10+$0x10] =	vst v4  }
0x2f8: {  	s22 =	sshll.u32 s11, $0x7;
	v42 =	vbroadcast v9, $0x0;
	v3 =	vsub.f32 v35, v3;
	[tilespmem:s10+$0x20] =	vst v2;
	v2 =	vmul.f32 v38, v1  }
0x2f9: {  	v48 =	vld [tilespmem:s22+$0x30];
	v5 =	vsub.f32 v36, v37;
	v43 =	vmul.f32 v41, v1;
	[tilespmem:s10+$0x30] =	vst v40  }
0x2fa: {  	v50 =	vld [tilespmem:s22+$0x40];
	[tilespmem:s10+$0x40] =	vst v2;
	v2 =	vmul.f32 v3, v1  }
0x2fb: {  	v52 =	vld [tilespmem:s22+$0x50];
	[tilespmem:s10+$0x50] =	vst v43;
	v1 =	vmul.f32 v5, v1  }
0x2fc: {  	v54 =	vld [tilespmem:s22+$0x60];
	[tilespmem:s10+$0x60] =	vst v2  }
0x2fd: {  	v55 =	vld [tilespmem:s22+$0x70];
	[tilespmem:s10+$0x70] =	vst v1  }
0x2fe: {  	v1 =	vld.idx.msk [tilespmem:v42+s13+$0x0], $0xffff  }
0x2ff: {  	v2 =	vld [tilespmem:s22+$0x0]  }
0x300: {  	v3 =	vld [tilespmem:s22+$0x5000]  }
0x301: {  	v44 =	vld [tilespmem:s22+$0x10]  }
0x302: {  	v45 =	vld [tilespmem:s22+$0x5010]  }
0x303: {  	v46 =	vld [tilespmem:s22+$0x20]  }
0x304: {  	v47 =	vld [tilespmem:s22+$0x5020]  }
0x305: {  	v49 =	vld [tilespmem:s22+$0x5030]  }
0x306: {  	v51 =	vld [tilespmem:s22+$0x5040]  }
0x307: {  	v53 =	vld [tilespmem:s22+$0x5050];
	v2 =	vsub.f32 v2, v3  }
0x308: {  	v3 =	vld [tilespmem:s22+$0x5060];
	v4 =	vsub.f32 v44, v45  }
0x309: {  	v56 =	vld [tilespmem:s22+$0x5070];
	v6 =	vsub.f32 v46, v47;
	v2 =	vmul.f32 v2, v1  }
0x30a: {  	s29 =	sor.u32 $0x3, s8;
	v8 =	vsub.f32 v48, v49;
	v4 =	vmul.f32 v4, v1  }
0x30b: {  	v58 =	vmov s29;
	v57 =	vsub.f32 v50, v51;
	[tilespmem:s22+$0x0] =	vst v2;
	v2 =	vmul.f32 v6, v1  }
0x30c: {  	v9 =	vadd.s32 $0x10, v58;
	v60 =	vsub.f32 v52, v53;
	v59 =	vmul.f32 v8, v1;
	[tilespmem:s22+$0x10] =	vst v4  }
0x30d: {  	v61 =	vbroadcast v9, $0x0;
	s10 =	sshll.u32 s29, $0x7;
	v3 =	vsub.f32 v54, v3;
	[tilespmem:s22+$0x20] =	vst v2;
	v2 =	vmul.f32 v57, v1  }
0x30e: {  	v19 =	vld [tilespmem:s10+$0x30];
	v5 =	vsub.f32 v55, v56;
	v62 =	vmul.f32 v60, v1;
	[tilespmem:s22+$0x30] =	vst v59  }
0x30f: {  	v21 =	vld [tilespmem:s10+$0x40];
	[tilespmem:s22+$0x40] =	vst v2;
	v2 =	vmul.f32 v3, v1  }
0x310: {  	v23 =	vld [tilespmem:s10+$0x50];
	[tilespmem:s22+$0x50] =	vst v62;
	v1 =	vmul.f32 v5, v1  }
0x311: {  	v25 =	vld [tilespmem:s10+$0x60];
	[tilespmem:s22+$0x60] =	vst v2  }
0x312: {  	v26 =	vld [tilespmem:s10+$0x70];
	[tilespmem:s22+$0x70] =	vst v1  }
0x313: {  	v1 =	vld.idx.msk [tilespmem:v61+s13+$0x0], $0xffff  }
0x314: {  	v2 =	vld [tilespmem:s10+$0x0]  }
0x315: {  	v3 =	vld [tilespmem:s10+$0x5000]  }
0x316: {  	v63 =	vld [tilespmem:s10+$0x10]  }
0x317: {  	v16 =	vld [tilespmem:s10+$0x5010]  }
0x318: {  	v17 =	vld [tilespmem:s10+$0x20]  }
0x319: {  	v18 =	vld [tilespmem:s10+$0x5020]  }
0x31a: {  	v20 =	vld [tilespmem:s10+$0x5030]  }
0x31b: {  	v22 =	vld [tilespmem:s10+$0x5040]  }
0x31c: {  	v24 =	vld [tilespmem:s10+$0x5050];
	v2 =	vsub.f32 v2, v3  }
0x31d: {  	v3 =	vld [tilespmem:s10+$0x5060];
	v4 =	vsub.f32 v63, v16  }
0x31e: {  	v27 =	vld [tilespmem:s10+$0x5070];
	v6 =	vsub.f32 v17, v18;
	v2 =	vmul.f32 v2, v1  }
0x31f: {  	s11 =	sor.u32 $0x4, s8;
	v8 =	vsub.f32 v19, v20;
	v4 =	vmul.f32 v4, v1  }
0x320: {  	v29 =	vmov s11;
	v28 =	vsub.f32 v21, v22;
	[tilespmem:s10+$0x0] =	vst v2;
	v2 =	vmul.f32 v6, v1  }
0x321: {  	v9 =	vadd.s32 $0x10, v29;
	v31 =	vsub.f32 v23, v24;
	v30 =	vmul.f32 v8, v1;
	[tilespmem:s10+$0x10] =	vst v4  }
0x322: {  	v32 =	vbroadcast v9, $0x0;
	s22 =	sshll.u32 s11, $0x7;
	v3 =	vsub.f32 v25, v3;
	[tilespmem:s10+$0x20] =	vst v2;
	v2 =	vmul.f32 v28, v1  }
0x323: {  	v38 =	vld [tilespmem:s22+$0x30];
	v5 =	vsub.f32 v26, v27;
	v33 =	vmul.f32 v31, v1;
	[tilespmem:s10+$0x30] =	vst v30  }
0x324: {  	v40 =	vld [tilespmem:s22+$0x40];
	[tilespmem:s10+$0x40] =	vst v2;
	v2 =	vmul.f32 v3, v1  }
0x325: {  	v42 =	vld [tilespmem:s22+$0x50];
	[tilespmem:s10+$0x50] =	vst v33;
	v1 =	vmul.f32 v5, v1  }
0x326: {  	v44 =	vld [tilespmem:s22+$0x60];
	[tilespmem:s10+$0x60] =	vst v2  }
0x327: {  	v45 =	vld [tilespmem:s22+$0x70];
	[tilespmem:s10+$0x70] =	vst v1  }
0x328: {  	v1 =	vld.idx.msk [tilespmem:v32+s13+$0x0], $0xffff  }
0x329: {  	v2 =	vld [tilespmem:s22+$0x0]  }
0x32a: {  	v3 =	vld [tilespmem:s22+$0x5000]  }
0x32b: {  	v34 =	vld [tilespmem:s22+$0x10]  }
0x32c: {  	v35 =	vld [tilespmem:s22+$0x5010]  }
0x32d: {  	v36 =	vld [tilespmem:s22+$0x20]  }
0x32e: {  	v37 =	vld [tilespmem:s22+$0x5020]  }
0x32f: {  	v39 =	vld [tilespmem:s22+$0x5030]  }
0x330: {  	v41 =	vld [tilespmem:s22+$0x5040]  }
0x331: {  	v43 =	vld [tilespmem:s22+$0x5050];
	v2 =	vsub.f32 v2, v3  }
0x332: {  	v3 =	vld [tilespmem:s22+$0x5060];
	v4 =	vsub.f32 v34, v35  }
0x333: {  	v46 =	vld [tilespmem:s22+$0x5070];
	v6 =	vsub.f32 v36, v37;
	v2 =	vmul.f32 v2, v1  }
0x334: {  	s29 =	sor.u32 $0x5, s8;
	v8 =	vsub.f32 v38, v39;
	v4 =	vmul.f32 v4, v1  }
0x335: {  	v48 =	vmov s29;
	v47 =	vsub.f32 v40, v41;
	[tilespmem:s22+$0x0] =	vst v2;
	v2 =	vmul.f32 v6, v1  }
0x336: {  	v9 =	vadd.s32 $0x10, v48;
	v50 =	vsub.f32 v42, v43;
	v49 =	vmul.f32 v8, v1;
	[tilespmem:s22+$0x10] =	vst v4  }
0x337: {  	v51 =	vbroadcast v9, $0x0;
	s10 =	sshll.u32 s29, $0x7;
	v3 =	vsub.f32 v44, v3;
	[tilespmem:s22+$0x20] =	vst v2;
	v2 =	vmul.f32 v47, v1  }
0x338: {  	v57 =	vld [tilespmem:s10+$0x30];
	v5 =	vsub.f32 v45, v46;
	v52 =	vmul.f32 v50, v1;
	[tilespmem:s22+$0x30] =	vst v49  }
0x339: {  	v59 =	vld [tilespmem:s10+$0x40];
	[tilespmem:s22+$0x40] =	vst v2;
	v2 =	vmul.f32 v3, v1  }
0x33a: {  	v61 =	vld [tilespmem:s10+$0x50];
	[tilespmem:s22+$0x50] =	vst v52;
	v1 =	vmul.f32 v5, v1  }
0x33b: {  	v63 =	vld [tilespmem:s10+$0x60];
	[tilespmem:s22+$0x60] =	vst v2  }
0x33c: {  	v16 =	vld [tilespmem:s10+$0x70];
	[tilespmem:s22+$0x70] =	vst v1  }
0x33d: {  	v1 =	vld.idx.msk [tilespmem:v51+s13+$0x0], $0xffff  }
0x33e: {  	v2 =	vld [tilespmem:s10+$0x0]  }
0x33f: {  	v3 =	vld [tilespmem:s10+$0x5000]  }
0x340: {  	v53 =	vld [tilespmem:s10+$0x10]  }
0x341: {  	v54 =	vld [tilespmem:s10+$0x5010]  }
0x342: {  	v55 =	vld [tilespmem:s10+$0x20]  }
0x343: {  	v56 =	vld [tilespmem:s10+$0x5020]  }
0x344: {  	v58 =	vld [tilespmem:s10+$0x5030]  }
0x345: {  	v60 =	vld [tilespmem:s10+$0x5040]  }
0x346: {  	v62 =	vld [tilespmem:s10+$0x5050];
	v2 =	vsub.f32 v2, v3  }
0x347: {  	v3 =	vld [tilespmem:s10+$0x5060];
	v4 =	vsub.f32 v53, v54  }
0x348: {  	v17 =	vld [tilespmem:s10+$0x5070];
	v6 =	vsub.f32 v55, v56;
	v2 =	vmul.f32 v2, v1  }
0x349: {  	s11 =	sor.u32 $0x6, s8;
	v8 =	vsub.f32 v57, v58;
	v4 =	vmul.f32 v4, v1  }
0x34a: {  	v19 =	vmov s11;
	v18 =	vsub.f32 v59, v60;
	[tilespmem:s10+$0x0] =	vst v2;
	v2 =	vmul.f32 v6, v1  }
0x34b: {  	v9 =	vadd.s32 $0x10, v19;
	v21 =	vsub.f32 v61, v62;
	v20 =	vmul.f32 v8, v1;
	[tilespmem:s10+$0x10] =	vst v4  }
0x34c: {  	v22 =	vbroadcast v9, $0x0;
	s22 =	sshll.u32 s11, $0x7;
	v3 =	vsub.f32 v63, v3;
	[tilespmem:s10+$0x20] =	vst v2;
	v2 =	vmul.f32 v18, v1  }
0x34d: {  	v28 =	vld [tilespmem:s22+$0x30];
	v5 =	vsub.f32 v16, v17;
	v23 =	vmul.f32 v21, v1;
	[tilespmem:s10+$0x30] =	vst v20  }
0x34e: {  	v30 =	vld [tilespmem:s22+$0x40];
	[tilespmem:s10+$0x40] =	vst v2;
	v2 =	vmul.f32 v3, v1  }
0x34f: {  	v32 =	vld [tilespmem:s22+$0x50];
	[tilespmem:s10+$0x50] =	vst v23;
	v1 =	vmul.f32 v5, v1  }
0x350: {  	v34 =	vld [tilespmem:s22+$0x60];
	[tilespmem:s10+$0x60] =	vst v2  }
0x351: {  	v35 =	vld [tilespmem:s22+$0x70];
	[tilespmem:s10+$0x70] =	vst v1  }
0x352: {  	v1 =	vld.idx.msk [tilespmem:v22+s13+$0x0], $0xffff  }
0x353: {  	v2 =	vld [tilespmem:s22+$0x0]  }
0x354: {  	v3 =	vld [tilespmem:s22+$0x5000]  }
0x355: {  	v24 =	vld [tilespmem:s22+$0x10]  }
0x356: {  	v25 =	vld [tilespmem:s22+$0x5010]  }
0x357: {  	v26 =	vld [tilespmem:s22+$0x20]  }
0x358: {  	v27 =	vld [tilespmem:s22+$0x5020]  }
0x359: {  	v29 =	vld [tilespmem:s22+$0x5030]  }
0x35a: {  	v31 =	vld [tilespmem:s22+$0x5040]  }
0x35b: {  	v33 =	vld [tilespmem:s22+$0x5050];
	v2 =	vsub.f32 v2, v3  }
0x35c: {  	v3 =	vld [tilespmem:s22+$0x5060];
	v4 =	vsub.f32 v24, v25  }
0x35d: {  	v36 =	vld [tilespmem:s22+$0x5070];
	v6 =	vsub.f32 v26, v27;
	v2 =	vmul.f32 v2, v1  }
0x35e: {  	s29 =	sor.u32 $0x7, s8;
	v8 =	vsub.f32 v28, v29;
	v4 =	vmul.f32 v4, v1  }
0x35f: {  	v38 =	vmov s29;
	v37 =	vsub.f32 v30, v31;
	[tilespmem:s22+$0x0] =	vst v2;
	v2 =	vmul.f32 v6, v1  }
0x360: {  	v9 =	vadd.s32 $0x10, v38;
	v40 =	vsub.f32 v32, v33;
	v39 =	vmul.f32 v8, v1;
	[tilespmem:s22+$0x10] =	vst v4  }
0x361: {  	v41 =	vbroadcast v9, $0x0;
	s10 =	sshll.u32 s29, $0x7;
	v3 =	vsub.f32 v34, v3;
	[tilespmem:s22+$0x20] =	vst v2;
	v2 =	vmul.f32 v37, v1  }
0x362: {  	v47 =	vld [tilespmem:s10+$0x30];
	v5 =	vsub.f32 v35, v36;
	v42 =	vmul.f32 v40, v1;
	[tilespmem:s22+$0x30] =	vst v39  }
0x363: {  	v49 =	vld [tilespmem:s10+$0x40];
	[tilespmem:s22+$0x40] =	vst v2;
	v2 =	vmul.f32 v3, v1  }
0x364: {  	v51 =	vld [tilespmem:s10+$0x50];
	[tilespmem:s22+$0x50] =	vst v42;
	v1 =	vmul.f32 v5, v1  }
0x365: {  	v53 =	vld [tilespmem:s10+$0x60];
	[tilespmem:s22+$0x60] =	vst v2  }
0x366: {  	v54 =	vld [tilespmem:s10+$0x70];
	[tilespmem:s22+$0x70] =	vst v1  }
0x367: {  	v1 =	vld.idx.msk [tilespmem:v41+s13+$0x0], $0xffff  }
0x368: {  	v2 =	vld [tilespmem:s10+$0x0]  }
0x369: {  	v3 =	vld [tilespmem:s10+$0x5000]  }
0x36a: {  	v43 =	vld [tilespmem:s10+$0x10]  }
0x36b: {  	v44 =	vld [tilespmem:s10+$0x5010]  }
0x36c: {  	v45 =	vld [tilespmem:s10+$0x20]  }
0x36d: {  	v46 =	vld [tilespmem:s10+$0x5020]  }
0x36e: {  	v48 =	vld [tilespmem:s10+$0x5030]  }
0x36f: {  	v50 =	vld [tilespmem:s10+$0x5040]  }
0x370: {  	v52 =	vld [tilespmem:s10+$0x5050];
	v2 =	vsub.f32 v2, v3  }
0x371: {  	v3 =	vld [tilespmem:s10+$0x5060];
	v4 =	vsub.f32 v43, v44  }
0x372: {  	v55 =	vld [tilespmem:s10+$0x5070];
	v6 =	vsub.f32 v45, v46;
	v2 =	vmul.f32 v2, v1  }
0x373: {  	s11 =	sor.u32 $0x8, s8;
	v8 =	vsub.f32 v47, v48;
	v4 =	vmul.f32 v4, v1  }
0x374: {  	v57 =	vmov s11;
	v56 =	vsub.f32 v49, v50;
	[tilespmem:s10+$0x0] =	vst v2;
	v2 =	vmul.f32 v6, v1  }
0x375: {  	v9 =	vadd.s32 $0x10, v57;
	v59 =	vsub.f32 v51, v52;
	v58 =	vmul.f32 v8, v1;
	[tilespmem:s10+$0x10] =	vst v4  }
0x376: {  	v60 =	vbroadcast v9, $0x0;
	s22 =	sshll.u32 s11, $0x7;
	v3 =	vsub.f32 v53, v3;
	[tilespmem:s10+$0x20] =	vst v2;
	v2 =	vmul.f32 v56, v1  }
0x377: {  	v18 =	vld [tilespmem:s22+$0x30];
	v5 =	vsub.f32 v54, v55;
	v61 =	vmul.f32 v59, v1;
	[tilespmem:s10+$0x30] =	vst v58  }
0x378: {  	v20 =	vld [tilespmem:s22+$0x40];
	[tilespmem:s10+$0x40] =	vst v2;
	v2 =	vmul.f32 v3, v1  }
0x379: {  	v22 =	vld [tilespmem:s22+$0x50];
	[tilespmem:s10+$0x50] =	vst v61;
	v1 =	vmul.f32 v5, v1  }
0x37a: {  	v24 =	vld [tilespmem:s22+$0x60];
	[tilespmem:s10+$0x60] =	vst v2  }
0x37b: {  	v25 =	vld [tilespmem:s22+$0x70];
	[tilespmem:s10+$0x70] =	vst v1  }
0x37c: {  	v1 =	vld.idx.msk [tilespmem:v60+s13+$0x0], $0xffff  }
0x37d: {  	v2 =	vld [tilespmem:s22+$0x0]  }
0x37e: {  	v3 =	vld [tilespmem:s22+$0x5000]  }
0x37f: {  	v62 =	vld [tilespmem:s22+$0x10]  }
0x380: {  	v63 =	vld [tilespmem:s22+$0x5010]  }
0x381: {  	v16 =	vld [tilespmem:s22+$0x20]  }
0x382: {  	v17 =	vld [tilespmem:s22+$0x5020]  }
0x383: {  	v19 =	vld [tilespmem:s22+$0x5030]  }
0x384: {  	v21 =	vld [tilespmem:s22+$0x5040]  }
0x385: {  	v23 =	vld [tilespmem:s22+$0x5050];
	v2 =	vsub.f32 v2, v3  }
0x386: {  	v3 =	vld [tilespmem:s22+$0x5060];
	v4 =	vsub.f32 v62, v63  }
0x387: {  	v26 =	vld [tilespmem:s22+$0x5070];
	v6 =	vsub.f32 v16, v17;
	v2 =	vmul.f32 v2, v1  }
0x388: {  	s29 =	sor.u32 $0x9, s8;
	v8 =	vsub.f32 v18, v19;
	v4 =	vmul.f32 v4, v1  }
0x389: {  	v28 =	vmov s29;
	v27 =	vsub.f32 v20, v21;
	[tilespmem:s22+$0x0] =	vst v2;
	v2 =	vmul.f32 v6, v1  }
0x38a: {  	v9 =	vadd.s32 $0x10, v28;
	v30 =	vsub.f32 v22, v23;
	v29 =	vmul.f32 v8, v1;
	[tilespmem:s22+$0x10] =	vst v4  }
0x38b: {  	v31 =	vbroadcast v9, $0x0;
	s10 =	sshll.u32 s29, $0x7;
	v3 =	vsub.f32 v24, v3;
	[tilespmem:s22+$0x20] =	vst v2;
	v2 =	vmul.f32 v27, v1  }
0x38c: {  	v37 =	vld [tilespmem:s10+$0x30];
	v5 =	vsub.f32 v25, v26;
	v32 =	vmul.f32 v30, v1;
	[tilespmem:s22+$0x30] =	vst v29  }
0x38d: {  	v39 =	vld [tilespmem:s10+$0x40];
	[tilespmem:s22+$0x40] =	vst v2;
	v2 =	vmul.f32 v3, v1  }
0x38e: {  	v41 =	vld [tilespmem:s10+$0x50];
	[tilespmem:s22+$0x50] =	vst v32;
	v1 =	vmul.f32 v5, v1  }
0x38f: {  	v43 =	vld [tilespmem:s10+$0x60];
	[tilespmem:s22+$0x60] =	vst v2  }
0x390: {  	v44 =	vld [tilespmem:s10+$0x70];
	[tilespmem:s22+$0x70] =	vst v1  }
0x391: {  	v1 =	vld.idx.msk [tilespmem:v31+s13+$0x0], $0xffff  }
0x392: {  	v2 =	vld [tilespmem:s10+$0x0]  }
0x393: {  	v3 =	vld [tilespmem:s10+$0x5000]  }
0x394: {  	v33 =	vld [tilespmem:s10+$0x10]  }
0x395: {  	v34 =	vld [tilespmem:s10+$0x5010]  }
0x396: {  	v35 =	vld [tilespmem:s10+$0x20]  }
0x397: {  	v36 =	vld [tilespmem:s10+$0x5020]  }
0x398: {  	v38 =	vld [tilespmem:s10+$0x5030]  }
0x399: {  	v40 =	vld [tilespmem:s10+$0x5040]  }
0x39a: {  	v42 =	vld [tilespmem:s10+$0x5050];
	v2 =	vsub.f32 v2, v3  }
0x39b: {  	v3 =	vld [tilespmem:s10+$0x5060];
	v4 =	vsub.f32 v33, v34  }
0x39c: {  	v45 =	vld [tilespmem:s10+$0x5070];
	v6 =	vsub.f32 v35, v36;
	v2 =	vmul.f32 v2, v1  }
0x39d: {  	s11 =	sor.u32 $0xA, s8;
	v8 =	vsub.f32 v37, v38;
	v4 =	vmul.f32 v4, v1  }
0x39e: {  	v47 =	vmov s11;
	v46 =	vsub.f32 v39, v40;
	[tilespmem:s10+$0x0] =	vst v2;
	v2 =	vmul.f32 v6, v1  }
0x39f: {  	v9 =	vadd.s32 $0x10, v47;
	v49 =	vsub.f32 v41, v42;
	v48 =	vmul.f32 v8, v1;
	[tilespmem:s10+$0x10] =	vst v4  }
0x3a0: {  	v50 =	vbroadcast v9, $0x0;
	s22 =	sshll.u32 s11, $0x7;
	v3 =	vsub.f32 v43, v3;
	[tilespmem:s10+$0x20] =	vst v2;
	v2 =	vmul.f32 v46, v1  }
0x3a1: {  	v56 =	vld [tilespmem:s22+$0x30];
	v5 =	vsub.f32 v44, v45;
	v51 =	vmul.f32 v49, v1;
	[tilespmem:s10+$0x30] =	vst v48  }
0x3a2: {  	v58 =	vld [tilespmem:s22+$0x40];
	[tilespmem:s10+$0x40] =	vst v2;
	v2 =	vmul.f32 v3, v1  }
0x3a3: {  	v60 =	vld [tilespmem:s22+$0x50];
	[tilespmem:s10+$0x50] =	vst v51;
	v1 =	vmul.f32 v5, v1  }
0x3a4: {  	v62 =	vld [tilespmem:s22+$0x60];
	[tilespmem:s10+$0x60] =	vst v2  }
0x3a5: {  	v63 =	vld [tilespmem:s22+$0x70];
	[tilespmem:s10+$0x70] =	vst v1  }
0x3a6: {  	v1 =	vld.idx.msk [tilespmem:v50+s13+$0x0], $0xffff  }
0x3a7: {  	v2 =	vld [tilespmem:s22+$0x0]  }
0x3a8: {  	v3 =	vld [tilespmem:s22+$0x5000]  }
0x3a9: {  	v52 =	vld [tilespmem:s22+$0x10]  }
0x3aa: {  	v53 =	vld [tilespmem:s22+$0x5010]  }
0x3ab: {  	v54 =	vld [tilespmem:s22+$0x20]  }
0x3ac: {  	v55 =	vld [tilespmem:s22+$0x5020]  }
0x3ad: {  	v57 =	vld [tilespmem:s22+$0x5030]  }
0x3ae: {  	v59 =	vld [tilespmem:s22+$0x5040]  }
0x3af: {  	v61 =	vld [tilespmem:s22+$0x5050];
	v2 =	vsub.f32 v2, v3  }
0x3b0: {  	v3 =	vld [tilespmem:s22+$0x5060];
	v4 =	vsub.f32 v52, v53  }
0x3b1: {  	v15 =	vld [tilespmem:s22+$0x5070];
	v6 =	vsub.f32 v54, v55;
	v2 =	vmul.f32 v2, v1  }
0x3b2: {  	s29 =	sor.u32 $0xB, s8;
	v8 =	vsub.f32 v56, v57;
	v4 =	vmul.f32 v4, v1  }
0x3b3: {  	v17 =	vmov s29;
	v16 =	vsub.f32 v58, v59;
	[tilespmem:s22+$0x0] =	vst v2;
	v2 =	vmul.f32 v6, v1  }
0x3b4: {  	v9 =	vadd.s32 $0x10, v17;
	v19 =	vsub.f32 v60, v61;
	v18 =	vmul.f32 v8, v1;
	[tilespmem:s22+$0x10] =	vst v4  }
0x3b5: {  	v20 =	vbroadcast v9, $0x0;
	s10 =	sshll.u32 s29, $0x7;
	v3 =	vsub.f32 v62, v3;
	[tilespmem:s22+$0x20] =	vst v2;
	v2 =	vmul.f32 v16, v1  }
0x3b6: {  	v26 =	vld [tilespmem:s10+$0x30];
	v5 =	vsub.f32 v63, v15;
	v21 =	vmul.f32 v19, v1;
	[tilespmem:s22+$0x30] =	vst v18  }
0x3b7: {  	v28 =	vld [tilespmem:s10+$0x40];
	[tilespmem:s22+$0x40] =	vst v2;
	v2 =	vmul.f32 v3, v1  }
0x3b8: {  	v30 =	vld [tilespmem:s10+$0x50];
	[tilespmem:s22+$0x50] =	vst v21;
	v1 =	vmul.f32 v5, v1  }
0x3b9: {  	v32 =	vld [tilespmem:s10+$0x60];
	[tilespmem:s22+$0x60] =	vst v2  }
0x3ba: {  	v33 =	vld [tilespmem:s10+$0x70];
	[tilespmem:s22+$0x70] =	vst v1  }
0x3bb: {  	v1 =	vld.idx.msk [tilespmem:v20+s13+$0x0], $0xffff  }
0x3bc: {  	v2 =	vld [tilespmem:s10+$0x0]  }
0x3bd: {  	v3 =	vld [tilespmem:s10+$0x5000]  }
0x3be: {  	v22 =	vld [tilespmem:s10+$0x10]  }
0x3bf: {  	v23 =	vld [tilespmem:s10+$0x5010]  }
0x3c0: {  	v24 =	vld [tilespmem:s10+$0x20]  }
0x3c1: {  	v25 =	vld [tilespmem:s10+$0x5020]  }
0x3c2: {  	v27 =	vld [tilespmem:s10+$0x5030]  }
0x3c3: {  	v29 =	vld [tilespmem:s10+$0x5040]  }
0x3c4: {  	v31 =	vld [tilespmem:s10+$0x5050];
	v2 =	vsub.f32 v2, v3  }
0x3c5: {  	v3 =	vld [tilespmem:s10+$0x5060];
	v4 =	vsub.f32 v22, v23  }
0x3c6: {  	v34 =	vld [tilespmem:s10+$0x5070];
	v6 =	vsub.f32 v24, v25;
	v2 =	vmul.f32 v2, v1  }
0x3c7: {  	s11 =	sor.u32 $0xC, s8;
	v8 =	vsub.f32 v26, v27;
	v4 =	vmul.f32 v4, v1  }
0x3c8: {  	v36 =	vmov s11;
	v35 =	vsub.f32 v28, v29;
	[tilespmem:s10+$0x0] =	vst v2;
	v2 =	vmul.f32 v6, v1  }
0x3c9: {  	v9 =	vadd.s32 $0x10, v36;
	v38 =	vsub.f32 v30, v31;
	v37 =	vmul.f32 v8, v1;
	[tilespmem:s10+$0x10] =	vst v4  }
0x3ca: {  	v39 =	vbroadcast v9, $0x0;
	s22 =	sshll.u32 s11, $0x7;
	v3 =	vsub.f32 v32, v3;
	[tilespmem:s10+$0x20] =	vst v2;
	v2 =	vmul.f32 v35, v1  }
0x3cb: {  	v45 =	vld [tilespmem:s22+$0x30];
	v5 =	vsub.f32 v33, v34;
	v40 =	vmul.f32 v38, v1;
	[tilespmem:s10+$0x30] =	vst v37  }
0x3cc: {  	v47 =	vld [tilespmem:s22+$0x40];
	[tilespmem:s10+$0x40] =	vst v2;
	v2 =	vmul.f32 v3, v1  }
0x3cd: {  	v49 =	vld [tilespmem:s22+$0x50];
	[tilespmem:s10+$0x50] =	vst v40;
	v1 =	vmul.f32 v5, v1  }
0x3ce: {  	v51 =	vld [tilespmem:s22+$0x60];
	[tilespmem:s10+$0x60] =	vst v2  }
0x3cf: {  	v52 =	vld [tilespmem:s22+$0x70];
	[tilespmem:s10+$0x70] =	vst v1  }
0x3d0: {  	v1 =	vld.idx.msk [tilespmem:v39+s13+$0x0], $0xffff  }
0x3d1: {  	v2 =	vld [tilespmem:s22+$0x0]  }
0x3d2: {  	v3 =	vld [tilespmem:s22+$0x5000]  }
0x3d3: {  	v41 =	vld [tilespmem:s22+$0x10]  }
0x3d4: {  	v42 =	vld [tilespmem:s22+$0x5010]  }
0x3d5: {  	v43 =	vld [tilespmem:s22+$0x20]  }
0x3d6: {  	v44 =	vld [tilespmem:s22+$0x5020]  }
0x3d7: {  	v46 =	vld [tilespmem:s22+$0x5030]  }
0x3d8: {  	v48 =	vld [tilespmem:s22+$0x5040]  }
0x3d9: {  	v50 =	vld [tilespmem:s22+$0x5050];
	v2 =	vsub.f32 v2, v3  }
0x3da: {  	v3 =	vld [tilespmem:s22+$0x5060];
	v4 =	vsub.f32 v41, v42  }
0x3db: {  	v53 =	vld [tilespmem:s22+$0x5070];
	v6 =	vsub.f32 v43, v44;
	v2 =	vmul.f32 v2, v1  }
0x3dc: {  	s29 =	sor.u32 $0xD, s8;
	v8 =	vsub.f32 v45, v46;
	v4 =	vmul.f32 v4, v1  }
0x3dd: {  	v55 =	vmov s29;
	v54 =	vsub.f32 v47, v48;
	[tilespmem:s22+$0x0] =	vst v2;
	v2 =	vmul.f32 v6, v1  }
0x3de: {  	v9 =	vadd.s32 $0x10, v55;
	v57 =	vsub.f32 v49, v50;
	v56 =	vmul.f32 v8, v1;
	[tilespmem:s22+$0x10] =	vst v4  }
0x3df: {  	v58 =	vbroadcast v9, $0x0;
	s11 =	sshll.u32 s29, $0x7;
	v3 =	vsub.f32 v51, v3;
	[tilespmem:s22+$0x20] =	vst v2;
	v2 =	vmul.f32 v54, v1  }
0x3e0: {  	v16 =	vld [tilespmem:s11+$0x30];
	v5 =	vsub.f32 v52, v53;
	v59 =	vmul.f32 v57, v1;
	[tilespmem:s22+$0x30] =	vst v56  }
0x3e1: {  	v18 =	vld [tilespmem:s11+$0x40];
	[tilespmem:s22+$0x40] =	vst v2;
	v2 =	vmul.f32 v3, v1  }
0x3e2: {  	v20 =	vld [tilespmem:s11+$0x50];
	[tilespmem:s22+$0x50] =	vst v59;
	v1 =	vmul.f32 v5, v1  }
0x3e3: {  	v22 =	vld [tilespmem:s11+$0x60];
	[tilespmem:s22+$0x60] =	vst v2  }
0x3e4: {  	v23 =	vld [tilespmem:s11+$0x70];
	[tilespmem:s22+$0x70] =	vst v1  }
0x3e5: {  	v1 =	vld.idx.msk [tilespmem:v58+s13+$0x0], $0xffff  }
0x3e6: {  	v2 =	vld [tilespmem:s11+$0x0]  }
0x3e7: {  	v3 =	vld [tilespmem:s11+$0x5000]  }
0x3e8: {  	v60 =	vld [tilespmem:s11+$0x10]  }
0x3e9: {  	v61 =	vld [tilespmem:s11+$0x5010]  }
0x3ea: {  	v62 =	vld [tilespmem:s11+$0x20]  }
0x3eb: {  	v63 =	vld [tilespmem:s11+$0x5020]  }
0x3ec: {  	v17 =	vld [tilespmem:s11+$0x5030]  }
0x3ed: {  	v19 =	vld [tilespmem:s11+$0x5040]  }
0x3ee: {  	v21 =	vld [tilespmem:s11+$0x5050];
	v2 =	vsub.f32 v2, v3  }
0x3ef: {  	v3 =	vld [tilespmem:s11+$0x5060];
	v4 =	vsub.f32 v60, v61  }
0x3f0: {  	v24 =	vld [tilespmem:s11+$0x5070];
	v6 =	vsub.f32 v62, v63;
	v2 =	vmul.f32 v2, v1  }
0x3f1: {  	s8 =	sor.u32 $0xE, s8;
	v8 =	vsub.f32 v16, v17;
	v4 =	vmul.f32 v4, v1  }
0x3f2: {  	v26 =	vmov s8;
	v25 =	vsub.f32 v18, v19;
	[tilespmem:s11+$0x0] =	vst v2;
	v2 =	vmul.f32 v6, v1  }
0x3f3: {  	v9 =	vadd.s32 $0x10, v26;
	v28 =	vsub.f32 v20, v21;
	v27 =	vmul.f32 v8, v1;
	[tilespmem:s11+$0x10] =	vst v4  }
0x3f4: {  	s8 =	sshll.u32 s8, $0x7;
	v29 =	vbroadcast v9, $0x0;
	v3 =	vsub.f32 v22, v3;
	[tilespmem:s11+$0x20] =	vst v2;
	v2 =	vmul.f32 v25, v1  }
0x3f5: {  	v37 =	vld [tilespmem:s8+$0x40];
	v5 =	vsub.f32 v23, v24;
	v30 =	vmul.f32 v28, v1;
	[tilespmem:s11+$0x30] =	vst v27  }
0x3f6: {  	v35 =	vld [tilespmem:s8+$0x30];
	[tilespmem:s11+$0x40] =	vst v2;
	v2 =	vmul.f32 v3, v1  }
0x3f7: {  	v39 =	vld [tilespmem:s8+$0x50];
	[tilespmem:s11+$0x50] =	vst v30;
	v1 =	vmul.f32 v5, v1  }
0x3f8: {  	v41 =	vld [tilespmem:s8+$0x60];
	[tilespmem:s11+$0x60] =	vst v2  }
0x3f9: {  	v42 =	vld [tilespmem:s8+$0x70];
	[tilespmem:s11+$0x70] =	vst v1  }
0x3fa: {  	v1 =	vld.idx.msk [tilespmem:v29+s13+$0x0], $0xffff  }
0x3fb: {  	v2 =	vld [tilespmem:s8+$0x0]  }
0x3fc: {  	v3 =	vld [tilespmem:s8+$0x5000]  }
0x3fd: {  	v31 =	vld [tilespmem:s8+$0x10]  }
0x3fe: {  	v32 =	vld [tilespmem:s8+$0x5010]  }
0x3ff: {  	v33 =	vld [tilespmem:s8+$0x20]  }
0x400: {  	v34 =	vld [tilespmem:s8+$0x5020]  }
0x401: {  	v36 =	vld [tilespmem:s8+$0x5030]  }
0x402: {  	v38 =	vld [tilespmem:s8+$0x5040]  }
0x403: {  	v40 =	vld [tilespmem:s8+$0x5050];
	v2 =	vsub.f32 v2, v3  }
0x404: {  	v3 =	vld [tilespmem:s8+$0x5060];
	v4 =	vsub.f32 v31, v32  }
0x405: {  	v43 =	vld [tilespmem:s8+$0x5070];
	v6 =	vsub.f32 v33, v34;
	v2 =	vmul.f32 v2, v1  }
0x406: {  	s22 =	sshllo.u32 s5, $0x4;
	v8 =	vsub.f32 v35, v36;
	v4 =	vmul.f32 v4, v1  }
0x407: {  	v45 =	vmov s22;
	v44 =	vsub.f32 v37, v38;
	[tilespmem:s8+$0x0] =	vst v2;
	v2 =	vmul.f32 v6, v1  }
0x408: {  	v9 =	vadd.s32 $0x10, v45;
	v47 =	vsub.f32 v39, v40;
	v46 =	vmul.f32 v8, v1;
	[tilespmem:s8+$0x10] =	vst v4  }
0x409: {  	s29 =	sshll.u32 s22, $0x7;
	v48 =	vbroadcast v9, $0x0;
	v3 =	vsub.f32 v41, v3;
	[tilespmem:s8+$0x20] =	vst v2;
	v2 =	vmul.f32 v44, v1  }
0x40a: {  	v54 =	vld [tilespmem:s29+$0x30];
	v5 =	vsub.f32 v42, v43;
	v49 =	vmul.f32 v47, v1;
	[tilespmem:s8+$0x30] =	vst v46  }
0x40b: {  	v56 =	vld [tilespmem:s29+$0x40];
	[tilespmem:s8+$0x40] =	vst v2;
	v2 =	vmul.f32 v3, v1  }
0x40c: {  	v58 =	vld [tilespmem:s29+$0x50];
	[tilespmem:s8+$0x50] =	vst v49;
	v1 =	vmul.f32 v5, v1  }
0x40d: {  	v60 =	vld [tilespmem:s29+$0x60];
	[tilespmem:s8+$0x60] =	vst v2  }
0x40e: {  	v61 =	vld [tilespmem:s29+$0x70];
	[tilespmem:s8+$0x70] =	vst v1  }
0x40f: {  	v1 =	vld.idx.msk [tilespmem:v48+s13+$0x0], $0xffff  }
0x410: {  	v2 =	vld [tilespmem:s29+$0x0]  }
0x411: {  	v3 =	vld [tilespmem:s29+$0x5000]  }
0x412: {  	v50 =	vld [tilespmem:s29+$0x10]  }
0x413: {  	v51 =	vld [tilespmem:s29+$0x5010]  }
0x414: {  	v52 =	vld [tilespmem:s29+$0x20]  }
0x415: {  	v53 =	vld [tilespmem:s29+$0x5020]  }
0x416: {  	v55 =	vld [tilespmem:s29+$0x5030]  }
0x417: {  	v57 =	vld [tilespmem:s29+$0x5040]  }
0x418: {  	v59 =	vld [tilespmem:s29+$0x5050];
	v2 =	vsub.f32 v2, v3  }
0x419: {  	v3 =	vld [tilespmem:s29+$0x5060];
	v4 =	vsub.f32 v50, v51  }
0x41a: {  	v62 =	vld [tilespmem:s29+$0x5070];
	v6 =	vsub.f32 v52, v53;
	v2 =	vmul.f32 v2, v1  }
0x41b: {  	v8 =	vsub.f32 v54, v55;
	v4 =	vmul.f32 v4, v1  }
0x41c: {  	v6 =	vmul.f32 v6, v1;
	[tilespmem:s29+$0x0] =	vst v2;
	v2 =	vsub.f32 v56, v57  }
0x41d: {  	v63 =	vsub.f32 v58, v59;
	v8 =	vmul.f32 v8, v1;
	[tilespmem:s29+$0x10] =	vst v4  }
0x41e: {  	p4 =	sne.s32 s5, $0x4;
	[tilespmem:s29+$0x20] =	vst v6;
	v3 =	vsub.f32 v60, v3;
	v2 =	vmul.f32 v2, v1  }
.Ltmp7:
0x41f: {  	v5 =	vsub.f32 v61, v62;
	[tilespmem:s29+$0x30] =	vst v8;
	v4 =	vmul.f32 v63, v1;
	(pc) =	sbr.rel @p4 .LBB2_8-.Ltmp7, $4  }
0x420: {  	[tilespmem:s29+$0x40] =	vst v2;
	v2 =	vmul.f32 v3, v1  }
0x421: {  	[tilespmem:s29+$0x50] =	vst v4;
	v1 =	vmul.f32 v5, v1  }
0x422: {  	[tilespmem:s29+$0x60] =	vst v2  }
0x423: {  	s5 =	sadd.s32 $0x1, s5;
	[tilespmem:s29+$0x70] =	vst v1  }
.Ltmp8:
0x424: {  	(pc) =	sbr.rel @p3 .LBB2_11-.Ltmp8, $2  }
0x425: {  	_ =	sdelay $0x2  }
0x426: {  	[spmem:s3] =	stream.indirect.scatter.add.f32 [tilespmem:s6], [sflag:$0x9], $0x80, s28, s19, $0xb8;
	[tilespmem:$0x1E2F8] =	vst v63  }
0x427: {  	s5 =	simm.s32 $0xC  }
0x428: {  	_ =	swait.ge [sflag:s5], $0x50  }
0x429: {  	[sflag:s5] =	ssyncset.done $0x0  }
0x42a: {  	s10 =	simm.s32 $0xE;
	[sflag:s5] =	ssyncadd.s32 $0xFFFFFFB0  }
0x42b: {  	_ =	swait.ge [sflag:s10], $0x50  }
0x42c: {  	[sflag:s10] =	ssyncset.done $0x0  }
0x42d: {  	[sflag:s10] =	ssyncadd.s32 $0xFFFFFFB0  }
0x42e: {  	v1 =	vld [tilespmem:$0xA580]  }
0x42f: {  	v2 =	vld [tilespmem:$0xA680]  }
0x430: {  	v3 =	vld [tilespmem:$0xA590]  }
0x431: {  	v4 =	vld [tilespmem:$0xA690]  }
0x432: {  	v5 =	vld [tilespmem:$0xA5A0]  }
0x433: {  	v6 =	vld [tilespmem:$0xA6A0]  }
0x434: {  	v7 =	vld [tilespmem:$0xA5B0]  }
0x435: {  	v8 =	vld [tilespmem:$0xA6B0];
	_ =	sdelay $0x1  }
0x436: {  	v9 =	vld [tilespmem:$0xA5C0]  }
0x437: {  	v1 =	vadd.f32 v2, v1;
	v2 =	vadd.f32 v4, v3;
	v3 =	vld [tilespmem:$0xA6C0];
	_ =	sdelay $0x1  }
0x438: {  	v5 =	vadd.f32 v6, v5;
	v7 =	vadd.f32 v8, v7;
	v58 =	vmul.f32 $2.000000030e-01, v1  }
0x439: {  	v59 =	vmul.f32 $2.000000030e-01, v2;
	vm0 =	vge.f32 v1, $0.0e+00;
	vm1 =	vge.f32 v2, $0.0e+00  }
0x43a: {  	v60 =	vmul.f32 $2.000000030e-01, v5;
	vm13 =	vge.f32 v5, $0.0e+00;
	v61 =	vmul.f32 $2.000000030e-01, v7  }
0x43b: {  	vm14 =	vge.f32 v7, $0.0e+00;
	v1 =	vsel vm0, v1, v58;
	v3 =	vadd.f32 v3, v9  }
0x43c: {  	v2 =	vsel vm1, v2, v59;
	v4 =	vsel vm13, v5, v60;
	v1 =	vsub.f32 $0.0e+00, v1  }
0x43d: {  	v62 =	vsel vm14, v7, v61;
	v2 =	vsub.f32 $0.0e+00, v2;
	v63 =	vmul.f32 $2.000000030e-01, v3  }
0x43e: {  	v4 =	vsub.f32 $0.0e+00, v4;
	v1 =	vmul.f32 $1.442695020e+00, v1;
	vm15 =	vge.f32 v3, $0.0e+00  }
0x43f: {  	v5 =	vsub.f32 $0.0e+00, v62;
	v2 =	vmul.f32 $1.442695020e+00, v2;
	v3 =	vsel vm15, v3, v63  }
0x440: {  	(erf) = vpow2.f32 v1;
	v1 =	vmul.f32 $1.442695020e+00, v4;
	v3 =	vsub.f32 $0.0e+00, v3  }
0x441: {  	(erf) = vpow2.f32 v2;
	v2 =	vmul.f32 $1.442695020e+00, v5  }
0x442: {  	(erf) = vpow2.f32 v1;
	v1 =	vmul.f32 $1.442695020e+00, v3  }
0x443: {  	(erf) = vpow2.f32 v2  }
0x444: {  	(erf) = vpow2.f32 v1;
	_ =	sdelay $0x4  }
0x445: {  	v1 =	vpop (erf)  }
0x446: {  	v2 =	vpop (erf);
	[tilespmem:$0xA490] =	vst v1  }
0x447: {  	v1 =	vpop (erf);
	[tilespmem:$0xA4A0] =	vst v2  }
0x448: {  	v2 =	vpop (erf);
	[tilespmem:$0xA4B0] =	vst v1  }
0x449: {  	[tilespmem:$0xA4C0] =	vst v2;
	v1 =	vpop (erf)  }
0x44a: {  	s11 =	simm.s32 $0xA780;
	s8 =	simm.s32 $0xA490;
	s22 =	simm.s32 $0x4;
	[tilespmem:$0xA4D0] =	vst v1  }
0x44b: {  	[spmem:s15] =	stream.indirect.scatter.add.f32 [tilespmem:s8], [sflag:$0x8], $0x1, s11, s19, $0xb8;
	[tilespmem:$0x1E2F8] =	vst v63  }
0x44c: {  	_ =	swait.ge [sflag:s22], $0x2800  }
.Ltmp9:
0x44d: {  	[sflag:s22] =	ssyncset.done $0x0;
	(pc) =	sbr.rel .LBB2_11-.Ltmp9, $4  }
0x44e: {  	s29 =	simm.s32 $0x6;
	[sflag:s22] =	ssyncadd.s32 $0xFFFFD800  }
0x44f: {  	_ =	swait.ge [sflag:s29], $0x2800  }
0x450: {  	[sflag:s29] =	ssyncset.done $0x0  }
0x451: {  	[sflag:s29] =	ssyncadd.s32 $0xFFFFD800  }
.LBB2_13:
0x452: {  	_ =	sfence.sel $0x180000  }
0x453: {  	[bflag:$0x0] =	sbarrier.arrive $0xFFFF  }
0x454: {  	_ =	strace $0x90000047  }
0x455: {  	s0 =	stileid.u32;
	[bflag:$0x2] =	sbarrier.arrive $0xFFFF  }
0x456: {  	p0 =	sne.s32 s0, $0x0;
	s0 =	rddreg [dreg:$0x6]  }
0x457: {  	s0 =	sadd.s32 @!p0 $0x100000, s0  }
0x458: {  	[sflag:s0] =	ssyncadd.tile.s32 @!p0 $0x1;
	_ =	shalt  }
.Lfunc_end2:
_tile_overlayer_lowered:
.L_overlay_start_2:
0x459: {  	(tag) =	ssettag $0x2  }
0x45a: {  	s0 =	rddreg [dreg:$0x0];
	s2 =	stileid.u32  }
0x45b: {  	s1 =	rddreg [dreg:$0x1];
	p0 =	sne.s32 s2, $0x0  }
0x45c: {  	s3 =	rddreg [dreg:$0x2];
	[bflag:$0x3] =	sbarrier.arrive $0xFFFF;
	s2 =	simm.s32 @!p0 $0x1C0F  }
0x45d: {  	[timem:s3], [sflag:s2] =	dma.local @!p0 [hbm:s0], s1  }
0x45e: {  	s0 =	simm.s32 @!p0 $0xF  }
0x45f: {  	_ =	swait.ge @!p0 [sflag:s0], s1  }
0x460: {  	s1 =	ssub.s32 @!p0 $0x0, s1;
	[sflag:s0] =	ssyncset.done @!p0 $0x0  }
0x461: {  	[sflag:s0] =	ssyncadd.s32 @!p0 s1  }
0x462: {  	[bflag:$0x3] =	sbarrier.arrive $0xFFFF  }
0x463: {  	_ =	shalt  }

</sc_bundles>
